<compile_context>
chip_gen: v7x
topology: tpu7x:2x2x1
jax: 0.10.2.dev20260603
libtpu: 0.0.44.dev20260713+nightly
codegen_flags: <defaults>
</compile_context>

<pallas_src>
import functools

import jax
import jax.numpy as jnp
from jax import lax
from jax.experimental import pallas as pl
from jax.experimental.pallas import tpu as pltpu
from jax.experimental.pallas import tpu_sc as plsc

NN = 10000
NE = 320000
D = 128
BB = 1024
LL = 128
NC, NS = 2, 16
NW = NC * NS
CH = 80
EP = NW * CH * 128
NACC = 10240
SLICE = NACC // NS
NPAD = NN + 8
DEGW = NACC

_mesh = functools.partial(plsc.VectorSubcoreMesh,
                          core_axis_name="c", subcore_axis_name="s")

_f32 = jnp.float32
_i32 = jnp.int32


@functools.partial(
    pl.kernel,
    out_type=(jax.ShapeDtypeStruct((NW * DEGW,), _f32),
              jax.ShapeDtypeStruct((NACC,), _f32)),
    mesh=_mesh(),
    compiler_params=pltpu.CompilerParams(needs_layout_passes=False),
    scratch_types=[
        pltpu.VMEM((CH * 128,), _i32),
        pltpu.VMEM((DEGW,), _f32),
        pltpu.VMEM((BB,), _i32),
    ],
)
def _deg_kernel(dstf_hbm, bidx_hbm, out_hbm, bmu_hbm, dstbuf, acc, bidx):
    w = lax.axis_index("c") * NS + lax.axis_index("s")
    pltpu.sync_copy(dstf_hbm.at[pl.ds(w * CH * 128, CH * 128)], dstbuf)
    zero = jnp.zeros((16,), _f32)

    def zbody(i, _):
        acc[pl.ds(i * 16, 16)] = zero
        return 0

    lax.fori_loop(0, DEGW // 16, zbody, 0)
    ones = jnp.ones((16,), _f32)

    def body(i, _):
        idx = dstbuf[pl.ds(i * 16, 16)]
        plsc.addupdate_scatter(acc, [idx], ones)
        return 0

    lax.fori_loop(0, (CH * 128) // 16, body, 0)
    pltpu.sync_copy(acc, out_hbm.at[pl.ds(w * DEGW, DEGW)])

    @pl.when(w == 0)
    def _build_bitmap():
        def z2(i, _):
            acc[pl.ds(i * 16, 16)] = zero
            return 0

        lax.fori_loop(0, NACC // 16, z2, 0)
        pltpu.sync_copy(bidx_hbm, bidx)

        def sbody(i, _):
            idx = bidx[pl.ds(i * 16, 16)]
            plsc.store_scatter(acc, [idx], ones)
            return 0

        lax.fori_loop(0, BB // 16, sbody, 0)
        pltpu.sync_copy(acc.at[pl.ds(0, NACC)], bmu_hbm)


def _scatter_body(table_hbm, srcp_hbm, dstp_hbm, p_hbm,
                  idx_s, idx_d, rows3, sem, accS):
    c = lax.axis_index("c")
    s = lax.axis_index("s")
    w = c * NS + s
    zero = jnp.zeros((16,), _f32)

    def zbody(i, _):
        rows3[0, i // 8, pl.ds((i % 8) * 16, 16)] = zero
        return 0

    lax.fori_loop(0, 32 * 8, zbody, 0)
    for m in range(SLICE // 32):
        pltpu.sync_copy(rows3.at[0], accS.at[pl.ds(s * SLICE + m * 32, 32)])

    plsc.subcore_barrier()

    pltpu.sync_copy(srcp_hbm.at[pl.ds(w * CH, CH)], idx_s)
    pltpu.sync_copy(dstp_hbm.at[pl.ds(w * CH, CH)], idx_d)

    NT = CH * 4

    def gather(t, b):
        pltpu.async_copy(
            table_hbm.at[idx_s.at[t // 4, pl.ds((t % 4) * 32, 32)]],
            rows3.at[b], sem)

    def drain(b):
        pltpu.make_async_copy(table_hbm.at[pl.ds(0, 32)], rows3.at[b],
                              sem).wait()

    def scatter(t, b):
        for q in range(2):
            dvec = idx_d[t // 4, pl.ds((t % 4) * 32 + q * 16, 16)]
            pltpu.sync_copy(rows3.at[b].at[pl.ds(q * 16, 16)],
                            accS.at[dvec], add=True)

    for p in range(4):
        gather(p, p)

    def pbody(t, _):
        b = t % 6
        drain(b)

        @pl.when(t + 4 < NT)
        def _g_next():
            gather(t + 4, (t + 4) % 6)

        scatter(t, b)
        return 0

    lax.fori_loop(0, NT, pbody, 0)

    plsc.subcore_barrier()
    pltpu.sync_copy(accS.at[pl.ds(s * SLICE, SLICE)],
                    p_hbm.at[pl.ds(c * NACC + s * SLICE, SLICE)])


@functools.partial(
    pl.kernel,
    out_type=jax.ShapeDtypeStruct((NC * NACC, D), _f32),
    mesh=_mesh(),
    compiler_params=pltpu.CompilerParams(needs_layout_passes=False),
    scratch_types=[
        pltpu.VMEM((CH, 128), _i32),
        pltpu.VMEM((CH, 128), _i32),
        pltpu.VMEM((6, 32, D), _f32),
        pltpu.SemaphoreType.DMA,
        pltpu.VMEM_SHARED((NACC, D), _f32),
    ],
)
def _scatter_kernel(table_hbm, srcp_hbm, dstp_hbm, p_hbm,
                    idx_s, idx_d, rows3, sem, accS):
    _scatter_body(table_hbm, srcp_hbm, dstp_hbm, p_hbm,
                  idx_s, idx_d, rows3, sem, accS)


@functools.partial(
    pl.kernel,
    out_type=jax.ShapeDtypeStruct((NC * NACC, D), _f32),
    mesh=_mesh(),
    compiler_params=pltpu.CompilerParams(needs_layout_passes=False),
    scratch_types=[
        pltpu.VMEM((CH, 128), _i32),
        pltpu.VMEM((CH * 128,), _i32),
        pltpu.VMEM((CH * 128 + 16,), _i32),
        pltpu.VMEM((CH * 128 + 16,), _i32),
        pltpu.VMEM((NACC // 32,), _i32),
        pltpu.VMEM((2, 16, D), _f32),
        pltpu.SemaphoreType.DMA,
        pltpu.VMEM_SHARED((NACC, D), _f32),
    ],
)
def _fscatter_kernel(table_hbm, srcp_hbm, dstf_hbm, bmp_hbm, p_hbm,
                     sraw, draw, sbuf, dbuf, bmp, rows2, sem, accS):
    c = lax.axis_index("c")
    s = lax.axis_index("s")
    w = c * NS + s
    zero = jnp.zeros((16,), _f32)
    lanes = lax.iota(_i32, 16)

    def zrow(i, _):
        rows2[0, i // 8, pl.ds((i % 8) * 16, 16)] = zero
        return 0

    lax.fori_loop(0, 16 * 8, zrow, 0)
    for m in range(SLICE // 16):
        pltpu.sync_copy(rows2.at[0], accS.at[pl.ds(s * SLICE + m * 16, 16)])

    plsc.subcore_barrier()

    pltpu.sync_copy(srcp_hbm.at[pl.ds(w * CH, CH)], sraw)
    pltpu.sync_copy(dstf_hbm.at[pl.ds(w * CH * 128, CH * 128)], draw)
    pltpu.sync_copy(bmp_hbm, bmp)

    dummy_dst = NN + lanes
    zero_i = jnp.zeros((16,), _i32)

    def pfill(i, _):
        sbuf[pl.ds(i * 16, 16)] = zero_i
        dbuf[pl.ds(i * 16, 16)] = dummy_dst
        return 0

    lax.fori_loop(0, (CH * 128 + 16) // 16, pfill, 0)

    def fbody(i, off):
        svec = sraw[i // 8, pl.ds((i % 8) * 16, 16)]
        dvec = draw[pl.ds(i * 16, 16)]
        word = plsc.load_gather(bmp, [lax.shift_right_logical(dvec, 5)])
        bit = lax.shift_right_logical(word, dvec & 31) & 1
        msk = bit != 0
        store_window_s = sbuf.at[pl.ds(off, 16)]
        store_window_d = dbuf.at[pl.ds(off, 16)]
        plsc.store_compressed(store_window_s, svec, mask=msk)
        plsc.store_compressed(store_window_d, dvec, mask=msk)
        cnt = plsc.all_reduce_population_count(msk)
        return off + cnt[0]

    off = lax.fori_loop(0, (CH * 128) // 16, fbody, jnp.int32(0))
    nv = lax.max((off + 15) // 16, 1)

    def gather(t, b):
        svec = sbuf[pl.ds(t * 16, 16)]
        pltpu.async_copy(table_hbm.at[svec], rows2.at[b], sem)

    def drain(b):
        pltpu.make_async_copy(table_hbm.at[pl.ds(0, 16)], rows2.at[b],
                              sem).wait()

    gather(0, 0)

    def pbody(t, _):
        b = t % 2
        drain(b)

        @pl.when(t + 1 < nv)
        def _g_next():
            gather(t + 1, 1 - b)

        dvec = dbuf[pl.ds(t * 16, 16)]
        pltpu.sync_copy(rows2.at[b], accS.at[dvec], add=True)
        return 0

    lax.fori_loop(0, nv, pbody, 0)

    plsc.subcore_barrier()
    pltpu.sync_copy(accS.at[pl.ds(s * SLICE, SLICE)],
                    p_hbm.at[pl.ds(c * NACC + s * SLICE, SLICE)])


@functools.partial(
    pl.kernel,
    out_type=jax.ShapeDtypeStruct((BB, D), _f32),
    mesh=_mesh(),
    compiler_params=pltpu.CompilerParams(needs_layout_passes=False),
    scratch_types=[
        pltpu.VMEM((BB // NW, LL), _i32),
        pltpu.VMEM((BB // NW, D), _f32),
        pltpu.VMEM((4, 64, D), _f32),
        pltpu.SemaphoreType.DMA,
    ],
)
def _text_kernel(eids_hbm, ftab_hbm, tsum_hbm, tidv, tacc, rows4, sem):
    w = lax.axis_index("c") * NS + lax.axis_index("s")
    nseq = BB // NW
    pltpu.sync_copy(eids_hbm.at[pl.ds(w * nseq, nseq)], tidv)

    NT = nseq * 2

    def tgather(t, b):
        pltpu.async_copy(
            ftab_hbm.at[tidv.at[t // 2, pl.ds((t % 2) * 64, 64)]],
            rows4.at[b], sem)

    def twait(b):
        pltpu.make_async_copy(ftab_hbm.at[pl.ds(0, 64)], rows4.at[b],
                              sem).wait()

    zeros8 = tuple(jnp.zeros((16,), _f32) for _ in range(8))

    for p in range(3):
        tgather(p, p)

    def tbody(t, carry):
        b = t % 4
        twait(b)

        @pl.when(t + 3 < NT)
        def _t_next():
            tgather(t + 3, (t + 3) % 4)

        fresh = t % 2 == 0
        base = tuple(jnp.where(fresh, z, c) for z, c in zip(zeros8, carry))

        def rbody(i, cin):
            return tuple(cin[k] + rows4[b, i, pl.ds(k * 16, 16)]
                         for k in range(8))

        accs = lax.fori_loop(0, 64, rbody, base)

        @pl.when(t % 2 == 1)
        def _store():
            for k in range(8):
                tacc[t // 2, pl.ds(k * 16, 16)] = accs[k]

        return accs

    lax.fori_loop(0, NT, tbody, zeros8)
    pltpu.sync_copy(tacc, tsum_hbm.at[pl.ds(w * nseq, nseq)])


@functools.partial(
    pl.kernel,
    out_type=jax.ShapeDtypeStruct((BB, D), _f32),
    mesh=_mesh(),
    compiler_params=pltpu.CompilerParams(needs_layout_passes=False),
    scratch_types=[
        pltpu.VMEM((BB // NW,), _i32),
        pltpu.VMEM((BB // NW, D), _f32),
        pltpu.SemaphoreType.DMA,
    ],
)
def _gather_kernel(src_hbm, midx_hbm, out_hbm, idxv, rows, sem):
    w = lax.axis_index("c") * NS + lax.axis_index("s")
    n = BB // NW
    pltpu.sync_copy(midx_hbm.at[pl.ds(w * n, n)], idxv)
    pltpu.async_copy(src_hbm.at[idxv], rows, sem).wait()
    pltpu.sync_copy(rows, out_hbm.at[pl.ds(w * n, n)])


def _prep_body(deg_ref, x_ref, xs0_ref, dinv_ref):
    d = jnp.sum(deg_ref[...], axis=1) + 1.0
    dv = lax.rsqrt(d)
    xs0_ref[...] = x_ref[...] * dv[:, None]
    dinv_ref[...] = jnp.broadcast_to(dv[:, None], dinv_ref.shape)


def _prep_call(degp, x):
    blk = 1000
    return pl.pallas_call(
        _prep_body,
        grid=(NN // blk,),
        in_specs=[pl.BlockSpec((blk, NW), lambda j: (j, 0)),
                  pl.BlockSpec((blk, D), lambda j: (j, 0))],
        out_specs=[pl.BlockSpec((blk, D), lambda j: (j, 0)),
                   pl.BlockSpec((blk, D), lambda j: (j, 0))],
        out_shape=[jax.ShapeDtypeStruct((NN, D), _f32),
                   jax.ShapeDtypeStruct((NN, D), _f32)],
    )(degp, x)


def _mid_body(xs0_ref, p0_ref, p1_ref, dinv_ref, w1_ref, b1_ref, w2_ref,
              out_ref):
    dv = dinv_ref[...]
    agg = (xs0_ref[...] + p0_ref[...] + p1_ref[...]) * dv
    h = jnp.dot(agg, w1_ref[...], preferred_element_type=_f32) + b1_ref[...]
    h = jnp.where(h >= 0, h, 0.01 * h)
    z = jnp.dot(h, w2_ref[...], preferred_element_type=_f32)
    out_ref[...] = z * dv


def _mid_call(xs0, p0, p1, dinvb, W1, b1, W2):
    blk = 1000
    row = pl.BlockSpec((blk, D), lambda j: (j, 0))
    return pl.pallas_call(
        _mid_body,
        grid=(NN // blk,),
        in_specs=[row, row, row, row,
                  pl.BlockSpec((D, 2 * D), lambda j: (0, 0)),
                  pl.BlockSpec((1, 2 * D), lambda j: (0, 0)),
                  pl.BlockSpec((2 * D, D), lambda j: (0, 0))],
        out_specs=row,
        out_shape=jax.ShapeDtypeStruct((NN, D), _f32),
    )(xs0, p0, p1, dinvb, W1, b1, W2)


def _fin_body(xs2_ref, q0_ref, q1_ref, dinv_ref, b2_ref, out_ref):
    blk = out_ref.shape[0]
    j = pl.program_id(0)
    rows = j * blk + lax.broadcasted_iota(_i32, (blk, D), 0)
    v = (xs2_ref[...] + q0_ref[...] + q1_ref[...]) * dinv_ref[...] + b2_ref[...]
    out_ref[...] = jnp.where(rows < NN, v, 0.0)


def _fin_call(xs2, q0, q1, dinvb, b2):
    blk = 1112
    row = pl.BlockSpec((blk, D), lambda j: (j, 0))
    return pl.pallas_call(
        _fin_body,
        grid=(NPAD // blk,),
        in_specs=[row, row, row, row,
                  pl.BlockSpec((1, D), lambda j: (0, 0))],
        out_specs=row,
        out_shape=jax.ShapeDtypeStruct((NPAD, D), _f32),
    )(xs2, q0, q1, dinvb, b2)


def _textmm_body(ts_ref, wt_ref, bt_ref, out_ref):
    t = ts_ref[...] * (1.0 / LL)
    out_ref[...] = (jnp.dot(t, wt_ref[...], preferred_element_type=_f32)
                    + bt_ref[...])


def _textmm_call(tsum, W_text, b_text):
    return pl.pallas_call(
        _textmm_body,
        grid=(1,),
        in_specs=[pl.BlockSpec((BB, D), lambda j: (0, 0)),
                  pl.BlockSpec((D, D), lambda j: (0, 0)),
                  pl.BlockSpec((1, D), lambda j: (0, 0))],
        out_specs=pl.BlockSpec((BB, D), lambda j: (0, 0)),
        out_shape=jax.ShapeDtypeStruct((BB, D), _f32),
    )(tsum, W_text, b_text)


def _bmpack_body(bm_ref, out_ref):
    bits = (bm_ref[...] > 0).astype(_i32)
    shifted = jnp.left_shift(bits, lax.broadcasted_iota(_i32, bits.shape, 1))
    out_ref[...] = jnp.sum(shifted, axis=1, keepdims=True)


def _bmpack_call(bmu):
    n = NACC // 32
    return pl.pallas_call(
        _bmpack_body,
        grid=(1,),
        in_specs=[pl.BlockSpec((n, 32), lambda j: (0, 0))],
        out_specs=pl.BlockSpec((n, 1), lambda j: (0, 0)),
        out_shape=jax.ShapeDtypeStruct((n, 1), _i32),
    )(bmu.reshape(n, 32))


def kernel(e_ids, e_mask, x_graph, edge_index, batch_idx, data_mask,
           ft_table, W_text, b_text, W1, b1, W2, b2):
    x = x_graph.astype(_f32)
    src = edge_index[0].astype(_i32)
    dst = edge_index[1].astype(_i32)
    per_w = NE // NW
    pad_w = EP // NW - per_w
    src_w = jnp.concatenate(
        [src.reshape(NW, per_w), jnp.zeros((NW, pad_w), _i32)], axis=1)
    pad_dst = jnp.broadcast_to(NN + jnp.arange(pad_w, dtype=_i32),
                               (NW, pad_w))
    dst_w = jnp.concatenate([dst.reshape(NW, per_w), pad_dst], axis=1)
    srcp = src_w.reshape(NW * CH, 128)
    dstf = dst_w.reshape(-1)
    dstp = dstf.reshape(NW * CH, 128)

    bidx32 = batch_idx.astype(_i32)
    degp, bmu = _deg_kernel(dstf, bidx32)
    bmp = _bmpack_call(bmu).reshape(-1)
    xs0, dinvb = _prep_call(degp.reshape(NW, DEGW).T, x)
    P = _scatter_kernel(xs0, srcp, dstp)
    tsum = _text_kernel(e_ids.astype(_i32), ft_table.astype(_f32))
    xs2 = _mid_call(xs0, P[:NN], P[NACC:NACC + NN], dinvb,
                    W1.astype(_f32), b1.reshape(1, -1).astype(_f32),
                    W2.astype(_f32))
    Q = _fscatter_kernel(xs2, srcp, dstf, bmp)
    out2p = _fin_call(xs2, Q[:NN], Q[NACC:NACC + NN], dinvb,
                      b2.reshape(1, -1).astype(_f32))
    x_text = _textmm_call(tsum, W_text.astype(_f32),
                          b_text.reshape(1, -1).astype(_f32))
    midx = jnp.where(data_mask, bidx32, NN)
    out_graph = _gather_kernel(out2p, midx)
    return (x_text, out_graph)

# --- scband reference (transcript-rebuilt; emitter-appended) ---
"""Pipeline reference for scband-align-only-model-55645596287315 (READ-ONLY COPY).

The authoritative reference and input builder live on the scoring server;
editing this copy changes nothing except your own understanding.
"""

import jax, jax.numpy as jnp
import numpy as np

N_NODES = 10000
N_EDGES = 320000
LM_DIM = 128
ALIGN = 128
B = 1024
L = 128
VOCAB = 30000


def leaky_relu(x, slope=0.01):
    return jnp.where(x >= 0, x, slope * x)


def gcn_conv(x, W, b, edge_index, n_nodes):
    # GCNConv: add self loops, symmetric normalization, scatter-add aggregation
    xw = x @ W
    src = edge_index[0]
    dst = edge_index[1]
    loop = jnp.arange(n_nodes, dtype=src.dtype)
    src = jnp.concatenate([src, loop])
    dst = jnp.concatenate([dst, loop])
    deg = jnp.zeros((n_nodes,), dtype=xw.dtype).at[dst].add(1.0)
    dinv = jnp.where(deg > 0, 1.0 / jnp.sqrt(deg), 0.0)
    norm = dinv[src] * dinv[dst]
    msg = xw[src] * norm[:, None]
    out = jnp.zeros((n_nodes, W.shape[1]), dtype=xw.dtype).at[dst].add(msg)
    return out + b


def setup_inputs(seed: int = 0) -> dict:
    key = jax.random.key(seed)
    ks = jax.random.split(key, 12)
    e_ids = jax.random.randint(ks[0], (B, L), 0, VOCAB)
    e_mask = jnp.ones((B, L), dtype=jnp.int32)
    x_graph = jax.random.normal(ks[1], (N_NODES, LM_DIM), dtype=jnp.float32)
    edge_index = jax.random.randint(ks[2], (2, N_EDGES), 0, N_NODES)
    batch_idx = jax.random.randint(ks[3], (B,), 0, N_NODES)
    data_mask = jnp.ones((B,), dtype=bool)
    # learned parameters
    ft_table = jax.random.normal(ks[4], (VOCAB, LM_DIM), dtype=jnp.float32) * 0.02
    W_text = jax.random.normal(ks[5], (LM_DIM, ALIGN), dtype=jnp.float32) / np.sqrt(LM_DIM)
    b_text = jnp.zeros((ALIGN,), dtype=jnp.float32)
    W1 = jax.random.normal(ks[6], (LM_DIM, 2 * ALIGN), dtype=jnp.float32) / np.sqrt(LM_DIM)
    b1 = jnp.zeros((2 * ALIGN,), dtype=jnp.float32)
    W2 = jax.random.normal(ks[7], (2 * ALIGN, ALIGN), dtype=jnp.float32) / np.sqrt(2 * ALIGN)
    b2 = jnp.zeros((ALIGN,), dtype=jnp.float32)
    return {"e_ids": e_ids, "e_mask": e_mask, "x_graph": x_graph,
            "edge_index": edge_index, "batch_idx": batch_idx, "data_mask": data_mask,
            "ft_table": ft_table, "W_text": W_text, "b_text": b_text,
            "W1": W1, "b1": b1, "W2": W2, "b2": b2}


def reference(e_ids, e_mask, x_graph, edge_index, batch_idx, data_mask,
              ft_table, W_text, b_text, W1, b1, W2, b2):
    # text branch: ft_model stand-in = embedding lookup (last_hidden_state), then mean over tokens
    last_hidden = jnp.take(ft_table, e_ids, axis=0)  # [B, L, lm_dim]
    x_text = jnp.mean(last_hidden, axis=-2)          # [B, lm_dim]
    x_text = x_text @ W_text + b_text                # mlp_text
    # graph branch: two GCN layers (dropout p=0 / eval mode)
    xg = gcn_conv(x_graph, W1, b1, edge_index, N_NODES)
    xg = leaky_relu(xg, 0.01)
    xg = gcn_conv(xg, W2, b2, edge_index, N_NODES)
    sel = jnp.take(xg, batch_idx, axis=0)            # x_graph[batch_idx]
    out_graph = jnp.where(data_mask[:, None], sel, jnp.zeros_like(sel))
    return (x_text, out_graph)

if __name__ == "__main__":
    import jax
    _d = setup_inputs()
    print(jax.jit(kernel)(*tuple(_d.values())))

</pallas_src>

<mosaic_0001>
#map = affine_map<(d0, d1) -> (0, 0)>
#map1 = affine_map<(d0, d1) -> (0)>
module attributes {stable_mosaic.version = 14 : i64} {
  func.func @_fscatter_kernel(%arg0: i32, %arg1: i32, %arg2: memref<10000x128xf32, #tpu.memory_space<hbm>>, %arg3: memref<2560x128xi32, #tpu.memory_space<hbm>>, %arg4: memref<327680xi32, #tpu.memory_space<hbm>>, %arg5: memref<320xi32, #tpu.memory_space<hbm>>, %arg6: memref<20480x128xf32, #tpu.memory_space<hbm>>, %arg7: memref<80x128xi32, #tpu.memory_space<vmem>>, %arg8: memref<10240xi32, #tpu.memory_space<vmem>>, %arg9: memref<10256xi32, #tpu.memory_space<vmem>>, %arg10: memref<10256xi32, #tpu.memory_space<vmem>>, %arg11: memref<320xi32, #tpu.memory_space<vmem>>, %arg12: memref<2x16x128xf32, #tpu.memory_space<vmem>>, %arg13: memref<!tpu.dma_semaphore, #tpu.memory_space<semaphore_mem>>, %arg14: memref<10240x128xf32, #tpu.memory_space<vmem_shared>>) attributes {dimension_semantics = [#tpu.dimension_semantics<core_parallel>, #tpu.dimension_semantics<subcore_parallel>], iteration_bounds = array<i64: 2, 16>, scalar_prefetch = 0 : i64, scratch_operands = 8 : i64, tpu.core_type = #tpu.core_type<sc_vector_subcore>, window_params = [{transform_indices = #map}, {transform_indices = #map}, {transform_indices = #map1}, {transform_indices = #map1}, {transform_indices = #map}]} {
    %mul3A = arith.constant 16 : i32
    %mul3A_0 = arith.muli %arg0, %mul3A : i32
    %add3A = arith.addi %mul3A_0, %arg1 : i32
    %broadcast_in_dim3A = arith.constant 0.000000e+00 : f32
    %broadcast_in_dim3A_1 = vector.broadcast %broadcast_in_dim3A : f32 to vector<16xf32>
    %iota3A = tpu.iota {dimensions = array<i32: 0>} : vector<16xi32>
    %scan3A = arith.constant 0 : i32
    %scan3A_2 = arith.constant 0 : i32
    %scan3A_3 = arith.constant 128 : i32
    %scan3A_4 = arith.addi %scan3A_2, %scan3A_3 : i32
    %scan3A_5 = arith.constant 1 : i32
    %scan3A_6 = scf.for %scan3A_278 = %scan3A_2 to %scan3A_4 step %scan3A_5 iter_args(%scan3A_279 = %scan3A) -> (i32)  : i32 {
      %jit3A_280 = arith.constant 8 : i32
      %div3A_281 = arith.divsi %scan3A_278, %jit3A_280 : i32
      %sign3A_282 = arith.constant 0 : i32
      %sign3A_283 = arith.cmpi sgt, %scan3A_278, %sign3A_282 : i32
      %sign3A_284 = arith.extui %sign3A_283 : i1 to i32
      %sign3A_285 = arith.constant 0 : i32
      %sign3A_286 = arith.cmpi slt, %scan3A_278, %sign3A_285 : i32
      %sign3A_287 = arith.extui %sign3A_286 : i1 to i32
      %sign3A_288 = arith.subi %sign3A_284, %sign3A_287 : i32
      %sign3A_289 = arith.constant 0 : i32
      %sign3A_290 = arith.cmpi sgt, %jit3A_280, %sign3A_289 : i32
      %sign3A_291 = arith.extui %sign3A_290 : i1 to i32
      %sign3A_292 = arith.constant 0 : i32
      %sign3A_293 = arith.cmpi slt, %jit3A_280, %sign3A_292 : i32
      %sign3A_294 = arith.extui %sign3A_293 : i1 to i32
      %sign3A_295 = arith.subi %sign3A_291, %sign3A_294 : i32
      %ne3A_296 = arith.cmpi ne, %sign3A_288, %sign3A_295 : i32
      %rem3A_297 = arith.remsi %scan3A_278, %jit3A_280 : i32
      %ne3A_298 = arith.constant 0 : i32
      %ne3A_299 = arith.cmpi ne, %rem3A_297, %ne3A_298 : i32
      %and3A_300 = arith.andi %ne3A_296, %ne3A_299 : i1
      %sub3A_301 = arith.constant 1 : i32
      %sub3A_302 = arith.subi %div3A_281, %sub3A_301 : i32
      %select_n3A_303 = arith.select %and3A_300, %sub3A_302, %div3A_281 : i32
      %jit3A_304 = arith.constant 8 : i32
      %eq3A = arith.constant 0 : i32
      %eq3A_305 = arith.cmpi eq, %jit3A_304, %eq3A : i32
      %jit3A_306 = arith.constant 1 : i32
      %select_n3A_307 = arith.select %eq3A_305, %jit3A_306, %jit3A_304 : i32
      %rem3A_308 = arith.remsi %scan3A_278, %select_n3A_307 : i32
      %ne3A_309 = arith.constant 0 : i32
      %ne3A_310 = arith.cmpi ne, %rem3A_308, %ne3A_309 : i32
      %lt3A = arith.constant 0 : i32
      %lt3A_311 = arith.cmpi slt, %rem3A_308, %lt3A : i32
      %lt3A_312 = arith.constant 0 : i32
      %lt3A_313 = arith.cmpi slt, %select_n3A_307, %lt3A_312 : i32
      %ne3A_314 = arith.xori %lt3A_311, %lt3A_313 : i1
      %and3A_315 = arith.andi %ne3A_314, %ne3A_310 : i1
      %add3A_316 = arith.addi %rem3A_308, %select_n3A_307 : i32
      %select_n3A_317 = arith.select %and3A_315, %add3A_316, %rem3A_308 : i32
      %mul3A_318 = arith.constant 16 : i32
      %mul3A_319 = arith.muli %select_n3A_317, %mul3A_318 : i32
      %swap3A = arith.constant 0 : i32
      %swap3A_320 = arith.index_cast %swap3A : i32 to index
      %swap3A_321 = arith.index_cast %select_n3A_303 : i32 to index
      %swap3A_322 = arith.index_cast %mul3A_319 : i32 to index
      %swap3A_323 = tpu.vector_load %arg12[%swap3A_320, %swap3A_321, %swap3A_322] {strides = array<i32>} : memref<2x16x128xf32, #tpu.memory_space<vmem>>, vector<16xf32>,
      tpu.vector_store %arg12[%swap3A_320, %swap3A_321, %swap3A_322], %broadcast_in_dim3A_1 {strides = array<i32>} : memref<2x16x128xf32, #tpu.memory_space<vmem>>, vector<16xf32>,
      %scan3A_324 = arith.constant 0 : i32
      scf.yield %scan3A_324 : i32
    }
    %scan3A_7 = arith.constant 128 : i32
    %mul3A_8 = arith.constant 640 : i32
    %mul3A_9 = arith.muli %arg1, %mul3A_8 : i32
    %add3A_10 = arith.constant 0 : i32
    %add3A_11 = arith.addi %mul3A_9, %add3A_10 : i32
    %run_scoped3A = arith.constant 0 : i32
    "tpu.region"() ({
      %run_scoped3A_278 = tpu.sem_alloc : memref<!tpu.dma_semaphore, #tpu.memory_space<semaphore_mem>>
      %dma_start3A_279 = arith.constant 0 : i32
      %dma_start3A_280 = arith.constant 0 : i32
      %dma_start3A_281 = tpu.memref_slice %arg12[%run_scoped3A, %dma_start3A_279, %dma_start3A_280] : memref<2x16x128xf32, #tpu.memory_space<vmem>> -> memref<1x16x128xf32, #tpu.memory_space<vmem>>
      %dma_start3A_282 = tpu.memref_squeeze %dma_start3A_281 : memref<1x16x128xf32, #tpu.memory_space<vmem>> -> memref<16x128xf32, #tpu.memory_space<vmem>>
      %dma_start3A_283 = arith.constant 0 : i32
      %dma_start3A_284 = tpu.memref_slice %arg14[%add3A_11, %dma_start3A_283] : memref<10240x128xf32, #tpu.memory_space<vmem_shared>> -> memref<16x128xf32, #tpu.memory_space<vmem_shared>>
      %dma_start3A_285 = arith.constant 0 : i32
      %dma_start3A_286 = tpu.memref_slice %arg14[%add3A_11, %dma_start3A_285] : memref<10240x128xf32, #tpu.memory_space<vmem_shared>> -> memref<16x128xf32, #tpu.memory_space<vmem_shared>>
      %dma_start3A_287 = arith.constant 0 : i32
      %dma_start3A_288 = arith.constant 0 : i32
      %dma_start3A_289 = tpu.memref_slice %arg12[%run_scoped3A, %dma_start3A_287, %dma_start3A_288] : memref<2x16x128xf32, #tpu.memory_space<vmem>> -> memref<1x16x128xf32, #tpu.memory_space<vmem>>
      %dma_start3A_290 = tpu.memref_squeeze %dma_start3A_289 : memref<1x16x128xf32, #tpu.memory_space<vmem>> -> memref<16x128xf32, #tpu.memory_space<vmem>>
      tpu.enqueue_dma source(%dma_start3A_290 : memref<16x128xf32, #tpu.memory_space<vmem>>) target(%dma_start3A_286 : memref<16x128xf32, #tpu.memory_space<vmem_shared>>) target_semaphore(%run_scoped3A_278 : memref<!tpu.dma_semaphore, #tpu.memory_space<semaphore_mem>>)
      %dma_wait3A = arith.constant 0 : i32
      %dma_wait3A_291 = arith.constant 0 : i32
      %dma_wait3A_292 = tpu.memref_slice %arg12[%run_scoped3A, %dma_wait3A, %dma_wait3A_291] : memref<2x16x128xf32, #tpu.memory_space<vmem>> -> memref<1x16x128xf32, #tpu.memory_space<vmem>>
      %dma_wait3A_293 = tpu.memref_squeeze %dma_wait3A_292 : memref<1x16x128xf32, #tpu.memory_space<vmem>> -> memref<16x128xf32, #tpu.memory_space<vmem>>
      %dma_wait3A_294 = arith.constant 0 : i32
      %dma_wait3A_295 = tpu.memref_slice %arg14[%add3A_11, %dma_wait3A_294] : memref<10240x128xf32, #tpu.memory_space<vmem_shared>> -> memref<16x128xf32, #tpu.memory_space<vmem_shared>>
      %dma_wait3A_296 = arith.constant 0 : i32
      %dma_wait3A_297 = tpu.memref_slice %arg14[%add3A_11, %dma_wait3A_296] : memref<10240x128xf32, #tpu.memory_space<vmem_shared>> -> memref<16x128xf32, #tpu.memory_space<vmem_shared>>
      %dma_wait3A_298 = arith.constant 0 : i32
      %dma_wait3A_299 = arith.constant 0 : i32
      %dma_wait3A_300 = tpu.memref_slice %arg12[%run_scoped3A, %dma_wait3A_298, %dma_wait3A_299] : memref<2x16x128xf32, #tpu.memory_space<vmem>> -> memref<1x16x128xf32, #tpu.memory_space<vmem>>
      %dma_wait3A_301 = tpu.memref_squeeze %dma_wait3A_300 : memref<1x16x128xf32, #tpu.memory_space<vmem>> -> memref<16x128xf32, #tpu.memory_space<vmem>>
      tpu.wait_dma2 semaphore(%run_scoped3A_278 : memref<!tpu.dma_semaphore, #tpu.memory_space<semaphore_mem>>) src(%dma_wait3A_301 : memref<16x128xf32, #tpu.memory_space<vmem>>) dst(%dma_wait3A_297 : memref<16x128xf32, #tpu.memory_space<vmem_shared>>)
      tpu.yield
    }) : () -> ()
    %mul3A_12 = arith.constant 640 : i32
    %mul3A_13 = arith.muli %arg1, %mul3A_12 : i32
    %add3A_14 = arith.constant 16 : i32
    %add3A_15 = arith.addi %mul3A_13, %add3A_14 : i32
    %run_scoped3A_16 = arith.constant 0 : i32
    "tpu.region"() ({
      %run_scoped3A_278 = tpu.sem_alloc : memref<!tpu.dma_semaphore, #tpu.memory_space<semaphore_mem>>
      %dma_start3A_279 = arith.constant 0 : i32
      %dma_start3A_280 = arith.constant 0 : i32
      %dma_start3A_281 = tpu.memref_slice %arg12[%run_scoped3A_16, %dma_start3A_279, %dma_start3A_280] : memref<2x16x128xf32, #tpu.memory_space<vmem>> -> memref<1x16x128xf32, #tpu.memory_space<vmem>>
      %dma_start3A_282 = tpu.memref_squeeze %dma_start3A_281 : memref<1x16x128xf32, #tpu.memory_space<vmem>> -> memref<16x128xf32, #tpu.memory_space<vmem>>
      %dma_start3A_283 = arith.constant 0 : i32
      %dma_start3A_284 = tpu.memref_slice %arg14[%add3A_15, %dma_start3A_283] : memref<10240x128xf32, #tpu.memory_space<vmem_shared>> -> memref<16x128xf32, #tpu.memory_space<vmem_shared>>
      %dma_start3A_285 = arith.constant 0 : i32
      %dma_start3A_286 = tpu.memref_slice %arg14[%add3A_15, %dma_start3A_285] : memref<10240x128xf32, #tpu.memory_space<vmem_shared>> -> memref<16x128xf32, #tpu.memory_space<vmem_shared>>
      %dma_start3A_287 = arith.constant 0 : i32
      %dma_start3A_288 = arith.constant 0 : i32
      %dma_start3A_289 = tpu.memref_slice %arg12[%run_scoped3A_16, %dma_start3A_287, %dma_start3A_288] : memref<2x16x128xf32, #tpu.memory_space<vmem>> -> memref<1x16x128xf32, #tpu.memory_space<vmem>>
      %dma_start3A_290 = tpu.memref_squeeze %dma_start3A_289 : memref<1x16x128xf32, #tpu.memory_space<vmem>> -> memref<16x128xf32, #tpu.memory_space<vmem>>
      tpu.enqueue_dma source(%dma_start3A_290 : memref<16x128xf32, #tpu.memory_space<vmem>>) target(%dma_start3A_286 : memref<16x128xf32, #tpu.memory_space<vmem_shared>>) target_semaphore(%run_scoped3A_278 : memref<!tpu.dma_semaphore, #tpu.memory_space<semaphore_mem>>)
      %dma_wait3A = arith.constant 0 : i32
      %dma_wait3A_291 = arith.constant 0 : i32
      %dma_wait3A_292 = tpu.memref_slice %arg12[%run_scoped3A_16, %dma_wait3A, %dma_wait3A_291] : memref<2x16x128xf32, #tpu.memory_space<vmem>> -> memref<1x16x128xf32, #tpu.memory_space<vmem>>
      %dma_wait3A_293 = tpu.memref_squeeze %dma_wait3A_292 : memref<1x16x128xf32, #tpu.memory_space<vmem>> -> memref<16x128xf32, #tpu.memory_space<vmem>>
      %dma_wait3A_294 = arith.constant 0 : i32
      %dma_wait3A_295 = tpu.memref_slice %arg14[%add3A_15, %dma_wait3A_294] : memref<10240x128xf32, #tpu.memory_space<vmem_shared>> -> memref<16x128xf32, #tpu.memory_space<vmem_shared>>
      %dma_wait3A_296 = arith.constant 0 : i32
      %dma_wait3A_297 = tpu.memref_slice %arg14[%add3A_15, %dma_wait3A_296] : memref<10240x128xf32, #tpu.memory_space<vmem_shared>> -> memref<16x128xf32, #tpu.memory_space<vmem_shared>>
      %dma_wait3A_298 = arith.constant 0 : i32
      %dma_wait3A_299 = arith.constant 0 : i32
      %dma_wait3A_300 = tpu.memref_slice %arg12[%run_scoped3A_16, %dma_wait3A_298, %dma_wait3A_299] : memref<2x16x128xf32, #tpu.memory_space<vmem>> -> memref<1x16x128xf32, #tpu.memory_space<vmem>>
      %dma_wait3A_301 = tpu.memref_squeeze %dma_wait3A_300 : memref<1x16x128xf32, #tpu.memory_space<vmem>> -> memref<16x128xf32, #tpu.memory_space<vmem>>
      tpu.wait_dma2 semaphore(%run_scoped3A_278 : memref<!tpu.dma_semaphore, #tpu.memory_space<semaphore_mem>>) src(%dma_wait3A_301 : memref<16x128xf32, #tpu.memory_space<vmem>>) dst(%dma_wait3A_297 : memref<16x128xf32, #tpu.memory_space<vmem_shared>>)
      tpu.yield
    }) : () -> ()
    %mul3A_17 = arith.constant 640 : i32
    %mul3A_18 = arith.muli %arg1, %mul3A_17 : i32
    %add3A_19 = arith.constant 32 : i32
    %add3A_20 = arith.addi %mul3A_18, %add3A_19 : i32
    %run_scoped3A_21 = arith.constant 0 : i32
    "tpu.region"() ({
      %run_scoped3A_278 = tpu.sem_alloc : memref<!tpu.dma_semaphore, #tpu.memory_space<semaphore_mem>>
      %dma_start3A_279 = arith.constant 0 : i32
      %dma_start3A_280 = arith.constant 0 : i32
      %dma_start3A_281 = tpu.memref_slice %arg12[%run_scoped3A_21, %dma_start3A_279, %dma_start3A_280] : memref<2x16x128xf32, #tpu.memory_space<vmem>> -> memref<1x16x128xf32, #tpu.memory_space<vmem>>
      %dma_start3A_282 = tpu.memref_squeeze %dma_start3A_281 : memref<1x16x128xf32, #tpu.memory_space<vmem>> -> memref<16x128xf32, #tpu.memory_space<vmem>>
      %dma_start3A_283 = arith.constant 0 : i32
      %dma_start3A_284 = tpu.memref_slice %arg14[%add3A_20, %dma_start3A_283] : memref<10240x128xf32, #tpu.memory_space<vmem_shared>> -> memref<16x128xf32, #tpu.memory_space<vmem_shared>>
      %dma_start3A_285 = arith.constant 0 : i32
      %dma_start3A_286 = tpu.memref_slice %arg14[%add3A_20, %dma_start3A_285] : memref<10240x128xf32, #tpu.memory_space<vmem_shared>> -> memref<16x128xf32, #tpu.memory_space<vmem_shared>>
      %dma_start3A_287 = arith.constant 0 : i32
      %dma_start3A_288 = arith.constant 0 : i32
      %dma_start3A_289 = tpu.memref_slice %arg12[%run_scoped3A_21, %dma_start3A_287, %dma_start3A_288] : memref<2x16x128xf32, #tpu.memory_space<vmem>> -> memref<1x16x128xf32, #tpu.memory_space<vmem>>
      %dma_start3A_290 = tpu.memref_squeeze %dma_start3A_289 : memref<1x16x128xf32, #tpu.memory_space<vmem>> -> memref<16x128xf32, #tpu.memory_space<vmem>>
      tpu.enqueue_dma source(%dma_start3A_290 : memref<16x128xf32, #tpu.memory_space<vmem>>) target(%dma_start3A_286 : memref<16x128xf32, #tpu.memory_space<vmem_shared>>) target_semaphore(%run_scoped3A_278 : memref<!tpu.dma_semaphore, #tpu.memory_space<semaphore_mem>>)
      %dma_wait3A = arith.constant 0 : i32
      %dma_wait3A_291 = arith.constant 0 : i32
      %dma_wait3A_292 = tpu.memref_slice %arg12[%run_scoped3A_21, %dma_wait3A, %dma_wait3A_291] : memref<2x16x128xf32, #tpu.memory_space<vmem>> -> memref<1x16x128xf32, #tpu.memory_space<vmem>>
      %dma_wait3A_293 = tpu.memref_squeeze %dma_wait3A_292 : memref<1x16x128xf32, #tpu.memory_space<vmem>> -> memref<16x128xf32, #tpu.memory_space<vmem>>
      %dma_wait3A_294 = arith.constant 0 : i32
      %dma_wait3A_295 = tpu.memref_slice %arg14[%add3A_20, %dma_wait3A_294] : memref<10240x128xf32, #tpu.memory_space<vmem_shared>> -> memref<16x128xf32, #tpu.memory_space<vmem_shared>>
      %dma_wait3A_296 = arith.constant 0 : i32
      %dma_wait3A_297 = tpu.memref_slice %arg14[%add3A_20, %dma_wait3A_296] : memref<10240x128xf32, #tpu.memory_space<vmem_shared>> -> memref<16x128xf32, #tpu.memory_space<vmem_shared>>
      %dma_wait3A_298 = arith.constant 0 : i32
      %dma_wait3A_299 = arith.constant 0 : i32
      %dma_wait3A_300 = tpu.memref_slice %arg12[%run_scoped3A_21, %dma_wait3A_298, %dma_wait3A_299] : memref<2x16x128xf32, #tpu.memory_space<vmem>> -> memref<1x16x128xf32, #tpu.memory_space<vmem>>
      %dma_wait3A_301 = tpu.memref_squeeze %dma_wait3A_300 : memref<1x16x128xf32, #tpu.memory_space<vmem>> -> memref<16x128xf32, #tpu.memory_space<vmem>>
      tpu.wait_dma2 semaphore(%run_scoped3A_278 : memref<!tpu.dma_semaphore, #tpu.memory_space<semaphore_mem>>) src(%dma_wait3A_301 : memref<16x128xf32, #tpu.memory_space<vmem>>) dst(%dma_wait3A_297 : memref<16x128xf32, #tpu.memory_space<vmem_shared>>)
      tpu.yield
    }) : () -> ()
    %mul3A_22 = arith.constant 640 : i32
    %mul3A_23 = arith.muli %arg1, %mul3A_22 : i32
    %add3A_24 = arith.constant 48 : i32
    %add3A_25 = arith.addi %mul3A_23, %add3A_24 : i32
    %run_scoped3A_26 = arith.constant 0 : i32
    "tpu.region"() ({
      %run_scoped3A_278 = tpu.sem_alloc : memref<!tpu.dma_semaphore, #tpu.memory_space<semaphore_mem>>
      %dma_start3A_279 = arith.constant 0 : i32
      %dma_start3A_280 = arith.constant 0 : i32
      %dma_start3A_281 = tpu.memref_slice %arg12[%run_scoped3A_26, %dma_start3A_279, %dma_start3A_280] : memref<2x16x128xf32, #tpu.memory_space<vmem>> -> memref<1x16x128xf32, #tpu.memory_space<vmem>>
      %dma_start3A_282 = tpu.memref_squeeze %dma_start3A_281 : memref<1x16x128xf32, #tpu.memory_space<vmem>> -> memref<16x128xf32, #tpu.memory_space<vmem>>
      %dma_start3A_283 = arith.constant 0 : i32
      %dma_start3A_284 = tpu.memref_slice %arg14[%add3A_25, %dma_start3A_283] : memref<10240x128xf32, #tpu.memory_space<vmem_shared>> -> memref<16x128xf32, #tpu.memory_space<vmem_shared>>
      %dma_start3A_285 = arith.constant 0 : i32
      %dma_start3A_286 = tpu.memref_slice %arg14[%add3A_25, %dma_start3A_285] : memref<10240x128xf32, #tpu.memory_space<vmem_shared>> -> memref<16x128xf32, #tpu.memory_space<vmem_shared>>
      %dma_start3A_287 = arith.constant 0 : i32
      %dma_start3A_288 = arith.constant 0 : i32
      %dma_start3A_289 = tpu.memref_slice %arg12[%run_scoped3A_26, %dma_start3A_287, %dma_start3A_288] : memref<2x16x128xf32, #tpu.memory_space<vmem>> -> memref<1x16x128xf32, #tpu.memory_space<vmem>>
      %dma_start3A_290 = tpu.memref_squeeze %dma_start3A_289 : memref<1x16x128xf32, #tpu.memory_space<vmem>> -> memref<16x128xf32, #tpu.memory_space<vmem>>
      tpu.enqueue_dma source(%dma_start3A_290 : memref<16x128xf32, #tpu.memory_space<vmem>>) target(%dma_start3A_286 : memref<16x128xf32, #tpu.memory_space<vmem_shared>>) target_semaphore(%run_scoped3A_278 : memref<!tpu.dma_semaphore, #tpu.memory_space<semaphore_mem>>)
      %dma_wait3A = arith.constant 0 : i32
      %dma_wait3A_291 = arith.constant 0 : i32
      %dma_wait3A_292 = tpu.memref_slice %arg12[%run_scoped3A_26, %dma_wait3A, %dma_wait3A_291] : memref<2x16x128xf32, #tpu.memory_space<vmem>> -> memref<1x16x128xf32, #tpu.memory_space<vmem>>
      %dma_wait3A_293 = tpu.memref_squeeze %dma_wait3A_292 : memref<1x16x128xf32, #tpu.memory_space<vmem>> -> memref<16x128xf32, #tpu.memory_space<vmem>>
      %dma_wait3A_294 = arith.constant 0 : i32
      %dma_wait3A_295 = tpu.memref_slice %arg14[%add3A_25, %dma_wait3A_294] : memref<10240x128xf32, #tpu.memory_space<vmem_shared>> -> memref<16x128xf32, #tpu.memory_space<vmem_shared>>
      %dma_wait3A_296 = arith.constant 0 : i32
      %dma_wait3A_297 = tpu.memref_slice %arg14[%add3A_25, %dma_wait3A_296] : memref<10240x128xf32, #tpu.memory_space<vmem_shared>> -> memref<16x128xf32, #tpu.memory_space<vmem_shared>>
      %dma_wait3A_298 = arith.constant 0 : i32
      %dma_wait3A_299 = arith.constant 0 : i32
      %dma_wait3A_300 = tpu.memref_slice %arg12[%run_scoped3A_26, %dma_wait3A_298, %dma_wait3A_299] : memref<2x16x128xf32, #tpu.memory_space<vmem>> -> memref<1x16x128xf32, #tpu.memory_space<vmem>>
      %dma_wait3A_301 = tpu.memref_squeeze %dma_wait3A_300 : memref<1x16x128xf32, #tpu.memory_space<vmem>> -> memref<16x128xf32, #tpu.memory_space<vmem>>
      tpu.wait_dma2 semaphore(%run_scoped3A_278 : memref<!tpu.dma_semaphore, #tpu.memory_space<semaphore_mem>>) src(%dma_wait3A_301 : memref<16x128xf32, #tpu.memory_space<vmem>>) dst(%dma_wait3A_297 : memref<16x128xf32, #tpu.memory_space<vmem_shared>>)
      tpu.yield
    }) : () -> ()
    %mul3A_27 = arith.constant 640 : i32
    %mul3A_28 = arith.muli %arg1, %mul3A_27 : i32
    %add3A_29 = arith.constant 64 : i32
    %add3A_30 = arith.addi %mul3A_28, %add3A_29 : i32
    %run_scoped3A_31 = arith.constant 0 : i32
    "tpu.region"() ({
      %run_scoped3A_278 = tpu.sem_alloc : memref<!tpu.dma_semaphore, #tpu.memory_space<semaphore_mem>>
      %dma_start3A_279 = arith.constant 0 : i32
      %dma_start3A_280 = arith.constant 0 : i32
      %dma_start3A_281 = tpu.memref_slice %arg12[%run_scoped3A_31, %dma_start3A_279, %dma_start3A_280] : memref<2x16x128xf32, #tpu.memory_space<vmem>> -> memref<1x16x128xf32, #tpu.memory_space<vmem>>
      %dma_start3A_282 = tpu.memref_squeeze %dma_start3A_281 : memref<1x16x128xf32, #tpu.memory_space<vmem>> -> memref<16x128xf32, #tpu.memory_space<vmem>>
      %dma_start3A_283 = arith.constant 0 : i32
      %dma_start3A_284 = tpu.memref_slice %arg14[%add3A_30, %dma_start3A_283] : memref<10240x128xf32, #tpu.memory_space<vmem_shared>> -> memref<16x128xf32, #tpu.memory_space<vmem_shared>>
      %dma_start3A_285 = arith.constant 0 : i32
      %dma_start3A_286 = tpu.memref_slice %arg14[%add3A_30, %dma_start3A_285] : memref<10240x128xf32, #tpu.memory_space<vmem_shared>> -> memref<16x128xf32, #tpu.memory_space<vmem_shared>>
      %dma_start3A_287 = arith.constant 0 : i32
      %dma_start3A_288 = arith.constant 0 : i32
      %dma_start3A_289 = tpu.memref_slice %arg12[%run_scoped3A_31, %dma_start3A_287, %dma_start3A_288] : memref<2x16x128xf32, #tpu.memory_space<vmem>> -> memref<1x16x128xf32, #tpu.memory_space<vmem>>
      %dma_start3A_290 = tpu.memref_squeeze %dma_start3A_289 : memref<1x16x128xf32, #tpu.memory_space<vmem>> -> memref<16x128xf32, #tpu.memory_space<vmem>>
      tpu.enqueue_dma source(%dma_start3A_290 : memref<16x128xf32, #tpu.memory_space<vmem>>) target(%dma_start3A_286 : memref<16x128xf32, #tpu.memory_space<vmem_shared>>) target_semaphore(%run_scoped3A_278 : memref<!tpu.dma_semaphore, #tpu.memory_space<semaphore_mem>>)
      %dma_wait3A = arith.constant 0 : i32
      %dma_wait3A_291 = arith.constant 0 : i32
      %dma_wait3A_292 = tpu.memref_slice %arg12[%run_scoped3A_31, %dma_wait3A, %dma_wait3A_291] : memref<2x16x128xf32, #tpu.memory_space<vmem>> -> memref<1x16x128xf32, #tpu.memory_space<vmem>>
      %dma_wait3A_293 = tpu.memref_squeeze %dma_wait3A_292 : memref<1x16x128xf32, #tpu.memory_space<vmem>> -> memref<16x128xf32, #tpu.memory_space<vmem>>
      %dma_wait3A_294 = arith.constant 0 : i32
      %dma_wait3A_295 = tpu.memref_slice %arg14[%add3A_30, %dma_wait3A_294] : memref<10240x128xf32, #tpu.memory_space<vmem_shared>> -> memref<16x128xf32, #tpu.memory_space<vmem_shared>>
      %dma_wait3A_296 = arith.constant 0 : i32
      %dma_wait3A_297 = tpu.memref_slice %arg14[%add3A_30, %dma_wait3A_296] : memref<10240x128xf32, #tpu.memory_space<vmem_shared>> -> memref<16x128xf32, #tpu.memory_space<vmem_shared>>
      %dma_wait3A_298 = arith.constant 0 : i32
      %dma_wait3A_299 = arith.constant 0 : i32
      %dma_wait3A_300 = tpu.memref_slice %arg12[%run_scoped3A_31, %dma_wait3A_298, %dma_wait3A_299] : memref<2x16x128xf32, #tpu.memory_space<vmem>> -> memref<1x16x128xf32, #tpu.memory_space<vmem>>
      %dma_wait3A_301 = tpu.memref_squeeze %dma_wait3A_300 : memref<1x16x128xf32, #tpu.memory_space<vmem>> -> memref<16x128xf32, #tpu.memory_space<vmem>>
      tpu.wait_dma2 semaphore(%run_scoped3A_278 : memref<!tpu.dma_semaphore, #tpu.memory_space<semaphore_mem>>) src(%dma_wait3A_301 : memref<16x128xf32, #tpu.memory_space<vmem>>) dst(%dma_wait3A_297 : memref<16x128xf32, #tpu.memory_space<vmem_shared>>)
      tpu.yield
    }) : () -> ()
    %mul3A_32 = arith.constant 640 : i32
    %mul3A_33 = arith.muli %arg1, %mul3A_32 : i32
    %add3A_34 = arith.constant 80 : i32
    %add3A_35 = arith.addi %mul3A_33, %add3A_34 : i32
    %run_scoped3A_36 = arith.constant 0 : i32
    "tpu.region"() ({
      %run_scoped3A_278 = tpu.sem_alloc : memref<!tpu.dma_semaphore, #tpu.memory_space<semaphore_mem>>
      %dma_start3A_279 = arith.constant 0 : i32
      %dma_start3A_280 = arith.constant 0 : i32
      %dma_start3A_281 = tpu.memref_slice %arg12[%run_scoped3A_36, %dma_start3A_279, %dma_start3A_280] : memref<2x16x128xf32, #tpu.memory_space<vmem>> -> memref<1x16x128xf32, #tpu.memory_space<vmem>>
      %dma_start3A_282 = tpu.memref_squeeze %dma_start3A_281 : memref<1x16x128xf32, #tpu.memory_space<vmem>> -> memref<16x128xf32, #tpu.memory_space<vmem>>
      %dma_start3A_283 = arith.constant 0 : i32
      %dma_start3A_284 = tpu.memref_slice %arg14[%add3A_35, %dma_start3A_283] : memref<10240x128xf32, #tpu.memory_space<vmem_shared>> -> memref<16x128xf32, #tpu.memory_space<vmem_shared>>
      %dma_start3A_285 = arith.constant 0 : i32
      %dma_start3A_286 = tpu.memref_slice %arg14[%add3A_35, %dma_start3A_285] : memref<10240x128xf32, #tpu.memory_space<vmem_shared>> -> memref<16x128xf32, #tpu.memory_space<vmem_shared>>
      %dma_start3A_287 = arith.constant 0 : i32
      %dma_start3A_288 = arith.constant 0 : i32
      %dma_start3A_289 = tpu.memref_slice %arg12[%run_scoped3A_36, %dma_start3A_287, %dma_start3A_288] : memref<2x16x128xf32, #tpu.memory_space<vmem>> -> memref<1x16x128xf32, #tpu.memory_space<vmem>>
      %dma_start3A_290 = tpu.memref_squeeze %dma_start3A_289 : memref<1x16x128xf32, #tpu.memory_space<vmem>> -> memref<16x128xf32, #tpu.memory_space<vmem>>
      tpu.enqueue_dma source(%dma_start3A_290 : memref<16x128xf32, #tpu.memory_space<vmem>>) target(%dma_start3A_286 : memref<16x128xf32, #tpu.memory_space<vmem_shared>>) target_semaphore(%run_scoped3A_278 : memref<!tpu.dma_semaphore, #tpu.memory_space<semaphore_mem>>)
      %dma_wait3A = arith.constant 0 : i32
      %dma_wait3A_291 = arith.constant 0 : i32
      %dma_wait3A_292 = tpu.memref_slice %arg12[%run_scoped3A_36, %dma_wait3A, %dma_wait3A_291] : memref<2x16x128xf32, #tpu.memory_space<vmem>> -> memref<1x16x128xf32, #tpu.memory_space<vmem>>
      %dma_wait3A_293 = tpu.memref_squeeze %dma_wait3A_292 : memref<1x16x128xf32, #tpu.memory_space<vmem>> -> memref<16x128xf32, #tpu.memory_space<vmem>>
      %dma_wait3A_294 = arith.constant 0 : i32
      %dma_wait3A_295 = tpu.memref_slice %arg14[%add3A_35, %dma_wait3A_294] : memref<10240x128xf32, #tpu.memory_space<vmem_shared>> -> memref<16x128xf32, #tpu.memory_space<vmem_shared>>
      %dma_wait3A_296 = arith.constant 0 : i32
      %dma_wait3A_297 = tpu.memref_slice %arg14[%add3A_35, %dma_wait3A_296] : memref<10240x128xf32, #tpu.memory_space<vmem_shared>> -> memref<16x128xf32, #tpu.memory_space<vmem_shared>>
      %dma_wait3A_298 = arith.constant 0 : i32
      %dma_wait3A_299 = arith.constant 0 : i32
      %dma_wait3A_300 = tpu.memref_slice %arg12[%run_scoped3A_36, %dma_wait3A_298, %dma_wait3A_299] : memref<2x16x128xf32, #tpu.memory_space<vmem>> -> memref<1x16x128xf32, #tpu.memory_space<vmem>>
      %dma_wait3A_301 = tpu.memref_squeeze %dma_wait3A_300 : memref<1x16x128xf32, #tpu.memory_space<vmem>> -> memref<16x128xf32, #tpu.memory_space<vmem>>
      tpu.wait_dma2 semaphore(%run_scoped3A_278 : memref<!tpu.dma_semaphore, #tpu.memory_space<semaphore_mem>>) src(%dma_wait3A_301 : memref<16x128xf32, #tpu.memory_space<vmem>>) dst(%dma_wait3A_297 : memref<16x128xf32, #tpu.memory_space<vmem_shared>>)
      tpu.yield
    }) : () -> ()
    %mul3A_37 = arith.constant 640 : i32
    %mul3A_38 = arith.muli %arg1, %mul3A_37 : i32
    %add3A_39 = arith.constant 96 : i32
    %add3A_40 = arith.addi %mul3A_38, %add3A_39 : i32
    %run_scoped3A_41 = arith.constant 0 : i32
    "tpu.region"() ({
      %run_scoped3A_278 = tpu.sem_alloc : memref<!tpu.dma_semaphore, #tpu.memory_space<semaphore_mem>>
      %dma_start3A_279 = arith.constant 0 : i32
      %dma_start3A_280 = arith.constant 0 : i32
      %dma_start3A_281 = tpu.memref_slice %arg12[%run_scoped3A_41, %dma_start3A_279, %dma_start3A_280] : memref<2x16x128xf32, #tpu.memory_space<vmem>> -> memref<1x16x128xf32, #tpu.memory_space<vmem>>
      %dma_start3A_282 = tpu.memref_squeeze %dma_start3A_281 : memref<1x16x128xf32, #tpu.memory_space<vmem>> -> memref<16x128xf32, #tpu.memory_space<vmem>>
      %dma_start3A_283 = arith.constant 0 : i32
      %dma_start3A_284 = tpu.memref_slice %arg14[%add3A_40, %dma_start3A_283] : memref<10240x128xf32, #tpu.memory_space<vmem_shared>> -> memref<16x128xf32, #tpu.memory_space<vmem_shared>>
      %dma_start3A_285 = arith.constant 0 : i32
      %dma_start3A_286 = tpu.memref_slice %arg14[%add3A_40, %dma_start3A_285] : memref<10240x128xf32, #tpu.memory_space<vmem_shared>> -> memref<16x128xf32, #tpu.memory_space<vmem_shared>>
      %dma_start3A_287 = arith.constant 0 : i32
      %dma_start3A_288 = arith.constant 0 : i32
      %dma_start3A_289 = tpu.memref_slice %arg12[%run_scoped3A_41, %dma_start3A_287, %dma_start3A_288] : memref<2x16x128xf32, #tpu.memory_space<vmem>> -> memref<1x16x128xf32, #tpu.memory_space<vmem>>
      %dma_start3A_290 = tpu.memref_squeeze %dma_start3A_289 : memref<1x16x128xf32, #tpu.memory_space<vmem>> -> memref<16x128xf32, #tpu.memory_space<vmem>>
      tpu.enqueue_dma source(%dma_start3A_290 : memref<16x128xf32, #tpu.memory_space<vmem>>) target(%dma_start3A_286 : memref<16x128xf32, #tpu.memory_space<vmem_shared>>) target_semaphore(%run_scoped3A_278 : memref<!tpu.dma_semaphore, #tpu.memory_space<semaphore_mem>>)
      %dma_wait3A = arith.constant 0 : i32
      %dma_wait3A_291 = arith.constant 0 : i32
      %dma_wait3A_292 = tpu.memref_slice %arg12[%run_scoped3A_41, %dma_wait3A, %dma_wait3A_291] : memref<2x16x128xf32, #tpu.memory_space<vmem>> -> memref<1x16x128xf32, #tpu.memory_space<vmem>>
      %dma_wait3A_293 = tpu.memref_squeeze %dma_wait3A_292 : memref<1x16x128xf32, #tpu.memory_space<vmem>> -> memref<16x128xf32, #tpu.memory_space<vmem>>
      %dma_wait3A_294 = arith.constant 0 : i32
      %dma_wait3A_295 = tpu.memref_slice %arg14[%add3A_40, %dma_wait3A_294] : memref<10240x128xf32, #tpu.memory_space<vmem_shared>> -> memref<16x128xf32, #tpu.memory_space<vmem_shared>>
      %dma_wait3A_296 = arith.constant 0 : i32
      %dma_wait3A_297 = tpu.memref_slice %arg14[%add3A_40, %dma_wait3A_296] : memref<10240x128xf32, #tpu.memory_space<vmem_shared>> -> memref<16x128xf32, #tpu.memory_space<vmem_shared>>
      %dma_wait3A_298 = arith.constant 0 : i32
      %dma_wait3A_299 = arith.constant 0 : i32
      %dma_wait3A_300 = tpu.memref_slice %arg12[%run_scoped3A_41, %dma_wait3A_298, %dma_wait3A_299] : memref<2x16x128xf32, #tpu.memory_space<vmem>> -> memref<1x16x128xf32, #tpu.memory_space<vmem>>
      %dma_wait3A_301 = tpu.memref_squeeze %dma_wait3A_300 : memref<1x16x128xf32, #tpu.memory_space<vmem>> -> memref<16x128xf32, #tpu.memory_space<vmem>>
      tpu.wait_dma2 semaphore(%run_scoped3A_278 : memref<!tpu.dma_semaphore, #tpu.memory_space<semaphore_mem>>) src(%dma_wait3A_301 : memref<16x128xf32, #tpu.memory_space<vmem>>) dst(%dma_wait3A_297 : memref<16x128xf32, #tpu.memory_space<vmem_shared>>)
      tpu.yield
    }) : () -> ()
    %mul3A_42 = arith.constant 640 : i32
    %mul3A_43 = arith.muli %arg1, %mul3A_42 : i32
    %add3A_44 = arith.constant 112 : i32
    %add3A_45 = arith.addi %mul3A_43, %add3A_44 : i32
    %run_scoped3A_46 = arith.constant 0 : i32
    "tpu.region"() ({
      %run_scoped3A_278 = tpu.sem_alloc : memref<!tpu.dma_semaphore, #tpu.memory_space<semaphore_mem>>
      %dma_start3A_279 = arith.constant 0 : i32
      %dma_start3A_280 = arith.constant 0 : i32
      %dma_start3A_281 = tpu.memref_slice %arg12[%run_scoped3A_46, %dma_start3A_279, %dma_start3A_280] : memref<2x16x128xf32, #tpu.memory_space<vmem>> -> memref<1x16x128xf32, #tpu.memory_space<vmem>>
      %dma_start3A_282 = tpu.memref_squeeze %dma_start3A_281 : memref<1x16x128xf32, #tpu.memory_space<vmem>> -> memref<16x128xf32, #tpu.memory_space<vmem>>
      %dma_start3A_283 = arith.constant 0 : i32
      %dma_start3A_284 = tpu.memref_slice %arg14[%add3A_45, %dma_start3A_283] : memref<10240x128xf32, #tpu.memory_space<vmem_shared>> -> memref<16x128xf32, #tpu.memory_space<vmem_shared>>
      %dma_start3A_285 = arith.constant 0 : i32
      %dma_start3A_286 = tpu.memref_slice %arg14[%add3A_45, %dma_start3A_285] : memref<10240x128xf32, #tpu.memory_space<vmem_shared>> -> memref<16x128xf32, #tpu.memory_space<vmem_shared>>
      %dma_start3A_287 = arith.constant 0 : i32
      %dma_start3A_288 = arith.constant 0 : i32
      %dma_start3A_289 = tpu.memref_slice %arg12[%run_scoped3A_46, %dma_start3A_287, %dma_start3A_288] : memref<2x16x128xf32, #tpu.memory_space<vmem>> -> memref<1x16x128xf32, #tpu.memory_space<vmem>>
      %dma_start3A_290 = tpu.memref_squeeze %dma_start3A_289 : memref<1x16x128xf32, #tpu.memory_space<vmem>> -> memref<16x128xf32, #tpu.memory_space<vmem>>
      tpu.enqueue_dma source(%dma_start3A_290 : memref<16x128xf32, #tpu.memory_space<vmem>>) target(%dma_start3A_286 : memref<16x128xf32, #tpu.memory_space<vmem_shared>>) target_semaphore(%run_scoped3A_278 : memref<!tpu.dma_semaphore, #tpu.memory_space<semaphore_mem>>)
      %dma_wait3A = arith.constant 0 : i32
      %dma_wait3A_291 = arith.constant 0 : i32
      %dma_wait3A_292 = tpu.memref_slice %arg12[%run_scoped3A_46, %dma_wait3A, %dma_wait3A_291] : memref<2x16x128xf32, #tpu.memory_space<vmem>> -> memref<1x16x128xf32, #tpu.memory_space<vmem>>
      %dma_wait3A_293 = tpu.memref_squeeze %dma_wait3A_292 : memref<1x16x128xf32, #tpu.memory_space<vmem>> -> memref<16x128xf32, #tpu.memory_space<vmem>>
      %dma_wait3A_294 = arith.constant 0 : i32
      %dma_wait3A_295 = tpu.memref_slice %arg14[%add3A_45, %dma_wait3A_294] : memref<10240x128xf32, #tpu.memory_space<vmem_shared>> -> memref<16x128xf32, #tpu.memory_space<vmem_shared>>
      %dma_wait3A_296 = arith.constant 0 : i32
      %dma_wait3A_297 = tpu.memref_slice %arg14[%add3A_45, %dma_wait3A_296] : memref<10240x128xf32, #tpu.memory_space<vmem_shared>> -> memref<16x128xf32, #tpu.memory_space<vmem_shared>>
      %dma_wait3A_298 = arith.constant 0 : i32
      %dma_wait3A_299 = arith.constant 0 : i32
      %dma_wait3A_300 = tpu.memref_slice %arg12[%run_scoped3A_46, %dma_wait3A_298, %dma_wait3A_299] : memref<2x16x128xf32, #tpu.memory_space<vmem>> -> memref<1x16x128xf32, #tpu.memory_space<vmem>>
      %dma_wait3A_301 = tpu.memref_squeeze %dma_wait3A_300 : memref<1x16x128xf32, #tpu.memory_space<vmem>> -> memref<16x128xf32, #tpu.memory_space<vmem>>
      tpu.wait_dma2 semaphore(%run_scoped3A_278 : memref<!tpu.dma_semaphore, #tpu.memory_space<semaphore_mem>>) src(%dma_wait3A_301 : memref<16x128xf32, #tpu.memory_space<vmem>>) dst(%dma_wait3A_297 : memref<16x128xf32, #tpu.memory_space<vmem_shared>>)
      tpu.yield
    }) : () -> ()
    %mul3A_47 = arith.constant 640 : i32
    %mul3A_48 = arith.muli %arg1, %mul3A_47 : i32
    %add3A_49 = arith.constant 128 : i32
    %add3A_50 = arith.addi %mul3A_48, %add3A_49 : i32
    %run_scoped3A_51 = arith.constant 0 : i32
    "tpu.region"() ({
      %run_scoped3A_278 = tpu.sem_alloc : memref<!tpu.dma_semaphore, #tpu.memory_space<semaphore_mem>>
      %dma_start3A_279 = arith.constant 0 : i32
      %dma_start3A_280 = arith.constant 0 : i32
      %dma_start3A_281 = tpu.memref_slice %arg12[%run_scoped3A_51, %dma_start3A_279, %dma_start3A_280] : memref<2x16x128xf32, #tpu.memory_space<vmem>> -> memref<1x16x128xf32, #tpu.memory_space<vmem>>
      %dma_start3A_282 = tpu.memref_squeeze %dma_start3A_281 : memref<1x16x128xf32, #tpu.memory_space<vmem>> -> memref<16x128xf32, #tpu.memory_space<vmem>>
      %dma_start3A_283 = arith.constant 0 : i32
      %dma_start3A_284 = tpu.memref_slice %arg14[%add3A_50, %dma_start3A_283] : memref<10240x128xf32, #tpu.memory_space<vmem_shared>> -> memref<16x128xf32, #tpu.memory_space<vmem_shared>>
      %dma_start3A_285 = arith.constant 0 : i32
      %dma_start3A_286 = tpu.memref_slice %arg14[%add3A_50, %dma_start3A_285] : memref<10240x128xf32, #tpu.memory_space<vmem_shared>> -> memref<16x128xf32, #tpu.memory_space<vmem_shared>>
      %dma_start3A_287 = arith.constant 0 : i32
      %dma_start3A_288 = arith.constant 0 : i32
      %dma_start3A_289 = tpu.memref_slice %arg12[%run_scoped3A_51, %dma_start3A_287, %dma_start3A_288] : memref<2x16x128xf32, #tpu.memory_space<vmem>> -> memref<1x16x128xf32, #tpu.memory_space<vmem>>
      %dma_start3A_290 = tpu.memref_squeeze %dma_start3A_289 : memref<1x16x128xf32, #tpu.memory_space<vmem>> -> memref<16x128xf32, #tpu.memory_space<vmem>>
      tpu.enqueue_dma source(%dma_start3A_290 : memref<16x128xf32, #tpu.memory_space<vmem>>) target(%dma_start3A_286 : memref<16x128xf32, #tpu.memory_space<vmem_shared>>) target_semaphore(%run_scoped3A_278 : memref<!tpu.dma_semaphore, #tpu.memory_space<semaphore_mem>>)
      %dma_wait3A = arith.constant 0 : i32
      %dma_wait3A_291 = arith.constant 0 : i32
      %dma_wait3A_292 = tpu.memref_slice %arg12[%run_scoped3A_51, %dma_wait3A, %dma_wait3A_291] : memref<2x16x128xf32, #tpu.memory_space<vmem>> -> memref<1x16x128xf32, #tpu.memory_space<vmem>>
      %dma_wait3A_293 = tpu.memref_squeeze %dma_wait3A_292 : memref<1x16x128xf32, #tpu.memory_space<vmem>> -> memref<16x128xf32, #tpu.memory_space<vmem>>
      %dma_wait3A_294 = arith.constant 0 : i32
      %dma_wait3A_295 = tpu.memref_slice %arg14[%add3A_50, %dma_wait3A_294] : memref<10240x128xf32, #tpu.memory_space<vmem_shared>> -> memref<16x128xf32, #tpu.memory_space<vmem_shared>>
      %dma_wait3A_296 = arith.constant 0 : i32
      %dma_wait3A_297 = tpu.memref_slice %arg14[%add3A_50, %dma_wait3A_296] : memref<10240x128xf32, #tpu.memory_space<vmem_shared>> -> memref<16x128xf32, #tpu.memory_space<vmem_shared>>
      %dma_wait3A_298 = arith.constant 0 : i32
      %dma_wait3A_299 = arith.constant 0 : i32
      %dma_wait3A_300 = tpu.memref_slice %arg12[%run_scoped3A_51, %dma_wait3A_298, %dma_wait3A_299] : memref<2x16x128xf32, #tpu.memory_space<vmem>> -> memref<1x16x128xf32, #tpu.memory_space<vmem>>
      %dma_wait3A_301 = tpu.memref_squeeze %dma_wait3A_300 : memref<1x16x128xf32, #tpu.memory_space<vmem>> -> memref<16x128xf32, #tpu.memory_space<vmem>>
      tpu.wait_dma2 semaphore(%run_scoped3A_278 : memref<!tpu.dma_semaphore, #tpu.memory_space<semaphore_mem>>) src(%dma_wait3A_301 : memref<16x128xf32, #tpu.memory_space<vmem>>) dst(%dma_wait3A_297 : memref<16x128xf32, #tpu.memory_space<vmem_shared>>)
      tpu.yield
    }) : () -> ()
    %mul3A_52 = arith.constant 640 : i32
    %mul3A_53 = arith.muli %arg1, %mul3A_52 : i32
    %add3A_54 = arith.constant 144 : i32
    %add3A_55 = arith.addi %mul3A_53, %add3A_54 : i32
    %run_scoped3A_56 = arith.constant 0 : i32
    "tpu.region"() ({
      %run_scoped3A_278 = tpu.sem_alloc : memref<!tpu.dma_semaphore, #tpu.memory_space<semaphore_mem>>
      %dma_start3A_279 = arith.constant 0 : i32
      %dma_start3A_280 = arith.constant 0 : i32
      %dma_start3A_281 = tpu.memref_slice %arg12[%run_scoped3A_56, %dma_start3A_279, %dma_start3A_280] : memref<2x16x128xf32, #tpu.memory_space<vmem>> -> memref<1x16x128xf32, #tpu.memory_space<vmem>>
      %dma_start3A_282 = tpu.memref_squeeze %dma_start3A_281 : memref<1x16x128xf32, #tpu.memory_space<vmem>> -> memref<16x128xf32, #tpu.memory_space<vmem>>
      %dma_start3A_283 = arith.constant 0 : i32
      %dma_start3A_284 = tpu.memref_slice %arg14[%add3A_55, %dma_start3A_283] : memref<10240x128xf32, #tpu.memory_space<vmem_shared>> -> memref<16x128xf32, #tpu.memory_space<vmem_shared>>
      %dma_start3A_285 = arith.constant 0 : i32
      %dma_start3A_286 = tpu.memref_slice %arg14[%add3A_55, %dma_start3A_285] : memref<10240x128xf32, #tpu.memory_space<vmem_shared>> -> memref<16x128xf32, #tpu.memory_space<vmem_shared>>
      %dma_start3A_287 = arith.constant 0 : i32
      %dma_start3A_288 = arith.constant 0 : i32
      %dma_start3A_289 = tpu.memref_slice %arg12[%run_scoped3A_56, %dma_start3A_287, %dma_start3A_288] : memref<2x16x128xf32, #tpu.memory_space<vmem>> -> memref<1x16x128xf32, #tpu.memory_space<vmem>>
      %dma_start3A_290 = tpu.memref_squeeze %dma_start3A_289 : memref<1x16x128xf32, #tpu.memory_space<vmem>> -> memref<16x128xf32, #tpu.memory_space<vmem>>
      tpu.enqueue_dma source(%dma_start3A_290 : memref<16x128xf32, #tpu.memory_space<vmem>>) target(%dma_start3A_286 : memref<16x128xf32, #tpu.memory_space<vmem_shared>>) target_semaphore(%run_scoped3A_278 : memref<!tpu.dma_semaphore, #tpu.memory_space<semaphore_mem>>)
      %dma_wait3A = arith.constant 0 : i32
      %dma_wait3A_291 = arith.constant 0 : i32
      %dma_wait3A_292 = tpu.memref_slice %arg12[%run_scoped3A_56, %dma_wait3A, %dma_wait3A_291] : memref<2x16x128xf32, #tpu.memory_space<vmem>> -> memref<1x16x128xf32, #tpu.memory_space<vmem>>
      %dma_wait3A_293 = tpu.memref_squeeze %dma_wait3A_292 : memref<1x16x128xf32, #tpu.memory_space<vmem>> -> memref<16x128xf32, #tpu.memory_space<vmem>>
      %dma_wait3A_294 = arith.constant 0 : i32
      %dma_wait3A_295 = tpu.memref_slice %arg14[%add3A_55, %dma_wait3A_294] : memref<10240x128xf32, #tpu.memory_space<vmem_shared>> -> memref<16x128xf32, #tpu.memory_space<vmem_shared>>
      %dma_wait3A_296 = arith.constant 0 : i32
      %dma_wait3A_297 = tpu.memref_slice %arg14[%add3A_55, %dma_wait3A_296] : memref<10240x128xf32, #tpu.memory_space<vmem_shared>> -> memref<16x128xf32, #tpu.memory_space<vmem_shared>>
      %dma_wait3A_298 = arith.constant 0 : i32
      %dma_wait3A_299 = arith.constant 0 : i32
      %dma_wait3A_300 = tpu.memref_slice %arg12[%run_scoped3A_56, %dma_wait3A_298, %dma_wait3A_299] : memref<2x16x128xf32, #tpu.memory_space<vmem>> -> memref<1x16x128xf32, #tpu.memory_space<vmem>>
      %dma_wait3A_301 = tpu.memref_squeeze %dma_wait3A_300 : memref<1x16x128xf32, #tpu.memory_space<vmem>> -> memref<16x128xf32, #tpu.memory_space<vmem>>
      tpu.wait_dma2 semaphore(%run_scoped3A_278 : memref<!tpu.dma_semaphore, #tpu.memory_space<semaphore_mem>>) src(%dma_wait3A_301 : memref<16x128xf32, #tpu.memory_space<vmem>>) dst(%dma_wait3A_297 : memref<16x128xf32, #tpu.memory_space<vmem_shared>>)
      tpu.yield
    }) : () -> ()
    %mul3A_57 = arith.constant 640 : i32
    %mul3A_58 = arith.muli %arg1, %mul3A_57 : i32
    %add3A_59 = arith.constant 160 : i32
    %add3A_60 = arith.addi %mul3A_58, %add3A_59 : i32
    %run_scoped3A_61 = arith.constant 0 : i32
    "tpu.region"() ({
      %run_scoped3A_278 = tpu.sem_alloc : memref<!tpu.dma_semaphore, #tpu.memory_space<semaphore_mem>>
      %dma_start3A_279 = arith.constant 0 : i32
      %dma_start3A_280 = arith.constant 0 : i32
      %dma_start3A_281 = tpu.memref_slice %arg12[%run_scoped3A_61, %dma_start3A_279, %dma_start3A_280] : memref<2x16x128xf32, #tpu.memory_space<vmem>> -> memref<1x16x128xf32, #tpu.memory_space<vmem>>
      %dma_start3A_282 = tpu.memref_squeeze %dma_start3A_281 : memref<1x16x128xf32, #tpu.memory_space<vmem>> -> memref<16x128xf32, #tpu.memory_space<vmem>>
      %dma_start3A_283 = arith.constant 0 : i32
      %dma_start3A_284 = tpu.memref_slice %arg14[%add3A_60, %dma_start3A_283] : memref<10240x128xf32, #tpu.memory_space<vmem_shared>> -> memref<16x128xf32, #tpu.memory_space<vmem_shared>>
      %dma_start3A_285 = arith.constant 0 : i32
      %dma_start3A_286 = tpu.memref_slice %arg14[%add3A_60, %dma_start3A_285] : memref<10240x128xf32, #tpu.memory_space<vmem_shared>> -> memref<16x128xf32, #tpu.memory_space<vmem_shared>>
      %dma_start3A_287 = arith.constant 0 : i32
      %dma_start3A_288 = arith.constant 0 : i32
      %dma_start3A_289 = tpu.memref_slice %arg12[%run_scoped3A_61, %dma_start3A_287, %dma_start3A_288] : memref<2x16x128xf32, #tpu.memory_space<vmem>> -> memref<1x16x128xf32, #tpu.memory_space<vmem>>
      %dma_start3A_290 = tpu.memref_squeeze %dma_start3A_289 : memref<1x16x128xf32, #tpu.memory_space<vmem>> -> memref<16x128xf32, #tpu.memory_space<vmem>>
      tpu.enqueue_dma source(%dma_start3A_290 : memref<16x128xf32, #tpu.memory_space<vmem>>) target(%dma_start3A_286 : memref<16x128xf32, #tpu.memory_space<vmem_shared>>) target_semaphore(%run_scoped3A_278 : memref<!tpu.dma_semaphore, #tpu.memory_space<semaphore_mem>>)
      %dma_wait3A = arith.constant 0 : i32
      %dma_wait3A_291 = arith.constant 0 : i32
      %dma_wait3A_292 = tpu.memref_slice %arg12[%run_scoped3A_61, %dma_wait3A, %dma_wait3A_291] : memref<2x16x128xf32, #tpu.memory_space<vmem>> -> memref<1x16x128xf32, #tpu.memory_space<vmem>>
      %dma_wait3A_293 = tpu.memref_squeeze %dma_wait3A_292 : memref<1x16x128xf32, #tpu.memory_space<vmem>> -> memref<16x128xf32, #tpu.memory_space<vmem>>
      %dma_wait3A_294 = arith.constant 0 : i32
      %dma_wait3A_295 = tpu.memref_slice %arg14[%add3A_60, %dma_wait3A_294] : memref<10240x128xf32, #tpu.memory_space<vmem_shared>> -> memref<16x128xf32, #tpu.memory_space<vmem_shared>>
      %dma_wait3A_296 = arith.constant 0 : i32
      %dma_wait3A_297 = tpu.memref_slice %arg14[%add3A_60, %dma_wait3A_296] : memref<10240x128xf32, #tpu.memory_space<vmem_shared>> -> memref<16x128xf32, #tpu.memory_space<vmem_shared>>
      %dma_wait3A_298 = arith.constant 0 : i32
      %dma_wait3A_299 = arith.constant 0 : i32
      %dma_wait3A_300 = tpu.memref_slice %arg12[%run_scoped3A_61, %dma_wait3A_298, %dma_wait3A_299] : memref<2x16x128xf32, #tpu.memory_space<vmem>> -> memref<1x16x128xf32, #tpu.memory_space<vmem>>
      %dma_wait3A_301 = tpu.memref_squeeze %dma_wait3A_300 : memref<1x16x128xf32, #tpu.memory_space<vmem>> -> memref<16x128xf32, #tpu.memory_space<vmem>>
      tpu.wait_dma2 semaphore(%run_scoped3A_278 : memref<!tpu.dma_semaphore, #tpu.memory_space<semaphore_mem>>) src(%dma_wait3A_301 : memref<16x128xf32, #tpu.memory_space<vmem>>) dst(%dma_wait3A_297 : memref<16x128xf32, #tpu.memory_space<vmem_shared>>)
      tpu.yield
    }) : () -> ()
    %mul3A_62 = arith.constant 640 : i32
    %mul3A_63 = arith.muli %arg1, %mul3A_62 : i32
    %add3A_64 = arith.constant 176 : i32
    %add3A_65 = arith.addi %mul3A_63, %add3A_64 : i32
    %run_scoped3A_66 = arith.constant 0 : i32
    "tpu.region"() ({
      %run_scoped3A_278 = tpu.sem_alloc : memref<!tpu.dma_semaphore, #tpu.memory_space<semaphore_mem>>
      %dma_start3A_279 = arith.constant 0 : i32
      %dma_start3A_280 = arith.constant 0 : i32
      %dma_start3A_281 = tpu.memref_slice %arg12[%run_scoped3A_66, %dma_start3A_279, %dma_start3A_280] : memref<2x16x128xf32, #tpu.memory_space<vmem>> -> memref<1x16x128xf32, #tpu.memory_space<vmem>>
      %dma_start3A_282 = tpu.memref_squeeze %dma_start3A_281 : memref<1x16x128xf32, #tpu.memory_space<vmem>> -> memref<16x128xf32, #tpu.memory_space<vmem>>
      %dma_start3A_283 = arith.constant 0 : i32
      %dma_start3A_284 = tpu.memref_slice %arg14[%add3A_65, %dma_start3A_283] : memref<10240x128xf32, #tpu.memory_space<vmem_shared>> -> memref<16x128xf32, #tpu.memory_space<vmem_shared>>
      %dma_start3A_285 = arith.constant 0 : i32
      %dma_start3A_286 = tpu.memref_slice %arg14[%add3A_65, %dma_start3A_285] : memref<10240x128xf32, #tpu.memory_space<vmem_shared>> -> memref<16x128xf32, #tpu.memory_space<vmem_shared>>
      %dma_start3A_287 = arith.constant 0 : i32
      %dma_start3A_288 = arith.constant 0 : i32
      %dma_start3A_289 = tpu.memref_slice %arg12[%run_scoped3A_66, %dma_start3A_287, %dma_start3A_288] : memref<2x16x128xf32, #tpu.memory_space<vmem>> -> memref<1x16x128xf32, #tpu.memory_space<vmem>>
      %dma_start3A_290 = tpu.memref_squeeze %dma_start3A_289 : memref<1x16x128xf32, #tpu.memory_space<vmem>> -> memref<16x128xf32, #tpu.memory_space<vmem>>
      tpu.enqueue_dma source(%dma_start3A_290 : memref<16x128xf32, #tpu.memory_space<vmem>>) target(%dma_start3A_286 : memref<16x128xf32, #tpu.memory_space<vmem_shared>>) target_semaphore(%run_scoped3A_278 : memref<!tpu.dma_semaphore, #tpu.memory_space<semaphore_mem>>)
      %dma_wait3A = arith.constant 0 : i32
      %dma_wait3A_291 = arith.constant 0 : i32
      %dma_wait3A_292 = tpu.memref_slice %arg12[%run_scoped3A_66, %dma_wait3A, %dma_wait3A_291] : memref<2x16x128xf32, #tpu.memory_space<vmem>> -> memref<1x16x128xf32, #tpu.memory_space<vmem>>
      %dma_wait3A_293 = tpu.memref_squeeze %dma_wait3A_292 : memref<1x16x128xf32, #tpu.memory_space<vmem>> -> memref<16x128xf32, #tpu.memory_space<vmem>>
      %dma_wait3A_294 = arith.constant 0 : i32
      %dma_wait3A_295 = tpu.memref_slice %arg14[%add3A_65, %dma_wait3A_294] : memref<10240x128xf32, #tpu.memory_space<vmem_shared>> -> memref<16x128xf32, #tpu.memory_space<vmem_shared>>
      %dma_wait3A_296 = arith.constant 0 : i32
      %dma_wait3A_297 = tpu.memref_slice %arg14[%add3A_65, %dma_wait3A_296] : memref<10240x128xf32, #tpu.memory_space<vmem_shared>> -> memref<16x128xf32, #tpu.memory_space<vmem_shared>>
      %dma_wait3A_298 = arith.constant 0 : i32
      %dma_wait3A_299 = arith.constant 0 : i32
      %dma_wait3A_300 = tpu.memref_slice %arg12[%run_scoped3A_66, %dma_wait3A_298, %dma_wait3A_299] : memref<2x16x128xf32, #tpu.memory_space<vmem>> -> memref<1x16x128xf32, #tpu.memory_space<vmem>>
      %dma_wait3A_301 = tpu.memref_squeeze %dma_wait3A_300 : memref<1x16x128xf32, #tpu.memory_space<vmem>> -> memref<16x128xf32, #tpu.memory_space<vmem>>
      tpu.wait_dma2 semaphore(%run_scoped3A_278 : memref<!tpu.dma_semaphore, #tpu.memory_space<semaphore_mem>>) src(%dma_wait3A_301 : memref<16x128xf32, #tpu.memory_space<vmem>>) dst(%dma_wait3A_297 : memref<16x128xf32, #tpu.memory_space<vmem_shared>>)
      tpu.yield
    }) : () -> ()
    %mul3A_67 = arith.constant 640 : i32
    %mul3A_68 = arith.muli %arg1, %mul3A_67 : i32
    %add3A_69 = arith.constant 192 : i32
    %add3A_70 = arith.addi %mul3A_68, %add3A_69 : i32
    %run_scoped3A_71 = arith.constant 0 : i32
    "tpu.region"() ({
      %run_scoped3A_278 = tpu.sem_alloc : memref<!tpu.dma_semaphore, #tpu.memory_space<semaphore_mem>>
      %dma_start3A_279 = arith.constant 0 : i32
      %dma_start3A_280 = arith.constant 0 : i32
      %dma_start3A_281 = tpu.memref_slice %arg12[%run_scoped3A_71, %dma_start3A_279, %dma_start3A_280] : memref<2x16x128xf32, #tpu.memory_space<vmem>> -> memref<1x16x128xf32, #tpu.memory_space<vmem>>
      %dma_start3A_282 = tpu.memref_squeeze %dma_start3A_281 : memref<1x16x128xf32, #tpu.memory_space<vmem>> -> memref<16x128xf32, #tpu.memory_space<vmem>>
      %dma_start3A_283 = arith.constant 0 : i32
      %dma_start3A_284 = tpu.memref_slice %arg14[%add3A_70, %dma_start3A_283] : memref<10240x128xf32, #tpu.memory_space<vmem_shared>> -> memref<16x128xf32, #tpu.memory_space<vmem_shared>>
      %dma_start3A_285 = arith.constant 0 : i32
      %dma_start3A_286 = tpu.memref_slice %arg14[%add3A_70, %dma_start3A_285] : memref<10240x128xf32, #tpu.memory_space<vmem_shared>> -> memref<16x128xf32, #tpu.memory_space<vmem_shared>>
      %dma_start3A_287 = arith.constant 0 : i32
      %dma_start3A_288 = arith.constant 0 : i32
      %dma_start3A_289 = tpu.memref_slice %arg12[%run_scoped3A_71, %dma_start3A_287, %dma_start3A_288] : memref<2x16x128xf32, #tpu.memory_space<vmem>> -> memref<1x16x128xf32, #tpu.memory_space<vmem>>
      %dma_start3A_290 = tpu.memref_squeeze %dma_start3A_289 : memref<1x16x128xf32, #tpu.memory_space<vmem>> -> memref<16x128xf32, #tpu.memory_space<vmem>>
      tpu.enqueue_dma source(%dma_start3A_290 : memref<16x128xf32, #tpu.memory_space<vmem>>) target(%dma_start3A_286 : memref<16x128xf32, #tpu.memory_space<vmem_shared>>) target_semaphore(%run_scoped3A_278 : memref<!tpu.dma_semaphore, #tpu.memory_space<semaphore_mem>>)
      %dma_wait3A = arith.constant 0 : i32
      %dma_wait3A_291 = arith.constant 0 : i32
      %dma_wait3A_292 = tpu.memref_slice %arg12[%run_scoped3A_71, %dma_wait3A, %dma_wait3A_291] : memref<2x16x128xf32, #tpu.memory_space<vmem>> -> memref<1x16x128xf32, #tpu.memory_space<vmem>>
      %dma_wait3A_293 = tpu.memref_squeeze %dma_wait3A_292 : memref<1x16x128xf32, #tpu.memory_space<vmem>> -> memref<16x128xf32, #tpu.memory_space<vmem>>
      %dma_wait3A_294 = arith.constant 0 : i32
      %dma_wait3A_295 = tpu.memref_slice %arg14[%add3A_70, %dma_wait3A_294] : memref<10240x128xf32, #tpu.memory_space<vmem_shared>> -> memref<16x128xf32, #tpu.memory_space<vmem_shared>>
      %dma_wait3A_296 = arith.constant 0 : i32
      %dma_wait3A_297 = tpu.memref_slice %arg14[%add3A_70, %dma_wait3A_296] : memref<10240x128xf32, #tpu.memory_space<vmem_shared>> -> memref<16x128xf32, #tpu.memory_space<vmem_shared>>
      %dma_wait3A_298 = arith.constant 0 : i32
      %dma_wait3A_299 = arith.constant 0 : i32
      %dma_wait3A_300 = tpu.memref_slice %arg12[%run_scoped3A_71, %dma_wait3A_298, %dma_wait3A_299] : memref<2x16x128xf32, #tpu.memory_space<vmem>> -> memref<1x16x128xf32, #tpu.memory_space<vmem>>
      %dma_wait3A_301 = tpu.memref_squeeze %dma_wait3A_300 : memref<1x16x128xf32, #tpu.memory_space<vmem>> -> memref<16x128xf32, #tpu.memory_space<vmem>>
      tpu.wait_dma2 semaphore(%run_scoped3A_278 : memref<!tpu.dma_semaphore, #tpu.memory_space<semaphore_mem>>) src(%dma_wait3A_301 : memref<16x128xf32, #tpu.memory_space<vmem>>) dst(%dma_wait3A_297 : memref<16x128xf32, #tpu.memory_space<vmem_shared>>)
      tpu.yield
    }) : () -> ()
    %mul3A_72 = arith.constant 640 : i32
    %mul3A_73 = arith.muli %arg1, %mul3A_72 : i32
    %add3A_74 = arith.constant 208 : i32
    %add3A_75 = arith.addi %mul3A_73, %add3A_74 : i32
    %run_scoped3A_76 = arith.constant 0 : i32
    "tpu.region"() ({
      %run_scoped3A_278 = tpu.sem_alloc : memref<!tpu.dma_semaphore, #tpu.memory_space<semaphore_mem>>
      %dma_start3A_279 = arith.constant 0 : i32
      %dma_start3A_280 = arith.constant 0 : i32
      %dma_start3A_281 = tpu.memref_slice %arg12[%run_scoped3A_76, %dma_start3A_279, %dma_start3A_280] : memref<2x16x128xf32, #tpu.memory_space<vmem>> -> memref<1x16x128xf32, #tpu.memory_space<vmem>>
      %dma_start3A_282 = tpu.memref_squeeze %dma_start3A_281 : memref<1x16x128xf32, #tpu.memory_space<vmem>> -> memref<16x128xf32, #tpu.memory_space<vmem>>
      %dma_start3A_283 = arith.constant 0 : i32
      %dma_start3A_284 = tpu.memref_slice %arg14[%add3A_75, %dma_start3A_283] : memref<10240x128xf32, #tpu.memory_space<vmem_shared>> -> memref<16x128xf32, #tpu.memory_space<vmem_shared>>
      %dma_start3A_285 = arith.constant 0 : i32
      %dma_start3A_286 = tpu.memref_slice %arg14[%add3A_75, %dma_start3A_285] : memref<10240x128xf32, #tpu.memory_space<vmem_shared>> -> memref<16x128xf32, #tpu.memory_space<vmem_shared>>
      %dma_start3A_287 = arith.constant 0 : i32
      %dma_start3A_288 = arith.constant 0 : i32
      %dma_start3A_289 = tpu.memref_slice %arg12[%run_scoped3A_76, %dma_start3A_287, %dma_start3A_288] : memref<2x16x128xf32, #tpu.memory_space<vmem>> -> memref<1x16x128xf32, #tpu.memory_space<vmem>>
      %dma_start3A_290 = tpu.memref_squeeze %dma_start3A_289 : memref<1x16x128xf32, #tpu.memory_space<vmem>> -> memref<16x128xf32, #tpu.memory_space<vmem>>
      tpu.enqueue_dma source(%dma_start3A_290 : memref<16x128xf32, #tpu.memory_space<vmem>>) target(%dma_start3A_286 : memref<16x128xf32, #tpu.memory_space<vmem_shared>>) target_semaphore(%run_scoped3A_278 : memref<!tpu.dma_semaphore, #tpu.memory_space<semaphore_mem>>)
      %dma_wait3A = arith.constant 0 : i32
      %dma_wait3A_291 = arith.constant 0 : i32
      %dma_wait3A_292 = tpu.memref_slice %arg12[%run_scoped3A_76, %dma_wait3A, %dma_wait3A_291] : memref<2x16x128xf32, #tpu.memory_space<vmem>> -> memref<1x16x128xf32, #tpu.memory_space<vmem>>
      %dma_wait3A_293 = tpu.memref_squeeze %dma_wait3A_292 : memref<1x16x128xf32, #tpu.memory_space<vmem>> -> memref<16x128xf32, #tpu.memory_space<vmem>>
      %dma_wait3A_294 = arith.constant 0 : i32
      %dma_wait3A_295 = tpu.memref_slice %arg14[%add3A_75, %dma_wait3A_294] : memref<10240x128xf32, #tpu.memory_space<vmem_shared>> -> memref<16x128xf32, #tpu.memory_space<vmem_shared>>
      %dma_wait3A_296 = arith.constant 0 : i32
      %dma_wait3A_297 = tpu.memref_slice %arg14[%add3A_75, %dma_wait3A_296] : memref<10240x128xf32, #tpu.memory_space<vmem_shared>> -> memref<16x128xf32, #tpu.memory_space<vmem_shared>>
      %dma_wait3A_298 = arith.constant 0 : i32
      %dma_wait3A_299 = arith.constant 0 : i32
      %dma_wait3A_300 = tpu.memref_slice %arg12[%run_scoped3A_76, %dma_wait3A_298, %dma_wait3A_299] : memref<2x16x128xf32, #tpu.memory_space<vmem>> -> memref<1x16x128xf32, #tpu.memory_space<vmem>>
      %dma_wait3A_301 = tpu.memref_squeeze %dma_wait3A_300 : memref<1x16x128xf32, #tpu.memory_space<vmem>> -> memref<16x128xf32, #tpu.memory_space<vmem>>
      tpu.wait_dma2 semaphore(%run_scoped3A_278 : memref<!tpu.dma_semaphore, #tpu.memory_space<semaphore_mem>>) src(%dma_wait3A_301 : memref<16x128xf32, #tpu.memory_space<vmem>>) dst(%dma_wait3A_297 : memref<16x128xf32, #tpu.memory_space<vmem_shared>>)
      tpu.yield
    }) : () -> ()
    %mul3A_77 = arith.constant 640 : i32
    %mul3A_78 = arith.muli %arg1, %mul3A_77 : i32
    %add3A_79 = arith.constant 224 : i32
    %add3A_80 = arith.addi %mul3A_78, %add3A_79 : i32
    %run_scoped3A_81 = arith.constant 0 : i32
    "tpu.region"() ({
      %run_scoped3A_278 = tpu.sem_alloc : memref<!tpu.dma_semaphore, #tpu.memory_space<semaphore_mem>>
      %dma_start3A_279 = arith.constant 0 : i32
      %dma_start3A_280 = arith.constant 0 : i32
      %dma_start3A_281 = tpu.memref_slice %arg12[%run_scoped3A_81, %dma_start3A_279, %dma_start3A_280] : memref<2x16x128xf32, #tpu.memory_space<vmem>> -> memref<1x16x128xf32, #tpu.memory_space<vmem>>
      %dma_start3A_282 = tpu.memref_squeeze %dma_start3A_281 : memref<1x16x128xf32, #tpu.memory_space<vmem>> -> memref<16x128xf32, #tpu.memory_space<vmem>>
      %dma_start3A_283 = arith.constant 0 : i32
      %dma_start3A_284 = tpu.memref_slice %arg14[%add3A_80, %dma_start3A_283] : memref<10240x128xf32, #tpu.memory_space<vmem_shared>> -> memref<16x128xf32, #tpu.memory_space<vmem_shared>>
      %dma_start3A_285 = arith.constant 0 : i32
      %dma_start3A_286 = tpu.memref_slice %arg14[%add3A_80, %dma_start3A_285] : memref<10240x128xf32, #tpu.memory_space<vmem_shared>> -> memref<16x128xf32, #tpu.memory_space<vmem_shared>>
      %dma_start3A_287 = arith.constant 0 : i32
      %dma_start3A_288 = arith.constant 0 : i32
      %dma_start3A_289 = tpu.memref_slice %arg12[%run_scoped3A_81, %dma_start3A_287, %dma_start3A_288] : memref<2x16x128xf32, #tpu.memory_space<vmem>> -> memref<1x16x128xf32, #tpu.memory_space<vmem>>
      %dma_start3A_290 = tpu.memref_squeeze %dma_start3A_289 : memref<1x16x128xf32, #tpu.memory_space<vmem>> -> memref<16x128xf32, #tpu.memory_space<vmem>>
      tpu.enqueue_dma source(%dma_start3A_290 : memref<16x128xf32, #tpu.memory_space<vmem>>) target(%dma_start3A_286 : memref<16x128xf32, #tpu.memory_space<vmem_shared>>) target_semaphore(%run_scoped3A_278 : memref<!tpu.dma_semaphore, #tpu.memory_space<semaphore_mem>>)
      %dma_wait3A = arith.constant 0 : i32
      %dma_wait3A_291 = arith.constant 0 : i32
      %dma_wait3A_292 = tpu.memref_slice %arg12[%run_scoped3A_81, %dma_wait3A, %dma_wait3A_291] : memref<2x16x128xf32, #tpu.memory_space<vmem>> -> memref<1x16x128xf32, #tpu.memory_space<vmem>>
      %dma_wait3A_293 = tpu.memref_squeeze %dma_wait3A_292 : memref<1x16x128xf32, #tpu.memory_space<vmem>> -> memref<16x128xf32, #tpu.memory_space<vmem>>
      %dma_wait3A_294 = arith.constant 0 : i32
      %dma_wait3A_295 = tpu.memref_slice %arg14[%add3A_80, %dma_wait3A_294] : memref<10240x128xf32, #tpu.memory_space<vmem_shared>> -> memref<16x128xf32, #tpu.memory_space<vmem_shared>>
      %dma_wait3A_296 = arith.constant 0 : i32
      %dma_wait3A_297 = tpu.memref_slice %arg14[%add3A_80, %dma_wait3A_296] : memref<10240x128xf32, #tpu.memory_space<vmem_shared>> -> memref<16x128xf32, #tpu.memory_space<vmem_shared>>
      %dma_wait3A_298 = arith.constant 0 : i32
      %dma_wait3A_299 = arith.constant 0 : i32
      %dma_wait3A_300 = tpu.memref_slice %arg12[%run_scoped3A_81, %dma_wait3A_298, %dma_wait3A_299] : memref<2x16x128xf32, #tpu.memory_space<vmem>> -> memref<1x16x128xf32, #tpu.memory_space<vmem>>
      %dma_wait3A_301 = tpu.memref_squeeze %dma_wait3A_300 : memref<1x16x128xf32, #tpu.memory_space<vmem>> -> memref<16x128xf32, #tpu.memory_space<vmem>>
      tpu.wait_dma2 semaphore(%run_scoped3A_278 : memref<!tpu.dma_semaphore, #tpu.memory_space<semaphore_mem>>) src(%dma_wait3A_301 : memref<16x128xf32, #tpu.memory_space<vmem>>) dst(%dma_wait3A_297 : memref<16x128xf32, #tpu.memory_space<vmem_shared>>)
      tpu.yield
    }) : () -> ()
    %mul3A_82 = arith.constant 640 : i32
    %mul3A_83 = arith.muli %arg1, %mul3A_82 : i32
    %add3A_84 = arith.constant 240 : i32
    %add3A_85 = arith.addi %mul3A_83, %add3A_84 : i32
    %run_scoped3A_86 = arith.constant 0 : i32
    "tpu.region"() ({
      %run_scoped3A_278 = tpu.sem_alloc : memref<!tpu.dma_semaphore, #tpu.memory_space<semaphore_mem>>
      %dma_start3A_279 = arith.constant 0 : i32
      %dma_start3A_280 = arith.constant 0 : i32
      %dma_start3A_281 = tpu.memref_slice %arg12[%run_scoped3A_86, %dma_start3A_279, %dma_start3A_280] : memref<2x16x128xf32, #tpu.memory_space<vmem>> -> memref<1x16x128xf32, #tpu.memory_space<vmem>>
      %dma_start3A_282 = tpu.memref_squeeze %dma_start3A_281 : memref<1x16x128xf32, #tpu.memory_space<vmem>> -> memref<16x128xf32, #tpu.memory_space<vmem>>
      %dma_start3A_283 = arith.constant 0 : i32
      %dma_start3A_284 = tpu.memref_slice %arg14[%add3A_85, %dma_start3A_283] : memref<10240x128xf32, #tpu.memory_space<vmem_shared>> -> memref<16x128xf32, #tpu.memory_space<vmem_shared>>
      %dma_start3A_285 = arith.constant 0 : i32
      %dma_start3A_286 = tpu.memref_slice %arg14[%add3A_85, %dma_start3A_285] : memref<10240x128xf32, #tpu.memory_space<vmem_shared>> -> memref<16x128xf32, #tpu.memory_space<vmem_shared>>
      %dma_start3A_287 = arith.constant 0 : i32
      %dma_start3A_288 = arith.constant 0 : i32
      %dma_start3A_289 = tpu.memref_slice %arg12[%run_scoped3A_86, %dma_start3A_287, %dma_start3A_288] : memref<2x16x128xf32, #tpu.memory_space<vmem>> -> memref<1x16x128xf32, #tpu.memory_space<vmem>>
      %dma_start3A_290 = tpu.memref_squeeze %dma_start3A_289 : memref<1x16x128xf32, #tpu.memory_space<vmem>> -> memref<16x128xf32, #tpu.memory_space<vmem>>
      tpu.enqueue_dma source(%dma_start3A_290 : memref<16x128xf32, #tpu.memory_space<vmem>>) target(%dma_start3A_286 : memref<16x128xf32, #tpu.memory_space<vmem_shared>>) target_semaphore(%run_scoped3A_278 : memref<!tpu.dma_semaphore, #tpu.memory_space<semaphore_mem>>)
      %dma_wait3A = arith.constant 0 : i32
      %dma_wait3A_291 = arith.constant 0 : i32
      %dma_wait3A_292 = tpu.memref_slice %arg12[%run_scoped3A_86, %dma_wait3A, %dma_wait3A_291] : memref<2x16x128xf32, #tpu.memory_space<vmem>> -> memref<1x16x128xf32, #tpu.memory_space<vmem>>
      %dma_wait3A_293 = tpu.memref_squeeze %dma_wait3A_292 : memref<1x16x128xf32, #tpu.memory_space<vmem>> -> memref<16x128xf32, #tpu.memory_space<vmem>>
      %dma_wait3A_294 = arith.constant 0 : i32
      %dma_wait3A_295 = tpu.memref_slice %arg14[%add3A_85, %dma_wait3A_294] : memref<10240x128xf32, #tpu.memory_space<vmem_shared>> -> memref<16x128xf32, #tpu.memory_space<vmem_shared>>
      %dma_wait3A_296 = arith.constant 0 : i32
      %dma_wait3A_297 = tpu.memref_slice %arg14[%add3A_85, %dma_wait3A_296] : memref<10240x128xf32, #tpu.memory_space<vmem_shared>> -> memref<16x128xf32, #tpu.memory_space<vmem_shared>>
      %dma_wait3A_298 = arith.constant 0 : i32
      %dma_wait3A_299 = arith.constant 0 : i32
      %dma_wait3A_300 = tpu.memref_slice %arg12[%run_scoped3A_86, %dma_wait3A_298, %dma_wait3A_299] : memref<2x16x128xf32, #tpu.memory_space<vmem>> -> memref<1x16x128xf32, #tpu.memory_space<vmem>>
      %dma_wait3A_301 = tpu.memref_squeeze %dma_wait3A_300 : memref<1x16x128xf32, #tpu.memory_space<vmem>> -> memref<16x128xf32, #tpu.memory_space<vmem>>
      tpu.wait_dma2 semaphore(%run_scoped3A_278 : memref<!tpu.dma_semaphore, #tpu.memory_space<semaphore_mem>>) src(%dma_wait3A_301 : memref<16x128xf32, #tpu.memory_space<vmem>>) dst(%dma_wait3A_297 : memref<16x128xf32, #tpu.memory_space<vmem_shared>>)
      tpu.yield
    }) : () -> ()
    %mul3A_87 = arith.constant 640 : i32
    %mul3A_88 = arith.muli %arg1, %mul3A_87 : i32
    %add3A_89 = arith.constant 256 : i32
    %add3A_90 = arith.addi %mul3A_88, %add3A_89 : i32
    %run_scoped3A_91 = arith.constant 0 : i32
    "tpu.region"() ({
      %run_scoped3A_278 = tpu.sem_alloc : memref<!tpu.dma_semaphore, #tpu.memory_space<semaphore_mem>>
      %dma_start3A_279 = arith.constant 0 : i32
      %dma_start3A_280 = arith.constant 0 : i32
      %dma_start3A_281 = tpu.memref_slice %arg12[%run_scoped3A_91, %dma_start3A_279, %dma_start3A_280] : memref<2x16x128xf32, #tpu.memory_space<vmem>> -> memref<1x16x128xf32, #tpu.memory_space<vmem>>
      %dma_start3A_282 = tpu.memref_squeeze %dma_start3A_281 : memref<1x16x128xf32, #tpu.memory_space<vmem>> -> memref<16x128xf32, #tpu.memory_space<vmem>>
      %dma_start3A_283 = arith.constant 0 : i32
      %dma_start3A_284 = tpu.memref_slice %arg14[%add3A_90, %dma_start3A_283] : memref<10240x128xf32, #tpu.memory_space<vmem_shared>> -> memref<16x128xf32, #tpu.memory_space<vmem_shared>>
      %dma_start3A_285 = arith.constant 0 : i32
      %dma_start3A_286 = tpu.memref_slice %arg14[%add3A_90, %dma_start3A_285] : memref<10240x128xf32, #tpu.memory_space<vmem_shared>> -> memref<16x128xf32, #tpu.memory_space<vmem_shared>>
      %dma_start3A_287 = arith.constant 0 : i32
      %dma_start3A_288 = arith.constant 0 : i32
      %dma_start3A_289 = tpu.memref_slice %arg12[%run_scoped3A_91, %dma_start3A_287, %dma_start3A_288] : memref<2x16x128xf32, #tpu.memory_space<vmem>> -> memref<1x16x128xf32, #tpu.memory_space<vmem>>
      %dma_start3A_290 = tpu.memref_squeeze %dma_start3A_289 : memref<1x16x128xf32, #tpu.memory_space<vmem>> -> memref<16x128xf32, #tpu.memory_space<vmem>>
      tpu.enqueue_dma source(%dma_start3A_290 : memref<16x128xf32, #tpu.memory_space<vmem>>) target(%dma_start3A_286 : memref<16x128xf32, #tpu.memory_space<vmem_shared>>) target_semaphore(%run_scoped3A_278 : memref<!tpu.dma_semaphore, #tpu.memory_space<semaphore_mem>>)
      %dma_wait3A = arith.constant 0 : i32
      %dma_wait3A_291 = arith.constant 0 : i32
      %dma_wait3A_292 = tpu.memref_slice %arg12[%run_scoped3A_91, %dma_wait3A, %dma_wait3A_291] : memref<2x16x128xf32, #tpu.memory_space<vmem>> -> memref<1x16x128xf32, #tpu.memory_space<vmem>>
      %dma_wait3A_293 = tpu.memref_squeeze %dma_wait3A_292 : memref<1x16x128xf32, #tpu.memory_space<vmem>> -> memref<16x128xf32, #tpu.memory_space<vmem>>
      %dma_wait3A_294 = arith.constant 0 : i32
      %dma_wait3A_295 = tpu.memref_slice %arg14[%add3A_90, %dma_wait3A_294] : memref<10240x128xf32, #tpu.memory_space<vmem_shared>> -> memref<16x128xf32, #tpu.memory_space<vmem_shared>>
      %dma_wait3A_296 = arith.constant 0 : i32
      %dma_wait3A_297 = tpu.memref_slice %arg14[%add3A_90, %dma_wait3A_296] : memref<10240x128xf32, #tpu.memory_space<vmem_shared>> -> memref<16x128xf32, #tpu.memory_space<vmem_shared>>
      %dma_wait3A_298 = arith.constant 0 : i32
      %dma_wait3A_299 = arith.constant 0 : i32
      %dma_wait3A_300 = tpu.memref_slice %arg12[%run_scoped3A_91, %dma_wait3A_298, %dma_wait3A_299] : memref<2x16x128xf32, #tpu.memory_space<vmem>> -> memref<1x16x128xf32, #tpu.memory_space<vmem>>
      %dma_wait3A_301 = tpu.memref_squeeze %dma_wait3A_300 : memref<1x16x128xf32, #tpu.memory_space<vmem>> -> memref<16x128xf32, #tpu.memory_space<vmem>>
      tpu.wait_dma2 semaphore(%run_scoped3A_278 : memref<!tpu.dma_semaphore, #tpu.memory_space<semaphore_mem>>) src(%dma_wait3A_301 : memref<16x128xf32, #tpu.memory_space<vmem>>) dst(%dma_wait3A_297 : memref<16x128xf32, #tpu.memory_space<vmem_shared>>)
      tpu.yield
    }) : () -> ()
    %mul3A_92 = arith.constant 640 : i32
    %mul3A_93 = arith.muli %arg1, %mul3A_92 : i32
    %add3A_94 = arith.constant 272 : i32
    %add3A_95 = arith.addi %mul3A_93, %add3A_94 : i32
    %run_scoped3A_96 = arith.constant 0 : i32
    "tpu.region"() ({
      %run_scoped3A_278 = tpu.sem_alloc : memref<!tpu.dma_semaphore, #tpu.memory_space<semaphore_mem>>
      %dma_start3A_279 = arith.constant 0 : i32
      %dma_start3A_280 = arith.constant 0 : i32
      %dma_start3A_281 = tpu.memref_slice %arg12[%run_scoped3A_96, %dma_start3A_279, %dma_start3A_280] : memref<2x16x128xf32, #tpu.memory_space<vmem>> -> memref<1x16x128xf32, #tpu.memory_space<vmem>>
      %dma_start3A_282 = tpu.memref_squeeze %dma_start3A_281 : memref<1x16x128xf32, #tpu.memory_space<vmem>> -> memref<16x128xf32, #tpu.memory_space<vmem>>
      %dma_start3A_283 = arith.constant 0 : i32
      %dma_start3A_284 = tpu.memref_slice %arg14[%add3A_95, %dma_start3A_283] : memref<10240x128xf32, #tpu.memory_space<vmem_shared>> -> memref<16x128xf32, #tpu.memory_space<vmem_shared>>
      %dma_start3A_285 = arith.constant 0 : i32
      %dma_start3A_286 = tpu.memref_slice %arg14[%add3A_95, %dma_start3A_285] : memref<10240x128xf32, #tpu.memory_space<vmem_shared>> -> memref<16x128xf32, #tpu.memory_space<vmem_shared>>
      %dma_start3A_287 = arith.constant 0 : i32
      %dma_start3A_288 = arith.constant 0 : i32
      %dma_start3A_289 = tpu.memref_slice %arg12[%run_scoped3A_96, %dma_start3A_287, %dma_start3A_288] : memref<2x16x128xf32, #tpu.memory_space<vmem>> -> memref<1x16x128xf32, #tpu.memory_space<vmem>>
      %dma_start3A_290 = tpu.memref_squeeze %dma_start3A_289 : memref<1x16x128xf32, #tpu.memory_space<vmem>> -> memref<16x128xf32, #tpu.memory_space<vmem>>
      tpu.enqueue_dma source(%dma_start3A_290 : memref<16x128xf32, #tpu.memory_space<vmem>>) target(%dma_start3A_286 : memref<16x128xf32, #tpu.memory_space<vmem_shared>>) target_semaphore(%run_scoped3A_278 : memref<!tpu.dma_semaphore, #tpu.memory_space<semaphore_mem>>)
      %dma_wait3A = arith.constant 0 : i32
      %dma_wait3A_291 = arith.constant 0 : i32
      %dma_wait3A_292 = tpu.memref_slice %arg12[%run_scoped3A_96, %dma_wait3A, %dma_wait3A_291] : memref<2x16x128xf32, #tpu.memory_space<vmem>> -> memref<1x16x128xf32, #tpu.memory_space<vmem>>
      %dma_wait3A_293 = tpu.memref_squeeze %dma_wait3A_292 : memref<1x16x128xf32, #tpu.memory_space<vmem>> -> memref<16x128xf32, #tpu.memory_space<vmem>>
      %dma_wait3A_294 = arith.constant 0 : i32
      %dma_wait3A_295 = tpu.memref_slice %arg14[%add3A_95, %dma_wait3A_294] : memref<10240x128xf32, #tpu.memory_space<vmem_shared>> -> memref<16x128xf32, #tpu.memory_space<vmem_shared>>
      %dma_wait3A_296 = arith.constant 0 : i32
      %dma_wait3A_297 = tpu.memref_slice %arg14[%add3A_95, %dma_wait3A_296] : memref<10240x128xf32, #tpu.memory_space<vmem_shared>> -> memref<16x128xf32, #tpu.memory_space<vmem_shared>>
      %dma_wait3A_298 = arith.constant 0 : i32
      %dma_wait3A_299 = arith.constant 0 : i32
      %dma_wait3A_300 = tpu.memref_slice %arg12[%run_scoped3A_96, %dma_wait3A_298, %dma_wait3A_299] : memref<2x16x128xf32, #tpu.memory_space<vmem>> -> memref<1x16x128xf32, #tpu.memory_space<vmem>>
      %dma_wait3A_301 = tpu.memref_squeeze %dma_wait3A_300 : memref<1x16x128xf32, #tpu.memory_space<vmem>> -> memref<16x128xf32, #tpu.memory_space<vmem>>
      tpu.wait_dma2 semaphore(%run_scoped3A_278 : memref<!tpu.dma_semaphore, #tpu.memory_space<semaphore_mem>>) src(%dma_wait3A_301 : memref<16x128xf32, #tpu.memory_space<vmem>>) dst(%dma_wait3A_297 : memref<16x128xf32, #tpu.memory_space<vmem_shared>>)
      tpu.yield
    }) : () -> ()
    %mul3A_97 = arith.constant 640 : i32
    %mul3A_98 = arith.muli %arg1, %mul3A_97 : i32
    %add3A_99 = arith.constant 288 : i32
    %add3A_100 = arith.addi %mul3A_98, %add3A_99 : i32
    %run_scoped3A_101 = arith.constant 0 : i32
    "tpu.region"() ({
      %run_scoped3A_278 = tpu.sem_alloc : memref<!tpu.dma_semaphore, #tpu.memory_space<semaphore_mem>>
      %dma_start3A_279 = arith.constant 0 : i32
      %dma_start3A_280 = arith.constant 0 : i32
      %dma_start3A_281 = tpu.memref_slice %arg12[%run_scoped3A_101, %dma_start3A_279, %dma_start3A_280] : memref<2x16x128xf32, #tpu.memory_space<vmem>> -> memref<1x16x128xf32, #tpu.memory_space<vmem>>
      %dma_start3A_282 = tpu.memref_squeeze %dma_start3A_281 : memref<1x16x128xf32, #tpu.memory_space<vmem>> -> memref<16x128xf32, #tpu.memory_space<vmem>>
      %dma_start3A_283 = arith.constant 0 : i32
      %dma_start3A_284 = tpu.memref_slice %arg14[%add3A_100, %dma_start3A_283] : memref<10240x128xf32, #tpu.memory_space<vmem_shared>> -> memref<16x128xf32, #tpu.memory_space<vmem_shared>>
      %dma_start3A_285 = arith.constant 0 : i32
      %dma_start3A_286 = tpu.memref_slice %arg14[%add3A_100, %dma_start3A_285] : memref<10240x128xf32, #tpu.memory_space<vmem_shared>> -> memref<16x128xf32, #tpu.memory_space<vmem_shared>>
      %dma_start3A_287 = arith.constant 0 : i32
      %dma_start3A_288 = arith.constant 0 : i32
      %dma_start3A_289 = tpu.memref_slice %arg12[%run_scoped3A_101, %dma_start3A_287, %dma_start3A_288] : memref<2x16x128xf32, #tpu.memory_space<vmem>> -> memref<1x16x128xf32, #tpu.memory_space<vmem>>
      %dma_start3A_290 = tpu.memref_squeeze %dma_start3A_289 : memref<1x16x128xf32, #tpu.memory_space<vmem>> -> memref<16x128xf32, #tpu.memory_space<vmem>>
      tpu.enqueue_dma source(%dma_start3A_290 : memref<16x128xf32, #tpu.memory_space<vmem>>) target(%dma_start3A_286 : memref<16x128xf32, #tpu.memory_space<vmem_shared>>) target_semaphore(%run_scoped3A_278 : memref<!tpu.dma_semaphore, #tpu.memory_space<semaphore_mem>>)
      %dma_wait3A = arith.constant 0 : i32
      %dma_wait3A_291 = arith.constant 0 : i32
      %dma_wait3A_292 = tpu.memref_slice %arg12[%run_scoped3A_101, %dma_wait3A, %dma_wait3A_291] : memref<2x16x128xf32, #tpu.memory_space<vmem>> -> memref<1x16x128xf32, #tpu.memory_space<vmem>>
      %dma_wait3A_293 = tpu.memref_squeeze %dma_wait3A_292 : memref<1x16x128xf32, #tpu.memory_space<vmem>> -> memref<16x128xf32, #tpu.memory_space<vmem>>
      %dma_wait3A_294 = arith.constant 0 : i32
      %dma_wait3A_295 = tpu.memref_slice %arg14[%add3A_100, %dma_wait3A_294] : memref<10240x128xf32, #tpu.memory_space<vmem_shared>> -> memref<16x128xf32, #tpu.memory_space<vmem_shared>>
      %dma_wait3A_296 = arith.constant 0 : i32
      %dma_wait3A_297 = tpu.memref_slice %arg14[%add3A_100, %dma_wait3A_296] : memref<10240x128xf32, #tpu.memory_space<vmem_shared>> -> memref<16x128xf32, #tpu.memory_space<vmem_shared>>
      %dma_wait3A_298 = arith.constant 0 : i32
      %dma_wait3A_299 = arith.constant 0 : i32
      %dma_wait3A_300 = tpu.memref_slice %arg12[%run_scoped3A_101, %dma_wait3A_298, %dma_wait3A_299] : memref<2x16x128xf32, #tpu.memory_space<vmem>> -> memref<1x16x128xf32, #tpu.memory_space<vmem>>
      %dma_wait3A_301 = tpu.memref_squeeze %dma_wait3A_300 : memref<1x16x128xf32, #tpu.memory_space<vmem>> -> memref<16x128xf32, #tpu.memory_space<vmem>>
      tpu.wait_dma2 semaphore(%run_scoped3A_278 : memref<!tpu.dma_semaphore, #tpu.memory_space<semaphore_mem>>) src(%dma_wait3A_301 : memref<16x128xf32, #tpu.memory_space<vmem>>) dst(%dma_wait3A_297 : memref<16x128xf32, #tpu.memory_space<vmem_shared>>)
      tpu.yield
    }) : () -> ()
    %mul3A_102 = arith.constant 640 : i32
    %mul3A_103 = arith.muli %arg1, %mul3A_102 : i32
    %add3A_104 = arith.constant 304 : i32
    %add3A_105 = arith.addi %mul3A_103, %add3A_104 : i32
    %run_scoped3A_106 = arith.constant 0 : i32
    "tpu.region"() ({
      %run_scoped3A_278 = tpu.sem_alloc : memref<!tpu.dma_semaphore, #tpu.memory_space<semaphore_mem>>
      %dma_start3A_279 = arith.constant 0 : i32
      %dma_start3A_280 = arith.constant 0 : i32
      %dma_start3A_281 = tpu.memref_slice %arg12[%run_scoped3A_106, %dma_start3A_279, %dma_start3A_280] : memref<2x16x128xf32, #tpu.memory_space<vmem>> -> memref<1x16x128xf32, #tpu.memory_space<vmem>>
      %dma_start3A_282 = tpu.memref_squeeze %dma_start3A_281 : memref<1x16x128xf32, #tpu.memory_space<vmem>> -> memref<16x128xf32, #tpu.memory_space<vmem>>
      %dma_start3A_283 = arith.constant 0 : i32
      %dma_start3A_284 = tpu.memref_slice %arg14[%add3A_105, %dma_start3A_283] : memref<10240x128xf32, #tpu.memory_space<vmem_shared>> -> memref<16x128xf32, #tpu.memory_space<vmem_shared>>
      %dma_start3A_285 = arith.constant 0 : i32
      %dma_start3A_286 = tpu.memref_slice %arg14[%add3A_105, %dma_start3A_285] : memref<10240x128xf32, #tpu.memory_space<vmem_shared>> -> memref<16x128xf32, #tpu.memory_space<vmem_shared>>
      %dma_start3A_287 = arith.constant 0 : i32
      %dma_start3A_288 = arith.constant 0 : i32
      %dma_start3A_289 = tpu.memref_slice %arg12[%run_scoped3A_106, %dma_start3A_287, %dma_start3A_288] : memref<2x16x128xf32, #tpu.memory_space<vmem>> -> memref<1x16x128xf32, #tpu.memory_space<vmem>>
      %dma_start3A_290 = tpu.memref_squeeze %dma_start3A_289 : memref<1x16x128xf32, #tpu.memory_space<vmem>> -> memref<16x128xf32, #tpu.memory_space<vmem>>
      tpu.enqueue_dma source(%dma_start3A_290 : memref<16x128xf32, #tpu.memory_space<vmem>>) target(%dma_start3A_286 : memref<16x128xf32, #tpu.memory_space<vmem_shared>>) target_semaphore(%run_scoped3A_278 : memref<!tpu.dma_semaphore, #tpu.memory_space<semaphore_mem>>)
      %dma_wait3A = arith.constant 0 : i32
      %dma_wait3A_291 = arith.constant 0 : i32
      %dma_wait3A_292 = tpu.memref_slice %arg12[%run_scoped3A_106, %dma_wait3A, %dma_wait3A_291] : memref<2x16x128xf32, #tpu.memory_space<vmem>> -> memref<1x16x128xf32, #tpu.memory_space<vmem>>
      %dma_wait3A_293 = tpu.memref_squeeze %dma_wait3A_292 : memref<1x16x128xf32, #tpu.memory_space<vmem>> -> memref<16x128xf32, #tpu.memory_space<vmem>>
      %dma_wait3A_294 = arith.constant 0 : i32
      %dma_wait3A_295 = tpu.memref_slice %arg14[%add3A_105, %dma_wait3A_294] : memref<10240x128xf32, #tpu.memory_space<vmem_shared>> -> memref<16x128xf32, #tpu.memory_space<vmem_shared>>
      %dma_wait3A_296 = arith.constant 0 : i32
      %dma_wait3A_297 = tpu.memref_slice %arg14[%add3A_105, %dma_wait3A_296] : memref<10240x128xf32, #tpu.memory_space<vmem_shared>> -> memref<16x128xf32, #tpu.memory_space<vmem_shared>>
      %dma_wait3A_298 = arith.constant 0 : i32
      %dma_wait3A_299 = arith.constant 0 : i32
      %dma_wait3A_300 = tpu.memref_slice %arg12[%run_scoped3A_106, %dma_wait3A_298, %dma_wait3A_299] : memref<2x16x128xf32, #tpu.memory_space<vmem>> -> memref<1x16x128xf32, #tpu.memory_space<vmem>>
      %dma_wait3A_301 = tpu.memref_squeeze %dma_wait3A_300 : memref<1x16x128xf32, #tpu.memory_space<vmem>> -> memref<16x128xf32, #tpu.memory_space<vmem>>
      tpu.wait_dma2 semaphore(%run_scoped3A_278 : memref<!tpu.dma_semaphore, #tpu.memory_space<semaphore_mem>>) src(%dma_wait3A_301 : memref<16x128xf32, #tpu.memory_space<vmem>>) dst(%dma_wait3A_297 : memref<16x128xf32, #tpu.memory_space<vmem_shared>>)
      tpu.yield
    }) : () -> ()
    %mul3A_107 = arith.constant 640 : i32
    %mul3A_108 = arith.muli %arg1, %mul3A_107 : i32
    %add3A_109 = arith.constant 320 : i32
    %add3A_110 = arith.addi %mul3A_108, %add3A_109 : i32
    %run_scoped3A_111 = arith.constant 0 : i32
    "tpu.region"() ({
      %run_scoped3A_278 = tpu.sem_alloc : memref<!tpu.dma_semaphore, #tpu.memory_space<semaphore_mem>>
      %dma_start3A_279 = arith.constant 0 : i32
      %dma_start3A_280 = arith.constant 0 : i32
      %dma_start3A_281 = tpu.memref_slice %arg12[%run_scoped3A_111, %dma_start3A_279, %dma_start3A_280] : memref<2x16x128xf32, #tpu.memory_space<vmem>> -> memref<1x16x128xf32, #tpu.memory_space<vmem>>
      %dma_start3A_282 = tpu.memref_squeeze %dma_start3A_281 : memref<1x16x128xf32, #tpu.memory_space<vmem>> -> memref<16x128xf32, #tpu.memory_space<vmem>>
      %dma_start3A_283 = arith.constant 0 : i32
      %dma_start3A_284 = tpu.memref_slice %arg14[%add3A_110, %dma_start3A_283] : memref<10240x128xf32, #tpu.memory_space<vmem_shared>> -> memref<16x128xf32, #tpu.memory_space<vmem_shared>>
      %dma_start3A_285 = arith.constant 0 : i32
      %dma_start3A_286 = tpu.memref_slice %arg14[%add3A_110, %dma_start3A_285] : memref<10240x128xf32, #tpu.memory_space<vmem_shared>> -> memref<16x128xf32, #tpu.memory_space<vmem_shared>>
      %dma_start3A_287 = arith.constant 0 : i32
      %dma_start3A_288 = arith.constant 0 : i32
      %dma_start3A_289 = tpu.memref_slice %arg12[%run_scoped3A_111, %dma_start3A_287, %dma_start3A_288] : memref<2x16x128xf32, #tpu.memory_space<vmem>> -> memref<1x16x128xf32, #tpu.memory_space<vmem>>
      %dma_start3A_290 = tpu.memref_squeeze %dma_start3A_289 : memref<1x16x128xf32, #tpu.memory_space<vmem>> -> memref<16x128xf32, #tpu.memory_space<vmem>>
      tpu.enqueue_dma source(%dma_start3A_290 : memref<16x128xf32, #tpu.memory_space<vmem>>) target(%dma_start3A_286 : memref<16x128xf32, #tpu.memory_space<vmem_shared>>) target_semaphore(%run_scoped3A_278 : memref<!tpu.dma_semaphore, #tpu.memory_space<semaphore_mem>>)
      %dma_wait3A = arith.constant 0 : i32
      %dma_wait3A_291 = arith.constant 0 : i32
      %dma_wait3A_292 = tpu.memref_slice %arg12[%run_scoped3A_111, %dma_wait3A, %dma_wait3A_291] : memref<2x16x128xf32, #tpu.memory_space<vmem>> -> memref<1x16x128xf32, #tpu.memory_space<vmem>>
      %dma_wait3A_293 = tpu.memref_squeeze %dma_wait3A_292 : memref<1x16x128xf32, #tpu.memory_space<vmem>> -> memref<16x128xf32, #tpu.memory_space<vmem>>
      %dma_wait3A_294 = arith.constant 0 : i32
      %dma_wait3A_295 = tpu.memref_slice %arg14[%add3A_110, %dma_wait3A_294] : memref<10240x128xf32, #tpu.memory_space<vmem_shared>> -> memref<16x128xf32, #tpu.memory_space<vmem_shared>>
      %dma_wait3A_296 = arith.constant 0 : i32
      %dma_wait3A_297 = tpu.memref_slice %arg14[%add3A_110, %dma_wait3A_296] : memref<10240x128xf32, #tpu.memory_space<vmem_shared>> -> memref<16x128xf32, #tpu.memory_space<vmem_shared>>
      %dma_wait3A_298 = arith.constant 0 : i32
      %dma_wait3A_299 = arith.constant 0 : i32
      %dma_wait3A_300 = tpu.memref_slice %arg12[%run_scoped3A_111, %dma_wait3A_298, %dma_wait3A_299] : memref<2x16x128xf32, #tpu.memory_space<vmem>> -> memref<1x16x128xf32, #tpu.memory_space<vmem>>
      %dma_wait3A_301 = tpu.memref_squeeze %dma_wait3A_300 : memref<1x16x128xf32, #tpu.memory_space<vmem>> -> memref<16x128xf32, #tpu.memory_space<vmem>>
      tpu.wait_dma2 semaphore(%run_scoped3A_278 : memref<!tpu.dma_semaphore, #tpu.memory_space<semaphore_mem>>) src(%dma_wait3A_301 : memref<16x128xf32, #tpu.memory_space<vmem>>) dst(%dma_wait3A_297 : memref<16x128xf32, #tpu.memory_space<vmem_shared>>)
      tpu.yield
    }) : () -> ()
    %mul3A_112 = arith.constant 640 : i32
    %mul3A_113 = arith.muli %arg1, %mul3A_112 : i32
    %add3A_114 = arith.constant 336 : i32
    %add3A_115 = arith.addi %mul3A_113, %add3A_114 : i32
    %run_scoped3A_116 = arith.constant 0 : i32
    "tpu.region"() ({
      %run_scoped3A_278 = tpu.sem_alloc : memref<!tpu.dma_semaphore, #tpu.memory_space<semaphore_mem>>
      %dma_start3A_279 = arith.constant 0 : i32
      %dma_start3A_280 = arith.constant 0 : i32
      %dma_start3A_281 = tpu.memref_slice %arg12[%run_scoped3A_116, %dma_start3A_279, %dma_start3A_280] : memref<2x16x128xf32, #tpu.memory_space<vmem>> -> memref<1x16x128xf32, #tpu.memory_space<vmem>>
      %dma_start3A_282 = tpu.memref_squeeze %dma_start3A_281 : memref<1x16x128xf32, #tpu.memory_space<vmem>> -> memref<16x128xf32, #tpu.memory_space<vmem>>
      %dma_start3A_283 = arith.constant 0 : i32
      %dma_start3A_284 = tpu.memref_slice %arg14[%add3A_115, %dma_start3A_283] : memref<10240x128xf32, #tpu.memory_space<vmem_shared>> -> memref<16x128xf32, #tpu.memory_space<vmem_shared>>
      %dma_start3A_285 = arith.constant 0 : i32
      %dma_start3A_286 = tpu.memref_slice %arg14[%add3A_115, %dma_start3A_285] : memref<10240x128xf32, #tpu.memory_space<vmem_shared>> -> memref<16x128xf32, #tpu.memory_space<vmem_shared>>
      %dma_start3A_287 = arith.constant 0 : i32
      %dma_start3A_288 = arith.constant 0 : i32
      %dma_start3A_289 = tpu.memref_slice %arg12[%run_scoped3A_116, %dma_start3A_287, %dma_start3A_288] : memref<2x16x128xf32, #tpu.memory_space<vmem>> -> memref<1x16x128xf32, #tpu.memory_space<vmem>>
      %dma_start3A_290 = tpu.memref_squeeze %dma_start3A_289 : memref<1x16x128xf32, #tpu.memory_space<vmem>> -> memref<16x128xf32, #tpu.memory_space<vmem>>
      tpu.enqueue_dma source(%dma_start3A_290 : memref<16x128xf32, #tpu.memory_space<vmem>>) target(%dma_start3A_286 : memref<16x128xf32, #tpu.memory_space<vmem_shared>>) target_semaphore(%run_scoped3A_278 : memref<!tpu.dma_semaphore, #tpu.memory_space<semaphore_mem>>)
      %dma_wait3A = arith.constant 0 : i32
      %dma_wait3A_291 = arith.constant 0 : i32
      %dma_wait3A_292 = tpu.memref_slice %arg12[%run_scoped3A_116, %dma_wait3A, %dma_wait3A_291] : memref<2x16x128xf32, #tpu.memory_space<vmem>> -> memref<1x16x128xf32, #tpu.memory_space<vmem>>
      %dma_wait3A_293 = tpu.memref_squeeze %dma_wait3A_292 : memref<1x16x128xf32, #tpu.memory_space<vmem>> -> memref<16x128xf32, #tpu.memory_space<vmem>>
      %dma_wait3A_294 = arith.constant 0 : i32
      %dma_wait3A_295 = tpu.memref_slice %arg14[%add3A_115, %dma_wait3A_294] : memref<10240x128xf32, #tpu.memory_space<vmem_shared>> -> memref<16x128xf32, #tpu.memory_space<vmem_shared>>
      %dma_wait3A_296 = arith.constant 0 : i32
      %dma_wait3A_297 = tpu.memref_slice %arg14[%add3A_115, %dma_wait3A_296] : memref<10240x128xf32, #tpu.memory_space<vmem_shared>> -> memref<16x128xf32, #tpu.memory_space<vmem_shared>>
      %dma_wait3A_298 = arith.constant 0 : i32
      %dma_wait3A_299 = arith.constant 0 : i32
      %dma_wait3A_300 = tpu.memref_slice %arg12[%run_scoped3A_116, %dma_wait3A_298, %dma_wait3A_299] : memref<2x16x128xf32, #tpu.memory_space<vmem>> -> memref<1x16x128xf32, #tpu.memory_space<vmem>>
      %dma_wait3A_301 = tpu.memref_squeeze %dma_wait3A_300 : memref<1x16x128xf32, #tpu.memory_space<vmem>> -> memref<16x128xf32, #tpu.memory_space<vmem>>
      tpu.wait_dma2 semaphore(%run_scoped3A_278 : memref<!tpu.dma_semaphore, #tpu.memory_space<semaphore_mem>>) src(%dma_wait3A_301 : memref<16x128xf32, #tpu.memory_space<vmem>>) dst(%dma_wait3A_297 : memref<16x128xf32, #tpu.memory_space<vmem_shared>>)
      tpu.yield
    }) : () -> ()
    %mul3A_117 = arith.constant 640 : i32
    %mul3A_118 = arith.muli %arg1, %mul3A_117 : i32
    %add3A_119 = arith.constant 352 : i32
    %add3A_120 = arith.addi %mul3A_118, %add3A_119 : i32
    %run_scoped3A_121 = arith.constant 0 : i32
    "tpu.region"() ({
      %run_scoped3A_278 = tpu.sem_alloc : memref<!tpu.dma_semaphore, #tpu.memory_space<semaphore_mem>>
      %dma_start3A_279 = arith.constant 0 : i32
      %dma_start3A_280 = arith.constant 0 : i32
      %dma_start3A_281 = tpu.memref_slice %arg12[%run_scoped3A_121, %dma_start3A_279, %dma_start3A_280] : memref<2x16x128xf32, #tpu.memory_space<vmem>> -> memref<1x16x128xf32, #tpu.memory_space<vmem>>
      %dma_start3A_282 = tpu.memref_squeeze %dma_start3A_281 : memref<1x16x128xf32, #tpu.memory_space<vmem>> -> memref<16x128xf32, #tpu.memory_space<vmem>>
      %dma_start3A_283 = arith.constant 0 : i32
      %dma_start3A_284 = tpu.memref_slice %arg14[%add3A_120, %dma_start3A_283] : memref<10240x128xf32, #tpu.memory_space<vmem_shared>> -> memref<16x128xf32, #tpu.memory_space<vmem_shared>>
      %dma_start3A_285 = arith.constant 0 : i32
      %dma_start3A_286 = tpu.memref_slice %arg14[%add3A_120, %dma_start3A_285] : memref<10240x128xf32, #tpu.memory_space<vmem_shared>> -> memref<16x128xf32, #tpu.memory_space<vmem_shared>>
      %dma_start3A_287 = arith.constant 0 : i32
      %dma_start3A_288 = arith.constant 0 : i32
      %dma_start3A_289 = tpu.memref_slice %arg12[%run_scoped3A_121, %dma_start3A_287, %dma_start3A_288] : memref<2x16x128xf32, #tpu.memory_space<vmem>> -> memref<1x16x128xf32, #tpu.memory_space<vmem>>
      %dma_start3A_290 = tpu.memref_squeeze %dma_start3A_289 : memref<1x16x128xf32, #tpu.memory_space<vmem>> -> memref<16x128xf32, #tpu.memory_space<vmem>>
      tpu.enqueue_dma source(%dma_start3A_290 : memref<16x128xf32, #tpu.memory_space<vmem>>) target(%dma_start3A_286 : memref<16x128xf32, #tpu.memory_space<vmem_shared>>) target_semaphore(%run_scoped3A_278 : memref<!tpu.dma_semaphore, #tpu.memory_space<semaphore_mem>>)
      %dma_wait3A = arith.constant 0 : i32
      %dma_wait3A_291 = arith.constant 0 : i32
      %dma_wait3A_292 = tpu.memref_slice %arg12[%run_scoped3A_121, %dma_wait3A, %dma_wait3A_291] : memref<2x16x128xf32, #tpu.memory_space<vmem>> -> memref<1x16x128xf32, #tpu.memory_space<vmem>>
      %dma_wait3A_293 = tpu.memref_squeeze %dma_wait3A_292 : memref<1x16x128xf32, #tpu.memory_space<vmem>> -> memref<16x128xf32, #tpu.memory_space<vmem>>
      %dma_wait3A_294 = arith.constant 0 : i32
      %dma_wait3A_295 = tpu.memref_slice %arg14[%add3A_120, %dma_wait3A_294] : memref<10240x128xf32, #tpu.memory_space<vmem_shared>> -> memref<16x128xf32, #tpu.memory_space<vmem_shared>>
      %dma_wait3A_296 = arith.constant 0 : i32
      %dma_wait3A_297 = tpu.memref_slice %arg14[%add3A_120, %dma_wait3A_296] : memref<10240x128xf32, #tpu.memory_space<vmem_shared>> -> memref<16x128xf32, #tpu.memory_space<vmem_shared>>
      %dma_wait3A_298 = arith.constant 0 : i32
      %dma_wait3A_299 = arith.constant 0 : i32
      %dma_wait3A_300 = tpu.memref_slice %arg12[%run_scoped3A_121, %dma_wait3A_298, %dma_wait3A_299] : memref<2x16x128xf32, #tpu.memory_space<vmem>> -> memref<1x16x128xf32, #tpu.memory_space<vmem>>
      %dma_wait3A_301 = tpu.memref_squeeze %dma_wait3A_300 : memref<1x16x128xf32, #tpu.memory_space<vmem>> -> memref<16x128xf32, #tpu.memory_space<vmem>>
      tpu.wait_dma2 semaphore(%run_scoped3A_278 : memref<!tpu.dma_semaphore, #tpu.memory_space<semaphore_mem>>) src(%dma_wait3A_301 : memref<16x128xf32, #tpu.memory_space<vmem>>) dst(%dma_wait3A_297 : memref<16x128xf32, #tpu.memory_space<vmem_shared>>)
      tpu.yield
    }) : () -> ()
    %mul3A_122 = arith.constant 640 : i32
    %mul3A_123 = arith.muli %arg1, %mul3A_122 : i32
    %add3A_124 = arith.constant 368 : i32
    %add3A_125 = arith.addi %mul3A_123, %add3A_124 : i32
    %run_scoped3A_126 = arith.constant 0 : i32
    "tpu.region"() ({
      %run_scoped3A_278 = tpu.sem_alloc : memref<!tpu.dma_semaphore, #tpu.memory_space<semaphore_mem>>
      %dma_start3A_279 = arith.constant 0 : i32
      %dma_start3A_280 = arith.constant 0 : i32
      %dma_start3A_281 = tpu.memref_slice %arg12[%run_scoped3A_126, %dma_start3A_279, %dma_start3A_280] : memref<2x16x128xf32, #tpu.memory_space<vmem>> -> memref<1x16x128xf32, #tpu.memory_space<vmem>>
      %dma_start3A_282 = tpu.memref_squeeze %dma_start3A_281 : memref<1x16x128xf32, #tpu.memory_space<vmem>> -> memref<16x128xf32, #tpu.memory_space<vmem>>
      %dma_start3A_283 = arith.constant 0 : i32
      %dma_start3A_284 = tpu.memref_slice %arg14[%add3A_125, %dma_start3A_283] : memref<10240x128xf32, #tpu.memory_space<vmem_shared>> -> memref<16x128xf32, #tpu.memory_space<vmem_shared>>
      %dma_start3A_285 = arith.constant 0 : i32
      %dma_start3A_286 = tpu.memref_slice %arg14[%add3A_125, %dma_start3A_285] : memref<10240x128xf32, #tpu.memory_space<vmem_shared>> -> memref<16x128xf32, #tpu.memory_space<vmem_shared>>
      %dma_start3A_287 = arith.constant 0 : i32
      %dma_start3A_288 = arith.constant 0 : i32
      %dma_start3A_289 = tpu.memref_slice %arg12[%run_scoped3A_126, %dma_start3A_287, %dma_start3A_288] : memref<2x16x128xf32, #tpu.memory_space<vmem>> -> memref<1x16x128xf32, #tpu.memory_space<vmem>>
      %dma_start3A_290 = tpu.memref_squeeze %dma_start3A_289 : memref<1x16x128xf32, #tpu.memory_space<vmem>> -> memref<16x128xf32, #tpu.memory_space<vmem>>
      tpu.enqueue_dma source(%dma_start3A_290 : memref<16x128xf32, #tpu.memory_space<vmem>>) target(%dma_start3A_286 : memref<16x128xf32, #tpu.memory_space<vmem_shared>>) target_semaphore(%run_scoped3A_278 : memref<!tpu.dma_semaphore, #tpu.memory_space<semaphore_mem>>)
      %dma_wait3A = arith.constant 0 : i32
      %dma_wait3A_291 = arith.constant 0 : i32
      %dma_wait3A_292 = tpu.memref_slice %arg12[%run_scoped3A_126, %dma_wait3A, %dma_wait3A_291] : memref<2x16x128xf32, #tpu.memory_space<vmem>> -> memref<1x16x128xf32, #tpu.memory_space<vmem>>
      %dma_wait3A_293 = tpu.memref_squeeze %dma_wait3A_292 : memref<1x16x128xf32, #tpu.memory_space<vmem>> -> memref<16x128xf32, #tpu.memory_space<vmem>>
      %dma_wait3A_294 = arith.constant 0 : i32
      %dma_wait3A_295 = tpu.memref_slice %arg14[%add3A_125, %dma_wait3A_294] : memref<10240x128xf32, #tpu.memory_space<vmem_shared>> -> memref<16x128xf32, #tpu.memory_space<vmem_shared>>
      %dma_wait3A_296 = arith.constant 0 : i32
      %dma_wait3A_297 = tpu.memref_slice %arg14[%add3A_125, %dma_wait3A_296] : memref<10240x128xf32, #tpu.memory_space<vmem_shared>> -> memref<16x128xf32, #tpu.memory_space<vmem_shared>>
      %dma_wait3A_298 = arith.constant 0 : i32
      %dma_wait3A_299 = arith.constant 0 : i32
      %dma_wait3A_300 = tpu.memref_slice %arg12[%run_scoped3A_126, %dma_wait3A_298, %dma_wait3A_299] : memref<2x16x128xf32, #tpu.memory_space<vmem>> -> memref<1x16x128xf32, #tpu.memory_space<vmem>>
      %dma_wait3A_301 = tpu.memref_squeeze %dma_wait3A_300 : memref<1x16x128xf32, #tpu.memory_space<vmem>> -> memref<16x128xf32, #tpu.memory_space<vmem>>
      tpu.wait_dma2 semaphore(%run_scoped3A_278 : memref<!tpu.dma_semaphore, #tpu.memory_space<semaphore_mem>>) src(%dma_wait3A_301 : memref<16x128xf32, #tpu.memory_space<vmem>>) dst(%dma_wait3A_297 : memref<16x128xf32, #tpu.memory_space<vmem_shared>>)
      tpu.yield
    }) : () -> ()
    %mul3A_127 = arith.constant 640 : i32
    %mul3A_128 = arith.muli %arg1, %mul3A_127 : i32
    %add3A_129 = arith.constant 384 : i32
    %add3A_130 = arith.addi %mul3A_128, %add3A_129 : i32
    %run_scoped3A_131 = arith.constant 0 : i32
    "tpu.region"() ({
      %run_scoped3A_278 = tpu.sem_alloc : memref<!tpu.dma_semaphore, #tpu.memory_space<semaphore_mem>>
      %dma_start3A_279 = arith.constant 0 : i32
      %dma_start3A_280 = arith.constant 0 : i32
      %dma_start3A_281 = tpu.memref_slice %arg12[%run_scoped3A_131, %dma_start3A_279, %dma_start3A_280] : memref<2x16x128xf32, #tpu.memory_space<vmem>> -> memref<1x16x128xf32, #tpu.memory_space<vmem>>
      %dma_start3A_282 = tpu.memref_squeeze %dma_start3A_281 : memref<1x16x128xf32, #tpu.memory_space<vmem>> -> memref<16x128xf32, #tpu.memory_space<vmem>>
      %dma_start3A_283 = arith.constant 0 : i32
      %dma_start3A_284 = tpu.memref_slice %arg14[%add3A_130, %dma_start3A_283] : memref<10240x128xf32, #tpu.memory_space<vmem_shared>> -> memref<16x128xf32, #tpu.memory_space<vmem_shared>>
      %dma_start3A_285 = arith.constant 0 : i32
      %dma_start3A_286 = tpu.memref_slice %arg14[%add3A_130, %dma_start3A_285] : memref<10240x128xf32, #tpu.memory_space<vmem_shared>> -> memref<16x128xf32, #tpu.memory_space<vmem_shared>>
      %dma_start3A_287 = arith.constant 0 : i32
      %dma_start3A_288 = arith.constant 0 : i32
      %dma_start3A_289 = tpu.memref_slice %arg12[%run_scoped3A_131, %dma_start3A_287, %dma_start3A_288] : memref<2x16x128xf32, #tpu.memory_space<vmem>> -> memref<1x16x128xf32, #tpu.memory_space<vmem>>
      %dma_start3A_290 = tpu.memref_squeeze %dma_start3A_289 : memref<1x16x128xf32, #tpu.memory_space<vmem>> -> memref<16x128xf32, #tpu.memory_space<vmem>>
      tpu.enqueue_dma source(%dma_start3A_290 : memref<16x128xf32, #tpu.memory_space<vmem>>) target(%dma_start3A_286 : memref<16x128xf32, #tpu.memory_space<vmem_shared>>) target_semaphore(%run_scoped3A_278 : memref<!tpu.dma_semaphore, #tpu.memory_space<semaphore_mem>>)
      %dma_wait3A = arith.constant 0 : i32
      %dma_wait3A_291 = arith.constant 0 : i32
      %dma_wait3A_292 = tpu.memref_slice %arg12[%run_scoped3A_131, %dma_wait3A, %dma_wait3A_291] : memref<2x16x128xf32, #tpu.memory_space<vmem>> -> memref<1x16x128xf32, #tpu.memory_space<vmem>>
      %dma_wait3A_293 = tpu.memref_squeeze %dma_wait3A_292 : memref<1x16x128xf32, #tpu.memory_space<vmem>> -> memref<16x128xf32, #tpu.memory_space<vmem>>
      %dma_wait3A_294 = arith.constant 0 : i32
      %dma_wait3A_295 = tpu.memref_slice %arg14[%add3A_130, %dma_wait3A_294] : memref<10240x128xf32, #tpu.memory_space<vmem_shared>> -> memref<16x128xf32, #tpu.memory_space<vmem_shared>>
      %dma_wait3A_296 = arith.constant 0 : i32
      %dma_wait3A_297 = tpu.memref_slice %arg14[%add3A_130, %dma_wait3A_296] : memref<10240x128xf32, #tpu.memory_space<vmem_shared>> -> memref<16x128xf32, #tpu.memory_space<vmem_shared>>
      %dma_wait3A_298 = arith.constant 0 : i32
      %dma_wait3A_299 = arith.constant 0 : i32
      %dma_wait3A_300 = tpu.memref_slice %arg12[%run_scoped3A_131, %dma_wait3A_298, %dma_wait3A_299] : memref<2x16x128xf32, #tpu.memory_space<vmem>> -> memref<1x16x128xf32, #tpu.memory_space<vmem>>
      %dma_wait3A_301 = tpu.memref_squeeze %dma_wait3A_300 : memref<1x16x128xf32, #tpu.memory_space<vmem>> -> memref<16x128xf32, #tpu.memory_space<vmem>>
      tpu.wait_dma2 semaphore(%run_scoped3A_278 : memref<!tpu.dma_semaphore, #tpu.memory_space<semaphore_mem>>) src(%dma_wait3A_301 : memref<16x128xf32, #tpu.memory_space<vmem>>) dst(%dma_wait3A_297 : memref<16x128xf32, #tpu.memory_space<vmem_shared>>)
      tpu.yield
    }) : () -> ()
    %mul3A_132 = arith.constant 640 : i32
    %mul3A_133 = arith.muli %arg1, %mul3A_132 : i32
    %add3A_134 = arith.constant 400 : i32
    %add3A_135 = arith.addi %mul3A_133, %add3A_134 : i32
    %run_scoped3A_136 = arith.constant 0 : i32
    "tpu.region"() ({
      %run_scoped3A_278 = tpu.sem_alloc : memref<!tpu.dma_semaphore, #tpu.memory_space<semaphore_mem>>
      %dma_start3A_279 = arith.constant 0 : i32
      %dma_start3A_280 = arith.constant 0 : i32
      %dma_start3A_281 = tpu.memref_slice %arg12[%run_scoped3A_136, %dma_start3A_279, %dma_start3A_280] : memref<2x16x128xf32, #tpu.memory_space<vmem>> -> memref<1x16x128xf32, #tpu.memory_space<vmem>>
      %dma_start3A_282 = tpu.memref_squeeze %dma_start3A_281 : memref<1x16x128xf32, #tpu.memory_space<vmem>> -> memref<16x128xf32, #tpu.memory_space<vmem>>
      %dma_start3A_283 = arith.constant 0 : i32
      %dma_start3A_284 = tpu.memref_slice %arg14[%add3A_135, %dma_start3A_283] : memref<10240x128xf32, #tpu.memory_space<vmem_shared>> -> memref<16x128xf32, #tpu.memory_space<vmem_shared>>
      %dma_start3A_285 = arith.constant 0 : i32
      %dma_start3A_286 = tpu.memref_slice %arg14[%add3A_135, %dma_start3A_285] : memref<10240x128xf32, #tpu.memory_space<vmem_shared>> -> memref<16x128xf32, #tpu.memory_space<vmem_shared>>
      %dma_start3A_287 = arith.constant 0 : i32
      %dma_start3A_288 = arith.constant 0 : i32
      %dma_start3A_289 = tpu.memref_slice %arg12[%run_scoped3A_136, %dma_start3A_287, %dma_start3A_288] : memref<2x16x128xf32, #tpu.memory_space<vmem>> -> memref<1x16x128xf32, #tpu.memory_space<vmem>>
      %dma_start3A_290 = tpu.memref_squeeze %dma_start3A_289 : memref<1x16x128xf32, #tpu.memory_space<vmem>> -> memref<16x128xf32, #tpu.memory_space<vmem>>
      tpu.enqueue_dma source(%dma_start3A_290 : memref<16x128xf32, #tpu.memory_space<vmem>>) target(%dma_start3A_286 : memref<16x128xf32, #tpu.memory_space<vmem_shared>>) target_semaphore(%run_scoped3A_278 : memref<!tpu.dma_semaphore, #tpu.memory_space<semaphore_mem>>)
      %dma_wait3A = arith.constant 0 : i32
      %dma_wait3A_291 = arith.constant 0 : i32
      %dma_wait3A_292 = tpu.memref_slice %arg12[%run_scoped3A_136, %dma_wait3A, %dma_wait3A_291] : memref<2x16x128xf32, #tpu.memory_space<vmem>> -> memref<1x16x128xf32, #tpu.memory_space<vmem>>
      %dma_wait3A_293 = tpu.memref_squeeze %dma_wait3A_292 : memref<1x16x128xf32, #tpu.memory_space<vmem>> -> memref<16x128xf32, #tpu.memory_space<vmem>>
      %dma_wait3A_294 = arith.constant 0 : i32
      %dma_wait3A_295 = tpu.memref_slice %arg14[%add3A_135, %dma_wait3A_294] : memref<10240x128xf32, #tpu.memory_space<vmem_shared>> -> memref<16x128xf32, #tpu.memory_space<vmem_shared>>
      %dma_wait3A_296 = arith.constant 0 : i32
      %dma_wait3A_297 = tpu.memref_slice %arg14[%add3A_135, %dma_wait3A_296] : memref<10240x128xf32, #tpu.memory_space<vmem_shared>> -> memref<16x128xf32, #tpu.memory_space<vmem_shared>>
      %dma_wait3A_298 = arith.constant 0 : i32
      %dma_wait3A_299 = arith.constant 0 : i32
      %dma_wait3A_300 = tpu.memref_slice %arg12[%run_scoped3A_136, %dma_wait3A_298, %dma_wait3A_299] : memref<2x16x128xf32, #tpu.memory_space<vmem>> -> memref<1x16x128xf32, #tpu.memory_space<vmem>>
      %dma_wait3A_301 = tpu.memref_squeeze %dma_wait3A_300 : memref<1x16x128xf32, #tpu.memory_space<vmem>> -> memref<16x128xf32, #tpu.memory_space<vmem>>
      tpu.wait_dma2 semaphore(%run_scoped3A_278 : memref<!tpu.dma_semaphore, #tpu.memory_space<semaphore_mem>>) src(%dma_wait3A_301 : memref<16x128xf32, #tpu.memory_space<vmem>>) dst(%dma_wait3A_297 : memref<16x128xf32, #tpu.memory_space<vmem_shared>>)
      tpu.yield
    }) : () -> ()
    %mul3A_137 = arith.constant 640 : i32
    %mul3A_138 = arith.muli %arg1, %mul3A_137 : i32
    %add3A_139 = arith.constant 416 : i32
    %add3A_140 = arith.addi %mul3A_138, %add3A_139 : i32
    %run_scoped3A_141 = arith.constant 0 : i32
    "tpu.region"() ({
      %run_scoped3A_278 = tpu.sem_alloc : memref<!tpu.dma_semaphore, #tpu.memory_space<semaphore_mem>>
      %dma_start3A_279 = arith.constant 0 : i32
      %dma_start3A_280 = arith.constant 0 : i32
      %dma_start3A_281 = tpu.memref_slice %arg12[%run_scoped3A_141, %dma_start3A_279, %dma_start3A_280] : memref<2x16x128xf32, #tpu.memory_space<vmem>> -> memref<1x16x128xf32, #tpu.memory_space<vmem>>
      %dma_start3A_282 = tpu.memref_squeeze %dma_start3A_281 : memref<1x16x128xf32, #tpu.memory_space<vmem>> -> memref<16x128xf32, #tpu.memory_space<vmem>>
      %dma_start3A_283 = arith.constant 0 : i32
      %dma_start3A_284 = tpu.memref_slice %arg14[%add3A_140, %dma_start3A_283] : memref<10240x128xf32, #tpu.memory_space<vmem_shared>> -> memref<16x128xf32, #tpu.memory_space<vmem_shared>>
      %dma_start3A_285 = arith.constant 0 : i32
      %dma_start3A_286 = tpu.memref_slice %arg14[%add3A_140, %dma_start3A_285] : memref<10240x128xf32, #tpu.memory_space<vmem_shared>> -> memref<16x128xf32, #tpu.memory_space<vmem_shared>>
      %dma_start3A_287 = arith.constant 0 : i32
      %dma_start3A_288 = arith.constant 0 : i32
      %dma_start3A_289 = tpu.memref_slice %arg12[%run_scoped3A_141, %dma_start3A_287, %dma_start3A_288] : memref<2x16x128xf32, #tpu.memory_space<vmem>> -> memref<1x16x128xf32, #tpu.memory_space<vmem>>
      %dma_start3A_290 = tpu.memref_squeeze %dma_start3A_289 : memref<1x16x128xf32, #tpu.memory_space<vmem>> -> memref<16x128xf32, #tpu.memory_space<vmem>>
      tpu.enqueue_dma source(%dma_start3A_290 : memref<16x128xf32, #tpu.memory_space<vmem>>) target(%dma_start3A_286 : memref<16x128xf32, #tpu.memory_space<vmem_shared>>) target_semaphore(%run_scoped3A_278 : memref<!tpu.dma_semaphore, #tpu.memory_space<semaphore_mem>>)
      %dma_wait3A = arith.constant 0 : i32
      %dma_wait3A_291 = arith.constant 0 : i32
      %dma_wait3A_292 = tpu.memref_slice %arg12[%run_scoped3A_141, %dma_wait3A, %dma_wait3A_291] : memref<2x16x128xf32, #tpu.memory_space<vmem>> -> memref<1x16x128xf32, #tpu.memory_space<vmem>>
      %dma_wait3A_293 = tpu.memref_squeeze %dma_wait3A_292 : memref<1x16x128xf32, #tpu.memory_space<vmem>> -> memref<16x128xf32, #tpu.memory_space<vmem>>
      %dma_wait3A_294 = arith.constant 0 : i32
      %dma_wait3A_295 = tpu.memref_slice %arg14[%add3A_140, %dma_wait3A_294] : memref<10240x128xf32, #tpu.memory_space<vmem_shared>> -> memref<16x128xf32, #tpu.memory_space<vmem_shared>>
      %dma_wait3A_296 = arith.constant 0 : i32
      %dma_wait3A_297 = tpu.memref_slice %arg14[%add3A_140, %dma_wait3A_296] : memref<10240x128xf32, #tpu.memory_space<vmem_shared>> -> memref<16x128xf32, #tpu.memory_space<vmem_shared>>
      %dma_wait3A_298 = arith.constant 0 : i32
      %dma_wait3A_299 = arith.constant 0 : i32
      %dma_wait3A_300 = tpu.memref_slice %arg12[%run_scoped3A_141, %dma_wait3A_298, %dma_wait3A_299] : memref<2x16x128xf32, #tpu.memory_space<vmem>> -> memref<1x16x128xf32, #tpu.memory_space<vmem>>
      %dma_wait3A_301 = tpu.memref_squeeze %dma_wait3A_300 : memref<1x16x128xf32, #tpu.memory_space<vmem>> -> memref<16x128xf32, #tpu.memory_space<vmem>>
      tpu.wait_dma2 semaphore(%run_scoped3A_278 : memref<!tpu.dma_semaphore, #tpu.memory_space<semaphore_mem>>) src(%dma_wait3A_301 : memref<16x128xf32, #tpu.memory_space<vmem>>) dst(%dma_wait3A_297 : memref<16x128xf32, #tpu.memory_space<vmem_shared>>)
      tpu.yield
    }) : () -> ()
    %mul3A_142 = arith.constant 640 : i32
    %mul3A_143 = arith.muli %arg1, %mul3A_142 : i32
    %add3A_144 = arith.constant 432 : i32
    %add3A_145 = arith.addi %mul3A_143, %add3A_144 : i32
    %run_scoped3A_146 = arith.constant 0 : i32
    "tpu.region"() ({
      %run_scoped3A_278 = tpu.sem_alloc : memref<!tpu.dma_semaphore, #tpu.memory_space<semaphore_mem>>
      %dma_start3A_279 = arith.constant 0 : i32
      %dma_start3A_280 = arith.constant 0 : i32
      %dma_start3A_281 = tpu.memref_slice %arg12[%run_scoped3A_146, %dma_start3A_279, %dma_start3A_280] : memref<2x16x128xf32, #tpu.memory_space<vmem>> -> memref<1x16x128xf32, #tpu.memory_space<vmem>>
      %dma_start3A_282 = tpu.memref_squeeze %dma_start3A_281 : memref<1x16x128xf32, #tpu.memory_space<vmem>> -> memref<16x128xf32, #tpu.memory_space<vmem>>
      %dma_start3A_283 = arith.constant 0 : i32
      %dma_start3A_284 = tpu.memref_slice %arg14[%add3A_145, %dma_start3A_283] : memref<10240x128xf32, #tpu.memory_space<vmem_shared>> -> memref<16x128xf32, #tpu.memory_space<vmem_shared>>
      %dma_start3A_285 = arith.constant 0 : i32
      %dma_start3A_286 = tpu.memref_slice %arg14[%add3A_145, %dma_start3A_285] : memref<10240x128xf32, #tpu.memory_space<vmem_shared>> -> memref<16x128xf32, #tpu.memory_space<vmem_shared>>
      %dma_start3A_287 = arith.constant 0 : i32
      %dma_start3A_288 = arith.constant 0 : i32
      %dma_start3A_289 = tpu.memref_slice %arg12[%run_scoped3A_146, %dma_start3A_287, %dma_start3A_288] : memref<2x16x128xf32, #tpu.memory_space<vmem>> -> memref<1x16x128xf32, #tpu.memory_space<vmem>>
      %dma_start3A_290 = tpu.memref_squeeze %dma_start3A_289 : memref<1x16x128xf32, #tpu.memory_space<vmem>> -> memref<16x128xf32, #tpu.memory_space<vmem>>
      tpu.enqueue_dma source(%dma_start3A_290 : memref<16x128xf32, #tpu.memory_space<vmem>>) target(%dma_start3A_286 : memref<16x128xf32, #tpu.memory_space<vmem_shared>>) target_semaphore(%run_scoped3A_278 : memref<!tpu.dma_semaphore, #tpu.memory_space<semaphore_mem>>)
      %dma_wait3A = arith.constant 0 : i32
      %dma_wait3A_291 = arith.constant 0 : i32
      %dma_wait3A_292 = tpu.memref_slice %arg12[%run_scoped3A_146, %dma_wait3A, %dma_wait3A_291] : memref<2x16x128xf32, #tpu.memory_space<vmem>> -> memref<1x16x128xf32, #tpu.memory_space<vmem>>
      %dma_wait3A_293 = tpu.memref_squeeze %dma_wait3A_292 : memref<1x16x128xf32, #tpu.memory_space<vmem>> -> memref<16x128xf32, #tpu.memory_space<vmem>>
      %dma_wait3A_294 = arith.constant 0 : i32
      %dma_wait3A_295 = tpu.memref_slice %arg14[%add3A_145, %dma_wait3A_294] : memref<10240x128xf32, #tpu.memory_space<vmem_shared>> -> memref<16x128xf32, #tpu.memory_space<vmem_shared>>
      %dma_wait3A_296 = arith.constant 0 : i32
      %dma_wait3A_297 = tpu.memref_slice %arg14[%add3A_145, %dma_wait3A_296] : memref<10240x128xf32, #tpu.memory_space<vmem_shared>> -> memref<16x128xf32, #tpu.memory_space<vmem_shared>>
      %dma_wait3A_298 = arith.constant 0 : i32
      %dma_wait3A_299 = arith.constant 0 : i32
      %dma_wait3A_300 = tpu.memref_slice %arg12[%run_scoped3A_146, %dma_wait3A_298, %dma_wait3A_299] : memref<2x16x128xf32, #tpu.memory_space<vmem>> -> memref<1x16x128xf32, #tpu.memory_space<vmem>>
      %dma_wait3A_301 = tpu.memref_squeeze %dma_wait3A_300 : memref<1x16x128xf32, #tpu.memory_space<vmem>> -> memref<16x128xf32, #tpu.memory_space<vmem>>
      tpu.wait_dma2 semaphore(%run_scoped3A_278 : memref<!tpu.dma_semaphore, #tpu.memory_space<semaphore_mem>>) src(%dma_wait3A_301 : memref<16x128xf32, #tpu.memory_space<vmem>>) dst(%dma_wait3A_297 : memref<16x128xf32, #tpu.memory_space<vmem_shared>>)
      tpu.yield
    }) : () -> ()
    %mul3A_147 = arith.constant 640 : i32
    %mul3A_148 = arith.muli %arg1, %mul3A_147 : i32
    %add3A_149 = arith.constant 448 : i32
    %add3A_150 = arith.addi %mul3A_148, %add3A_149 : i32
    %run_scoped3A_151 = arith.constant 0 : i32
    "tpu.region"() ({
      %run_scoped3A_278 = tpu.sem_alloc : memref<!tpu.dma_semaphore, #tpu.memory_space<semaphore_mem>>
      %dma_start3A_279 = arith.constant 0 : i32
      %dma_start3A_280 = arith.constant 0 : i32
      %dma_start3A_281 = tpu.memref_slice %arg12[%run_scoped3A_151, %dma_start3A_279, %dma_start3A_280] : memref<2x16x128xf32, #tpu.memory_space<vmem>> -> memref<1x16x128xf32, #tpu.memory_space<vmem>>
      %dma_start3A_282 = tpu.memref_squeeze %dma_start3A_281 : memref<1x16x128xf32, #tpu.memory_space<vmem>> -> memref<16x128xf32, #tpu.memory_space<vmem>>
      %dma_start3A_283 = arith.constant 0 : i32
      %dma_start3A_284 = tpu.memref_slice %arg14[%add3A_150, %dma_start3A_283] : memref<10240x128xf32, #tpu.memory_space<vmem_shared>> -> memref<16x128xf32, #tpu.memory_space<vmem_shared>>
      %dma_start3A_285 = arith.constant 0 : i32
      %dma_start3A_286 = tpu.memref_slice %arg14[%add3A_150, %dma_start3A_285] : memref<10240x128xf32, #tpu.memory_space<vmem_shared>> -> memref<16x128xf32, #tpu.memory_space<vmem_shared>>
      %dma_start3A_287 = arith.constant 0 : i32
      %dma_start3A_288 = arith.constant 0 : i32
      %dma_start3A_289 = tpu.memref_slice %arg12[%run_scoped3A_151, %dma_start3A_287, %dma_start3A_288] : memref<2x16x128xf32, #tpu.memory_space<vmem>> -> memref<1x16x128xf32, #tpu.memory_space<vmem>>
      %dma_start3A_290 = tpu.memref_squeeze %dma_start3A_289 : memref<1x16x128xf32, #tpu.memory_space<vmem>> -> memref<16x128xf32, #tpu.memory_space<vmem>>
      tpu.enqueue_dma source(%dma_start3A_290 : memref<16x128xf32, #tpu.memory_space<vmem>>) target(%dma_start3A_286 : memref<16x128xf32, #tpu.memory_space<vmem_shared>>) target_semaphore(%run_scoped3A_278 : memref<!tpu.dma_semaphore, #tpu.memory_space<semaphore_mem>>)
      %dma_wait3A = arith.constant 0 : i32
      %dma_wait3A_291 = arith.constant 0 : i32
      %dma_wait3A_292 = tpu.memref_slice %arg12[%run_scoped3A_151, %dma_wait3A, %dma_wait3A_291] : memref<2x16x128xf32, #tpu.memory_space<vmem>> -> memref<1x16x128xf32, #tpu.memory_space<vmem>>
      %dma_wait3A_293 = tpu.memref_squeeze %dma_wait3A_292 : memref<1x16x128xf32, #tpu.memory_space<vmem>> -> memref<16x128xf32, #tpu.memory_space<vmem>>
      %dma_wait3A_294 = arith.constant 0 : i32
      %dma_wait3A_295 = tpu.memref_slice %arg14[%add3A_150, %dma_wait3A_294] : memref<10240x128xf32, #tpu.memory_space<vmem_shared>> -> memref<16x128xf32, #tpu.memory_space<vmem_shared>>
      %dma_wait3A_296 = arith.constant 0 : i32
      %dma_wait3A_297 = tpu.memref_slice %arg14[%add3A_150, %dma_wait3A_296] : memref<10240x128xf32, #tpu.memory_space<vmem_shared>> -> memref<16x128xf32, #tpu.memory_space<vmem_shared>>
      %dma_wait3A_298 = arith.constant 0 : i32
      %dma_wait3A_299 = arith.constant 0 : i32
      %dma_wait3A_300 = tpu.memref_slice %arg12[%run_scoped3A_151, %dma_wait3A_298, %dma_wait3A_299] : memref<2x16x128xf32, #tpu.memory_space<vmem>> -> memref<1x16x128xf32, #tpu.memory_space<vmem>>
      %dma_wait3A_301 = tpu.memref_squeeze %dma_wait3A_300 : memref<1x16x128xf32, #tpu.memory_space<vmem>> -> memref<16x128xf32, #tpu.memory_space<vmem>>
      tpu.wait_dma2 semaphore(%run_scoped3A_278 : memref<!tpu.dma_semaphore, #tpu.memory_space<semaphore_mem>>) src(%dma_wait3A_301 : memref<16x128xf32, #tpu.memory_space<vmem>>) dst(%dma_wait3A_297 : memref<16x128xf32, #tpu.memory_space<vmem_shared>>)
      tpu.yield
    }) : () -> ()
    %mul3A_152 = arith.constant 640 : i32
    %mul3A_153 = arith.muli %arg1, %mul3A_152 : i32
    %add3A_154 = arith.constant 464 : i32
    %add3A_155 = arith.addi %mul3A_153, %add3A_154 : i32
    %run_scoped3A_156 = arith.constant 0 : i32
    "tpu.region"() ({
      %run_scoped3A_278 = tpu.sem_alloc : memref<!tpu.dma_semaphore, #tpu.memory_space<semaphore_mem>>
      %dma_start3A_279 = arith.constant 0 : i32
      %dma_start3A_280 = arith.constant 0 : i32
      %dma_start3A_281 = tpu.memref_slice %arg12[%run_scoped3A_156, %dma_start3A_279, %dma_start3A_280] : memref<2x16x128xf32, #tpu.memory_space<vmem>> -> memref<1x16x128xf32, #tpu.memory_space<vmem>>
      %dma_start3A_282 = tpu.memref_squeeze %dma_start3A_281 : memref<1x16x128xf32, #tpu.memory_space<vmem>> -> memref<16x128xf32, #tpu.memory_space<vmem>>
      %dma_start3A_283 = arith.constant 0 : i32
      %dma_start3A_284 = tpu.memref_slice %arg14[%add3A_155, %dma_start3A_283] : memref<10240x128xf32, #tpu.memory_space<vmem_shared>> -> memref<16x128xf32, #tpu.memory_space<vmem_shared>>
      %dma_start3A_285 = arith.constant 0 : i32
      %dma_start3A_286 = tpu.memref_slice %arg14[%add3A_155, %dma_start3A_285] : memref<10240x128xf32, #tpu.memory_space<vmem_shared>> -> memref<16x128xf32, #tpu.memory_space<vmem_shared>>
      %dma_start3A_287 = arith.constant 0 : i32
      %dma_start3A_288 = arith.constant 0 : i32
      %dma_start3A_289 = tpu.memref_slice %arg12[%run_scoped3A_156, %dma_start3A_287, %dma_start3A_288] : memref<2x16x128xf32, #tpu.memory_space<vmem>> -> memref<1x16x128xf32, #tpu.memory_space<vmem>>
      %dma_start3A_290 = tpu.memref_squeeze %dma_start3A_289 : memref<1x16x128xf32, #tpu.memory_space<vmem>> -> memref<16x128xf32, #tpu.memory_space<vmem>>
      tpu.enqueue_dma source(%dma_start3A_290 : memref<16x128xf32, #tpu.memory_space<vmem>>) target(%dma_start3A_286 : memref<16x128xf32, #tpu.memory_space<vmem_shared>>) target_semaphore(%run_scoped3A_278 : memref<!tpu.dma_semaphore, #tpu.memory_space<semaphore_mem>>)
      %dma_wait3A = arith.constant 0 : i32
      %dma_wait3A_291 = arith.constant 0 : i32
      %dma_wait3A_292 = tpu.memref_slice %arg12[%run_scoped3A_156, %dma_wait3A, %dma_wait3A_291] : memref<2x16x128xf32, #tpu.memory_space<vmem>> -> memref<1x16x128xf32, #tpu.memory_space<vmem>>
      %dma_wait3A_293 = tpu.memref_squeeze %dma_wait3A_292 : memref<1x16x128xf32, #tpu.memory_space<vmem>> -> memref<16x128xf32, #tpu.memory_space<vmem>>
      %dma_wait3A_294 = arith.constant 0 : i32
      %dma_wait3A_295 = tpu.memref_slice %arg14[%add3A_155, %dma_wait3A_294] : memref<10240x128xf32, #tpu.memory_space<vmem_shared>> -> memref<16x128xf32, #tpu.memory_space<vmem_shared>>
      %dma_wait3A_296 = arith.constant 0 : i32
      %dma_wait3A_297 = tpu.memref_slice %arg14[%add3A_155, %dma_wait3A_296] : memref<10240x128xf32, #tpu.memory_space<vmem_shared>> -> memref<16x128xf32, #tpu.memory_space<vmem_shared>>
      %dma_wait3A_298 = arith.constant 0 : i32
      %dma_wait3A_299 = arith.constant 0 : i32
      %dma_wait3A_300 = tpu.memref_slice %arg12[%run_scoped3A_156, %dma_wait3A_298, %dma_wait3A_299] : memref<2x16x128xf32, #tpu.memory_space<vmem>> -> memref<1x16x128xf32, #tpu.memory_space<vmem>>
      %dma_wait3A_301 = tpu.memref_squeeze %dma_wait3A_300 : memref<1x16x128xf32, #tpu.memory_space<vmem>> -> memref<16x128xf32, #tpu.memory_space<vmem>>
      tpu.wait_dma2 semaphore(%run_scoped3A_278 : memref<!tpu.dma_semaphore, #tpu.memory_space<semaphore_mem>>) src(%dma_wait3A_301 : memref<16x128xf32, #tpu.memory_space<vmem>>) dst(%dma_wait3A_297 : memref<16x128xf32, #tpu.memory_space<vmem_shared>>)
      tpu.yield
    }) : () -> ()
    %mul3A_157 = arith.constant 640 : i32
    %mul3A_158 = arith.muli %arg1, %mul3A_157 : i32
    %add3A_159 = arith.constant 480 : i32
    %add3A_160 = arith.addi %mul3A_158, %add3A_159 : i32
    %run_scoped3A_161 = arith.constant 0 : i32
    "tpu.region"() ({
      %run_scoped3A_278 = tpu.sem_alloc : memref<!tpu.dma_semaphore, #tpu.memory_space<semaphore_mem>>
      %dma_start3A_279 = arith.constant 0 : i32
      %dma_start3A_280 = arith.constant 0 : i32
      %dma_start3A_281 = tpu.memref_slice %arg12[%run_scoped3A_161, %dma_start3A_279, %dma_start3A_280] : memref<2x16x128xf32, #tpu.memory_space<vmem>> -> memref<1x16x128xf32, #tpu.memory_space<vmem>>
      %dma_start3A_282 = tpu.memref_squeeze %dma_start3A_281 : memref<1x16x128xf32, #tpu.memory_space<vmem>> -> memref<16x128xf32, #tpu.memory_space<vmem>>
      %dma_start3A_283 = arith.constant 0 : i32
      %dma_start3A_284 = tpu.memref_slice %arg14[%add3A_160, %dma_start3A_283] : memref<10240x128xf32, #tpu.memory_space<vmem_shared>> -> memref<16x128xf32, #tpu.memory_space<vmem_shared>>
      %dma_start3A_285 = arith.constant 0 : i32
      %dma_start3A_286 = tpu.memref_slice %arg14[%add3A_160, %dma_start3A_285] : memref<10240x128xf32, #tpu.memory_space<vmem_shared>> -> memref<16x128xf32, #tpu.memory_space<vmem_shared>>
      %dma_start3A_287 = arith.constant 0 : i32
      %dma_start3A_288 = arith.constant 0 : i32
      %dma_start3A_289 = tpu.memref_slice %arg12[%run_scoped3A_161, %dma_start3A_287, %dma_start3A_288] : memref<2x16x128xf32, #tpu.memory_space<vmem>> -> memref<1x16x128xf32, #tpu.memory_space<vmem>>
      %dma_start3A_290 = tpu.memref_squeeze %dma_start3A_289 : memref<1x16x128xf32, #tpu.memory_space<vmem>> -> memref<16x128xf32, #tpu.memory_space<vmem>>
      tpu.enqueue_dma source(%dma_start3A_290 : memref<16x128xf32, #tpu.memory_space<vmem>>) target(%dma_start3A_286 : memref<16x128xf32, #tpu.memory_space<vmem_shared>>) target_semaphore(%run_scoped3A_278 : memref<!tpu.dma_semaphore, #tpu.memory_space<semaphore_mem>>)
      %dma_wait3A = arith.constant 0 : i32
      %dma_wait3A_291 = arith.constant 0 : i32
      %dma_wait3A_292 = tpu.memref_slice %arg12[%run_scoped3A_161, %dma_wait3A, %dma_wait3A_291] : memref<2x16x128xf32, #tpu.memory_space<vmem>> -> memref<1x16x128xf32, #tpu.memory_space<vmem>>
      %dma_wait3A_293 = tpu.memref_squeeze %dma_wait3A_292 : memref<1x16x128xf32, #tpu.memory_space<vmem>> -> memref<16x128xf32, #tpu.memory_space<vmem>>
      %dma_wait3A_294 = arith.constant 0 : i32
      %dma_wait3A_295 = tpu.memref_slice %arg14[%add3A_160, %dma_wait3A_294] : memref<10240x128xf32, #tpu.memory_space<vmem_shared>> -> memref<16x128xf32, #tpu.memory_space<vmem_shared>>
      %dma_wait3A_296 = arith.constant 0 : i32
      %dma_wait3A_297 = tpu.memref_slice %arg14[%add3A_160, %dma_wait3A_296] : memref<10240x128xf32, #tpu.memory_space<vmem_shared>> -> memref<16x128xf32, #tpu.memory_space<vmem_shared>>
      %dma_wait3A_298 = arith.constant 0 : i32
      %dma_wait3A_299 = arith.constant 0 : i32
      %dma_wait3A_300 = tpu.memref_slice %arg12[%run_scoped3A_161, %dma_wait3A_298, %dma_wait3A_299] : memref<2x16x128xf32, #tpu.memory_space<vmem>> -> memref<1x16x128xf32, #tpu.memory_space<vmem>>
      %dma_wait3A_301 = tpu.memref_squeeze %dma_wait3A_300 : memref<1x16x128xf32, #tpu.memory_space<vmem>> -> memref<16x128xf32, #tpu.memory_space<vmem>>
      tpu.wait_dma2 semaphore(%run_scoped3A_278 : memref<!tpu.dma_semaphore, #tpu.memory_space<semaphore_mem>>) src(%dma_wait3A_301 : memref<16x128xf32, #tpu.memory_space<vmem>>) dst(%dma_wait3A_297 : memref<16x128xf32, #tpu.memory_space<vmem_shared>>)
      tpu.yield
    }) : () -> ()
    %mul3A_162 = arith.constant 640 : i32
    %mul3A_163 = arith.muli %arg1, %mul3A_162 : i32
    %add3A_164 = arith.constant 496 : i32
    %add3A_165 = arith.addi %mul3A_163, %add3A_164 : i32
    %run_scoped3A_166 = arith.constant 0 : i32
    "tpu.region"() ({
      %run_scoped3A_278 = tpu.sem_alloc : memref<!tpu.dma_semaphore, #tpu.memory_space<semaphore_mem>>
      %dma_start3A_279 = arith.constant 0 : i32
      %dma_start3A_280 = arith.constant 0 : i32
      %dma_start3A_281 = tpu.memref_slice %arg12[%run_scoped3A_166, %dma_start3A_279, %dma_start3A_280] : memref<2x16x128xf32, #tpu.memory_space<vmem>> -> memref<1x16x128xf32, #tpu.memory_space<vmem>>
      %dma_start3A_282 = tpu.memref_squeeze %dma_start3A_281 : memref<1x16x128xf32, #tpu.memory_space<vmem>> -> memref<16x128xf32, #tpu.memory_space<vmem>>
      %dma_start3A_283 = arith.constant 0 : i32
      %dma_start3A_284 = tpu.memref_slice %arg14[%add3A_165, %dma_start3A_283] : memref<10240x128xf32, #tpu.memory_space<vmem_shared>> -> memref<16x128xf32, #tpu.memory_space<vmem_shared>>
      %dma_start3A_285 = arith.constant 0 : i32
      %dma_start3A_286 = tpu.memref_slice %arg14[%add3A_165, %dma_start3A_285] : memref<10240x128xf32, #tpu.memory_space<vmem_shared>> -> memref<16x128xf32, #tpu.memory_space<vmem_shared>>
      %dma_start3A_287 = arith.constant 0 : i32
      %dma_start3A_288 = arith.constant 0 : i32
      %dma_start3A_289 = tpu.memref_slice %arg12[%run_scoped3A_166, %dma_start3A_287, %dma_start3A_288] : memref<2x16x128xf32, #tpu.memory_space<vmem>> -> memref<1x16x128xf32, #tpu.memory_space<vmem>>
      %dma_start3A_290 = tpu.memref_squeeze %dma_start3A_289 : memref<1x16x128xf32, #tpu.memory_space<vmem>> -> memref<16x128xf32, #tpu.memory_space<vmem>>
      tpu.enqueue_dma source(%dma_start3A_290 : memref<16x128xf32, #tpu.memory_space<vmem>>) target(%dma_start3A_286 : memref<16x128xf32, #tpu.memory_space<vmem_shared>>) target_semaphore(%run_scoped3A_278 : memref<!tpu.dma_semaphore, #tpu.memory_space<semaphore_mem>>)
      %dma_wait3A = arith.constant 0 : i32
      %dma_wait3A_291 = arith.constant 0 : i32
      %dma_wait3A_292 = tpu.memref_slice %arg12[%run_scoped3A_166, %dma_wait3A, %dma_wait3A_291] : memref<2x16x128xf32, #tpu.memory_space<vmem>> -> memref<1x16x128xf32, #tpu.memory_space<vmem>>
      %dma_wait3A_293 = tpu.memref_squeeze %dma_wait3A_292 : memref<1x16x128xf32, #tpu.memory_space<vmem>> -> memref<16x128xf32, #tpu.memory_space<vmem>>
      %dma_wait3A_294 = arith.constant 0 : i32
      %dma_wait3A_295 = tpu.memref_slice %arg14[%add3A_165, %dma_wait3A_294] : memref<10240x128xf32, #tpu.memory_space<vmem_shared>> -> memref<16x128xf32, #tpu.memory_space<vmem_shared>>
      %dma_wait3A_296 = arith.constant 0 : i32
      %dma_wait3A_297 = tpu.memref_slice %arg14[%add3A_165, %dma_wait3A_296] : memref<10240x128xf32, #tpu.memory_space<vmem_shared>> -> memref<16x128xf32, #tpu.memory_space<vmem_shared>>
      %dma_wait3A_298 = arith.constant 0 : i32
      %dma_wait3A_299 = arith.constant 0 : i32
      %dma_wait3A_300 = tpu.memref_slice %arg12[%run_scoped3A_166, %dma_wait3A_298, %dma_wait3A_299] : memref<2x16x128xf32, #tpu.memory_space<vmem>> -> memref<1x16x128xf32, #tpu.memory_space<vmem>>
      %dma_wait3A_301 = tpu.memref_squeeze %dma_wait3A_300 : memref<1x16x128xf32, #tpu.memory_space<vmem>> -> memref<16x128xf32, #tpu.memory_space<vmem>>
      tpu.wait_dma2 semaphore(%run_scoped3A_278 : memref<!tpu.dma_semaphore, #tpu.memory_space<semaphore_mem>>) src(%dma_wait3A_301 : memref<16x128xf32, #tpu.memory_space<vmem>>) dst(%dma_wait3A_297 : memref<16x128xf32, #tpu.memory_space<vmem_shared>>)
      tpu.yield
    }) : () -> ()
    %mul3A_167 = arith.constant 640 : i32
    %mul3A_168 = arith.muli %arg1, %mul3A_167 : i32
    %add3A_169 = arith.constant 512 : i32
    %add3A_170 = arith.addi %mul3A_168, %add3A_169 : i32
    %run_scoped3A_171 = arith.constant 0 : i32
    "tpu.region"() ({
      %run_scoped3A_278 = tpu.sem_alloc : memref<!tpu.dma_semaphore, #tpu.memory_space<semaphore_mem>>
      %dma_start3A_279 = arith.constant 0 : i32
      %dma_start3A_280 = arith.constant 0 : i32
      %dma_start3A_281 = tpu.memref_slice %arg12[%run_scoped3A_171, %dma_start3A_279, %dma_start3A_280] : memref<2x16x128xf32, #tpu.memory_space<vmem>> -> memref<1x16x128xf32, #tpu.memory_space<vmem>>
      %dma_start3A_282 = tpu.memref_squeeze %dma_start3A_281 : memref<1x16x128xf32, #tpu.memory_space<vmem>> -> memref<16x128xf32, #tpu.memory_space<vmem>>
      %dma_start3A_283 = arith.constant 0 : i32
      %dma_start3A_284 = tpu.memref_slice %arg14[%add3A_170, %dma_start3A_283] : memref<10240x128xf32, #tpu.memory_space<vmem_shared>> -> memref<16x128xf32, #tpu.memory_space<vmem_shared>>
      %dma_start3A_285 = arith.constant 0 : i32
      %dma_start3A_286 = tpu.memref_slice %arg14[%add3A_170, %dma_start3A_285] : memref<10240x128xf32, #tpu.memory_space<vmem_shared>> -> memref<16x128xf32, #tpu.memory_space<vmem_shared>>
      %dma_start3A_287 = arith.constant 0 : i32
      %dma_start3A_288 = arith.constant 0 : i32
      %dma_start3A_289 = tpu.memref_slice %arg12[%run_scoped3A_171, %dma_start3A_287, %dma_start3A_288] : memref<2x16x128xf32, #tpu.memory_space<vmem>> -> memref<1x16x128xf32, #tpu.memory_space<vmem>>
      %dma_start3A_290 = tpu.memref_squeeze %dma_start3A_289 : memref<1x16x128xf32, #tpu.memory_space<vmem>> -> memref<16x128xf32, #tpu.memory_space<vmem>>
      tpu.enqueue_dma source(%dma_start3A_290 : memref<16x128xf32, #tpu.memory_space<vmem>>) target(%dma_start3A_286 : memref<16x128xf32, #tpu.memory_space<vmem_shared>>) target_semaphore(%run_scoped3A_278 : memref<!tpu.dma_semaphore, #tpu.memory_space<semaphore_mem>>)
      %dma_wait3A = arith.constant 0 : i32
      %dma_wait3A_291 = arith.constant 0 : i32
      %dma_wait3A_292 = tpu.memref_slice %arg12[%run_scoped3A_171, %dma_wait3A, %dma_wait3A_291] : memref<2x16x128xf32, #tpu.memory_space<vmem>> -> memref<1x16x128xf32, #tpu.memory_space<vmem>>
      %dma_wait3A_293 = tpu.memref_squeeze %dma_wait3A_292 : memref<1x16x128xf32, #tpu.memory_space<vmem>> -> memref<16x128xf32, #tpu.memory_space<vmem>>
      %dma_wait3A_294 = arith.constant 0 : i32
      %dma_wait3A_295 = tpu.memref_slice %arg14[%add3A_170, %dma_wait3A_294] : memref<10240x128xf32, #tpu.memory_space<vmem_shared>> -> memref<16x128xf32, #tpu.memory_space<vmem_shared>>
      %dma_wait3A_296 = arith.constant 0 : i32
      %dma_wait3A_297 = tpu.memref_slice %arg14[%add3A_170, %dma_wait3A_296] : memref<10240x128xf32, #tpu.memory_space<vmem_shared>> -> memref<16x128xf32, #tpu.memory_space<vmem_shared>>
      %dma_wait3A_298 = arith.constant 0 : i32
      %dma_wait3A_299 = arith.constant 0 : i32
      %dma_wait3A_300 = tpu.memref_slice %arg12[%run_scoped3A_171, %dma_wait3A_298, %dma_wait3A_299] : memref<2x16x128xf32, #tpu.memory_space<vmem>> -> memref<1x16x128xf32, #tpu.memory_space<vmem>>
      %dma_wait3A_301 = tpu.memref_squeeze %dma_wait3A_300 : memref<1x16x128xf32, #tpu.memory_space<vmem>> -> memref<16x128xf32, #tpu.memory_space<vmem>>
      tpu.wait_dma2 semaphore(%run_scoped3A_278 : memref<!tpu.dma_semaphore, #tpu.memory_space<semaphore_mem>>) src(%dma_wait3A_301 : memref<16x128xf32, #tpu.memory_space<vmem>>) dst(%dma_wait3A_297 : memref<16x128xf32, #tpu.memory_space<vmem_shared>>)
      tpu.yield
    }) : () -> ()
    %mul3A_172 = arith.constant 640 : i32
    %mul3A_173 = arith.muli %arg1, %mul3A_172 : i32
    %add3A_174 = arith.constant 528 : i32
    %add3A_175 = arith.addi %mul3A_173, %add3A_174 : i32
    %run_scoped3A_176 = arith.constant 0 : i32
    "tpu.region"() ({
      %run_scoped3A_278 = tpu.sem_alloc : memref<!tpu.dma_semaphore, #tpu.memory_space<semaphore_mem>>
      %dma_start3A_279 = arith.constant 0 : i32
      %dma_start3A_280 = arith.constant 0 : i32
      %dma_start3A_281 = tpu.memref_slice %arg12[%run_scoped3A_176, %dma_start3A_279, %dma_start3A_280] : memref<2x16x128xf32, #tpu.memory_space<vmem>> -> memref<1x16x128xf32, #tpu.memory_space<vmem>>
      %dma_start3A_282 = tpu.memref_squeeze %dma_start3A_281 : memref<1x16x128xf32, #tpu.memory_space<vmem>> -> memref<16x128xf32, #tpu.memory_space<vmem>>
      %dma_start3A_283 = arith.constant 0 : i32
      %dma_start3A_284 = tpu.memref_slice %arg14[%add3A_175, %dma_start3A_283] : memref<10240x128xf32, #tpu.memory_space<vmem_shared>> -> memref<16x128xf32, #tpu.memory_space<vmem_shared>>
      %dma_start3A_285 = arith.constant 0 : i32
      %dma_start3A_286 = tpu.memref_slice %arg14[%add3A_175, %dma_start3A_285] : memref<10240x128xf32, #tpu.memory_space<vmem_shared>> -> memref<16x128xf32, #tpu.memory_space<vmem_shared>>
      %dma_start3A_287 = arith.constant 0 : i32
      %dma_start3A_288 = arith.constant 0 : i32
      %dma_start3A_289 = tpu.memref_slice %arg12[%run_scoped3A_176, %dma_start3A_287, %dma_start3A_288] : memref<2x16x128xf32, #tpu.memory_space<vmem>> -> memref<1x16x128xf32, #tpu.memory_space<vmem>>
      %dma_start3A_290 = tpu.memref_squeeze %dma_start3A_289 : memref<1x16x128xf32, #tpu.memory_space<vmem>> -> memref<16x128xf32, #tpu.memory_space<vmem>>
      tpu.enqueue_dma source(%dma_start3A_290 : memref<16x128xf32, #tpu.memory_space<vmem>>) target(%dma_start3A_286 : memref<16x128xf32, #tpu.memory_space<vmem_shared>>) target_semaphore(%run_scoped3A_278 : memref<!tpu.dma_semaphore, #tpu.memory_space<semaphore_mem>>)
      %dma_wait3A = arith.constant 0 : i32
      %dma_wait3A_291 = arith.constant 0 : i32
      %dma_wait3A_292 = tpu.memref_slice %arg12[%run_scoped3A_176, %dma_wait3A, %dma_wait3A_291] : memref<2x16x128xf32, #tpu.memory_space<vmem>> -> memref<1x16x128xf32, #tpu.memory_space<vmem>>
      %dma_wait3A_293 = tpu.memref_squeeze %dma_wait3A_292 : memref<1x16x128xf32, #tpu.memory_space<vmem>> -> memref<16x128xf32, #tpu.memory_space<vmem>>
      %dma_wait3A_294 = arith.constant 0 : i32
      %dma_wait3A_295 = tpu.memref_slice %arg14[%add3A_175, %dma_wait3A_294] : memref<10240x128xf32, #tpu.memory_space<vmem_shared>> -> memref<16x128xf32, #tpu.memory_space<vmem_shared>>
      %dma_wait3A_296 = arith.constant 0 : i32
      %dma_wait3A_297 = tpu.memref_slice %arg14[%add3A_175, %dma_wait3A_296] : memref<10240x128xf32, #tpu.memory_space<vmem_shared>> -> memref<16x128xf32, #tpu.memory_space<vmem_shared>>
      %dma_wait3A_298 = arith.constant 0 : i32
      %dma_wait3A_299 = arith.constant 0 : i32
      %dma_wait3A_300 = tpu.memref_slice %arg12[%run_scoped3A_176, %dma_wait3A_298, %dma_wait3A_299] : memref<2x16x128xf32, #tpu.memory_space<vmem>> -> memref<1x16x128xf32, #tpu.memory_space<vmem>>
      %dma_wait3A_301 = tpu.memref_squeeze %dma_wait3A_300 : memref<1x16x128xf32, #tpu.memory_space<vmem>> -> memref<16x128xf32, #tpu.memory_space<vmem>>
      tpu.wait_dma2 semaphore(%run_scoped3A_278 : memref<!tpu.dma_semaphore, #tpu.memory_space<semaphore_mem>>) src(%dma_wait3A_301 : memref<16x128xf32, #tpu.memory_space<vmem>>) dst(%dma_wait3A_297 : memref<16x128xf32, #tpu.memory_space<vmem_shared>>)
      tpu.yield
    }) : () -> ()
    %mul3A_177 = arith.constant 640 : i32
    %mul3A_178 = arith.muli %arg1, %mul3A_177 : i32
    %add3A_179 = arith.constant 544 : i32
    %add3A_180 = arith.addi %mul3A_178, %add3A_179 : i32
    %run_scoped3A_181 = arith.constant 0 : i32
    "tpu.region"() ({
      %run_scoped3A_278 = tpu.sem_alloc : memref<!tpu.dma_semaphore, #tpu.memory_space<semaphore_mem>>
      %dma_start3A_279 = arith.constant 0 : i32
      %dma_start3A_280 = arith.constant 0 : i32
      %dma_start3A_281 = tpu.memref_slice %arg12[%run_scoped3A_181, %dma_start3A_279, %dma_start3A_280] : memref<2x16x128xf32, #tpu.memory_space<vmem>> -> memref<1x16x128xf32, #tpu.memory_space<vmem>>
      %dma_start3A_282 = tpu.memref_squeeze %dma_start3A_281 : memref<1x16x128xf32, #tpu.memory_space<vmem>> -> memref<16x128xf32, #tpu.memory_space<vmem>>
      %dma_start3A_283 = arith.constant 0 : i32
      %dma_start3A_284 = tpu.memref_slice %arg14[%add3A_180, %dma_start3A_283] : memref<10240x128xf32, #tpu.memory_space<vmem_shared>> -> memref<16x128xf32, #tpu.memory_space<vmem_shared>>
      %dma_start3A_285 = arith.constant 0 : i32
      %dma_start3A_286 = tpu.memref_slice %arg14[%add3A_180, %dma_start3A_285] : memref<10240x128xf32, #tpu.memory_space<vmem_shared>> -> memref<16x128xf32, #tpu.memory_space<vmem_shared>>
      %dma_start3A_287 = arith.constant 0 : i32
      %dma_start3A_288 = arith.constant 0 : i32
      %dma_start3A_289 = tpu.memref_slice %arg12[%run_scoped3A_181, %dma_start3A_287, %dma_start3A_288] : memref<2x16x128xf32, #tpu.memory_space<vmem>> -> memref<1x16x128xf32, #tpu.memory_space<vmem>>
      %dma_start3A_290 = tpu.memref_squeeze %dma_start3A_289 : memref<1x16x128xf32, #tpu.memory_space<vmem>> -> memref<16x128xf32, #tpu.memory_space<vmem>>
      tpu.enqueue_dma source(%dma_start3A_290 : memref<16x128xf32, #tpu.memory_space<vmem>>) target(%dma_start3A_286 : memref<16x128xf32, #tpu.memory_space<vmem_shared>>) target_semaphore(%run_scoped3A_278 : memref<!tpu.dma_semaphore, #tpu.memory_space<semaphore_mem>>)
      %dma_wait3A = arith.constant 0 : i32
      %dma_wait3A_291 = arith.constant 0 : i32
      %dma_wait3A_292 = tpu.memref_slice %arg12[%run_scoped3A_181, %dma_wait3A, %dma_wait3A_291] : memref<2x16x128xf32, #tpu.memory_space<vmem>> -> memref<1x16x128xf32, #tpu.memory_space<vmem>>
      %dma_wait3A_293 = tpu.memref_squeeze %dma_wait3A_292 : memref<1x16x128xf32, #tpu.memory_space<vmem>> -> memref<16x128xf32, #tpu.memory_space<vmem>>
      %dma_wait3A_294 = arith.constant 0 : i32
      %dma_wait3A_295 = tpu.memref_slice %arg14[%add3A_180, %dma_wait3A_294] : memref<10240x128xf32, #tpu.memory_space<vmem_shared>> -> memref<16x128xf32, #tpu.memory_space<vmem_shared>>
      %dma_wait3A_296 = arith.constant 0 : i32
      %dma_wait3A_297 = tpu.memref_slice %arg14[%add3A_180, %dma_wait3A_296] : memref<10240x128xf32, #tpu.memory_space<vmem_shared>> -> memref<16x128xf32, #tpu.memory_space<vmem_shared>>
      %dma_wait3A_298 = arith.constant 0 : i32
      %dma_wait3A_299 = arith.constant 0 : i32
      %dma_wait3A_300 = tpu.memref_slice %arg12[%run_scoped3A_181, %dma_wait3A_298, %dma_wait3A_299] : memref<2x16x128xf32, #tpu.memory_space<vmem>> -> memref<1x16x128xf32, #tpu.memory_space<vmem>>
      %dma_wait3A_301 = tpu.memref_squeeze %dma_wait3A_300 : memref<1x16x128xf32, #tpu.memory_space<vmem>> -> memref<16x128xf32, #tpu.memory_space<vmem>>
      tpu.wait_dma2 semaphore(%run_scoped3A_278 : memref<!tpu.dma_semaphore, #tpu.memory_space<semaphore_mem>>) src(%dma_wait3A_301 : memref<16x128xf32, #tpu.memory_space<vmem>>) dst(%dma_wait3A_297 : memref<16x128xf32, #tpu.memory_space<vmem_shared>>)
      tpu.yield
    }) : () -> ()
    %mul3A_182 = arith.constant 640 : i32
    %mul3A_183 = arith.muli %arg1, %mul3A_182 : i32
    %add3A_184 = arith.constant 560 : i32
    %add3A_185 = arith.addi %mul3A_183, %add3A_184 : i32
    %run_scoped3A_186 = arith.constant 0 : i32
    "tpu.region"() ({
      %run_scoped3A_278 = tpu.sem_alloc : memref<!tpu.dma_semaphore, #tpu.memory_space<semaphore_mem>>
      %dma_start3A_279 = arith.constant 0 : i32
      %dma_start3A_280 = arith.constant 0 : i32
      %dma_start3A_281 = tpu.memref_slice %arg12[%run_scoped3A_186, %dma_start3A_279, %dma_start3A_280] : memref<2x16x128xf32, #tpu.memory_space<vmem>> -> memref<1x16x128xf32, #tpu.memory_space<vmem>>
      %dma_start3A_282 = tpu.memref_squeeze %dma_start3A_281 : memref<1x16x128xf32, #tpu.memory_space<vmem>> -> memref<16x128xf32, #tpu.memory_space<vmem>>
      %dma_start3A_283 = arith.constant 0 : i32
      %dma_start3A_284 = tpu.memref_slice %arg14[%add3A_185, %dma_start3A_283] : memref<10240x128xf32, #tpu.memory_space<vmem_shared>> -> memref<16x128xf32, #tpu.memory_space<vmem_shared>>
      %dma_start3A_285 = arith.constant 0 : i32
      %dma_start3A_286 = tpu.memref_slice %arg14[%add3A_185, %dma_start3A_285] : memref<10240x128xf32, #tpu.memory_space<vmem_shared>> -> memref<16x128xf32, #tpu.memory_space<vmem_shared>>
      %dma_start3A_287 = arith.constant 0 : i32
      %dma_start3A_288 = arith.constant 0 : i32
      %dma_start3A_289 = tpu.memref_slice %arg12[%run_scoped3A_186, %dma_start3A_287, %dma_start3A_288] : memref<2x16x128xf32, #tpu.memory_space<vmem>> -> memref<1x16x128xf32, #tpu.memory_space<vmem>>
      %dma_start3A_290 = tpu.memref_squeeze %dma_start3A_289 : memref<1x16x128xf32, #tpu.memory_space<vmem>> -> memref<16x128xf32, #tpu.memory_space<vmem>>
      tpu.enqueue_dma source(%dma_start3A_290 : memref<16x128xf32, #tpu.memory_space<vmem>>) target(%dma_start3A_286 : memref<16x128xf32, #tpu.memory_space<vmem_shared>>) target_semaphore(%run_scoped3A_278 : memref<!tpu.dma_semaphore, #tpu.memory_space<semaphore_mem>>)
      %dma_wait3A = arith.constant 0 : i32
      %dma_wait3A_291 = arith.constant 0 : i32
      %dma_wait3A_292 = tpu.memref_slice %arg12[%run_scoped3A_186, %dma_wait3A, %dma_wait3A_291] : memref<2x16x128xf32, #tpu.memory_space<vmem>> -> memref<1x16x128xf32, #tpu.memory_space<vmem>>
      %dma_wait3A_293 = tpu.memref_squeeze %dma_wait3A_292 : memref<1x16x128xf32, #tpu.memory_space<vmem>> -> memref<16x128xf32, #tpu.memory_space<vmem>>
      %dma_wait3A_294 = arith.constant 0 : i32
      %dma_wait3A_295 = tpu.memref_slice %arg14[%add3A_185, %dma_wait3A_294] : memref<10240x128xf32, #tpu.memory_space<vmem_shared>> -> memref<16x128xf32, #tpu.memory_space<vmem_shared>>
      %dma_wait3A_296 = arith.constant 0 : i32
      %dma_wait3A_297 = tpu.memref_slice %arg14[%add3A_185, %dma_wait3A_296] : memref<10240x128xf32, #tpu.memory_space<vmem_shared>> -> memref<16x128xf32, #tpu.memory_space<vmem_shared>>
      %dma_wait3A_298 = arith.constant 0 : i32
      %dma_wait3A_299 = arith.constant 0 : i32
      %dma_wait3A_300 = tpu.memref_slice %arg12[%run_scoped3A_186, %dma_wait3A_298, %dma_wait3A_299] : memref<2x16x128xf32, #tpu.memory_space<vmem>> -> memref<1x16x128xf32, #tpu.memory_space<vmem>>
      %dma_wait3A_301 = tpu.memref_squeeze %dma_wait3A_300 : memref<1x16x128xf32, #tpu.memory_space<vmem>> -> memref<16x128xf32, #tpu.memory_space<vmem>>
      tpu.wait_dma2 semaphore(%run_scoped3A_278 : memref<!tpu.dma_semaphore, #tpu.memory_space<semaphore_mem>>) src(%dma_wait3A_301 : memref<16x128xf32, #tpu.memory_space<vmem>>) dst(%dma_wait3A_297 : memref<16x128xf32, #tpu.memory_space<vmem_shared>>)
      tpu.yield
    }) : () -> ()
    %mul3A_187 = arith.constant 640 : i32
    %mul3A_188 = arith.muli %arg1, %mul3A_187 : i32
    %add3A_189 = arith.constant 576 : i32
    %add3A_190 = arith.addi %mul3A_188, %add3A_189 : i32
    %run_scoped3A_191 = arith.constant 0 : i32
    "tpu.region"() ({
      %run_scoped3A_278 = tpu.sem_alloc : memref<!tpu.dma_semaphore, #tpu.memory_space<semaphore_mem>>
      %dma_start3A_279 = arith.constant 0 : i32
      %dma_start3A_280 = arith.constant 0 : i32
      %dma_start3A_281 = tpu.memref_slice %arg12[%run_scoped3A_191, %dma_start3A_279, %dma_start3A_280] : memref<2x16x128xf32, #tpu.memory_space<vmem>> -> memref<1x16x128xf32, #tpu.memory_space<vmem>>
      %dma_start3A_282 = tpu.memref_squeeze %dma_start3A_281 : memref<1x16x128xf32, #tpu.memory_space<vmem>> -> memref<16x128xf32, #tpu.memory_space<vmem>>
      %dma_start3A_283 = arith.constant 0 : i32
      %dma_start3A_284 = tpu.memref_slice %arg14[%add3A_190, %dma_start3A_283] : memref<10240x128xf32, #tpu.memory_space<vmem_shared>> -> memref<16x128xf32, #tpu.memory_space<vmem_shared>>
      %dma_start3A_285 = arith.constant 0 : i32
      %dma_start3A_286 = tpu.memref_slice %arg14[%add3A_190, %dma_start3A_285] : memref<10240x128xf32, #tpu.memory_space<vmem_shared>> -> memref<16x128xf32, #tpu.memory_space<vmem_shared>>
      %dma_start3A_287 = arith.constant 0 : i32
      %dma_start3A_288 = arith.constant 0 : i32
      %dma_start3A_289 = tpu.memref_slice %arg12[%run_scoped3A_191, %dma_start3A_287, %dma_start3A_288] : memref<2x16x128xf32, #tpu.memory_space<vmem>> -> memref<1x16x128xf32, #tpu.memory_space<vmem>>
      %dma_start3A_290 = tpu.memref_squeeze %dma_start3A_289 : memref<1x16x128xf32, #tpu.memory_space<vmem>> -> memref<16x128xf32, #tpu.memory_space<vmem>>
      tpu.enqueue_dma source(%dma_start3A_290 : memref<16x128xf32, #tpu.memory_space<vmem>>) target(%dma_start3A_286 : memref<16x128xf32, #tpu.memory_space<vmem_shared>>) target_semaphore(%run_scoped3A_278 : memref<!tpu.dma_semaphore, #tpu.memory_space<semaphore_mem>>)
      %dma_wait3A = arith.constant 0 : i32
      %dma_wait3A_291 = arith.constant 0 : i32
      %dma_wait3A_292 = tpu.memref_slice %arg12[%run_scoped3A_191, %dma_wait3A, %dma_wait3A_291] : memref<2x16x128xf32, #tpu.memory_space<vmem>> -> memref<1x16x128xf32, #tpu.memory_space<vmem>>
      %dma_wait3A_293 = tpu.memref_squeeze %dma_wait3A_292 : memref<1x16x128xf32, #tpu.memory_space<vmem>> -> memref<16x128xf32, #tpu.memory_space<vmem>>
      %dma_wait3A_294 = arith.constant 0 : i32
      %dma_wait3A_295 = tpu.memref_slice %arg14[%add3A_190, %dma_wait3A_294] : memref<10240x128xf32, #tpu.memory_space<vmem_shared>> -> memref<16x128xf32, #tpu.memory_space<vmem_shared>>
      %dma_wait3A_296 = arith.constant 0 : i32
      %dma_wait3A_297 = tpu.memref_slice %arg14[%add3A_190, %dma_wait3A_296] : memref<10240x128xf32, #tpu.memory_space<vmem_shared>> -> memref<16x128xf32, #tpu.memory_space<vmem_shared>>
      %dma_wait3A_298 = arith.constant 0 : i32
      %dma_wait3A_299 = arith.constant 0 : i32
      %dma_wait3A_300 = tpu.memref_slice %arg12[%run_scoped3A_191, %dma_wait3A_298, %dma_wait3A_299] : memref<2x16x128xf32, #tpu.memory_space<vmem>> -> memref<1x16x128xf32, #tpu.memory_space<vmem>>
      %dma_wait3A_301 = tpu.memref_squeeze %dma_wait3A_300 : memref<1x16x128xf32, #tpu.memory_space<vmem>> -> memref<16x128xf32, #tpu.memory_space<vmem>>
      tpu.wait_dma2 semaphore(%run_scoped3A_278 : memref<!tpu.dma_semaphore, #tpu.memory_space<semaphore_mem>>) src(%dma_wait3A_301 : memref<16x128xf32, #tpu.memory_space<vmem>>) dst(%dma_wait3A_297 : memref<16x128xf32, #tpu.memory_space<vmem_shared>>)
      tpu.yield
    }) : () -> ()
    %mul3A_192 = arith.constant 640 : i32
    %mul3A_193 = arith.muli %arg1, %mul3A_192 : i32
    %add3A_194 = arith.constant 592 : i32
    %add3A_195 = arith.addi %mul3A_193, %add3A_194 : i32
    %run_scoped3A_196 = arith.constant 0 : i32
    "tpu.region"() ({
      %run_scoped3A_278 = tpu.sem_alloc : memref<!tpu.dma_semaphore, #tpu.memory_space<semaphore_mem>>
      %dma_start3A_279 = arith.constant 0 : i32
      %dma_start3A_280 = arith.constant 0 : i32
      %dma_start3A_281 = tpu.memref_slice %arg12[%run_scoped3A_196, %dma_start3A_279, %dma_start3A_280] : memref<2x16x128xf32, #tpu.memory_space<vmem>> -> memref<1x16x128xf32, #tpu.memory_space<vmem>>
      %dma_start3A_282 = tpu.memref_squeeze %dma_start3A_281 : memref<1x16x128xf32, #tpu.memory_space<vmem>> -> memref<16x128xf32, #tpu.memory_space<vmem>>
      %dma_start3A_283 = arith.constant 0 : i32
      %dma_start3A_284 = tpu.memref_slice %arg14[%add3A_195, %dma_start3A_283] : memref<10240x128xf32, #tpu.memory_space<vmem_shared>> -> memref<16x128xf32, #tpu.memory_space<vmem_shared>>
      %dma_start3A_285 = arith.constant 0 : i32
      %dma_start3A_286 = tpu.memref_slice %arg14[%add3A_195, %dma_start3A_285] : memref<10240x128xf32, #tpu.memory_space<vmem_shared>> -> memref<16x128xf32, #tpu.memory_space<vmem_shared>>
      %dma_start3A_287 = arith.constant 0 : i32
      %dma_start3A_288 = arith.constant 0 : i32
      %dma_start3A_289 = tpu.memref_slice %arg12[%run_scoped3A_196, %dma_start3A_287, %dma_start3A_288] : memref<2x16x128xf32, #tpu.memory_space<vmem>> -> memref<1x16x128xf32, #tpu.memory_space<vmem>>
      %dma_start3A_290 = tpu.memref_squeeze %dma_start3A_289 : memref<1x16x128xf32, #tpu.memory_space<vmem>> -> memref<16x128xf32, #tpu.memory_space<vmem>>
      tpu.enqueue_dma source(%dma_start3A_290 : memref<16x128xf32, #tpu.memory_space<vmem>>) target(%dma_start3A_286 : memref<16x128xf32, #tpu.memory_space<vmem_shared>>) target_semaphore(%run_scoped3A_278 : memref<!tpu.dma_semaphore, #tpu.memory_space<semaphore_mem>>)
      %dma_wait3A = arith.constant 0 : i32
      %dma_wait3A_291 = arith.constant 0 : i32
      %dma_wait3A_292 = tpu.memref_slice %arg12[%run_scoped3A_196, %dma_wait3A, %dma_wait3A_291] : memref<2x16x128xf32, #tpu.memory_space<vmem>> -> memref<1x16x128xf32, #tpu.memory_space<vmem>>
      %dma_wait3A_293 = tpu.memref_squeeze %dma_wait3A_292 : memref<1x16x128xf32, #tpu.memory_space<vmem>> -> memref<16x128xf32, #tpu.memory_space<vmem>>
      %dma_wait3A_294 = arith.constant 0 : i32
      %dma_wait3A_295 = tpu.memref_slice %arg14[%add3A_195, %dma_wait3A_294] : memref<10240x128xf32, #tpu.memory_space<vmem_shared>> -> memref<16x128xf32, #tpu.memory_space<vmem_shared>>
      %dma_wait3A_296 = arith.constant 0 : i32
      %dma_wait3A_297 = tpu.memref_slice %arg14[%add3A_195, %dma_wait3A_296] : memref<10240x128xf32, #tpu.memory_space<vmem_shared>> -> memref<16x128xf32, #tpu.memory_space<vmem_shared>>
      %dma_wait3A_298 = arith.constant 0 : i32
      %dma_wait3A_299 = arith.constant 0 : i32
      %dma_wait3A_300 = tpu.memref_slice %arg12[%run_scoped3A_196, %dma_wait3A_298, %dma_wait3A_299] : memref<2x16x128xf32, #tpu.memory_space<vmem>> -> memref<1x16x128xf32, #tpu.memory_space<vmem>>
      %dma_wait3A_301 = tpu.memref_squeeze %dma_wait3A_300 : memref<1x16x128xf32, #tpu.memory_space<vmem>> -> memref<16x128xf32, #tpu.memory_space<vmem>>
      tpu.wait_dma2 semaphore(%run_scoped3A_278 : memref<!tpu.dma_semaphore, #tpu.memory_space<semaphore_mem>>) src(%dma_wait3A_301 : memref<16x128xf32, #tpu.memory_space<vmem>>) dst(%dma_wait3A_297 : memref<16x128xf32, #tpu.memory_space<vmem_shared>>)
      tpu.yield
    }) : () -> ()
    %mul3A_197 = arith.constant 640 : i32
    %mul3A_198 = arith.muli %arg1, %mul3A_197 : i32
    %add3A_199 = arith.constant 608 : i32
    %add3A_200 = arith.addi %mul3A_198, %add3A_199 : i32
    %run_scoped3A_201 = arith.constant 0 : i32
    "tpu.region"() ({
      %run_scoped3A_278 = tpu.sem_alloc : memref<!tpu.dma_semaphore, #tpu.memory_space<semaphore_mem>>
      %dma_start3A_279 = arith.constant 0 : i32
      %dma_start3A_280 = arith.constant 0 : i32
      %dma_start3A_281 = tpu.memref_slice %arg12[%run_scoped3A_201, %dma_start3A_279, %dma_start3A_280] : memref<2x16x128xf32, #tpu.memory_space<vmem>> -> memref<1x16x128xf32, #tpu.memory_space<vmem>>
      %dma_start3A_282 = tpu.memref_squeeze %dma_start3A_281 : memref<1x16x128xf32, #tpu.memory_space<vmem>> -> memref<16x128xf32, #tpu.memory_space<vmem>>
      %dma_start3A_283 = arith.constant 0 : i32
      %dma_start3A_284 = tpu.memref_slice %arg14[%add3A_200, %dma_start3A_283] : memref<10240x128xf32, #tpu.memory_space<vmem_shared>> -> memref<16x128xf32, #tpu.memory_space<vmem_shared>>
      %dma_start3A_285 = arith.constant 0 : i32
      %dma_start3A_286 = tpu.memref_slice %arg14[%add3A_200, %dma_start3A_285] : memref<10240x128xf32, #tpu.memory_space<vmem_shared>> -> memref<16x128xf32, #tpu.memory_space<vmem_shared>>
      %dma_start3A_287 = arith.constant 0 : i32
      %dma_start3A_288 = arith.constant 0 : i32
      %dma_start3A_289 = tpu.memref_slice %arg12[%run_scoped3A_201, %dma_start3A_287, %dma_start3A_288] : memref<2x16x128xf32, #tpu.memory_space<vmem>> -> memref<1x16x128xf32, #tpu.memory_space<vmem>>
      %dma_start3A_290 = tpu.memref_squeeze %dma_start3A_289 : memref<1x16x128xf32, #tpu.memory_space<vmem>> -> memref<16x128xf32, #tpu.memory_space<vmem>>
      tpu.enqueue_dma source(%dma_start3A_290 : memref<16x128xf32, #tpu.memory_space<vmem>>) target(%dma_start3A_286 : memref<16x128xf32, #tpu.memory_space<vmem_shared>>) target_semaphore(%run_scoped3A_278 : memref<!tpu.dma_semaphore, #tpu.memory_space<semaphore_mem>>)
      %dma_wait3A = arith.constant 0 : i32
      %dma_wait3A_291 = arith.constant 0 : i32
      %dma_wait3A_292 = tpu.memref_slice %arg12[%run_scoped3A_201, %dma_wait3A, %dma_wait3A_291] : memref<2x16x128xf32, #tpu.memory_space<vmem>> -> memref<1x16x128xf32, #tpu.memory_space<vmem>>
      %dma_wait3A_293 = tpu.memref_squeeze %dma_wait3A_292 : memref<1x16x128xf32, #tpu.memory_space<vmem>> -> memref<16x128xf32, #tpu.memory_space<vmem>>
      %dma_wait3A_294 = arith.constant 0 : i32
      %dma_wait3A_295 = tpu.memref_slice %arg14[%add3A_200, %dma_wait3A_294] : memref<10240x128xf32, #tpu.memory_space<vmem_shared>> -> memref<16x128xf32, #tpu.memory_space<vmem_shared>>
      %dma_wait3A_296 = arith.constant 0 : i32
      %dma_wait3A_297 = tpu.memref_slice %arg14[%add3A_200, %dma_wait3A_296] : memref<10240x128xf32, #tpu.memory_space<vmem_shared>> -> memref<16x128xf32, #tpu.memory_space<vmem_shared>>
      %dma_wait3A_298 = arith.constant 0 : i32
      %dma_wait3A_299 = arith.constant 0 : i32
      %dma_wait3A_300 = tpu.memref_slice %arg12[%run_scoped3A_201, %dma_wait3A_298, %dma_wait3A_299] : memref<2x16x128xf32, #tpu.memory_space<vmem>> -> memref<1x16x128xf32, #tpu.memory_space<vmem>>
      %dma_wait3A_301 = tpu.memref_squeeze %dma_wait3A_300 : memref<1x16x128xf32, #tpu.memory_space<vmem>> -> memref<16x128xf32, #tpu.memory_space<vmem>>
      tpu.wait_dma2 semaphore(%run_scoped3A_278 : memref<!tpu.dma_semaphore, #tpu.memory_space<semaphore_mem>>) src(%dma_wait3A_301 : memref<16x128xf32, #tpu.memory_space<vmem>>) dst(%dma_wait3A_297 : memref<16x128xf32, #tpu.memory_space<vmem_shared>>)
      tpu.yield
    }) : () -> ()
    %mul3A_202 = arith.constant 640 : i32
    %mul3A_203 = arith.muli %arg1, %mul3A_202 : i32
    %add3A_204 = arith.constant 624 : i32
    %add3A_205 = arith.addi %mul3A_203, %add3A_204 : i32
    %run_scoped3A_206 = arith.constant 0 : i32
    "tpu.region"() ({
      %run_scoped3A_278 = tpu.sem_alloc : memref<!tpu.dma_semaphore, #tpu.memory_space<semaphore_mem>>
      %dma_start3A_279 = arith.constant 0 : i32
      %dma_start3A_280 = arith.constant 0 : i32
      %dma_start3A_281 = tpu.memref_slice %arg12[%run_scoped3A_206, %dma_start3A_279, %dma_start3A_280] : memref<2x16x128xf32, #tpu.memory_space<vmem>> -> memref<1x16x128xf32, #tpu.memory_space<vmem>>
      %dma_start3A_282 = tpu.memref_squeeze %dma_start3A_281 : memref<1x16x128xf32, #tpu.memory_space<vmem>> -> memref<16x128xf32, #tpu.memory_space<vmem>>
      %dma_start3A_283 = arith.constant 0 : i32
      %dma_start3A_284 = tpu.memref_slice %arg14[%add3A_205, %dma_start3A_283] : memref<10240x128xf32, #tpu.memory_space<vmem_shared>> -> memref<16x128xf32, #tpu.memory_space<vmem_shared>>
      %dma_start3A_285 = arith.constant 0 : i32
      %dma_start3A_286 = tpu.memref_slice %arg14[%add3A_205, %dma_start3A_285] : memref<10240x128xf32, #tpu.memory_space<vmem_shared>> -> memref<16x128xf32, #tpu.memory_space<vmem_shared>>
      %dma_start3A_287 = arith.constant 0 : i32
      %dma_start3A_288 = arith.constant 0 : i32
      %dma_start3A_289 = tpu.memref_slice %arg12[%run_scoped3A_206, %dma_start3A_287, %dma_start3A_288] : memref<2x16x128xf32, #tpu.memory_space<vmem>> -> memref<1x16x128xf32, #tpu.memory_space<vmem>>
      %dma_start3A_290 = tpu.memref_squeeze %dma_start3A_289 : memref<1x16x128xf32, #tpu.memory_space<vmem>> -> memref<16x128xf32, #tpu.memory_space<vmem>>
      tpu.enqueue_dma source(%dma_start3A_290 : memref<16x128xf32, #tpu.memory_space<vmem>>) target(%dma_start3A_286 : memref<16x128xf32, #tpu.memory_space<vmem_shared>>) target_semaphore(%run_scoped3A_278 : memref<!tpu.dma_semaphore, #tpu.memory_space<semaphore_mem>>)
      %dma_wait3A = arith.constant 0 : i32
      %dma_wait3A_291 = arith.constant 0 : i32
      %dma_wait3A_292 = tpu.memref_slice %arg12[%run_scoped3A_206, %dma_wait3A, %dma_wait3A_291] : memref<2x16x128xf32, #tpu.memory_space<vmem>> -> memref<1x16x128xf32, #tpu.memory_space<vmem>>
      %dma_wait3A_293 = tpu.memref_squeeze %dma_wait3A_292 : memref<1x16x128xf32, #tpu.memory_space<vmem>> -> memref<16x128xf32, #tpu.memory_space<vmem>>
      %dma_wait3A_294 = arith.constant 0 : i32
      %dma_wait3A_295 = tpu.memref_slice %arg14[%add3A_205, %dma_wait3A_294] : memref<10240x128xf32, #tpu.memory_space<vmem_shared>> -> memref<16x128xf32, #tpu.memory_space<vmem_shared>>
      %dma_wait3A_296 = arith.constant 0 : i32
      %dma_wait3A_297 = tpu.memref_slice %arg14[%add3A_205, %dma_wait3A_296] : memref<10240x128xf32, #tpu.memory_space<vmem_shared>> -> memref<16x128xf32, #tpu.memory_space<vmem_shared>>
      %dma_wait3A_298 = arith.constant 0 : i32
      %dma_wait3A_299 = arith.constant 0 : i32
      %dma_wait3A_300 = tpu.memref_slice %arg12[%run_scoped3A_206, %dma_wait3A_298, %dma_wait3A_299] : memref<2x16x128xf32, #tpu.memory_space<vmem>> -> memref<1x16x128xf32, #tpu.memory_space<vmem>>
      %dma_wait3A_301 = tpu.memref_squeeze %dma_wait3A_300 : memref<1x16x128xf32, #tpu.memory_space<vmem>> -> memref<16x128xf32, #tpu.memory_space<vmem>>
      tpu.wait_dma2 semaphore(%run_scoped3A_278 : memref<!tpu.dma_semaphore, #tpu.memory_space<semaphore_mem>>) src(%dma_wait3A_301 : memref<16x128xf32, #tpu.memory_space<vmem>>) dst(%dma_wait3A_297 : memref<16x128xf32, #tpu.memory_space<vmem_shared>>)
      tpu.yield
    }) : () -> ()
    %barrier3A = arith.constant 0 : index
    tpu.barrier barrier_id(%barrier3A)
    %mul3A_207 = arith.constant 80 : i32
    %mul3A_208 = arith.muli %add3A, %mul3A_207 : i32
    "tpu.region"() ({
      %run_scoped3A_278 = tpu.sem_alloc : memref<!tpu.dma_semaphore, #tpu.memory_space<semaphore_mem>>
      %dma_start3A_279 = arith.constant 0 : i32
      %dma_start3A_280 = tpu.memref_slice %arg3[%mul3A_208, %dma_start3A_279] : memref<2560x128xi32, #tpu.memory_space<hbm>> -> memref<80x128xi32, #tpu.memory_space<hbm>>
      %dma_start3A_281 = arith.constant 0 : i32
      %dma_start3A_282 = tpu.memref_slice %arg3[%mul3A_208, %dma_start3A_281] : memref<2560x128xi32, #tpu.memory_space<hbm>> -> memref<80x128xi32, #tpu.memory_space<hbm>>
      tpu.enqueue_dma source(%dma_start3A_282 : memref<80x128xi32, #tpu.memory_space<hbm>>) target(%arg7 : memref<80x128xi32, #tpu.memory_space<vmem>>) target_semaphore(%run_scoped3A_278 : memref<!tpu.dma_semaphore, #tpu.memory_space<semaphore_mem>>)
      %dma_wait3A = arith.constant 0 : i32
      %dma_wait3A_283 = tpu.memref_slice %arg3[%mul3A_208, %dma_wait3A] : memref<2560x128xi32, #tpu.memory_space<hbm>> -> memref<80x128xi32, #tpu.memory_space<hbm>>
      %dma_wait3A_284 = arith.constant 0 : i32
      %dma_wait3A_285 = tpu.memref_slice %arg3[%mul3A_208, %dma_wait3A_284] : memref<2560x128xi32, #tpu.memory_space<hbm>> -> memref<80x128xi32, #tpu.memory_space<hbm>>
      tpu.wait_dma2 semaphore(%run_scoped3A_278 : memref<!tpu.dma_semaphore, #tpu.memory_space<semaphore_mem>>) src(%dma_wait3A_285 : memref<80x128xi32, #tpu.memory_space<hbm>>) dst(%arg7 : memref<80x128xi32, #tpu.memory_space<vmem>>)
      tpu.yield
    }) : () -> ()
    %mul3A_209 = arith.constant 80 : i32
    %mul3A_210 = arith.muli %add3A, %mul3A_209 : i32
    %mul3A_211 = arith.constant 128 : i32
    %mul3A_212 = arith.muli %mul3A_210, %mul3A_211 : i32
    "tpu.region"() ({
      %run_scoped3A_278 = tpu.sem_alloc : memref<!tpu.dma_semaphore, #tpu.memory_space<semaphore_mem>>
      %dma_start3A_279 = tpu.memref_slice %arg4[%mul3A_212] : memref<327680xi32, #tpu.memory_space<hbm>> -> memref<10240xi32, #tpu.memory_space<hbm>>
      %dma_start3A_280 = tpu.memref_slice %arg4[%mul3A_212] : memref<327680xi32, #tpu.memory_space<hbm>> -> memref<10240xi32, #tpu.memory_space<hbm>>
      tpu.enqueue_dma source(%dma_start3A_280 : memref<10240xi32, #tpu.memory_space<hbm>>) target(%arg8 : memref<10240xi32, #tpu.memory_space<vmem>>) target_semaphore(%run_scoped3A_278 : memref<!tpu.dma_semaphore, #tpu.memory_space<semaphore_mem>>)
      %dma_wait3A = tpu.memref_slice %arg4[%mul3A_212] : memref<327680xi32, #tpu.memory_space<hbm>> -> memref<10240xi32, #tpu.memory_space<hbm>>
      %dma_wait3A_281 = tpu.memref_slice %arg4[%mul3A_212] : memref<327680xi32, #tpu.memory_space<hbm>> -> memref<10240xi32, #tpu.memory_space<hbm>>
      tpu.wait_dma2 semaphore(%run_scoped3A_278 : memref<!tpu.dma_semaphore, #tpu.memory_space<semaphore_mem>>) src(%dma_wait3A_281 : memref<10240xi32, #tpu.memory_space<hbm>>) dst(%arg8 : memref<10240xi32, #tpu.memory_space<vmem>>)
      tpu.yield
    }) : () -> ()
    "tpu.region"() ({
      %run_scoped3A_278 = tpu.sem_alloc : memref<!tpu.dma_semaphore, #tpu.memory_space<semaphore_mem>>
      tpu.enqueue_dma source(%arg5 : memref<320xi32, #tpu.memory_space<hbm>>) target(%arg11 : memref<320xi32, #tpu.memory_space<vmem>>) target_semaphore(%run_scoped3A_278 : memref<!tpu.dma_semaphore, #tpu.memory_space<semaphore_mem>>)
      tpu.wait_dma2 semaphore(%run_scoped3A_278 : memref<!tpu.dma_semaphore, #tpu.memory_space<semaphore_mem>>) src(%arg5 : memref<320xi32, #tpu.memory_space<hbm>>) dst(%arg11 : memref<320xi32, #tpu.memory_space<vmem>>)
      tpu.yield
    }) : () -> ()
    %add3A_213 = arith.constant 10000 : i32
    %add3A_214 = vector.broadcast %add3A_213 : i32 to vector<16xi32>
    %add3A_215 = arith.addi %add3A_214, %iota3A : vector<16xi32>
    %broadcast_in_dim3A_216 = arith.constant 0 : i32
    %broadcast_in_dim3A_217 = vector.broadcast %broadcast_in_dim3A_216 : i32 to vector<16xi32>
    %scan3A_218 = arith.constant 0 : i32
    %scan3A_219 = arith.constant 0 : i32
    %scan3A_220 = arith.constant 641 : i32
    %scan3A_221 = arith.addi %scan3A_219, %scan3A_220 : i32
    %scan3A_222 = arith.constant 1 : i32
    %scan3A_223 = scf.for %scan3A_278 = %scan3A_219 to %scan3A_221 step %scan3A_222 iter_args(%scan3A_279 = %scan3A_218) -> (i32)  : i32 {
      %mul3A_280 = arith.constant 16 : i32
      %mul3A_281 = arith.muli %scan3A_278, %mul3A_280 : i32
      %swap3A = arith.index_cast %mul3A_281 : i32 to index
      %swap3A_282 = tpu.vector_load %arg9[%swap3A] {strides = array<i32>} : memref<10256xi32, #tpu.memory_space<vmem>>, vector<16xi32>,
      tpu.vector_store %arg9[%swap3A], %broadcast_in_dim3A_217 {strides = array<i32>} : memref<10256xi32, #tpu.memory_space<vmem>>, vector<16xi32>,
      %mul3A_283 = arith.constant 16 : i32
      %mul3A_284 = arith.muli %scan3A_278, %mul3A_283 : i32
      %swap3A_285 = arith.index_cast %mul3A_284 : i32 to index
      %swap3A_286 = tpu.vector_load %arg10[%swap3A_285] {strides = array<i32>} : memref<10256xi32, #tpu.memory_space<vmem>>, vector<16xi32>,
      tpu.vector_store %arg10[%swap3A_285], %add3A_215 {strides = array<i32>} : memref<10256xi32, #tpu.memory_space<vmem>>, vector<16xi32>,
      %scan3A_287 = arith.constant 0 : i32
      scf.yield %scan3A_287 : i32
    }
    %scan3A_224 = arith.constant 641 : i32
    %scan3A_225 = arith.constant 0 : i32
    %scan3A_226 = arith.constant 0 : i32
    %scan3A_227 = arith.constant 640 : i32
    %scan3A_228 = arith.addi %scan3A_226, %scan3A_227 : i32
    %scan3A_229 = arith.constant 1 : i32
    %scan3A_230 = scf.for %scan3A_278 = %scan3A_226 to %scan3A_228 step %scan3A_229 iter_args(%scan3A_279 = %scan3A_225) -> (i32)  : i32 {
      %jit3A_280 = arith.constant 8 : i32
      %div3A_281 = arith.divsi %scan3A_278, %jit3A_280 : i32
      %sign3A_282 = arith.constant 0 : i32
      %sign3A_283 = arith.cmpi sgt, %scan3A_278, %sign3A_282 : i32
      %sign3A_284 = arith.extui %sign3A_283 : i1 to i32
      %sign3A_285 = arith.constant 0 : i32
      %sign3A_286 = arith.cmpi slt, %scan3A_278, %sign3A_285 : i32
      %sign3A_287 = arith.extui %sign3A_286 : i1 to i32
      %sign3A_288 = arith.subi %sign3A_284, %sign3A_287 : i32
      %sign3A_289 = arith.constant 0 : i32
      %sign3A_290 = arith.cmpi sgt, %jit3A_280, %sign3A_289 : i32
      %sign3A_291 = arith.extui %sign3A_290 : i1 to i32
      %sign3A_292 = arith.constant 0 : i32
      %sign3A_293 = arith.cmpi slt, %jit3A_280, %sign3A_292 : i32
      %sign3A_294 = arith.extui %sign3A_293 : i1 to i32
      %sign3A_295 = arith.subi %sign3A_291, %sign3A_294 : i32
      %ne3A_296 = arith.cmpi ne, %sign3A_288, %sign3A_295 : i32
      %rem3A_297 = arith.remsi %scan3A_278, %jit3A_280 : i32
      %ne3A_298 = arith.constant 0 : i32
      %ne3A_299 = arith.cmpi ne, %rem3A_297, %ne3A_298 : i32
      %and3A_300 = arith.andi %ne3A_296, %ne3A_299 : i1
      %sub3A_301 = arith.constant 1 : i32
      %sub3A_302 = arith.subi %div3A_281, %sub3A_301 : i32
      %select_n3A_303 = arith.select %and3A_300, %sub3A_302, %div3A_281 : i32
      %jit3A_304 = arith.constant 8 : i32
      %eq3A = arith.constant 0 : i32
      %eq3A_305 = arith.cmpi eq, %jit3A_304, %eq3A : i32
      %jit3A_306 = arith.constant 1 : i32
      %select_n3A_307 = arith.select %eq3A_305, %jit3A_306, %jit3A_304 : i32
      %rem3A_308 = arith.remsi %scan3A_278, %select_n3A_307 : i32
      %ne3A_309 = arith.constant 0 : i32
      %ne3A_310 = arith.cmpi ne, %rem3A_308, %ne3A_309 : i32
      %lt3A = arith.constant 0 : i32
      %lt3A_311 = arith.cmpi slt, %rem3A_308, %lt3A : i32
      %lt3A_312 = arith.constant 0 : i32
      %lt3A_313 = arith.cmpi slt, %select_n3A_307, %lt3A_312 : i32
      %ne3A_314 = arith.xori %lt3A_311, %lt3A_313 : i1
      %and3A_315 = arith.andi %ne3A_314, %ne3A_310 : i1
      %add3A_316 = arith.addi %rem3A_308, %select_n3A_307 : i32
      %select_n3A_317 = arith.select %and3A_315, %add3A_316, %rem3A_308 : i32
      %mul3A_318 = arith.constant 16 : i32
      %mul3A_319 = arith.muli %select_n3A_317, %mul3A_318 : i32
      %get3A_320 = arith.index_cast %select_n3A_303 : i32 to index
      %get3A_321 = arith.index_cast %mul3A_319 : i32 to index
      %get3A_322 = tpu.vector_load %arg7[%get3A_320, %get3A_321] {strides = array<i32>} : memref<80x128xi32, #tpu.memory_space<vmem>>, vector<16xi32>,
      %mul3A_323 = arith.constant 16 : i32
      %mul3A_324 = arith.muli %scan3A_278, %mul3A_323 : i32
      %get3A_325 = arith.index_cast %mul3A_324 : i32 to index
      %get3A_326 = tpu.vector_load %arg8[%get3A_325] {strides = array<i32>} : memref<10240xi32, #tpu.memory_space<vmem>>, vector<16xi32>,
      %shift_right_logical3A = arith.constant 5 : i32
      %shift_right_logical3A_327 = vector.broadcast %shift_right_logical3A : i32 to vector<16xi32>
      %shift_right_logical3A_328 = arith.shrui %get3A_326, %shift_right_logical3A_327 : vector<16xi32>
      %gather3A = tpu.vector_load_idx %arg11[%shift_right_logical3A_328] : memref<320xi32, #tpu.memory_space<vmem>>[vector<16xi32>], vector<16xi32>,
      %and3A_329 = arith.constant 31 : i32
      %and3A_330 = vector.broadcast %and3A_329 : i32 to vector<16xi32>
      %and3A_331 = arith.andi %get3A_326, %and3A_330 : vector<16xi32>
      %shift_right_logical3A_332 = arith.shrui %gather3A, %and3A_331 : vector<16xi32>
      %and3A_333 = arith.constant 1 : i32
      %and3A_334 = vector.broadcast %and3A_333 : i32 to vector<16xi32>
      %and3A_335 = arith.andi %shift_right_logical3A_332, %and3A_334 : vector<16xi32>
      %ne3A_336 = arith.constant 0 : i32
      %ne3A_337 = vector.broadcast %ne3A_336 : i32 to vector<16xi32>
      %ne3A_338 = arith.cmpi ne, %and3A_335, %ne3A_337 : vector<16xi32>
      %swap3A = arith.index_cast %scan3A_279 : i32 to index
      %swap3A_339 = tpu.vector_load %arg9[%swap3A] masked %ne3A_338 {strides = array<i32>} : memref<10256xi32, #tpu.memory_space<vmem>>, vector<16xi32>, vector<16xi1>
      tpu.vector_store %arg9[%swap3A], %get3A_322 masked %ne3A_338 {strides = array<i32>} : memref<10256xi32, #tpu.memory_space<vmem>>, vector<16xi32>, vector<16xi1>
      %swap3A_340 = arith.index_cast %scan3A_279 : i32 to index
      %swap3A_341 = tpu.vector_load %arg10[%swap3A_340] masked %ne3A_338 {strides = array<i32>} : memref<10256xi32, #tpu.memory_space<vmem>>, vector<16xi32>, vector<16xi1>
      tpu.vector_store %arg10[%swap3A_340], %get3A_326 masked %ne3A_338 {strides = array<i32>} : memref<10256xi32, #tpu.memory_space<vmem>>, vector<16xi32>, vector<16xi1>
      %all_reduce_population_count3A = tpu.all_reduce %ne3A_338 {dim = 0 : i64, kind = #tpu.reduction_kind<sum>} : vector<16xi1> -> vector<16xi32>
      %slice3A = vector.extract_strided_slice %all_reduce_population_count3A {offsets = [0], sizes = [1], strides = [1]} : vector<16xi32> to vector<1xi32>
      %squeeze3A = vector.extract %slice3A[0] : i32 from vector<1xi32>
      %add3A_342 = arith.addi %scan3A_279, %squeeze3A : i32
      scf.yield %add3A_342 : i32
    }
    %scan3A_231 = arith.constant 640 : i32
    %add3A_232 = arith.constant 15 : i32
    %add3A_233 = arith.addi %scan3A_230, %add3A_232 : i32
    %jit3A = arith.constant 16 : i32
    %div3A = arith.divsi %add3A_233, %jit3A : i32
    %sign3A = arith.constant 0 : i32
    %sign3A_234 = arith.cmpi sgt, %add3A_233, %sign3A : i32
    %sign3A_235 = arith.extui %sign3A_234 : i1 to i32
    %sign3A_236 = arith.constant 0 : i32
    %sign3A_237 = arith.cmpi slt, %add3A_233, %sign3A_236 : i32
    %sign3A_238 = arith.extui %sign3A_237 : i1 to i32
    %sign3A_239 = arith.subi %sign3A_235, %sign3A_238 : i32
    %sign3A_240 = arith.constant 0 : i32
    %sign3A_241 = arith.cmpi sgt, %jit3A, %sign3A_240 : i32
    %sign3A_242 = arith.extui %sign3A_241 : i1 to i32
    %sign3A_243 = arith.constant 0 : i32
    %sign3A_244 = arith.cmpi slt, %jit3A, %sign3A_243 : i32
    %sign3A_245 = arith.extui %sign3A_244 : i1 to i32
    %sign3A_246 = arith.subi %sign3A_242, %sign3A_245 : i32
    %ne3A = arith.cmpi ne, %sign3A_239, %sign3A_246 : i32
    %rem3A = arith.remsi %add3A_233, %jit3A : i32
    %ne3A_247 = arith.constant 0 : i32
    %ne3A_248 = arith.cmpi ne, %rem3A, %ne3A_247 : i32
    %and3A = arith.andi %ne3A, %ne3A_248 : i1
    %sub3A = arith.constant 1 : i32
    %sub3A_249 = arith.subi %div3A, %sub3A : i32
    %select_n3A = arith.select %and3A, %sub3A_249, %div3A : i32
    %max3A = arith.constant 1 : i32
    %max3A_250 = arith.maxsi %select_n3A, %max3A : i32
    %get3A = arith.constant 0 : index
    %get3A_251 = tpu.vector_load %arg9[%get3A] {strides = array<i32>} : memref<10256xi32, #tpu.memory_space<vmem>>, vector<16xi32>,
    %dma_start3A = arith.constant 0 : i32
    %dma_start3A_252 = arith.constant 0 : i32
    %dma_start3A_253 = arith.constant 0 : i32
    %dma_start3A_254 = tpu.memref_slice %arg12[%dma_start3A, %dma_start3A_252, %dma_start3A_253] : memref<2x16x128xf32, #tpu.memory_space<vmem>> -> memref<1x16x128xf32, #tpu.memory_space<vmem>>
    %dma_start3A_255 = tpu.memref_squeeze %dma_start3A_254 : memref<1x16x128xf32, #tpu.memory_space<vmem>> -> memref<16x128xf32, #tpu.memory_space<vmem>>
    %dma_start3A_256 = arith.constant 0 : i32
    %dma_start3A_257 = arith.constant 0 : i32
    %dma_start3A_258 = tpu.memref_slice %arg2[%dma_start3A_256, %dma_start3A_257] : memref<10000x128xf32, #tpu.memory_space<hbm>> -> memref<10000x128xf32, #tpu.memory_space<hbm>>
    tpu.enqueue_indirect_dma source(%dma_start3A_258 : memref<10000x128xf32, #tpu.memory_space<hbm>>) target(%dma_start3A_255 : memref<16x128xf32, #tpu.memory_space<vmem>>) offsets(%get3A_251 : vector<16xi32>) semaphore(%arg13 : memref<!tpu.dma_semaphore, #tpu.memory_space<semaphore_mem>>)
    %while3A = arith.constant 0 : i32
    %while3A_259 = arith.constant 0 : i32
    %while3A_260 = arith.subi %max3A_250, %while3A : i32
    %while3A_261 = arith.addi %while3A, %while3A_260 : i32
    %while3A_262 = arith.constant 1 : i32
    %while3A_263 = arith.divsi %while3A_260, %while3A_262 : i32
    %while3A_264 = arith.muli %while3A_263, %while3A_262 : i32
    %while3A_265 = arith.addi %while3A, %while3A_264 : i32
    %while3A_266 = arith.constant 1 : i32
    %while3A_267 = scf.for %while3A_278 = %while3A to %while3A_265 step %while3A_266 iter_args(%while3A_279 = %while3A_259) -> (i32)  : i32 {
      %jit3A_280 = arith.constant 2 : i32
      %eq3A = arith.constant 0 : i32
      %eq3A_281 = arith.cmpi eq, %jit3A_280, %eq3A : i32
      %jit3A_282 = arith.constant 1 : i32
      %select_n3A_283 = arith.select %eq3A_281, %jit3A_282, %jit3A_280 : i32
      %rem3A_284 = arith.remsi %while3A_278, %select_n3A_283 : i32
      %ne3A_285 = arith.constant 0 : i32
      %ne3A_286 = arith.cmpi ne, %rem3A_284, %ne3A_285 : i32
      %lt3A = arith.constant 0 : i32
      %lt3A_287 = arith.cmpi slt, %rem3A_284, %lt3A : i32
      %lt3A_288 = arith.constant 0 : i32
      %lt3A_289 = arith.cmpi slt, %select_n3A_283, %lt3A_288 : i32
      %ne3A_290 = arith.xori %lt3A_287, %lt3A_289 : i1
      %and3A_291 = arith.andi %ne3A_290, %ne3A_286 : i1
      %add3A_292 = arith.addi %rem3A_284, %select_n3A_283 : i32
      %select_n3A_293 = arith.select %and3A_291, %add3A_292, %rem3A_284 : i32
      %dma_wait3A = arith.constant 0 : i32
      %dma_wait3A_294 = arith.constant 0 : i32
      %dma_wait3A_295 = tpu.memref_slice %arg12[%select_n3A_293, %dma_wait3A, %dma_wait3A_294] : memref<2x16x128xf32, #tpu.memory_space<vmem>> -> memref<1x16x128xf32, #tpu.memory_space<vmem>>
      %dma_wait3A_296 = tpu.memref_squeeze %dma_wait3A_295 : memref<1x16x128xf32, #tpu.memory_space<vmem>> -> memref<16x128xf32, #tpu.memory_space<vmem>>
      %dma_wait3A_297 = arith.constant 0 : i32
      %dma_wait3A_298 = arith.constant 0 : i32
      %dma_wait3A_299 = tpu.memref_slice %arg2[%dma_wait3A_297, %dma_wait3A_298] : memref<10000x128xf32, #tpu.memory_space<hbm>> -> memref<16x128xf32, #tpu.memory_space<hbm>>
      %dma_wait3A_300 = arith.constant 0 : i32
      %dma_wait3A_301 = arith.constant 0 : i32
      %dma_wait3A_302 = tpu.memref_slice %arg12[%select_n3A_293, %dma_wait3A_300, %dma_wait3A_301] : memref<2x16x128xf32, #tpu.memory_space<vmem>> -> memref<1x16x128xf32, #tpu.memory_space<vmem>>
      %dma_wait3A_303 = tpu.memref_squeeze %dma_wait3A_302 : memref<1x16x128xf32, #tpu.memory_space<vmem>> -> memref<16x128xf32, #tpu.memory_space<vmem>>
      %dma_wait3A_304 = arith.constant 0 : i32
      %dma_wait3A_305 = arith.constant 0 : i32
      %dma_wait3A_306 = tpu.memref_slice %arg2[%dma_wait3A_304, %dma_wait3A_305] : memref<10000x128xf32, #tpu.memory_space<hbm>> -> memref<16x128xf32, #tpu.memory_space<hbm>>
      tpu.wait_dma2 semaphore(%arg13 : memref<!tpu.dma_semaphore, #tpu.memory_space<semaphore_mem>>) src(%dma_wait3A_306 : memref<16x128xf32, #tpu.memory_space<hbm>>) dst(%dma_wait3A_303 : memref<16x128xf32, #tpu.memory_space<vmem>>)
      %add3A_307 = arith.constant 1 : i32
      %add3A_308 = arith.addi %while3A_278, %add3A_307 : i32
      %lt3A_309 = arith.cmpi slt, %add3A_308, %max3A_250 : i32
      %convert_element_type3A = arith.extui %lt3A_309 : i1 to i32
      %cond3A = arith.constant 0 : i32
      %cond3A_310 = arith.cmpi ne, %convert_element_type3A, %cond3A : i32
      scf.if %cond3A_310 {
        %add3A_316 = arith.constant 1 : i32
        %add3A_317 = arith.addi %while3A_278, %add3A_316 : i32
        %sub3A_318 = arith.constant 1 : i32
        %sub3A_319 = arith.subi %sub3A_318, %select_n3A_293 : i32
        %mul3A_320 = arith.constant 16 : i32
        %mul3A_321 = arith.muli %add3A_317, %mul3A_320 : i32
        %get3A_322 = arith.index_cast %mul3A_321 : i32 to index
        %get3A_323 = tpu.vector_load %arg9[%get3A_322] {strides = array<i32>} : memref<10256xi32, #tpu.memory_space<vmem>>, vector<16xi32>,
        %dma_start3A_324 = arith.constant 0 : i32
        %dma_start3A_325 = arith.constant 0 : i32
        %dma_start3A_326 = tpu.memref_slice %arg12[%sub3A_319, %dma_start3A_324, %dma_start3A_325] : memref<2x16x128xf32, #tpu.memory_space<vmem>> -> memref<1x16x128xf32, #tpu.memory_space<vmem>>
        %dma_start3A_327 = tpu.memref_squeeze %dma_start3A_326 : memref<1x16x128xf32, #tpu.memory_space<vmem>> -> memref<16x128xf32, #tpu.memory_space<vmem>>
        %dma_start3A_328 = arith.constant 0 : i32
        %dma_start3A_329 = arith.constant 0 : i32
        %dma_start3A_330 = tpu.memref_slice %arg2[%dma_start3A_328, %dma_start3A_329] : memref<10000x128xf32, #tpu.memory_space<hbm>> -> memref<10000x128xf32, #tpu.memory_space<hbm>>
        tpu.enqueue_indirect_dma source(%dma_start3A_330 : memref<10000x128xf32, #tpu.memory_space<hbm>>) target(%dma_start3A_327 : memref<16x128xf32, #tpu.memory_space<vmem>>) offsets(%get3A_323 : vector<16xi32>) semaphore(%arg13 : memref<!tpu.dma_semaphore, #tpu.memory_space<semaphore_mem>>)
      } else {
      }
      %mul3A_311 = arith.constant 16 : i32
      %mul3A_312 = arith.muli %while3A_278, %mul3A_311 : i32
      %get3A_313 = arith.index_cast %mul3A_312 : i32 to index
      %get3A_314 = tpu.vector_load %arg10[%get3A_313] {strides = array<i32>} : memref<10256xi32, #tpu.memory_space<vmem>>, vector<16xi32>,
      "tpu.region"() ({
        %run_scoped3A_316 = tpu.sem_alloc : memref<!tpu.dma_semaphore, #tpu.memory_space<semaphore_mem>>
        %dma_start3A_317 = arith.constant 0 : i32
        %dma_start3A_318 = arith.constant 0 : i32
        %dma_start3A_319 = tpu.memref_slice %arg12[%select_n3A_293, %dma_start3A_317, %dma_start3A_318] : memref<2x16x128xf32, #tpu.memory_space<vmem>> -> memref<1x16x128xf32, #tpu.memory_space<vmem>>
        %dma_start3A_320 = tpu.memref_squeeze %dma_start3A_319 : memref<1x16x128xf32, #tpu.memory_space<vmem>> -> memref<16x128xf32, #tpu.memory_space<vmem>>
        %dma_start3A_321 = arith.constant 0 : i32
        %dma_start3A_322 = arith.constant 0 : i32
        %dma_start3A_323 = tpu.memref_slice %arg14[%dma_start3A_321, %dma_start3A_322] : memref<10240x128xf32, #tpu.memory_space<vmem_shared>> -> memref<10240x128xf32, #tpu.memory_space<vmem_shared>>
        tpu.enqueue_indirect_dma source(%dma_start3A_320 : memref<16x128xf32, #tpu.memory_space<vmem>>) target(%dma_start3A_323 : memref<10240x128xf32, #tpu.memory_space<vmem_shared>>) offsets(%get3A_314 : vector<16xi32>) semaphore(%run_scoped3A_316 : memref<!tpu.dma_semaphore, #tpu.memory_space<semaphore_mem>>) {add = true}
        %dma_wait3A_324 = arith.constant 0 : i32
        %dma_wait3A_325 = arith.constant 0 : i32
        %dma_wait3A_326 = tpu.memref_slice %arg12[%select_n3A_293, %dma_wait3A_324, %dma_wait3A_325] : memref<2x16x128xf32, #tpu.memory_space<vmem>> -> memref<1x16x128xf32, #tpu.memory_space<vmem>>
        %dma_wait3A_327 = tpu.memref_squeeze %dma_wait3A_326 : memref<1x16x128xf32, #tpu.memory_space<vmem>> -> memref<16x128xf32, #tpu.memory_space<vmem>>
        %dma_wait3A_328 = arith.constant 0 : i32
        %dma_wait3A_329 = arith.constant 0 : i32
        %dma_wait3A_330 = tpu.memref_slice %arg14[%dma_wait3A_328, %dma_wait3A_329] : memref<10240x128xf32, #tpu.memory_space<vmem_shared>> -> memref<10240x128xf32, #tpu.memory_space<vmem_shared>>
        tpu.wait_indirect_dma semaphore(%run_scoped3A_316 : memref<!tpu.dma_semaphore, #tpu.memory_space<semaphore_mem>>) src(%dma_wait3A_327 : memref<16x128xf32, #tpu.memory_space<vmem>>) dst(%dma_wait3A_330 : memref<10240x128xf32, #tpu.memory_space<vmem_shared>>)
        tpu.yield
      }) : () -> ()
      %while3A_315 = arith.constant 0 : i32
      scf.yield %while3A_315 : i32
    }
    %while3A_268 = arith.constant 1 : i32
    %while3A_269 = scf.for %while3A_278 = %while3A_265 to %while3A_261 step %while3A_268 iter_args(%while3A_279 = %while3A_267) -> (i32)  : i32 {
      %jit3A_280 = arith.constant 2 : i32
      %eq3A = arith.constant 0 : i32
      %eq3A_281 = arith.cmpi eq, %jit3A_280, %eq3A : i32
      %jit3A_282 = arith.constant 1 : i32
      %select_n3A_283 = arith.select %eq3A_281, %jit3A_282, %jit3A_280 : i32
      %rem3A_284 = arith.remsi %while3A_278, %select_n3A_283 : i32
      %ne3A_285 = arith.constant 0 : i32
      %ne3A_286 = arith.cmpi ne, %rem3A_284, %ne3A_285 : i32
      %lt3A = arith.constant 0 : i32
      %lt3A_287 = arith.cmpi slt, %rem3A_284, %lt3A : i32
      %lt3A_288 = arith.constant 0 : i32
      %lt3A_289 = arith.cmpi slt, %select_n3A_283, %lt3A_288 : i32
      %ne3A_290 = arith.xori %lt3A_287, %lt3A_289 : i1
      %and3A_291 = arith.andi %ne3A_290, %ne3A_286 : i1
      %add3A_292 = arith.addi %rem3A_284, %select_n3A_283 : i32
      %select_n3A_293 = arith.select %and3A_291, %add3A_292, %rem3A_284 : i32
      %dma_wait3A = arith.constant 0 : i32
      %dma_wait3A_294 = arith.constant 0 : i32
      %dma_wait3A_295 = tpu.memref_slice %arg12[%select_n3A_293, %dma_wait3A, %dma_wait3A_294] : memref<2x16x128xf32, #tpu.memory_space<vmem>> -> memref<1x16x128xf32, #tpu.memory_space<vmem>>
      %dma_wait3A_296 = tpu.memref_squeeze %dma_wait3A_295 : memref<1x16x128xf32, #tpu.memory_space<vmem>> -> memref<16x128xf32, #tpu.memory_space<vmem>>
      %dma_wait3A_297 = arith.constant 0 : i32
      %dma_wait3A_298 = arith.constant 0 : i32
      %dma_wait3A_299 = tpu.memref_slice %arg2[%dma_wait3A_297, %dma_wait3A_298] : memref<10000x128xf32, #tpu.memory_space<hbm>> -> memref<16x128xf32, #tpu.memory_space<hbm>>
      %dma_wait3A_300 = arith.constant 0 : i32
      %dma_wait3A_301 = arith.constant 0 : i32
      %dma_wait3A_302 = tpu.memref_slice %arg12[%select_n3A_293, %dma_wait3A_300, %dma_wait3A_301] : memref<2x16x128xf32, #tpu.memory_space<vmem>> -> memref<1x16x128xf32, #tpu.memory_space<vmem>>
      %dma_wait3A_303 = tpu.memref_squeeze %dma_wait3A_302 : memref<1x16x128xf32, #tpu.memory_space<vmem>> -> memref<16x128xf32, #tpu.memory_space<vmem>>
      %dma_wait3A_304 = arith.constant 0 : i32
      %dma_wait3A_305 = arith.constant 0 : i32
      %dma_wait3A_306 = tpu.memref_slice %arg2[%dma_wait3A_304, %dma_wait3A_305] : memref<10000x128xf32, #tpu.memory_space<hbm>> -> memref<16x128xf32, #tpu.memory_space<hbm>>
      tpu.wait_dma2 semaphore(%arg13 : memref<!tpu.dma_semaphore, #tpu.memory_space<semaphore_mem>>) src(%dma_wait3A_306 : memref<16x128xf32, #tpu.memory_space<hbm>>) dst(%dma_wait3A_303 : memref<16x128xf32, #tpu.memory_space<vmem>>)
      %add3A_307 = arith.constant 1 : i32
      %add3A_308 = arith.addi %while3A_278, %add3A_307 : i32
      %lt3A_309 = arith.cmpi slt, %add3A_308, %max3A_250 : i32
      %convert_element_type3A = arith.extui %lt3A_309 : i1 to i32
      %cond3A = arith.constant 0 : i32
      %cond3A_310 = arith.cmpi ne, %convert_element_type3A, %cond3A : i32
      scf.if %cond3A_310 {
        %add3A_316 = arith.constant 1 : i32
        %add3A_317 = arith.addi %while3A_278, %add3A_316 : i32
        %sub3A_318 = arith.constant 1 : i32
        %sub3A_319 = arith.subi %sub3A_318, %select_n3A_293 : i32
        %mul3A_320 = arith.constant 16 : i32
        %mul3A_321 = arith.muli %add3A_317, %mul3A_320 : i32
        %get3A_322 = arith.index_cast %mul3A_321 : i32 to index
        %get3A_323 = tpu.vector_load %arg9[%get3A_322] {strides = array<i32>} : memref<10256xi32, #tpu.memory_space<vmem>>, vector<16xi32>,
        %dma_start3A_324 = arith.constant 0 : i32
        %dma_start3A_325 = arith.constant 0 : i32
        %dma_start3A_326 = tpu.memref_slice %arg12[%sub3A_319, %dma_start3A_324, %dma_start3A_325] : memref<2x16x128xf32, #tpu.memory_space<vmem>> -> memref<1x16x128xf32, #tpu.memory_space<vmem>>
        %dma_start3A_327 = tpu.memref_squeeze %dma_start3A_326 : memref<1x16x128xf32, #tpu.memory_space<vmem>> -> memref<16x128xf32, #tpu.memory_space<vmem>>
        %dma_start3A_328 = arith.constant 0 : i32
        %dma_start3A_329 = arith.constant 0 : i32
        %dma_start3A_330 = tpu.memref_slice %arg2[%dma_start3A_328, %dma_start3A_329] : memref<10000x128xf32, #tpu.memory_space<hbm>> -> memref<10000x128xf32, #tpu.memory_space<hbm>>
        tpu.enqueue_indirect_dma source(%dma_start3A_330 : memref<10000x128xf32, #tpu.memory_space<hbm>>) target(%dma_start3A_327 : memref<16x128xf32, #tpu.memory_space<vmem>>) offsets(%get3A_323 : vector<16xi32>) semaphore(%arg13 : memref<!tpu.dma_semaphore, #tpu.memory_space<semaphore_mem>>)
      } else {
      }
      %mul3A_311 = arith.constant 16 : i32
      %mul3A_312 = arith.muli %while3A_278, %mul3A_311 : i32
      %get3A_313 = arith.index_cast %mul3A_312 : i32 to index
      %get3A_314 = tpu.vector_load %arg10[%get3A_313] {strides = array<i32>} : memref<10256xi32, #tpu.memory_space<vmem>>, vector<16xi32>,
      "tpu.region"() ({
        %run_scoped3A_316 = tpu.sem_alloc : memref<!tpu.dma_semaphore, #tpu.memory_space<semaphore_mem>>
        %dma_start3A_317 = arith.constant 0 : i32
        %dma_start3A_318 = arith.constant 0 : i32
        %dma_start3A_319 = tpu.memref_slice %arg12[%select_n3A_293, %dma_start3A_317, %dma_start3A_318] : memref<2x16x128xf32, #tpu.memory_space<vmem>> -> memref<1x16x128xf32, #tpu.memory_space<vmem>>
        %dma_start3A_320 = tpu.memref_squeeze %dma_start3A_319 : memref<1x16x128xf32, #tpu.memory_space<vmem>> -> memref<16x128xf32, #tpu.memory_space<vmem>>
        %dma_start3A_321 = arith.constant 0 : i32
        %dma_start3A_322 = arith.constant 0 : i32
        %dma_start3A_323 = tpu.memref_slice %arg14[%dma_start3A_321, %dma_start3A_322] : memref<10240x128xf32, #tpu.memory_space<vmem_shared>> -> memref<10240x128xf32, #tpu.memory_space<vmem_shared>>
        tpu.enqueue_indirect_dma source(%dma_start3A_320 : memref<16x128xf32, #tpu.memory_space<vmem>>) target(%dma_start3A_323 : memref<10240x128xf32, #tpu.memory_space<vmem_shared>>) offsets(%get3A_314 : vector<16xi32>) semaphore(%run_scoped3A_316 : memref<!tpu.dma_semaphore, #tpu.memory_space<semaphore_mem>>) {add = true}
        %dma_wait3A_324 = arith.constant 0 : i32
        %dma_wait3A_325 = arith.constant 0 : i32
        %dma_wait3A_326 = tpu.memref_slice %arg12[%select_n3A_293, %dma_wait3A_324, %dma_wait3A_325] : memref<2x16x128xf32, #tpu.memory_space<vmem>> -> memref<1x16x128xf32, #tpu.memory_space<vmem>>
        %dma_wait3A_327 = tpu.memref_squeeze %dma_wait3A_326 : memref<1x16x128xf32, #tpu.memory_space<vmem>> -> memref<16x128xf32, #tpu.memory_space<vmem>>
        %dma_wait3A_328 = arith.constant 0 : i32
        %dma_wait3A_329 = arith.constant 0 : i32
        %dma_wait3A_330 = tpu.memref_slice %arg14[%dma_wait3A_328, %dma_wait3A_329] : memref<10240x128xf32, #tpu.memory_space<vmem_shared>> -> memref<10240x128xf32, #tpu.memory_space<vmem_shared>>
        tpu.wait_indirect_dma semaphore(%run_scoped3A_316 : memref<!tpu.dma_semaphore, #tpu.memory_space<semaphore_mem>>) src(%dma_wait3A_327 : memref<16x128xf32, #tpu.memory_space<vmem>>) dst(%dma_wait3A_330 : memref<10240x128xf32, #tpu.memory_space<vmem_shared>>)
        tpu.yield
      }) : () -> ()
      %while3A_315 = arith.constant 0 : i32
      scf.yield %while3A_315 : i32
    }
    %barrier3A_270 = arith.constant 0 : index
    tpu.barrier barrier_id(%barrier3A_270)
    %mul3A_271 = arith.constant 640 : i32
    %mul3A_272 = arith.muli %arg1, %mul3A_271 : i32
    %mul3A_273 = arith.constant 10240 : i32
    %mul3A_274 = arith.muli %arg0, %mul3A_273 : i32
    %mul3A_275 = arith.constant 640 : i32
    %mul3A_276 = arith.muli %arg1, %mul3A_275 : i32
    %add3A_277 = arith.addi %mul3A_274, %mul3A_276 : i32
    "tpu.region"() ({
      %run_scoped3A_278 = tpu.sem_alloc : memref<!tpu.dma_semaphore, #tpu.memory_space<semaphore_mem>>
      %dma_start3A_279 = arith.constant 0 : i32
      %dma_start3A_280 = tpu.memref_slice %arg6[%add3A_277, %dma_start3A_279] : memref<20480x128xf32, #tpu.memory_space<hbm>> -> memref<640x128xf32, #tpu.memory_space<hbm>>
      %dma_start3A_281 = arith.constant 0 : i32
      %dma_start3A_282 = tpu.memref_slice %arg14[%mul3A_272, %dma_start3A_281] : memref<10240x128xf32, #tpu.memory_space<vmem_shared>> -> memref<640x128xf32, #tpu.memory_space<vmem_shared>>
      tpu.enqueue_dma source(%dma_start3A_282 : memref<640x128xf32, #tpu.memory_space<vmem_shared>>) target(%dma_start3A_280 : memref<640x128xf32, #tpu.memory_space<hbm>>) target_semaphore(%run_scoped3A_278 : memref<!tpu.dma_semaphore, #tpu.memory_space<semaphore_mem>>)
      %dma_wait3A = arith.constant 0 : i32
      %dma_wait3A_283 = tpu.memref_slice %arg6[%add3A_277, %dma_wait3A] : memref<20480x128xf32, #tpu.memory_space<hbm>> -> memref<640x128xf32, #tpu.memory_space<hbm>>
      %dma_wait3A_284 = arith.constant 0 : i32
      %dma_wait3A_285 = tpu.memref_slice %arg14[%mul3A_272, %dma_wait3A_284] : memref<10240x128xf32, #tpu.memory_space<vmem_shared>> -> memref<640x128xf32, #tpu.memory_space<vmem_shared>>
      tpu.wait_dma2 semaphore(%run_scoped3A_278 : memref<!tpu.dma_semaphore, #tpu.memory_space<semaphore_mem>>) src(%dma_wait3A_285 : memref<640x128xf32, #tpu.memory_space<vmem_shared>>) dst(%dma_wait3A_283 : memref<640x128xf32, #tpu.memory_space<hbm>>)
      tpu.yield
    }) : () -> ()
    return
  }
}

#map = affine_map<(d0, d1) -> (0)>
module attributes {stable_mosaic.version = 14 : i64} {
  func.func @_deg_kernel(%arg0: i32, %arg1: i32, %arg2: memref<327680xi32, #tpu.memory_space<hbm>>, %arg3: memref<1024xi32, #tpu.memory_space<hbm>>, %arg4: memref<327680xf32, #tpu.memory_space<hbm>>, %arg5: memref<10240xf32, #tpu.memory_space<hbm>>, %arg6: memref<10240xi32, #tpu.memory_space<vmem>>, %arg7: memref<10240xf32, #tpu.memory_space<vmem>>, %arg8: memref<1024xi32, #tpu.memory_space<vmem>>) attributes {dimension_semantics = [#tpu.dimension_semantics<core_parallel>, #tpu.dimension_semantics<subcore_parallel>], iteration_bounds = array<i64: 2, 16>, scalar_prefetch = 0 : i64, scratch_operands = 3 : i64, tpu.core_type = #tpu.core_type<sc_vector_subcore>, window_params = [{transform_indices = #map}, {transform_indices = #map}, {transform_indices = #map}, {transform_indices = #map}]} {
    %mul3A = arith.constant 16 : i32
    %mul3A_0 = arith.muli %arg0, %mul3A : i32
    %add3A = arith.addi %mul3A_0, %arg1 : i32
    %mul3A_1 = arith.constant 80 : i32
    %mul3A_2 = arith.muli %add3A, %mul3A_1 : i32
    %mul3A_3 = arith.constant 128 : i32
    %mul3A_4 = arith.muli %mul3A_2, %mul3A_3 : i32
    "tpu.region"() ({
      %run_scoped3A = tpu.sem_alloc : memref<!tpu.dma_semaphore, #tpu.memory_space<semaphore_mem>>
      %dma_start3A = tpu.memref_slice %arg2[%mul3A_4] : memref<327680xi32, #tpu.memory_space<hbm>> -> memref<10240xi32, #tpu.memory_space<hbm>>
      %dma_start3A_25 = tpu.memref_slice %arg2[%mul3A_4] : memref<327680xi32, #tpu.memory_space<hbm>> -> memref<10240xi32, #tpu.memory_space<hbm>>
      tpu.enqueue_dma source(%dma_start3A_25 : memref<10240xi32, #tpu.memory_space<hbm>>) target(%arg6 : memref<10240xi32, #tpu.memory_space<vmem>>) target_semaphore(%run_scoped3A : memref<!tpu.dma_semaphore, #tpu.memory_space<semaphore_mem>>)
      %dma_wait3A = tpu.memref_slice %arg2[%mul3A_4] : memref<327680xi32, #tpu.memory_space<hbm>> -> memref<10240xi32, #tpu.memory_space<hbm>>
      %dma_wait3A_26 = tpu.memref_slice %arg2[%mul3A_4] : memref<327680xi32, #tpu.memory_space<hbm>> -> memref<10240xi32, #tpu.memory_space<hbm>>
      tpu.wait_dma2 semaphore(%run_scoped3A : memref<!tpu.dma_semaphore, #tpu.memory_space<semaphore_mem>>) src(%dma_wait3A_26 : memref<10240xi32, #tpu.memory_space<hbm>>) dst(%arg6 : memref<10240xi32, #tpu.memory_space<vmem>>)
      tpu.yield
    }) : () -> ()
    %broadcast_in_dim3A = arith.constant 0.000000e+00 : f32
    %broadcast_in_dim3A_5 = vector.broadcast %broadcast_in_dim3A : f32 to vector<16xf32>
    %scan3A = arith.constant 0 : i32
    %scan3A_6 = arith.constant 0 : i32
    %scan3A_7 = arith.constant 640 : i32
    %scan3A_8 = arith.addi %scan3A_6, %scan3A_7 : i32
    %scan3A_9 = arith.constant 1 : i32
    %scan3A_10 = scf.for %scan3A_25 = %scan3A_6 to %scan3A_8 step %scan3A_9 iter_args(%scan3A_26 = %scan3A) -> (i32)  : i32 {
      %mul3A_27 = arith.constant 16 : i32
      %mul3A_28 = arith.muli %scan3A_25, %mul3A_27 : i32
      %swap3A = arith.index_cast %mul3A_28 : i32 to index
      %swap3A_29 = tpu.vector_load %arg7[%swap3A] {strides = array<i32>} : memref<10240xf32, #tpu.memory_space<vmem>>, vector<16xf32>,
      tpu.vector_store %arg7[%swap3A], %broadcast_in_dim3A_5 {strides = array<i32>} : memref<10240xf32, #tpu.memory_space<vmem>>, vector<16xf32>,
      %scan3A_30 = arith.constant 0 : i32
      scf.yield %scan3A_30 : i32
    }
    %scan3A_11 = arith.constant 640 : i32
    %broadcast_in_dim3A_12 = arith.constant 1.000000e+00 : f32
    %broadcast_in_dim3A_13 = vector.broadcast %broadcast_in_dim3A_12 : f32 to vector<16xf32>
    %scan3A_14 = arith.constant 0 : i32
    %scan3A_15 = arith.constant 0 : i32
    %scan3A_16 = arith.constant 640 : i32
    %scan3A_17 = arith.addi %scan3A_15, %scan3A_16 : i32
    %scan3A_18 = arith.constant 1 : i32
    %scan3A_19 = scf.for %scan3A_25 = %scan3A_15 to %scan3A_17 step %scan3A_18 iter_args(%scan3A_26 = %scan3A_14) -> (i32)  : i32 {
      %mul3A_27 = arith.constant 16 : i32
      %mul3A_28 = arith.muli %scan3A_25, %mul3A_27 : i32
      %get3A = arith.index_cast %mul3A_28 : i32 to index
      %get3A_29 = tpu.vector_load %arg6[%get3A] {strides = array<i32>} : memref<10240xi32, #tpu.memory_space<vmem>>, vector<16xi32>,
      tpu.vector_store_idx %arg7[%get3A_29], %broadcast_in_dim3A_13 {add = true} : memref<10240xf32, #tpu.memory_space<vmem>>[vector<16xi32>], vector<16xf32>,
      %scan3A_30 = arith.constant 0 : i32
      scf.yield %scan3A_30 : i32
    }
    %scan3A_20 = arith.constant 640 : i32
    %mul3A_21 = arith.constant 10240 : i32
    %mul3A_22 = arith.muli %add3A, %mul3A_21 : i32
    "tpu.region"() ({
      %run_scoped3A = tpu.sem_alloc : memref<!tpu.dma_semaphore, #tpu.memory_space<semaphore_mem>>
      %dma_start3A = tpu.memref_slice %arg4[%mul3A_22] : memref<327680xf32, #tpu.memory_space<hbm>> -> memref<10240xf32, #tpu.memory_space<hbm>>
      %dma_start3A_25 = tpu.memref_slice %arg4[%mul3A_22] : memref<327680xf32, #tpu.memory_space<hbm>> -> memref<10240xf32, #tpu.memory_space<hbm>>
      tpu.enqueue_dma source(%arg7 : memref<10240xf32, #tpu.memory_space<vmem>>) target(%dma_start3A_25 : memref<10240xf32, #tpu.memory_space<hbm>>) target_semaphore(%run_scoped3A : memref<!tpu.dma_semaphore, #tpu.memory_space<semaphore_mem>>)
      %dma_wait3A = tpu.memref_slice %arg4[%mul3A_22] : memref<327680xf32, #tpu.memory_space<hbm>> -> memref<10240xf32, #tpu.memory_space<hbm>>
      %dma_wait3A_26 = tpu.memref_slice %arg4[%mul3A_22] : memref<327680xf32, #tpu.memory_space<hbm>> -> memref<10240xf32, #tpu.memory_space<hbm>>
      tpu.wait_dma2 semaphore(%run_scoped3A : memref<!tpu.dma_semaphore, #tpu.memory_space<semaphore_mem>>) src(%arg7 : memref<10240xf32, #tpu.memory_space<vmem>>) dst(%dma_wait3A_26 : memref<10240xf32, #tpu.memory_space<hbm>>)
      tpu.yield
    }) : () -> ()
    %eq3A = arith.constant 0 : i32
    %eq3A_23 = arith.cmpi eq, %add3A, %eq3A : i32
    %convert_element_type3A = arith.extui %eq3A_23 : i1 to i32
    %cond3A = arith.constant 0 : i32
    %cond3A_24 = arith.cmpi ne, %convert_element_type3A, %cond3A : i32
    scf.if %cond3A_24 {
      %scan3A_25 = arith.constant 0 : i32
      %scan3A_26 = arith.constant 0 : i32
      %scan3A_27 = arith.constant 640 : i32
      %scan3A_28 = arith.addi %scan3A_26, %scan3A_27 : i32
      %scan3A_29 = arith.constant 1 : i32
      %scan3A_30 = scf.for %scan3A_39 = %scan3A_26 to %scan3A_28 step %scan3A_29 iter_args(%scan3A_40 = %scan3A_25) -> (i32)  : i32 {
        %mul3A_41 = arith.constant 16 : i32
        %mul3A_42 = arith.muli %scan3A_39, %mul3A_41 : i32
        %swap3A = arith.index_cast %mul3A_42 : i32 to index
        %swap3A_43 = tpu.vector_load %arg7[%swap3A] {strides = array<i32>} : memref<10240xf32, #tpu.memory_space<vmem>>, vector<16xf32>,
        tpu.vector_store %arg7[%swap3A], %broadcast_in_dim3A_5 {strides = array<i32>} : memref<10240xf32, #tpu.memory_space<vmem>>, vector<16xf32>,
        %scan3A_44 = arith.constant 0 : i32
        scf.yield %scan3A_44 : i32
      }
      %scan3A_31 = arith.constant 640 : i32
      "tpu.region"() ({
        %run_scoped3A = tpu.sem_alloc : memref<!tpu.dma_semaphore, #tpu.memory_space<semaphore_mem>>
        tpu.enqueue_dma source(%arg3 : memref<1024xi32, #tpu.memory_space<hbm>>) target(%arg8 : memref<1024xi32, #tpu.memory_space<vmem>>) target_semaphore(%run_scoped3A : memref<!tpu.dma_semaphore, #tpu.memory_space<semaphore_mem>>)
        tpu.wait_dma2 semaphore(%run_scoped3A : memref<!tpu.dma_semaphore, #tpu.memory_space<semaphore_mem>>) src(%arg3 : memref<1024xi32, #tpu.memory_space<hbm>>) dst(%arg8 : memref<1024xi32, #tpu.memory_space<vmem>>)
        tpu.yield
      }) : () -> ()
      %scan3A_32 = arith.constant 0 : i32
      %scan3A_33 = arith.constant 0 : i32
      %scan3A_34 = arith.constant 64 : i32
      %scan3A_35 = arith.addi %scan3A_33, %scan3A_34 : i32
      %scan3A_36 = arith.constant 1 : i32
      %scan3A_37 = scf.for %scan3A_39 = %scan3A_33 to %scan3A_35 step %scan3A_36 iter_args(%scan3A_40 = %scan3A_32) -> (i32)  : i32 {
        %mul3A_41 = arith.constant 16 : i32
        %mul3A_42 = arith.muli %scan3A_39, %mul3A_41 : i32
        %get3A = arith.index_cast %mul3A_42 : i32 to index
        %get3A_43 = tpu.vector_load %arg8[%get3A] {strides = array<i32>} : memref<1024xi32, #tpu.memory_space<vmem>>, vector<16xi32>,
        tpu.vector_store_idx %arg7[%get3A_43], %broadcast_in_dim3A_13 : memref<10240xf32, #tpu.memory_space<vmem>>[vector<16xi32>], vector<16xf32>,
        %scan3A_44 = arith.constant 0 : i32
        scf.yield %scan3A_44 : i32
      }
      %scan3A_38 = arith.constant 64 : i32
      "tpu.region"() ({
        %run_scoped3A = tpu.sem_alloc : memref<!tpu.dma_semaphore, #tpu.memory_space<semaphore_mem>>
        %dma_start3A = arith.constant 0 : i32
        %dma_start3A_39 = tpu.memref_slice %arg7[%dma_start3A] : memref<10240xf32, #tpu.memory_space<vmem>> -> memref<10240xf32, #tpu.memory_space<vmem>>
        %dma_start3A_40 = arith.constant 0 : i32
        %dma_start3A_41 = tpu.memref_slice %arg7[%dma_start3A_40] : memref<10240xf32, #tpu.memory_space<vmem>> -> memref<10240xf32, #tpu.memory_space<vmem>>
        tpu.enqueue_dma source(%dma_start3A_41 : memref<10240xf32, #tpu.memory_space<vmem>>) target(%arg5 : memref<10240xf32, #tpu.memory_space<hbm>>) target_semaphore(%run_scoped3A : memref<!tpu.dma_semaphore, #tpu.memory_space<semaphore_mem>>)
        %dma_wait3A = arith.constant 0 : i32
        %dma_wait3A_42 = tpu.memref_slice %arg7[%dma_wait3A] : memref<10240xf32, #tpu.memory_space<vmem>> -> memref<10240xf32, #tpu.memory_space<vmem>>
        %dma_wait3A_43 = arith.constant 0 : i32
        %dma_wait3A_44 = tpu.memref_slice %arg7[%dma_wait3A_43] : memref<10240xf32, #tpu.memory_space<vmem>> -> memref<10240xf32, #tpu.memory_space<vmem>>
        tpu.wait_dma2 semaphore(%run_scoped3A : memref<!tpu.dma_semaphore, #tpu.memory_space<semaphore_mem>>) src(%dma_wait3A_44 : memref<10240xf32, #tpu.memory_space<vmem>>) dst(%arg5 : memref<10240xf32, #tpu.memory_space<hbm>>)
        tpu.yield
      }) : () -> ()
    } else {
    }
    return
  }
}

#map = affine_map<(d0, d1) -> (0, 0)>
module attributes {stable_mosaic.version = 14 : i64} {
  func.func @_scatter_kernel(%arg0: i32, %arg1: i32, %arg2: memref<10000x128xf32, #tpu.memory_space<hbm>>, %arg3: memref<2560x128xi32, #tpu.memory_space<hbm>>, %arg4: memref<2560x128xi32, #tpu.memory_space<hbm>>, %arg5: memref<20480x128xf32, #tpu.memory_space<hbm>>, %arg6: memref<80x128xi32, #tpu.memory_space<vmem>>, %arg7: memref<80x128xi32, #tpu.memory_space<vmem>>, %arg8: memref<6x32x128xf32, #tpu.memory_space<vmem>>, %arg9: memref<!tpu.dma_semaphore, #tpu.memory_space<semaphore_mem>>, %arg10: memref<10240x128xf32, #tpu.memory_space<vmem_shared>>) attributes {dimension_semantics = [#tpu.dimension_semantics<core_parallel>, #tpu.dimension_semantics<subcore_parallel>], iteration_bounds = array<i64: 2, 16>, scalar_prefetch = 0 : i64, scratch_operands = 5 : i64, tpu.core_type = #tpu.core_type<sc_vector_subcore>, window_params = [{transform_indices = #map}, {transform_indices = #map}, {transform_indices = #map}, {transform_indices = #map}]} {
    %mul3A = arith.constant 16 : i32
    %mul3A_0 = arith.muli %arg0, %mul3A : i32
    %add3A = arith.addi %mul3A_0, %arg1 : i32
    %broadcast_in_dim3A = arith.constant 0.000000e+00 : f32
    %broadcast_in_dim3A_1 = vector.broadcast %broadcast_in_dim3A : f32 to vector<16xf32>
    %scan3A = arith.constant 0 : i32
    %scan3A_2 = arith.constant 0 : i32
    %scan3A_3 = arith.constant 256 : i32
    %scan3A_4 = arith.addi %scan3A_2, %scan3A_3 : i32
    %scan3A_5 = arith.constant 1 : i32
    %scan3A_6 = scf.for %scan3A_173 = %scan3A_2 to %scan3A_4 step %scan3A_5 iter_args(%scan3A_174 = %scan3A) -> (i32)  : i32 {
      %jit3A = arith.constant 8 : i32
      %div3A = arith.divsi %scan3A_173, %jit3A : i32
      %sign3A = arith.constant 0 : i32
      %sign3A_175 = arith.cmpi sgt, %scan3A_173, %sign3A : i32
      %sign3A_176 = arith.extui %sign3A_175 : i1 to i32
      %sign3A_177 = arith.constant 0 : i32
      %sign3A_178 = arith.cmpi slt, %scan3A_173, %sign3A_177 : i32
      %sign3A_179 = arith.extui %sign3A_178 : i1 to i32
      %sign3A_180 = arith.subi %sign3A_176, %sign3A_179 : i32
      %sign3A_181 = arith.constant 0 : i32
      %sign3A_182 = arith.cmpi sgt, %jit3A, %sign3A_181 : i32
      %sign3A_183 = arith.extui %sign3A_182 : i1 to i32
      %sign3A_184 = arith.constant 0 : i32
      %sign3A_185 = arith.cmpi slt, %jit3A, %sign3A_184 : i32
      %sign3A_186 = arith.extui %sign3A_185 : i1 to i32
      %sign3A_187 = arith.subi %sign3A_183, %sign3A_186 : i32
      %ne3A = arith.cmpi ne, %sign3A_180, %sign3A_187 : i32
      %rem3A = arith.remsi %scan3A_173, %jit3A : i32
      %ne3A_188 = arith.constant 0 : i32
      %ne3A_189 = arith.cmpi ne, %rem3A, %ne3A_188 : i32
      %and3A = arith.andi %ne3A, %ne3A_189 : i1
      %sub3A = arith.constant 1 : i32
      %sub3A_190 = arith.subi %div3A, %sub3A : i32
      %select_n3A = arith.select %and3A, %sub3A_190, %div3A : i32
      %jit3A_191 = arith.constant 8 : i32
      %eq3A = arith.constant 0 : i32
      %eq3A_192 = arith.cmpi eq, %jit3A_191, %eq3A : i32
      %jit3A_193 = arith.constant 1 : i32
      %select_n3A_194 = arith.select %eq3A_192, %jit3A_193, %jit3A_191 : i32
      %rem3A_195 = arith.remsi %scan3A_173, %select_n3A_194 : i32
      %ne3A_196 = arith.constant 0 : i32
      %ne3A_197 = arith.cmpi ne, %rem3A_195, %ne3A_196 : i32
      %lt3A = arith.constant 0 : i32
      %lt3A_198 = arith.cmpi slt, %rem3A_195, %lt3A : i32
      %lt3A_199 = arith.constant 0 : i32
      %lt3A_200 = arith.cmpi slt, %select_n3A_194, %lt3A_199 : i32
      %ne3A_201 = arith.xori %lt3A_198, %lt3A_200 : i1
      %and3A_202 = arith.andi %ne3A_201, %ne3A_197 : i1
      %add3A_203 = arith.addi %rem3A_195, %select_n3A_194 : i32
      %select_n3A_204 = arith.select %and3A_202, %add3A_203, %rem3A_195 : i32
      %mul3A_205 = arith.constant 16 : i32
      %mul3A_206 = arith.muli %select_n3A_204, %mul3A_205 : i32
      %swap3A = arith.constant 0 : i32
      %swap3A_207 = arith.index_cast %swap3A : i32 to index
      %swap3A_208 = arith.index_cast %select_n3A : i32 to index
      %swap3A_209 = arith.index_cast %mul3A_206 : i32 to index
      %swap3A_210 = tpu.vector_load %arg8[%swap3A_207, %swap3A_208, %swap3A_209] {strides = array<i32>} : memref<6x32x128xf32, #tpu.memory_space<vmem>>, vector<16xf32>,
      tpu.vector_store %arg8[%swap3A_207, %swap3A_208, %swap3A_209], %broadcast_in_dim3A_1 {strides = array<i32>} : memref<6x32x128xf32, #tpu.memory_space<vmem>>, vector<16xf32>,
      %scan3A_211 = arith.constant 0 : i32
      scf.yield %scan3A_211 : i32
    }
    %scan3A_7 = arith.constant 256 : i32
    %mul3A_8 = arith.constant 640 : i32
    %mul3A_9 = arith.muli %arg1, %mul3A_8 : i32
    %add3A_10 = arith.constant 0 : i32
    %add3A_11 = arith.addi %mul3A_9, %add3A_10 : i32
    %run_scoped3A = arith.constant 0 : i32
    "tpu.region"() ({
      %run_scoped3A_173 = tpu.sem_alloc : memref<!tpu.dma_semaphore, #tpu.memory_space<semaphore_mem>>
      %dma_start3A_174 = arith.constant 0 : i32
      %dma_start3A_175 = arith.constant 0 : i32
      %dma_start3A_176 = tpu.memref_slice %arg8[%run_scoped3A, %dma_start3A_174, %dma_start3A_175] : memref<6x32x128xf32, #tpu.memory_space<vmem>> -> memref<1x32x128xf32, #tpu.memory_space<vmem>>
      %dma_start3A_177 = tpu.memref_squeeze %dma_start3A_176 : memref<1x32x128xf32, #tpu.memory_space<vmem>> -> memref<32x128xf32, #tpu.memory_space<vmem>>
      %dma_start3A_178 = arith.constant 0 : i32
      %dma_start3A_179 = tpu.memref_slice %arg10[%add3A_11, %dma_start3A_178] : memref<10240x128xf32, #tpu.memory_space<vmem_shared>> -> memref<32x128xf32, #tpu.memory_space<vmem_shared>>
      %dma_start3A_180 = arith.constant 0 : i32
      %dma_start3A_181 = tpu.memref_slice %arg10[%add3A_11, %dma_start3A_180] : memref<10240x128xf32, #tpu.memory_space<vmem_shared>> -> memref<32x128xf32, #tpu.memory_space<vmem_shared>>
      %dma_start3A_182 = arith.constant 0 : i32
      %dma_start3A_183 = arith.constant 0 : i32
      %dma_start3A_184 = tpu.memref_slice %arg8[%run_scoped3A, %dma_start3A_182, %dma_start3A_183] : memref<6x32x128xf32, #tpu.memory_space<vmem>> -> memref<1x32x128xf32, #tpu.memory_space<vmem>>
      %dma_start3A_185 = tpu.memref_squeeze %dma_start3A_184 : memref<1x32x128xf32, #tpu.memory_space<vmem>> -> memref<32x128xf32, #tpu.memory_space<vmem>>
      tpu.enqueue_dma source(%dma_start3A_185 : memref<32x128xf32, #tpu.memory_space<vmem>>) target(%dma_start3A_181 : memref<32x128xf32, #tpu.memory_space<vmem_shared>>) target_semaphore(%run_scoped3A_173 : memref<!tpu.dma_semaphore, #tpu.memory_space<semaphore_mem>>)
      %dma_wait3A = arith.constant 0 : i32
      %dma_wait3A_186 = arith.constant 0 : i32
      %dma_wait3A_187 = tpu.memref_slice %arg8[%run_scoped3A, %dma_wait3A, %dma_wait3A_186] : memref<6x32x128xf32, #tpu.memory_space<vmem>> -> memref<1x32x128xf32, #tpu.memory_space<vmem>>
      %dma_wait3A_188 = tpu.memref_squeeze %dma_wait3A_187 : memref<1x32x128xf32, #tpu.memory_space<vmem>> -> memref<32x128xf32, #tpu.memory_space<vmem>>
      %dma_wait3A_189 = arith.constant 0 : i32
      %dma_wait3A_190 = tpu.memref_slice %arg10[%add3A_11, %dma_wait3A_189] : memref<10240x128xf32, #tpu.memory_space<vmem_shared>> -> memref<32x128xf32, #tpu.memory_space<vmem_shared>>
      %dma_wait3A_191 = arith.constant 0 : i32
      %dma_wait3A_192 = tpu.memref_slice %arg10[%add3A_11, %dma_wait3A_191] : memref<10240x128xf32, #tpu.memory_space<vmem_shared>> -> memref<32x128xf32, #tpu.memory_space<vmem_shared>>
      %dma_wait3A_193 = arith.constant 0 : i32
      %dma_wait3A_194 = arith.constant 0 : i32
      %dma_wait3A_195 = tpu.memref_slice %arg8[%run_scoped3A, %dma_wait3A_193, %dma_wait3A_194] : memref<6x32x128xf32, #tpu.memory_space<vmem>> -> memref<1x32x128xf32, #tpu.memory_space<vmem>>
      %dma_wait3A_196 = tpu.memref_squeeze %dma_wait3A_195 : memref<1x32x128xf32, #tpu.memory_space<vmem>> -> memref<32x128xf32, #tpu.memory_space<vmem>>
      tpu.wait_dma2 semaphore(%run_scoped3A_173 : memref<!tpu.dma_semaphore, #tpu.memory_space<semaphore_mem>>) src(%dma_wait3A_196 : memref<32x128xf32, #tpu.memory_space<vmem>>) dst(%dma_wait3A_192 : memref<32x128xf32, #tpu.memory_space<vmem_shared>>)
      tpu.yield
    }) : () -> ()
    %mul3A_12 = arith.constant 640 : i32
    %mul3A_13 = arith.muli %arg1, %mul3A_12 : i32
    %add3A_14 = arith.constant 32 : i32
    %add3A_15 = arith.addi %mul3A_13, %add3A_14 : i32
    %run_scoped3A_16 = arith.constant 0 : i32
    "tpu.region"() ({
      %run_scoped3A_173 = tpu.sem_alloc : memref<!tpu.dma_semaphore, #tpu.memory_space<semaphore_mem>>
      %dma_start3A_174 = arith.constant 0 : i32
      %dma_start3A_175 = arith.constant 0 : i32
      %dma_start3A_176 = tpu.memref_slice %arg8[%run_scoped3A_16, %dma_start3A_174, %dma_start3A_175] : memref<6x32x128xf32, #tpu.memory_space<vmem>> -> memref<1x32x128xf32, #tpu.memory_space<vmem>>
      %dma_start3A_177 = tpu.memref_squeeze %dma_start3A_176 : memref<1x32x128xf32, #tpu.memory_space<vmem>> -> memref<32x128xf32, #tpu.memory_space<vmem>>
      %dma_start3A_178 = arith.constant 0 : i32
      %dma_start3A_179 = tpu.memref_slice %arg10[%add3A_15, %dma_start3A_178] : memref<10240x128xf32, #tpu.memory_space<vmem_shared>> -> memref<32x128xf32, #tpu.memory_space<vmem_shared>>
      %dma_start3A_180 = arith.constant 0 : i32
      %dma_start3A_181 = tpu.memref_slice %arg10[%add3A_15, %dma_start3A_180] : memref<10240x128xf32, #tpu.memory_space<vmem_shared>> -> memref<32x128xf32, #tpu.memory_space<vmem_shared>>
      %dma_start3A_182 = arith.constant 0 : i32
      %dma_start3A_183 = arith.constant 0 : i32
      %dma_start3A_184 = tpu.memref_slice %arg8[%run_scoped3A_16, %dma_start3A_182, %dma_start3A_183] : memref<6x32x128xf32, #tpu.memory_space<vmem>> -> memref<1x32x128xf32, #tpu.memory_space<vmem>>
      %dma_start3A_185 = tpu.memref_squeeze %dma_start3A_184 : memref<1x32x128xf32, #tpu.memory_space<vmem>> -> memref<32x128xf32, #tpu.memory_space<vmem>>
      tpu.enqueue_dma source(%dma_start3A_185 : memref<32x128xf32, #tpu.memory_space<vmem>>) target(%dma_start3A_181 : memref<32x128xf32, #tpu.memory_space<vmem_shared>>) target_semaphore(%run_scoped3A_173 : memref<!tpu.dma_semaphore, #tpu.memory_space<semaphore_mem>>)
      %dma_wait3A = arith.constant 0 : i32
      %dma_wait3A_186 = arith.constant 0 : i32
      %dma_wait3A_187 = tpu.memref_slice %arg8[%run_scoped3A_16, %dma_wait3A, %dma_wait3A_186] : memref<6x32x128xf32, #tpu.memory_space<vmem>> -> memref<1x32x128xf32, #tpu.memory_space<vmem>>
      %dma_wait3A_188 = tpu.memref_squeeze %dma_wait3A_187 : memref<1x32x128xf32, #tpu.memory_space<vmem>> -> memref<32x128xf32, #tpu.memory_space<vmem>>
      %dma_wait3A_189 = arith.constant 0 : i32
      %dma_wait3A_190 = tpu.memref_slice %arg10[%add3A_15, %dma_wait3A_189] : memref<10240x128xf32, #tpu.memory_space<vmem_shared>> -> memref<32x128xf32, #tpu.memory_space<vmem_shared>>
      %dma_wait3A_191 = arith.constant 0 : i32
      %dma_wait3A_192 = tpu.memref_slice %arg10[%add3A_15, %dma_wait3A_191] : memref<10240x128xf32, #tpu.memory_space<vmem_shared>> -> memref<32x128xf32, #tpu.memory_space<vmem_shared>>
      %dma_wait3A_193 = arith.constant 0 : i32
      %dma_wait3A_194 = arith.constant 0 : i32
      %dma_wait3A_195 = tpu.memref_slice %arg8[%run_scoped3A_16, %dma_wait3A_193, %dma_wait3A_194] : memref<6x32x128xf32, #tpu.memory_space<vmem>> -> memref<1x32x128xf32, #tpu.memory_space<vmem>>
      %dma_wait3A_196 = tpu.memref_squeeze %dma_wait3A_195 : memref<1x32x128xf32, #tpu.memory_space<vmem>> -> memref<32x128xf32, #tpu.memory_space<vmem>>
      tpu.wait_dma2 semaphore(%run_scoped3A_173 : memref<!tpu.dma_semaphore, #tpu.memory_space<semaphore_mem>>) src(%dma_wait3A_196 : memref<32x128xf32, #tpu.memory_space<vmem>>) dst(%dma_wait3A_192 : memref<32x128xf32, #tpu.memory_space<vmem_shared>>)
      tpu.yield
    }) : () -> ()
    %mul3A_17 = arith.constant 640 : i32
    %mul3A_18 = arith.muli %arg1, %mul3A_17 : i32
    %add3A_19 = arith.constant 64 : i32
    %add3A_20 = arith.addi %mul3A_18, %add3A_19 : i32
    %run_scoped3A_21 = arith.constant 0 : i32
    "tpu.region"() ({
      %run_scoped3A_173 = tpu.sem_alloc : memref<!tpu.dma_semaphore, #tpu.memory_space<semaphore_mem>>
      %dma_start3A_174 = arith.constant 0 : i32
      %dma_start3A_175 = arith.constant 0 : i32
      %dma_start3A_176 = tpu.memref_slice %arg8[%run_scoped3A_21, %dma_start3A_174, %dma_start3A_175] : memref<6x32x128xf32, #tpu.memory_space<vmem>> -> memref<1x32x128xf32, #tpu.memory_space<vmem>>
      %dma_start3A_177 = tpu.memref_squeeze %dma_start3A_176 : memref<1x32x128xf32, #tpu.memory_space<vmem>> -> memref<32x128xf32, #tpu.memory_space<vmem>>
      %dma_start3A_178 = arith.constant 0 : i32
      %dma_start3A_179 = tpu.memref_slice %arg10[%add3A_20, %dma_start3A_178] : memref<10240x128xf32, #tpu.memory_space<vmem_shared>> -> memref<32x128xf32, #tpu.memory_space<vmem_shared>>
      %dma_start3A_180 = arith.constant 0 : i32
      %dma_start3A_181 = tpu.memref_slice %arg10[%add3A_20, %dma_start3A_180] : memref<10240x128xf32, #tpu.memory_space<vmem_shared>> -> memref<32x128xf32, #tpu.memory_space<vmem_shared>>
      %dma_start3A_182 = arith.constant 0 : i32
      %dma_start3A_183 = arith.constant 0 : i32
      %dma_start3A_184 = tpu.memref_slice %arg8[%run_scoped3A_21, %dma_start3A_182, %dma_start3A_183] : memref<6x32x128xf32, #tpu.memory_space<vmem>> -> memref<1x32x128xf32, #tpu.memory_space<vmem>>
      %dma_start3A_185 = tpu.memref_squeeze %dma_start3A_184 : memref<1x32x128xf32, #tpu.memory_space<vmem>> -> memref<32x128xf32, #tpu.memory_space<vmem>>
      tpu.enqueue_dma source(%dma_start3A_185 : memref<32x128xf32, #tpu.memory_space<vmem>>) target(%dma_start3A_181 : memref<32x128xf32, #tpu.memory_space<vmem_shared>>) target_semaphore(%run_scoped3A_173 : memref<!tpu.dma_semaphore, #tpu.memory_space<semaphore_mem>>)
      %dma_wait3A = arith.constant 0 : i32
      %dma_wait3A_186 = arith.constant 0 : i32
      %dma_wait3A_187 = tpu.memref_slice %arg8[%run_scoped3A_21, %dma_wait3A, %dma_wait3A_186] : memref<6x32x128xf32, #tpu.memory_space<vmem>> -> memref<1x32x128xf32, #tpu.memory_space<vmem>>
      %dma_wait3A_188 = tpu.memref_squeeze %dma_wait3A_187 : memref<1x32x128xf32, #tpu.memory_space<vmem>> -> memref<32x128xf32, #tpu.memory_space<vmem>>
      %dma_wait3A_189 = arith.constant 0 : i32
      %dma_wait3A_190 = tpu.memref_slice %arg10[%add3A_20, %dma_wait3A_189] : memref<10240x128xf32, #tpu.memory_space<vmem_shared>> -> memref<32x128xf32, #tpu.memory_space<vmem_shared>>
      %dma_wait3A_191 = arith.constant 0 : i32
      %dma_wait3A_192 = tpu.memref_slice %arg10[%add3A_20, %dma_wait3A_191] : memref<10240x128xf32, #tpu.memory_space<vmem_shared>> -> memref<32x128xf32, #tpu.memory_space<vmem_shared>>
      %dma_wait3A_193 = arith.constant 0 : i32
      %dma_wait3A_194 = arith.constant 0 : i32
      %dma_wait3A_195 = tpu.memref_slice %arg8[%run_scoped3A_21, %dma_wait3A_193, %dma_wait3A_194] : memref<6x32x128xf32, #tpu.memory_space<vmem>> -> memref<1x32x128xf32, #tpu.memory_space<vmem>>
      %dma_wait3A_196 = tpu.memref_squeeze %dma_wait3A_195 : memref<1x32x128xf32, #tpu.memory_space<vmem>> -> memref<32x128xf32, #tpu.memory_space<vmem>>
      tpu.wait_dma2 semaphore(%run_scoped3A_173 : memref<!tpu.dma_semaphore, #tpu.memory_space<semaphore_mem>>) src(%dma_wait3A_196 : memref<32x128xf32, #tpu.memory_space<vmem>>) dst(%dma_wait3A_192 : memref<32x128xf32, #tpu.memory_space<vmem_shared>>)
      tpu.yield
    }) : () -> ()
    %mul3A_22 = arith.constant 640 : i32
    %mul3A_23 = arith.muli %arg1, %mul3A_22 : i32
    %add3A_24 = arith.constant 96 : i32
    %add3A_25 = arith.addi %mul3A_23, %add3A_24 : i32
    %run_scoped3A_26 = arith.constant 0 : i32
    "tpu.region"() ({
      %run_scoped3A_173 = tpu.sem_alloc : memref<!tpu.dma_semaphore, #tpu.memory_space<semaphore_mem>>
      %dma_start3A_174 = arith.constant 0 : i32
      %dma_start3A_175 = arith.constant 0 : i32
      %dma_start3A_176 = tpu.memref_slice %arg8[%run_scoped3A_26, %dma_start3A_174, %dma_start3A_175] : memref<6x32x128xf32, #tpu.memory_space<vmem>> -> memref<1x32x128xf32, #tpu.memory_space<vmem>>
      %dma_start3A_177 = tpu.memref_squeeze %dma_start3A_176 : memref<1x32x128xf32, #tpu.memory_space<vmem>> -> memref<32x128xf32, #tpu.memory_space<vmem>>
      %dma_start3A_178 = arith.constant 0 : i32
      %dma_start3A_179 = tpu.memref_slice %arg10[%add3A_25, %dma_start3A_178] : memref<10240x128xf32, #tpu.memory_space<vmem_shared>> -> memref<32x128xf32, #tpu.memory_space<vmem_shared>>
      %dma_start3A_180 = arith.constant 0 : i32
      %dma_start3A_181 = tpu.memref_slice %arg10[%add3A_25, %dma_start3A_180] : memref<10240x128xf32, #tpu.memory_space<vmem_shared>> -> memref<32x128xf32, #tpu.memory_space<vmem_shared>>
      %dma_start3A_182 = arith.constant 0 : i32
      %dma_start3A_183 = arith.constant 0 : i32
      %dma_start3A_184 = tpu.memref_slice %arg8[%run_scoped3A_26, %dma_start3A_182, %dma_start3A_183] : memref<6x32x128xf32, #tpu.memory_space<vmem>> -> memref<1x32x128xf32, #tpu.memory_space<vmem>>
      %dma_start3A_185 = tpu.memref_squeeze %dma_start3A_184 : memref<1x32x128xf32, #tpu.memory_space<vmem>> -> memref<32x128xf32, #tpu.memory_space<vmem>>
      tpu.enqueue_dma source(%dma_start3A_185 : memref<32x128xf32, #tpu.memory_space<vmem>>) target(%dma_start3A_181 : memref<32x128xf32, #tpu.memory_space<vmem_shared>>) target_semaphore(%run_scoped3A_173 : memref<!tpu.dma_semaphore, #tpu.memory_space<semaphore_mem>>)
      %dma_wait3A = arith.constant 0 : i32
      %dma_wait3A_186 = arith.constant 0 : i32
      %dma_wait3A_187 = tpu.memref_slice %arg8[%run_scoped3A_26, %dma_wait3A, %dma_wait3A_186] : memref<6x32x128xf32, #tpu.memory_space<vmem>> -> memref<1x32x128xf32, #tpu.memory_space<vmem>>
      %dma_wait3A_188 = tpu.memref_squeeze %dma_wait3A_187 : memref<1x32x128xf32, #tpu.memory_space<vmem>> -> memref<32x128xf32, #tpu.memory_space<vmem>>
      %dma_wait3A_189 = arith.constant 0 : i32
      %dma_wait3A_190 = tpu.memref_slice %arg10[%add3A_25, %dma_wait3A_189] : memref<10240x128xf32, #tpu.memory_space<vmem_shared>> -> memref<32x128xf32, #tpu.memory_space<vmem_shared>>
      %dma_wait3A_191 = arith.constant 0 : i32
      %dma_wait3A_192 = tpu.memref_slice %arg10[%add3A_25, %dma_wait3A_191] : memref<10240x128xf32, #tpu.memory_space<vmem_shared>> -> memref<32x128xf32, #tpu.memory_space<vmem_shared>>
      %dma_wait3A_193 = arith.constant 0 : i32
      %dma_wait3A_194 = arith.constant 0 : i32
      %dma_wait3A_195 = tpu.memref_slice %arg8[%run_scoped3A_26, %dma_wait3A_193, %dma_wait3A_194] : memref<6x32x128xf32, #tpu.memory_space<vmem>> -> memref<1x32x128xf32, #tpu.memory_space<vmem>>
      %dma_wait3A_196 = tpu.memref_squeeze %dma_wait3A_195 : memref<1x32x128xf32, #tpu.memory_space<vmem>> -> memref<32x128xf32, #tpu.memory_space<vmem>>
      tpu.wait_dma2 semaphore(%run_scoped3A_173 : memref<!tpu.dma_semaphore, #tpu.memory_space<semaphore_mem>>) src(%dma_wait3A_196 : memref<32x128xf32, #tpu.memory_space<vmem>>) dst(%dma_wait3A_192 : memref<32x128xf32, #tpu.memory_space<vmem_shared>>)
      tpu.yield
    }) : () -> ()
    %mul3A_27 = arith.constant 640 : i32
    %mul3A_28 = arith.muli %arg1, %mul3A_27 : i32
    %add3A_29 = arith.constant 128 : i32
    %add3A_30 = arith.addi %mul3A_28, %add3A_29 : i32
    %run_scoped3A_31 = arith.constant 0 : i32
    "tpu.region"() ({
      %run_scoped3A_173 = tpu.sem_alloc : memref<!tpu.dma_semaphore, #tpu.memory_space<semaphore_mem>>
      %dma_start3A_174 = arith.constant 0 : i32
      %dma_start3A_175 = arith.constant 0 : i32
      %dma_start3A_176 = tpu.memref_slice %arg8[%run_scoped3A_31, %dma_start3A_174, %dma_start3A_175] : memref<6x32x128xf32, #tpu.memory_space<vmem>> -> memref<1x32x128xf32, #tpu.memory_space<vmem>>
      %dma_start3A_177 = tpu.memref_squeeze %dma_start3A_176 : memref<1x32x128xf32, #tpu.memory_space<vmem>> -> memref<32x128xf32, #tpu.memory_space<vmem>>
      %dma_start3A_178 = arith.constant 0 : i32
      %dma_start3A_179 = tpu.memref_slice %arg10[%add3A_30, %dma_start3A_178] : memref<10240x128xf32, #tpu.memory_space<vmem_shared>> -> memref<32x128xf32, #tpu.memory_space<vmem_shared>>
      %dma_start3A_180 = arith.constant 0 : i32
      %dma_start3A_181 = tpu.memref_slice %arg10[%add3A_30, %dma_start3A_180] : memref<10240x128xf32, #tpu.memory_space<vmem_shared>> -> memref<32x128xf32, #tpu.memory_space<vmem_shared>>
      %dma_start3A_182 = arith.constant 0 : i32
      %dma_start3A_183 = arith.constant 0 : i32
      %dma_start3A_184 = tpu.memref_slice %arg8[%run_scoped3A_31, %dma_start3A_182, %dma_start3A_183] : memref<6x32x128xf32, #tpu.memory_space<vmem>> -> memref<1x32x128xf32, #tpu.memory_space<vmem>>
      %dma_start3A_185 = tpu.memref_squeeze %dma_start3A_184 : memref<1x32x128xf32, #tpu.memory_space<vmem>> -> memref<32x128xf32, #tpu.memory_space<vmem>>
      tpu.enqueue_dma source(%dma_start3A_185 : memref<32x128xf32, #tpu.memory_space<vmem>>) target(%dma_start3A_181 : memref<32x128xf32, #tpu.memory_space<vmem_shared>>) target_semaphore(%run_scoped3A_173 : memref<!tpu.dma_semaphore, #tpu.memory_space<semaphore_mem>>)
      %dma_wait3A = arith.constant 0 : i32
      %dma_wait3A_186 = arith.constant 0 : i32
      %dma_wait3A_187 = tpu.memref_slice %arg8[%run_scoped3A_31, %dma_wait3A, %dma_wait3A_186] : memref<6x32x128xf32, #tpu.memory_space<vmem>> -> memref<1x32x128xf32, #tpu.memory_space<vmem>>
      %dma_wait3A_188 = tpu.memref_squeeze %dma_wait3A_187 : memref<1x32x128xf32, #tpu.memory_space<vmem>> -> memref<32x128xf32, #tpu.memory_space<vmem>>
      %dma_wait3A_189 = arith.constant 0 : i32
      %dma_wait3A_190 = tpu.memref_slice %arg10[%add3A_30, %dma_wait3A_189] : memref<10240x128xf32, #tpu.memory_space<vmem_shared>> -> memref<32x128xf32, #tpu.memory_space<vmem_shared>>
      %dma_wait3A_191 = arith.constant 0 : i32
      %dma_wait3A_192 = tpu.memref_slice %arg10[%add3A_30, %dma_wait3A_191] : memref<10240x128xf32, #tpu.memory_space<vmem_shared>> -> memref<32x128xf32, #tpu.memory_space<vmem_shared>>
      %dma_wait3A_193 = arith.constant 0 : i32
      %dma_wait3A_194 = arith.constant 0 : i32
      %dma_wait3A_195 = tpu.memref_slice %arg8[%run_scoped3A_31, %dma_wait3A_193, %dma_wait3A_194] : memref<6x32x128xf32, #tpu.memory_space<vmem>> -> memref<1x32x128xf32, #tpu.memory_space<vmem>>
      %dma_wait3A_196 = tpu.memref_squeeze %dma_wait3A_195 : memref<1x32x128xf32, #tpu.memory_space<vmem>> -> memref<32x128xf32, #tpu.memory_space<vmem>>
      tpu.wait_dma2 semaphore(%run_scoped3A_173 : memref<!tpu.dma_semaphore, #tpu.memory_space<semaphore_mem>>) src(%dma_wait3A_196 : memref<32x128xf32, #tpu.memory_space<vmem>>) dst(%dma_wait3A_192 : memref<32x128xf32, #tpu.memory_space<vmem_shared>>)
      tpu.yield
    }) : () -> ()
    %mul3A_32 = arith.constant 640 : i32
    %mul3A_33 = arith.muli %arg1, %mul3A_32 : i32
    %add3A_34 = arith.constant 160 : i32
    %add3A_35 = arith.addi %mul3A_33, %add3A_34 : i32
    %run_scoped3A_36 = arith.constant 0 : i32
    "tpu.region"() ({
      %run_scoped3A_173 = tpu.sem_alloc : memref<!tpu.dma_semaphore, #tpu.memory_space<semaphore_mem>>
      %dma_start3A_174 = arith.constant 0 : i32
      %dma_start3A_175 = arith.constant 0 : i32
      %dma_start3A_176 = tpu.memref_slice %arg8[%run_scoped3A_36, %dma_start3A_174, %dma_start3A_175] : memref<6x32x128xf32, #tpu.memory_space<vmem>> -> memref<1x32x128xf32, #tpu.memory_space<vmem>>
      %dma_start3A_177 = tpu.memref_squeeze %dma_start3A_176 : memref<1x32x128xf32, #tpu.memory_space<vmem>> -> memref<32x128xf32, #tpu.memory_space<vmem>>
      %dma_start3A_178 = arith.constant 0 : i32
      %dma_start3A_179 = tpu.memref_slice %arg10[%add3A_35, %dma_start3A_178] : memref<10240x128xf32, #tpu.memory_space<vmem_shared>> -> memref<32x128xf32, #tpu.memory_space<vmem_shared>>
      %dma_start3A_180 = arith.constant 0 : i32
      %dma_start3A_181 = tpu.memref_slice %arg10[%add3A_35, %dma_start3A_180] : memref<10240x128xf32, #tpu.memory_space<vmem_shared>> -> memref<32x128xf32, #tpu.memory_space<vmem_shared>>
      %dma_start3A_182 = arith.constant 0 : i32
      %dma_start3A_183 = arith.constant 0 : i32
      %dma_start3A_184 = tpu.memref_slice %arg8[%run_scoped3A_36, %dma_start3A_182, %dma_start3A_183] : memref<6x32x128xf32, #tpu.memory_space<vmem>> -> memref<1x32x128xf32, #tpu.memory_space<vmem>>
      %dma_start3A_185 = tpu.memref_squeeze %dma_start3A_184 : memref<1x32x128xf32, #tpu.memory_space<vmem>> -> memref<32x128xf32, #tpu.memory_space<vmem>>
      tpu.enqueue_dma source(%dma_start3A_185 : memref<32x128xf32, #tpu.memory_space<vmem>>) target(%dma_start3A_181 : memref<32x128xf32, #tpu.memory_space<vmem_shared>>) target_semaphore(%run_scoped3A_173 : memref<!tpu.dma_semaphore, #tpu.memory_space<semaphore_mem>>)
      %dma_wait3A = arith.constant 0 : i32
      %dma_wait3A_186 = arith.constant 0 : i32
      %dma_wait3A_187 = tpu.memref_slice %arg8[%run_scoped3A_36, %dma_wait3A, %dma_wait3A_186] : memref<6x32x128xf32, #tpu.memory_space<vmem>> -> memref<1x32x128xf32, #tpu.memory_space<vmem>>
      %dma_wait3A_188 = tpu.memref_squeeze %dma_wait3A_187 : memref<1x32x128xf32, #tpu.memory_space<vmem>> -> memref<32x128xf32, #tpu.memory_space<vmem>>
      %dma_wait3A_189 = arith.constant 0 : i32
      %dma_wait3A_190 = tpu.memref_slice %arg10[%add3A_35, %dma_wait3A_189] : memref<10240x128xf32, #tpu.memory_space<vmem_shared>> -> memref<32x128xf32, #tpu.memory_space<vmem_shared>>
      %dma_wait3A_191 = arith.constant 0 : i32
      %dma_wait3A_192 = tpu.memref_slice %arg10[%add3A_35, %dma_wait3A_191] : memref<10240x128xf32, #tpu.memory_space<vmem_shared>> -> memref<32x128xf32, #tpu.memory_space<vmem_shared>>
      %dma_wait3A_193 = arith.constant 0 : i32
      %dma_wait3A_194 = arith.constant 0 : i32
      %dma_wait3A_195 = tpu.memref_slice %arg8[%run_scoped3A_36, %dma_wait3A_193, %dma_wait3A_194] : memref<6x32x128xf32, #tpu.memory_space<vmem>> -> memref<1x32x128xf32, #tpu.memory_space<vmem>>
      %dma_wait3A_196 = tpu.memref_squeeze %dma_wait3A_195 : memref<1x32x128xf32, #tpu.memory_space<vmem>> -> memref<32x128xf32, #tpu.memory_space<vmem>>
      tpu.wait_dma2 semaphore(%run_scoped3A_173 : memref<!tpu.dma_semaphore, #tpu.memory_space<semaphore_mem>>) src(%dma_wait3A_196 : memref<32x128xf32, #tpu.memory_space<vmem>>) dst(%dma_wait3A_192 : memref<32x128xf32, #tpu.memory_space<vmem_shared>>)
      tpu.yield
    }) : () -> ()
    %mul3A_37 = arith.constant 640 : i32
    %mul3A_38 = arith.muli %arg1, %mul3A_37 : i32
    %add3A_39 = arith.constant 192 : i32
    %add3A_40 = arith.addi %mul3A_38, %add3A_39 : i32
    %run_scoped3A_41 = arith.constant 0 : i32
    "tpu.region"() ({
      %run_scoped3A_173 = tpu.sem_alloc : memref<!tpu.dma_semaphore, #tpu.memory_space<semaphore_mem>>
      %dma_start3A_174 = arith.constant 0 : i32
      %dma_start3A_175 = arith.constant 0 : i32
      %dma_start3A_176 = tpu.memref_slice %arg8[%run_scoped3A_41, %dma_start3A_174, %dma_start3A_175] : memref<6x32x128xf32, #tpu.memory_space<vmem>> -> memref<1x32x128xf32, #tpu.memory_space<vmem>>
      %dma_start3A_177 = tpu.memref_squeeze %dma_start3A_176 : memref<1x32x128xf32, #tpu.memory_space<vmem>> -> memref<32x128xf32, #tpu.memory_space<vmem>>
      %dma_start3A_178 = arith.constant 0 : i32
      %dma_start3A_179 = tpu.memref_slice %arg10[%add3A_40, %dma_start3A_178] : memref<10240x128xf32, #tpu.memory_space<vmem_shared>> -> memref<32x128xf32, #tpu.memory_space<vmem_shared>>
      %dma_start3A_180 = arith.constant 0 : i32
      %dma_start3A_181 = tpu.memref_slice %arg10[%add3A_40, %dma_start3A_180] : memref<10240x128xf32, #tpu.memory_space<vmem_shared>> -> memref<32x128xf32, #tpu.memory_space<vmem_shared>>
      %dma_start3A_182 = arith.constant 0 : i32
      %dma_start3A_183 = arith.constant 0 : i32
      %dma_start3A_184 = tpu.memref_slice %arg8[%run_scoped3A_41, %dma_start3A_182, %dma_start3A_183] : memref<6x32x128xf32, #tpu.memory_space<vmem>> -> memref<1x32x128xf32, #tpu.memory_space<vmem>>
      %dma_start3A_185 = tpu.memref_squeeze %dma_start3A_184 : memref<1x32x128xf32, #tpu.memory_space<vmem>> -> memref<32x128xf32, #tpu.memory_space<vmem>>
      tpu.enqueue_dma source(%dma_start3A_185 : memref<32x128xf32, #tpu.memory_space<vmem>>) target(%dma_start3A_181 : memref<32x128xf32, #tpu.memory_space<vmem_shared>>) target_semaphore(%run_scoped3A_173 : memref<!tpu.dma_semaphore, #tpu.memory_space<semaphore_mem>>)
      %dma_wait3A = arith.constant 0 : i32
      %dma_wait3A_186 = arith.constant 0 : i32
      %dma_wait3A_187 = tpu.memref_slice %arg8[%run_scoped3A_41, %dma_wait3A, %dma_wait3A_186] : memref<6x32x128xf32, #tpu.memory_space<vmem>> -> memref<1x32x128xf32, #tpu.memory_space<vmem>>
      %dma_wait3A_188 = tpu.memref_squeeze %dma_wait3A_187 : memref<1x32x128xf32, #tpu.memory_space<vmem>> -> memref<32x128xf32, #tpu.memory_space<vmem>>
      %dma_wait3A_189 = arith.constant 0 : i32
      %dma_wait3A_190 = tpu.memref_slice %arg10[%add3A_40, %dma_wait3A_189] : memref<10240x128xf32, #tpu.memory_space<vmem_shared>> -> memref<32x128xf32, #tpu.memory_space<vmem_shared>>
      %dma_wait3A_191 = arith.constant 0 : i32
      %dma_wait3A_192 = tpu.memref_slice %arg10[%add3A_40, %dma_wait3A_191] : memref<10240x128xf32, #tpu.memory_space<vmem_shared>> -> memref<32x128xf32, #tpu.memory_space<vmem_shared>>
      %dma_wait3A_193 = arith.constant 0 : i32
      %dma_wait3A_194 = arith.constant 0 : i32
      %dma_wait3A_195 = tpu.memref_slice %arg8[%run_scoped3A_41, %dma_wait3A_193, %dma_wait3A_194] : memref<6x32x128xf32, #tpu.memory_space<vmem>> -> memref<1x32x128xf32, #tpu.memory_space<vmem>>
      %dma_wait3A_196 = tpu.memref_squeeze %dma_wait3A_195 : memref<1x32x128xf32, #tpu.memory_space<vmem>> -> memref<32x128xf32, #tpu.memory_space<vmem>>
      tpu.wait_dma2 semaphore(%run_scoped3A_173 : memref<!tpu.dma_semaphore, #tpu.memory_space<semaphore_mem>>) src(%dma_wait3A_196 : memref<32x128xf32, #tpu.memory_space<vmem>>) dst(%dma_wait3A_192 : memref<32x128xf32, #tpu.memory_space<vmem_shared>>)
      tpu.yield
    }) : () -> ()
    %mul3A_42 = arith.constant 640 : i32
    %mul3A_43 = arith.muli %arg1, %mul3A_42 : i32
    %add3A_44 = arith.constant 224 : i32
    %add3A_45 = arith.addi %mul3A_43, %add3A_44 : i32
    %run_scoped3A_46 = arith.constant 0 : i32
    "tpu.region"() ({
      %run_scoped3A_173 = tpu.sem_alloc : memref<!tpu.dma_semaphore, #tpu.memory_space<semaphore_mem>>
      %dma_start3A_174 = arith.constant 0 : i32
      %dma_start3A_175 = arith.constant 0 : i32
      %dma_start3A_176 = tpu.memref_slice %arg8[%run_scoped3A_46, %dma_start3A_174, %dma_start3A_175] : memref<6x32x128xf32, #tpu.memory_space<vmem>> -> memref<1x32x128xf32, #tpu.memory_space<vmem>>
      %dma_start3A_177 = tpu.memref_squeeze %dma_start3A_176 : memref<1x32x128xf32, #tpu.memory_space<vmem>> -> memref<32x128xf32, #tpu.memory_space<vmem>>
      %dma_start3A_178 = arith.constant 0 : i32
      %dma_start3A_179 = tpu.memref_slice %arg10[%add3A_45, %dma_start3A_178] : memref<10240x128xf32, #tpu.memory_space<vmem_shared>> -> memref<32x128xf32, #tpu.memory_space<vmem_shared>>
      %dma_start3A_180 = arith.constant 0 : i32
      %dma_start3A_181 = tpu.memref_slice %arg10[%add3A_45, %dma_start3A_180] : memref<10240x128xf32, #tpu.memory_space<vmem_shared>> -> memref<32x128xf32, #tpu.memory_space<vmem_shared>>
      %dma_start3A_182 = arith.constant 0 : i32
      %dma_start3A_183 = arith.constant 0 : i32
      %dma_start3A_184 = tpu.memref_slice %arg8[%run_scoped3A_46, %dma_start3A_182, %dma_start3A_183] : memref<6x32x128xf32, #tpu.memory_space<vmem>> -> memref<1x32x128xf32, #tpu.memory_space<vmem>>
      %dma_start3A_185 = tpu.memref_squeeze %dma_start3A_184 : memref<1x32x128xf32, #tpu.memory_space<vmem>> -> memref<32x128xf32, #tpu.memory_space<vmem>>
      tpu.enqueue_dma source(%dma_start3A_185 : memref<32x128xf32, #tpu.memory_space<vmem>>) target(%dma_start3A_181 : memref<32x128xf32, #tpu.memory_space<vmem_shared>>) target_semaphore(%run_scoped3A_173 : memref<!tpu.dma_semaphore, #tpu.memory_space<semaphore_mem>>)
      %dma_wait3A = arith.constant 0 : i32
      %dma_wait3A_186 = arith.constant 0 : i32
      %dma_wait3A_187 = tpu.memref_slice %arg8[%run_scoped3A_46, %dma_wait3A, %dma_wait3A_186] : memref<6x32x128xf32, #tpu.memory_space<vmem>> -> memref<1x32x128xf32, #tpu.memory_space<vmem>>
      %dma_wait3A_188 = tpu.memref_squeeze %dma_wait3A_187 : memref<1x32x128xf32, #tpu.memory_space<vmem>> -> memref<32x128xf32, #tpu.memory_space<vmem>>
      %dma_wait3A_189 = arith.constant 0 : i32
      %dma_wait3A_190 = tpu.memref_slice %arg10[%add3A_45, %dma_wait3A_189] : memref<10240x128xf32, #tpu.memory_space<vmem_shared>> -> memref<32x128xf32, #tpu.memory_space<vmem_shared>>
      %dma_wait3A_191 = arith.constant 0 : i32
      %dma_wait3A_192 = tpu.memref_slice %arg10[%add3A_45, %dma_wait3A_191] : memref<10240x128xf32, #tpu.memory_space<vmem_shared>> -> memref<32x128xf32, #tpu.memory_space<vmem_shared>>
      %dma_wait3A_193 = arith.constant 0 : i32
      %dma_wait3A_194 = arith.constant 0 : i32
      %dma_wait3A_195 = tpu.memref_slice %arg8[%run_scoped3A_46, %dma_wait3A_193, %dma_wait3A_194] : memref<6x32x128xf32, #tpu.memory_space<vmem>> -> memref<1x32x128xf32, #tpu.memory_space<vmem>>
      %dma_wait3A_196 = tpu.memref_squeeze %dma_wait3A_195 : memref<1x32x128xf32, #tpu.memory_space<vmem>> -> memref<32x128xf32, #tpu.memory_space<vmem>>
      tpu.wait_dma2 semaphore(%run_scoped3A_173 : memref<!tpu.dma_semaphore, #tpu.memory_space<semaphore_mem>>) src(%dma_wait3A_196 : memref<32x128xf32, #tpu.memory_space<vmem>>) dst(%dma_wait3A_192 : memref<32x128xf32, #tpu.memory_space<vmem_shared>>)
      tpu.yield
    }) : () -> ()
    %mul3A_47 = arith.constant 640 : i32
    %mul3A_48 = arith.muli %arg1, %mul3A_47 : i32
    %add3A_49 = arith.constant 256 : i32
    %add3A_50 = arith.addi %mul3A_48, %add3A_49 : i32
    %run_scoped3A_51 = arith.constant 0 : i32
    "tpu.region"() ({
      %run_scoped3A_173 = tpu.sem_alloc : memref<!tpu.dma_semaphore, #tpu.memory_space<semaphore_mem>>
      %dma_start3A_174 = arith.constant 0 : i32
      %dma_start3A_175 = arith.constant 0 : i32
      %dma_start3A_176 = tpu.memref_slice %arg8[%run_scoped3A_51, %dma_start3A_174, %dma_start3A_175] : memref<6x32x128xf32, #tpu.memory_space<vmem>> -> memref<1x32x128xf32, #tpu.memory_space<vmem>>
      %dma_start3A_177 = tpu.memref_squeeze %dma_start3A_176 : memref<1x32x128xf32, #tpu.memory_space<vmem>> -> memref<32x128xf32, #tpu.memory_space<vmem>>
      %dma_start3A_178 = arith.constant 0 : i32
      %dma_start3A_179 = tpu.memref_slice %arg10[%add3A_50, %dma_start3A_178] : memref<10240x128xf32, #tpu.memory_space<vmem_shared>> -> memref<32x128xf32, #tpu.memory_space<vmem_shared>>
      %dma_start3A_180 = arith.constant 0 : i32
      %dma_start3A_181 = tpu.memref_slice %arg10[%add3A_50, %dma_start3A_180] : memref<10240x128xf32, #tpu.memory_space<vmem_shared>> -> memref<32x128xf32, #tpu.memory_space<vmem_shared>>
      %dma_start3A_182 = arith.constant 0 : i32
      %dma_start3A_183 = arith.constant 0 : i32
      %dma_start3A_184 = tpu.memref_slice %arg8[%run_scoped3A_51, %dma_start3A_182, %dma_start3A_183] : memref<6x32x128xf32, #tpu.memory_space<vmem>> -> memref<1x32x128xf32, #tpu.memory_space<vmem>>
      %dma_start3A_185 = tpu.memref_squeeze %dma_start3A_184 : memref<1x32x128xf32, #tpu.memory_space<vmem>> -> memref<32x128xf32, #tpu.memory_space<vmem>>
      tpu.enqueue_dma source(%dma_start3A_185 : memref<32x128xf32, #tpu.memory_space<vmem>>) target(%dma_start3A_181 : memref<32x128xf32, #tpu.memory_space<vmem_shared>>) target_semaphore(%run_scoped3A_173 : memref<!tpu.dma_semaphore, #tpu.memory_space<semaphore_mem>>)
      %dma_wait3A = arith.constant 0 : i32
      %dma_wait3A_186 = arith.constant 0 : i32
      %dma_wait3A_187 = tpu.memref_slice %arg8[%run_scoped3A_51, %dma_wait3A, %dma_wait3A_186] : memref<6x32x128xf32, #tpu.memory_space<vmem>> -> memref<1x32x128xf32, #tpu.memory_space<vmem>>
      %dma_wait3A_188 = tpu.memref_squeeze %dma_wait3A_187 : memref<1x32x128xf32, #tpu.memory_space<vmem>> -> memref<32x128xf32, #tpu.memory_space<vmem>>
      %dma_wait3A_189 = arith.constant 0 : i32
      %dma_wait3A_190 = tpu.memref_slice %arg10[%add3A_50, %dma_wait3A_189] : memref<10240x128xf32, #tpu.memory_space<vmem_shared>> -> memref<32x128xf32, #tpu.memory_space<vmem_shared>>
      %dma_wait3A_191 = arith.constant 0 : i32
      %dma_wait3A_192 = tpu.memref_slice %arg10[%add3A_50, %dma_wait3A_191] : memref<10240x128xf32, #tpu.memory_space<vmem_shared>> -> memref<32x128xf32, #tpu.memory_space<vmem_shared>>
      %dma_wait3A_193 = arith.constant 0 : i32
      %dma_wait3A_194 = arith.constant 0 : i32
      %dma_wait3A_195 = tpu.memref_slice %arg8[%run_scoped3A_51, %dma_wait3A_193, %dma_wait3A_194] : memref<6x32x128xf32, #tpu.memory_space<vmem>> -> memref<1x32x128xf32, #tpu.memory_space<vmem>>
      %dma_wait3A_196 = tpu.memref_squeeze %dma_wait3A_195 : memref<1x32x128xf32, #tpu.memory_space<vmem>> -> memref<32x128xf32, #tpu.memory_space<vmem>>
      tpu.wait_dma2 semaphore(%run_scoped3A_173 : memref<!tpu.dma_semaphore, #tpu.memory_space<semaphore_mem>>) src(%dma_wait3A_196 : memref<32x128xf32, #tpu.memory_space<vmem>>) dst(%dma_wait3A_192 : memref<32x128xf32, #tpu.memory_space<vmem_shared>>)
      tpu.yield
    }) : () -> ()
    %mul3A_52 = arith.constant 640 : i32
    %mul3A_53 = arith.muli %arg1, %mul3A_52 : i32
    %add3A_54 = arith.constant 288 : i32
    %add3A_55 = arith.addi %mul3A_53, %add3A_54 : i32
    %run_scoped3A_56 = arith.constant 0 : i32
    "tpu.region"() ({
      %run_scoped3A_173 = tpu.sem_alloc : memref<!tpu.dma_semaphore, #tpu.memory_space<semaphore_mem>>
      %dma_start3A_174 = arith.constant 0 : i32
      %dma_start3A_175 = arith.constant 0 : i32
      %dma_start3A_176 = tpu.memref_slice %arg8[%run_scoped3A_56, %dma_start3A_174, %dma_start3A_175] : memref<6x32x128xf32, #tpu.memory_space<vmem>> -> memref<1x32x128xf32, #tpu.memory_space<vmem>>
      %dma_start3A_177 = tpu.memref_squeeze %dma_start3A_176 : memref<1x32x128xf32, #tpu.memory_space<vmem>> -> memref<32x128xf32, #tpu.memory_space<vmem>>
      %dma_start3A_178 = arith.constant 0 : i32
      %dma_start3A_179 = tpu.memref_slice %arg10[%add3A_55, %dma_start3A_178] : memref<10240x128xf32, #tpu.memory_space<vmem_shared>> -> memref<32x128xf32, #tpu.memory_space<vmem_shared>>
      %dma_start3A_180 = arith.constant 0 : i32
      %dma_start3A_181 = tpu.memref_slice %arg10[%add3A_55, %dma_start3A_180] : memref<10240x128xf32, #tpu.memory_space<vmem_shared>> -> memref<32x128xf32, #tpu.memory_space<vmem_shared>>
      %dma_start3A_182 = arith.constant 0 : i32
      %dma_start3A_183 = arith.constant 0 : i32
      %dma_start3A_184 = tpu.memref_slice %arg8[%run_scoped3A_56, %dma_start3A_182, %dma_start3A_183] : memref<6x32x128xf32, #tpu.memory_space<vmem>> -> memref<1x32x128xf32, #tpu.memory_space<vmem>>
      %dma_start3A_185 = tpu.memref_squeeze %dma_start3A_184 : memref<1x32x128xf32, #tpu.memory_space<vmem>> -> memref<32x128xf32, #tpu.memory_space<vmem>>
      tpu.enqueue_dma source(%dma_start3A_185 : memref<32x128xf32, #tpu.memory_space<vmem>>) target(%dma_start3A_181 : memref<32x128xf32, #tpu.memory_space<vmem_shared>>) target_semaphore(%run_scoped3A_173 : memref<!tpu.dma_semaphore, #tpu.memory_space<semaphore_mem>>)
      %dma_wait3A = arith.constant 0 : i32
      %dma_wait3A_186 = arith.constant 0 : i32
      %dma_wait3A_187 = tpu.memref_slice %arg8[%run_scoped3A_56, %dma_wait3A, %dma_wait3A_186] : memref<6x32x128xf32, #tpu.memory_space<vmem>> -> memref<1x32x128xf32, #tpu.memory_space<vmem>>
      %dma_wait3A_188 = tpu.memref_squeeze %dma_wait3A_187 : memref<1x32x128xf32, #tpu.memory_space<vmem>> -> memref<32x128xf32, #tpu.memory_space<vmem>>
      %dma_wait3A_189 = arith.constant 0 : i32
      %dma_wait3A_190 = tpu.memref_slice %arg10[%add3A_55, %dma_wait3A_189] : memref<10240x128xf32, #tpu.memory_space<vmem_shared>> -> memref<32x128xf32, #tpu.memory_space<vmem_shared>>
      %dma_wait3A_191 = arith.constant 0 : i32
      %dma_wait3A_192 = tpu.memref_slice %arg10[%add3A_55, %dma_wait3A_191] : memref<10240x128xf32, #tpu.memory_space<vmem_shared>> -> memref<32x128xf32, #tpu.memory_space<vmem_shared>>
      %dma_wait3A_193 = arith.constant 0 : i32
      %dma_wait3A_194 = arith.constant 0 : i32
      %dma_wait3A_195 = tpu.memref_slice %arg8[%run_scoped3A_56, %dma_wait3A_193, %dma_wait3A_194] : memref<6x32x128xf32, #tpu.memory_space<vmem>> -> memref<1x32x128xf32, #tpu.memory_space<vmem>>
      %dma_wait3A_196 = tpu.memref_squeeze %dma_wait3A_195 : memref<1x32x128xf32, #tpu.memory_space<vmem>> -> memref<32x128xf32, #tpu.memory_space<vmem>>
      tpu.wait_dma2 semaphore(%run_scoped3A_173 : memref<!tpu.dma_semaphore, #tpu.memory_space<semaphore_mem>>) src(%dma_wait3A_196 : memref<32x128xf32, #tpu.memory_space<vmem>>) dst(%dma_wait3A_192 : memref<32x128xf32, #tpu.memory_space<vmem_shared>>)
      tpu.yield
    }) : () -> ()
    %mul3A_57 = arith.constant 640 : i32
    %mul3A_58 = arith.muli %arg1, %mul3A_57 : i32
    %add3A_59 = arith.constant 320 : i32
    %add3A_60 = arith.addi %mul3A_58, %add3A_59 : i32
    %run_scoped3A_61 = arith.constant 0 : i32
    "tpu.region"() ({
      %run_scoped3A_173 = tpu.sem_alloc : memref<!tpu.dma_semaphore, #tpu.memory_space<semaphore_mem>>
      %dma_start3A_174 = arith.constant 0 : i32
      %dma_start3A_175 = arith.constant 0 : i32
      %dma_start3A_176 = tpu.memref_slice %arg8[%run_scoped3A_61, %dma_start3A_174, %dma_start3A_175] : memref<6x32x128xf32, #tpu.memory_space<vmem>> -> memref<1x32x128xf32, #tpu.memory_space<vmem>>
      %dma_start3A_177 = tpu.memref_squeeze %dma_start3A_176 : memref<1x32x128xf32, #tpu.memory_space<vmem>> -> memref<32x128xf32, #tpu.memory_space<vmem>>
      %dma_start3A_178 = arith.constant 0 : i32
      %dma_start3A_179 = tpu.memref_slice %arg10[%add3A_60, %dma_start3A_178] : memref<10240x128xf32, #tpu.memory_space<vmem_shared>> -> memref<32x128xf32, #tpu.memory_space<vmem_shared>>
      %dma_start3A_180 = arith.constant 0 : i32
      %dma_start3A_181 = tpu.memref_slice %arg10[%add3A_60, %dma_start3A_180] : memref<10240x128xf32, #tpu.memory_space<vmem_shared>> -> memref<32x128xf32, #tpu.memory_space<vmem_shared>>
      %dma_start3A_182 = arith.constant 0 : i32
      %dma_start3A_183 = arith.constant 0 : i32
      %dma_start3A_184 = tpu.memref_slice %arg8[%run_scoped3A_61, %dma_start3A_182, %dma_start3A_183] : memref<6x32x128xf32, #tpu.memory_space<vmem>> -> memref<1x32x128xf32, #tpu.memory_space<vmem>>
      %dma_start3A_185 = tpu.memref_squeeze %dma_start3A_184 : memref<1x32x128xf32, #tpu.memory_space<vmem>> -> memref<32x128xf32, #tpu.memory_space<vmem>>
      tpu.enqueue_dma source(%dma_start3A_185 : memref<32x128xf32, #tpu.memory_space<vmem>>) target(%dma_start3A_181 : memref<32x128xf32, #tpu.memory_space<vmem_shared>>) target_semaphore(%run_scoped3A_173 : memref<!tpu.dma_semaphore, #tpu.memory_space<semaphore_mem>>)
      %dma_wait3A = arith.constant 0 : i32
      %dma_wait3A_186 = arith.constant 0 : i32
      %dma_wait3A_187 = tpu.memref_slice %arg8[%run_scoped3A_61, %dma_wait3A, %dma_wait3A_186] : memref<6x32x128xf32, #tpu.memory_space<vmem>> -> memref<1x32x128xf32, #tpu.memory_space<vmem>>
      %dma_wait3A_188 = tpu.memref_squeeze %dma_wait3A_187 : memref<1x32x128xf32, #tpu.memory_space<vmem>> -> memref<32x128xf32, #tpu.memory_space<vmem>>
      %dma_wait3A_189 = arith.constant 0 : i32
      %dma_wait3A_190 = tpu.memref_slice %arg10[%add3A_60, %dma_wait3A_189] : memref<10240x128xf32, #tpu.memory_space<vmem_shared>> -> memref<32x128xf32, #tpu.memory_space<vmem_shared>>
      %dma_wait3A_191 = arith.constant 0 : i32
      %dma_wait3A_192 = tpu.memref_slice %arg10[%add3A_60, %dma_wait3A_191] : memref<10240x128xf32, #tpu.memory_space<vmem_shared>> -> memref<32x128xf32, #tpu.memory_space<vmem_shared>>
      %dma_wait3A_193 = arith.constant 0 : i32
      %dma_wait3A_194 = arith.constant 0 : i32
      %dma_wait3A_195 = tpu.memref_slice %arg8[%run_scoped3A_61, %dma_wait3A_193, %dma_wait3A_194] : memref<6x32x128xf32, #tpu.memory_space<vmem>> -> memref<1x32x128xf32, #tpu.memory_space<vmem>>
      %dma_wait3A_196 = tpu.memref_squeeze %dma_wait3A_195 : memref<1x32x128xf32, #tpu.memory_space<vmem>> -> memref<32x128xf32, #tpu.memory_space<vmem>>
      tpu.wait_dma2 semaphore(%run_scoped3A_173 : memref<!tpu.dma_semaphore, #tpu.memory_space<semaphore_mem>>) src(%dma_wait3A_196 : memref<32x128xf32, #tpu.memory_space<vmem>>) dst(%dma_wait3A_192 : memref<32x128xf32, #tpu.memory_space<vmem_shared>>)
      tpu.yield
    }) : () -> ()
    %mul3A_62 = arith.constant 640 : i32
    %mul3A_63 = arith.muli %arg1, %mul3A_62 : i32
    %add3A_64 = arith.constant 352 : i32
    %add3A_65 = arith.addi %mul3A_63, %add3A_64 : i32
    %run_scoped3A_66 = arith.constant 0 : i32
    "tpu.region"() ({
      %run_scoped3A_173 = tpu.sem_alloc : memref<!tpu.dma_semaphore, #tpu.memory_space<semaphore_mem>>
      %dma_start3A_174 = arith.constant 0 : i32
      %dma_start3A_175 = arith.constant 0 : i32
      %dma_start3A_176 = tpu.memref_slice %arg8[%run_scoped3A_66, %dma_start3A_174, %dma_start3A_175] : memref<6x32x128xf32, #tpu.memory_space<vmem>> -> memref<1x32x128xf32, #tpu.memory_space<vmem>>
      %dma_start3A_177 = tpu.memref_squeeze %dma_start3A_176 : memref<1x32x128xf32, #tpu.memory_space<vmem>> -> memref<32x128xf32, #tpu.memory_space<vmem>>
      %dma_start3A_178 = arith.constant 0 : i32
      %dma_start3A_179 = tpu.memref_slice %arg10[%add3A_65, %dma_start3A_178] : memref<10240x128xf32, #tpu.memory_space<vmem_shared>> -> memref<32x128xf32, #tpu.memory_space<vmem_shared>>
      %dma_start3A_180 = arith.constant 0 : i32
      %dma_start3A_181 = tpu.memref_slice %arg10[%add3A_65, %dma_start3A_180] : memref<10240x128xf32, #tpu.memory_space<vmem_shared>> -> memref<32x128xf32, #tpu.memory_space<vmem_shared>>
      %dma_start3A_182 = arith.constant 0 : i32
      %dma_start3A_183 = arith.constant 0 : i32
      %dma_start3A_184 = tpu.memref_slice %arg8[%run_scoped3A_66, %dma_start3A_182, %dma_start3A_183] : memref<6x32x128xf32, #tpu.memory_space<vmem>> -> memref<1x32x128xf32, #tpu.memory_space<vmem>>
      %dma_start3A_185 = tpu.memref_squeeze %dma_start3A_184 : memref<1x32x128xf32, #tpu.memory_space<vmem>> -> memref<32x128xf32, #tpu.memory_space<vmem>>
      tpu.enqueue_dma source(%dma_start3A_185 : memref<32x128xf32, #tpu.memory_space<vmem>>) target(%dma_start3A_181 : memref<32x128xf32, #tpu.memory_space<vmem_shared>>) target_semaphore(%run_scoped3A_173 : memref<!tpu.dma_semaphore, #tpu.memory_space<semaphore_mem>>)
      %dma_wait3A = arith.constant 0 : i32
      %dma_wait3A_186 = arith.constant 0 : i32
      %dma_wait3A_187 = tpu.memref_slice %arg8[%run_scoped3A_66, %dma_wait3A, %dma_wait3A_186] : memref<6x32x128xf32, #tpu.memory_space<vmem>> -> memref<1x32x128xf32, #tpu.memory_space<vmem>>
      %dma_wait3A_188 = tpu.memref_squeeze %dma_wait3A_187 : memref<1x32x128xf32, #tpu.memory_space<vmem>> -> memref<32x128xf32, #tpu.memory_space<vmem>>
      %dma_wait3A_189 = arith.constant 0 : i32
      %dma_wait3A_190 = tpu.memref_slice %arg10[%add3A_65, %dma_wait3A_189] : memref<10240x128xf32, #tpu.memory_space<vmem_shared>> -> memref<32x128xf32, #tpu.memory_space<vmem_shared>>
      %dma_wait3A_191 = arith.constant 0 : i32
      %dma_wait3A_192 = tpu.memref_slice %arg10[%add3A_65, %dma_wait3A_191] : memref<10240x128xf32, #tpu.memory_space<vmem_shared>> -> memref<32x128xf32, #tpu.memory_space<vmem_shared>>
      %dma_wait3A_193 = arith.constant 0 : i32
      %dma_wait3A_194 = arith.constant 0 : i32
      %dma_wait3A_195 = tpu.memref_slice %arg8[%run_scoped3A_66, %dma_wait3A_193, %dma_wait3A_194] : memref<6x32x128xf32, #tpu.memory_space<vmem>> -> memref<1x32x128xf32, #tpu.memory_space<vmem>>
      %dma_wait3A_196 = tpu.memref_squeeze %dma_wait3A_195 : memref<1x32x128xf32, #tpu.memory_space<vmem>> -> memref<32x128xf32, #tpu.memory_space<vmem>>
      tpu.wait_dma2 semaphore(%run_scoped3A_173 : memref<!tpu.dma_semaphore, #tpu.memory_space<semaphore_mem>>) src(%dma_wait3A_196 : memref<32x128xf32, #tpu.memory_space<vmem>>) dst(%dma_wait3A_192 : memref<32x128xf32, #tpu.memory_space<vmem_shared>>)
      tpu.yield
    }) : () -> ()
    %mul3A_67 = arith.constant 640 : i32
    %mul3A_68 = arith.muli %arg1, %mul3A_67 : i32
    %add3A_69 = arith.constant 384 : i32
    %add3A_70 = arith.addi %mul3A_68, %add3A_69 : i32
    %run_scoped3A_71 = arith.constant 0 : i32
    "tpu.region"() ({
      %run_scoped3A_173 = tpu.sem_alloc : memref<!tpu.dma_semaphore, #tpu.memory_space<semaphore_mem>>
      %dma_start3A_174 = arith.constant 0 : i32
      %dma_start3A_175 = arith.constant 0 : i32
      %dma_start3A_176 = tpu.memref_slice %arg8[%run_scoped3A_71, %dma_start3A_174, %dma_start3A_175] : memref<6x32x128xf32, #tpu.memory_space<vmem>> -> memref<1x32x128xf32, #tpu.memory_space<vmem>>
      %dma_start3A_177 = tpu.memref_squeeze %dma_start3A_176 : memref<1x32x128xf32, #tpu.memory_space<vmem>> -> memref<32x128xf32, #tpu.memory_space<vmem>>
      %dma_start3A_178 = arith.constant 0 : i32
      %dma_start3A_179 = tpu.memref_slice %arg10[%add3A_70, %dma_start3A_178] : memref<10240x128xf32, #tpu.memory_space<vmem_shared>> -> memref<32x128xf32, #tpu.memory_space<vmem_shared>>
      %dma_start3A_180 = arith.constant 0 : i32
      %dma_start3A_181 = tpu.memref_slice %arg10[%add3A_70, %dma_start3A_180] : memref<10240x128xf32, #tpu.memory_space<vmem_shared>> -> memref<32x128xf32, #tpu.memory_space<vmem_shared>>
      %dma_start3A_182 = arith.constant 0 : i32
      %dma_start3A_183 = arith.constant 0 : i32
      %dma_start3A_184 = tpu.memref_slice %arg8[%run_scoped3A_71, %dma_start3A_182, %dma_start3A_183] : memref<6x32x128xf32, #tpu.memory_space<vmem>> -> memref<1x32x128xf32, #tpu.memory_space<vmem>>
      %dma_start3A_185 = tpu.memref_squeeze %dma_start3A_184 : memref<1x32x128xf32, #tpu.memory_space<vmem>> -> memref<32x128xf32, #tpu.memory_space<vmem>>
      tpu.enqueue_dma source(%dma_start3A_185 : memref<32x128xf32, #tpu.memory_space<vmem>>) target(%dma_start3A_181 : memref<32x128xf32, #tpu.memory_space<vmem_shared>>) target_semaphore(%run_scoped3A_173 : memref<!tpu.dma_semaphore, #tpu.memory_space<semaphore_mem>>)
      %dma_wait3A = arith.constant 0 : i32
      %dma_wait3A_186 = arith.constant 0 : i32
      %dma_wait3A_187 = tpu.memref_slice %arg8[%run_scoped3A_71, %dma_wait3A, %dma_wait3A_186] : memref<6x32x128xf32, #tpu.memory_space<vmem>> -> memref<1x32x128xf32, #tpu.memory_space<vmem>>
      %dma_wait3A_188 = tpu.memref_squeeze %dma_wait3A_187 : memref<1x32x128xf32, #tpu.memory_space<vmem>> -> memref<32x128xf32, #tpu.memory_space<vmem>>
      %dma_wait3A_189 = arith.constant 0 : i32
      %dma_wait3A_190 = tpu.memref_slice %arg10[%add3A_70, %dma_wait3A_189] : memref<10240x128xf32, #tpu.memory_space<vmem_shared>> -> memref<32x128xf32, #tpu.memory_space<vmem_shared>>
      %dma_wait3A_191 = arith.constant 0 : i32
      %dma_wait3A_192 = tpu.memref_slice %arg10[%add3A_70, %dma_wait3A_191] : memref<10240x128xf32, #tpu.memory_space<vmem_shared>> -> memref<32x128xf32, #tpu.memory_space<vmem_shared>>
      %dma_wait3A_193 = arith.constant 0 : i32
      %dma_wait3A_194 = arith.constant 0 : i32
      %dma_wait3A_195 = tpu.memref_slice %arg8[%run_scoped3A_71, %dma_wait3A_193, %dma_wait3A_194] : memref<6x32x128xf32, #tpu.memory_space<vmem>> -> memref<1x32x128xf32, #tpu.memory_space<vmem>>
      %dma_wait3A_196 = tpu.memref_squeeze %dma_wait3A_195 : memref<1x32x128xf32, #tpu.memory_space<vmem>> -> memref<32x128xf32, #tpu.memory_space<vmem>>
      tpu.wait_dma2 semaphore(%run_scoped3A_173 : memref<!tpu.dma_semaphore, #tpu.memory_space<semaphore_mem>>) src(%dma_wait3A_196 : memref<32x128xf32, #tpu.memory_space<vmem>>) dst(%dma_wait3A_192 : memref<32x128xf32, #tpu.memory_space<vmem_shared>>)
      tpu.yield
    }) : () -> ()
    %mul3A_72 = arith.constant 640 : i32
    %mul3A_73 = arith.muli %arg1, %mul3A_72 : i32
    %add3A_74 = arith.constant 416 : i32
    %add3A_75 = arith.addi %mul3A_73, %add3A_74 : i32
    %run_scoped3A_76 = arith.constant 0 : i32
    "tpu.region"() ({
      %run_scoped3A_173 = tpu.sem_alloc : memref<!tpu.dma_semaphore, #tpu.memory_space<semaphore_mem>>
      %dma_start3A_174 = arith.constant 0 : i32
      %dma_start3A_175 = arith.constant 0 : i32
      %dma_start3A_176 = tpu.memref_slice %arg8[%run_scoped3A_76, %dma_start3A_174, %dma_start3A_175] : memref<6x32x128xf32, #tpu.memory_space<vmem>> -> memref<1x32x128xf32, #tpu.memory_space<vmem>>
      %dma_start3A_177 = tpu.memref_squeeze %dma_start3A_176 : memref<1x32x128xf32, #tpu.memory_space<vmem>> -> memref<32x128xf32, #tpu.memory_space<vmem>>
      %dma_start3A_178 = arith.constant 0 : i32
      %dma_start3A_179 = tpu.memref_slice %arg10[%add3A_75, %dma_start3A_178] : memref<10240x128xf32, #tpu.memory_space<vmem_shared>> -> memref<32x128xf32, #tpu.memory_space<vmem_shared>>
      %dma_start3A_180 = arith.constant 0 : i32
      %dma_start3A_181 = tpu.memref_slice %arg10[%add3A_75, %dma_start3A_180] : memref<10240x128xf32, #tpu.memory_space<vmem_shared>> -> memref<32x128xf32, #tpu.memory_space<vmem_shared>>
      %dma_start3A_182 = arith.constant 0 : i32
      %dma_start3A_183 = arith.constant 0 : i32
      %dma_start3A_184 = tpu.memref_slice %arg8[%run_scoped3A_76, %dma_start3A_182, %dma_start3A_183] : memref<6x32x128xf32, #tpu.memory_space<vmem>> -> memref<1x32x128xf32, #tpu.memory_space<vmem>>
      %dma_start3A_185 = tpu.memref_squeeze %dma_start3A_184 : memref<1x32x128xf32, #tpu.memory_space<vmem>> -> memref<32x128xf32, #tpu.memory_space<vmem>>
      tpu.enqueue_dma source(%dma_start3A_185 : memref<32x128xf32, #tpu.memory_space<vmem>>) target(%dma_start3A_181 : memref<32x128xf32, #tpu.memory_space<vmem_shared>>) target_semaphore(%run_scoped3A_173 : memref<!tpu.dma_semaphore, #tpu.memory_space<semaphore_mem>>)
      %dma_wait3A = arith.constant 0 : i32
      %dma_wait3A_186 = arith.constant 0 : i32
      %dma_wait3A_187 = tpu.memref_slice %arg8[%run_scoped3A_76, %dma_wait3A, %dma_wait3A_186] : memref<6x32x128xf32, #tpu.memory_space<vmem>> -> memref<1x32x128xf32, #tpu.memory_space<vmem>>
      %dma_wait3A_188 = tpu.memref_squeeze %dma_wait3A_187 : memref<1x32x128xf32, #tpu.memory_space<vmem>> -> memref<32x128xf32, #tpu.memory_space<vmem>>
      %dma_wait3A_189 = arith.constant 0 : i32
      %dma_wait3A_190 = tpu.memref_slice %arg10[%add3A_75, %dma_wait3A_189] : memref<10240x128xf32, #tpu.memory_space<vmem_shared>> -> memref<32x128xf32, #tpu.memory_space<vmem_shared>>
      %dma_wait3A_191 = arith.constant 0 : i32
      %dma_wait3A_192 = tpu.memref_slice %arg10[%add3A_75, %dma_wait3A_191] : memref<10240x128xf32, #tpu.memory_space<vmem_shared>> -> memref<32x128xf32, #tpu.memory_space<vmem_shared>>
      %dma_wait3A_193 = arith.constant 0 : i32
      %dma_wait3A_194 = arith.constant 0 : i32
      %dma_wait3A_195 = tpu.memref_slice %arg8[%run_scoped3A_76, %dma_wait3A_193, %dma_wait3A_194] : memref<6x32x128xf32, #tpu.memory_space<vmem>> -> memref<1x32x128xf32, #tpu.memory_space<vmem>>
      %dma_wait3A_196 = tpu.memref_squeeze %dma_wait3A_195 : memref<1x32x128xf32, #tpu.memory_space<vmem>> -> memref<32x128xf32, #tpu.memory_space<vmem>>
      tpu.wait_dma2 semaphore(%run_scoped3A_173 : memref<!tpu.dma_semaphore, #tpu.memory_space<semaphore_mem>>) src(%dma_wait3A_196 : memref<32x128xf32, #tpu.memory_space<vmem>>) dst(%dma_wait3A_192 : memref<32x128xf32, #tpu.memory_space<vmem_shared>>)
      tpu.yield
    }) : () -> ()
    %mul3A_77 = arith.constant 640 : i32
    %mul3A_78 = arith.muli %arg1, %mul3A_77 : i32
    %add3A_79 = arith.constant 448 : i32
    %add3A_80 = arith.addi %mul3A_78, %add3A_79 : i32
    %run_scoped3A_81 = arith.constant 0 : i32
    "tpu.region"() ({
      %run_scoped3A_173 = tpu.sem_alloc : memref<!tpu.dma_semaphore, #tpu.memory_space<semaphore_mem>>
      %dma_start3A_174 = arith.constant 0 : i32
      %dma_start3A_175 = arith.constant 0 : i32
      %dma_start3A_176 = tpu.memref_slice %arg8[%run_scoped3A_81, %dma_start3A_174, %dma_start3A_175] : memref<6x32x128xf32, #tpu.memory_space<vmem>> -> memref<1x32x128xf32, #tpu.memory_space<vmem>>
      %dma_start3A_177 = tpu.memref_squeeze %dma_start3A_176 : memref<1x32x128xf32, #tpu.memory_space<vmem>> -> memref<32x128xf32, #tpu.memory_space<vmem>>
      %dma_start3A_178 = arith.constant 0 : i32
      %dma_start3A_179 = tpu.memref_slice %arg10[%add3A_80, %dma_start3A_178] : memref<10240x128xf32, #tpu.memory_space<vmem_shared>> -> memref<32x128xf32, #tpu.memory_space<vmem_shared>>
      %dma_start3A_180 = arith.constant 0 : i32
      %dma_start3A_181 = tpu.memref_slice %arg10[%add3A_80, %dma_start3A_180] : memref<10240x128xf32, #tpu.memory_space<vmem_shared>> -> memref<32x128xf32, #tpu.memory_space<vmem_shared>>
      %dma_start3A_182 = arith.constant 0 : i32
      %dma_start3A_183 = arith.constant 0 : i32
      %dma_start3A_184 = tpu.memref_slice %arg8[%run_scoped3A_81, %dma_start3A_182, %dma_start3A_183] : memref<6x32x128xf32, #tpu.memory_space<vmem>> -> memref<1x32x128xf32, #tpu.memory_space<vmem>>
      %dma_start3A_185 = tpu.memref_squeeze %dma_start3A_184 : memref<1x32x128xf32, #tpu.memory_space<vmem>> -> memref<32x128xf32, #tpu.memory_space<vmem>>
      tpu.enqueue_dma source(%dma_start3A_185 : memref<32x128xf32, #tpu.memory_space<vmem>>) target(%dma_start3A_181 : memref<32x128xf32, #tpu.memory_space<vmem_shared>>) target_semaphore(%run_scoped3A_173 : memref<!tpu.dma_semaphore, #tpu.memory_space<semaphore_mem>>)
      %dma_wait3A = arith.constant 0 : i32
      %dma_wait3A_186 = arith.constant 0 : i32
      %dma_wait3A_187 = tpu.memref_slice %arg8[%run_scoped3A_81, %dma_wait3A, %dma_wait3A_186] : memref<6x32x128xf32, #tpu.memory_space<vmem>> -> memref<1x32x128xf32, #tpu.memory_space<vmem>>
      %dma_wait3A_188 = tpu.memref_squeeze %dma_wait3A_187 : memref<1x32x128xf32, #tpu.memory_space<vmem>> -> memref<32x128xf32, #tpu.memory_space<vmem>>
      %dma_wait3A_189 = arith.constant 0 : i32
      %dma_wait3A_190 = tpu.memref_slice %arg10[%add3A_80, %dma_wait3A_189] : memref<10240x128xf32, #tpu.memory_space<vmem_shared>> -> memref<32x128xf32, #tpu.memory_space<vmem_shared>>
      %dma_wait3A_191 = arith.constant 0 : i32
      %dma_wait3A_192 = tpu.memref_slice %arg10[%add3A_80, %dma_wait3A_191] : memref<10240x128xf32, #tpu.memory_space<vmem_shared>> -> memref<32x128xf32, #tpu.memory_space<vmem_shared>>
      %dma_wait3A_193 = arith.constant 0 : i32
      %dma_wait3A_194 = arith.constant 0 : i32
      %dma_wait3A_195 = tpu.memref_slice %arg8[%run_scoped3A_81, %dma_wait3A_193, %dma_wait3A_194] : memref<6x32x128xf32, #tpu.memory_space<vmem>> -> memref<1x32x128xf32, #tpu.memory_space<vmem>>
      %dma_wait3A_196 = tpu.memref_squeeze %dma_wait3A_195 : memref<1x32x128xf32, #tpu.memory_space<vmem>> -> memref<32x128xf32, #tpu.memory_space<vmem>>
      tpu.wait_dma2 semaphore(%run_scoped3A_173 : memref<!tpu.dma_semaphore, #tpu.memory_space<semaphore_mem>>) src(%dma_wait3A_196 : memref<32x128xf32, #tpu.memory_space<vmem>>) dst(%dma_wait3A_192 : memref<32x128xf32, #tpu.memory_space<vmem_shared>>)
      tpu.yield
    }) : () -> ()
    %mul3A_82 = arith.constant 640 : i32
    %mul3A_83 = arith.muli %arg1, %mul3A_82 : i32
    %add3A_84 = arith.constant 480 : i32
    %add3A_85 = arith.addi %mul3A_83, %add3A_84 : i32
    %run_scoped3A_86 = arith.constant 0 : i32
    "tpu.region"() ({
      %run_scoped3A_173 = tpu.sem_alloc : memref<!tpu.dma_semaphore, #tpu.memory_space<semaphore_mem>>
      %dma_start3A_174 = arith.constant 0 : i32
      %dma_start3A_175 = arith.constant 0 : i32
      %dma_start3A_176 = tpu.memref_slice %arg8[%run_scoped3A_86, %dma_start3A_174, %dma_start3A_175] : memref<6x32x128xf32, #tpu.memory_space<vmem>> -> memref<1x32x128xf32, #tpu.memory_space<vmem>>
      %dma_start3A_177 = tpu.memref_squeeze %dma_start3A_176 : memref<1x32x128xf32, #tpu.memory_space<vmem>> -> memref<32x128xf32, #tpu.memory_space<vmem>>
      %dma_start3A_178 = arith.constant 0 : i32
      %dma_start3A_179 = tpu.memref_slice %arg10[%add3A_85, %dma_start3A_178] : memref<10240x128xf32, #tpu.memory_space<vmem_shared>> -> memref<32x128xf32, #tpu.memory_space<vmem_shared>>
      %dma_start3A_180 = arith.constant 0 : i32
      %dma_start3A_181 = tpu.memref_slice %arg10[%add3A_85, %dma_start3A_180] : memref<10240x128xf32, #tpu.memory_space<vmem_shared>> -> memref<32x128xf32, #tpu.memory_space<vmem_shared>>
      %dma_start3A_182 = arith.constant 0 : i32
      %dma_start3A_183 = arith.constant 0 : i32
      %dma_start3A_184 = tpu.memref_slice %arg8[%run_scoped3A_86, %dma_start3A_182, %dma_start3A_183] : memref<6x32x128xf32, #tpu.memory_space<vmem>> -> memref<1x32x128xf32, #tpu.memory_space<vmem>>
      %dma_start3A_185 = tpu.memref_squeeze %dma_start3A_184 : memref<1x32x128xf32, #tpu.memory_space<vmem>> -> memref<32x128xf32, #tpu.memory_space<vmem>>
      tpu.enqueue_dma source(%dma_start3A_185 : memref<32x128xf32, #tpu.memory_space<vmem>>) target(%dma_start3A_181 : memref<32x128xf32, #tpu.memory_space<vmem_shared>>) target_semaphore(%run_scoped3A_173 : memref<!tpu.dma_semaphore, #tpu.memory_space<semaphore_mem>>)
      %dma_wait3A = arith.constant 0 : i32
      %dma_wait3A_186 = arith.constant 0 : i32
      %dma_wait3A_187 = tpu.memref_slice %arg8[%run_scoped3A_86, %dma_wait3A, %dma_wait3A_186] : memref<6x32x128xf32, #tpu.memory_space<vmem>> -> memref<1x32x128xf32, #tpu.memory_space<vmem>>
      %dma_wait3A_188 = tpu.memref_squeeze %dma_wait3A_187 : memref<1x32x128xf32, #tpu.memory_space<vmem>> -> memref<32x128xf32, #tpu.memory_space<vmem>>
      %dma_wait3A_189 = arith.constant 0 : i32
      %dma_wait3A_190 = tpu.memref_slice %arg10[%add3A_85, %dma_wait3A_189] : memref<10240x128xf32, #tpu.memory_space<vmem_shared>> -> memref<32x128xf32, #tpu.memory_space<vmem_shared>>
      %dma_wait3A_191 = arith.constant 0 : i32
      %dma_wait3A_192 = tpu.memref_slice %arg10[%add3A_85, %dma_wait3A_191] : memref<10240x128xf32, #tpu.memory_space<vmem_shared>> -> memref<32x128xf32, #tpu.memory_space<vmem_shared>>
      %dma_wait3A_193 = arith.constant 0 : i32
      %dma_wait3A_194 = arith.constant 0 : i32
      %dma_wait3A_195 = tpu.memref_slice %arg8[%run_scoped3A_86, %dma_wait3A_193, %dma_wait3A_194] : memref<6x32x128xf32, #tpu.memory_space<vmem>> -> memref<1x32x128xf32, #tpu.memory_space<vmem>>
      %dma_wait3A_196 = tpu.memref_squeeze %dma_wait3A_195 : memref<1x32x128xf32, #tpu.memory_space<vmem>> -> memref<32x128xf32, #tpu.memory_space<vmem>>
      tpu.wait_dma2 semaphore(%run_scoped3A_173 : memref<!tpu.dma_semaphore, #tpu.memory_space<semaphore_mem>>) src(%dma_wait3A_196 : memref<32x128xf32, #tpu.memory_space<vmem>>) dst(%dma_wait3A_192 : memref<32x128xf32, #tpu.memory_space<vmem_shared>>)
      tpu.yield
    }) : () -> ()
    %mul3A_87 = arith.constant 640 : i32
    %mul3A_88 = arith.muli %arg1, %mul3A_87 : i32
    %add3A_89 = arith.constant 512 : i32
    %add3A_90 = arith.addi %mul3A_88, %add3A_89 : i32
    %run_scoped3A_91 = arith.constant 0 : i32
    "tpu.region"() ({
      %run_scoped3A_173 = tpu.sem_alloc : memref<!tpu.dma_semaphore, #tpu.memory_space<semaphore_mem>>
      %dma_start3A_174 = arith.constant 0 : i32
      %dma_start3A_175 = arith.constant 0 : i32
      %dma_start3A_176 = tpu.memref_slice %arg8[%run_scoped3A_91, %dma_start3A_174, %dma_start3A_175] : memref<6x32x128xf32, #tpu.memory_space<vmem>> -> memref<1x32x128xf32, #tpu.memory_space<vmem>>
      %dma_start3A_177 = tpu.memref_squeeze %dma_start3A_176 : memref<1x32x128xf32, #tpu.memory_space<vmem>> -> memref<32x128xf32, #tpu.memory_space<vmem>>
      %dma_start3A_178 = arith.constant 0 : i32
      %dma_start3A_179 = tpu.memref_slice %arg10[%add3A_90, %dma_start3A_178] : memref<10240x128xf32, #tpu.memory_space<vmem_shared>> -> memref<32x128xf32, #tpu.memory_space<vmem_shared>>
      %dma_start3A_180 = arith.constant 0 : i32
      %dma_start3A_181 = tpu.memref_slice %arg10[%add3A_90, %dma_start3A_180] : memref<10240x128xf32, #tpu.memory_space<vmem_shared>> -> memref<32x128xf32, #tpu.memory_space<vmem_shared>>
      %dma_start3A_182 = arith.constant 0 : i32
      %dma_start3A_183 = arith.constant 0 : i32
      %dma_start3A_184 = tpu.memref_slice %arg8[%run_scoped3A_91, %dma_start3A_182, %dma_start3A_183] : memref<6x32x128xf32, #tpu.memory_space<vmem>> -> memref<1x32x128xf32, #tpu.memory_space<vmem>>
      %dma_start3A_185 = tpu.memref_squeeze %dma_start3A_184 : memref<1x32x128xf32, #tpu.memory_space<vmem>> -> memref<32x128xf32, #tpu.memory_space<vmem>>
      tpu.enqueue_dma source(%dma_start3A_185 : memref<32x128xf32, #tpu.memory_space<vmem>>) target(%dma_start3A_181 : memref<32x128xf32, #tpu.memory_space<vmem_shared>>) target_semaphore(%run_scoped3A_173 : memref<!tpu.dma_semaphore, #tpu.memory_space<semaphore_mem>>)
      %dma_wait3A = arith.constant 0 : i32
      %dma_wait3A_186 = arith.constant 0 : i32
      %dma_wait3A_187 = tpu.memref_slice %arg8[%run_scoped3A_91, %dma_wait3A, %dma_wait3A_186] : memref<6x32x128xf32, #tpu.memory_space<vmem>> -> memref<1x32x128xf32, #tpu.memory_space<vmem>>
      %dma_wait3A_188 = tpu.memref_squeeze %dma_wait3A_187 : memref<1x32x128xf32, #tpu.memory_space<vmem>> -> memref<32x128xf32, #tpu.memory_space<vmem>>
      %dma_wait3A_189 = arith.constant 0 : i32
      %dma_wait3A_190 = tpu.memref_slice %arg10[%add3A_90, %dma_wait3A_189] : memref<10240x128xf32, #tpu.memory_space<vmem_shared>> -> memref<32x128xf32, #tpu.memory_space<vmem_shared>>
      %dma_wait3A_191 = arith.constant 0 : i32
      %dma_wait3A_192 = tpu.memref_slice %arg10[%add3A_90, %dma_wait3A_191] : memref<10240x128xf32, #tpu.memory_space<vmem_shared>> -> memref<32x128xf32, #tpu.memory_space<vmem_shared>>
      %dma_wait3A_193 = arith.constant 0 : i32
      %dma_wait3A_194 = arith.constant 0 : i32
      %dma_wait3A_195 = tpu.memref_slice %arg8[%run_scoped3A_91, %dma_wait3A_193, %dma_wait3A_194] : memref<6x32x128xf32, #tpu.memory_space<vmem>> -> memref<1x32x128xf32, #tpu.memory_space<vmem>>
      %dma_wait3A_196 = tpu.memref_squeeze %dma_wait3A_195 : memref<1x32x128xf32, #tpu.memory_space<vmem>> -> memref<32x128xf32, #tpu.memory_space<vmem>>
      tpu.wait_dma2 semaphore(%run_scoped3A_173 : memref<!tpu.dma_semaphore, #tpu.memory_space<semaphore_mem>>) src(%dma_wait3A_196 : memref<32x128xf32, #tpu.memory_space<vmem>>) dst(%dma_wait3A_192 : memref<32x128xf32, #tpu.memory_space<vmem_shared>>)
      tpu.yield
    }) : () -> ()
    %mul3A_92 = arith.constant 640 : i32
    %mul3A_93 = arith.muli %arg1, %mul3A_92 : i32
    %add3A_94 = arith.constant 544 : i32
    %add3A_95 = arith.addi %mul3A_93, %add3A_94 : i32
    %run_scoped3A_96 = arith.constant 0 : i32
    "tpu.region"() ({
      %run_scoped3A_173 = tpu.sem_alloc : memref<!tpu.dma_semaphore, #tpu.memory_space<semaphore_mem>>
      %dma_start3A_174 = arith.constant 0 : i32
      %dma_start3A_175 = arith.constant 0 : i32
      %dma_start3A_176 = tpu.memref_slice %arg8[%run_scoped3A_96, %dma_start3A_174, %dma_start3A_175] : memref<6x32x128xf32, #tpu.memory_space<vmem>> -> memref<1x32x128xf32, #tpu.memory_space<vmem>>
      %dma_start3A_177 = tpu.memref_squeeze %dma_start3A_176 : memref<1x32x128xf32, #tpu.memory_space<vmem>> -> memref<32x128xf32, #tpu.memory_space<vmem>>
      %dma_start3A_178 = arith.constant 0 : i32
      %dma_start3A_179 = tpu.memref_slice %arg10[%add3A_95, %dma_start3A_178] : memref<10240x128xf32, #tpu.memory_space<vmem_shared>> -> memref<32x128xf32, #tpu.memory_space<vmem_shared>>
      %dma_start3A_180 = arith.constant 0 : i32
      %dma_start3A_181 = tpu.memref_slice %arg10[%add3A_95, %dma_start3A_180] : memref<10240x128xf32, #tpu.memory_space<vmem_shared>> -> memref<32x128xf32, #tpu.memory_space<vmem_shared>>
      %dma_start3A_182 = arith.constant 0 : i32
      %dma_start3A_183 = arith.constant 0 : i32
      %dma_start3A_184 = tpu.memref_slice %arg8[%run_scoped3A_96, %dma_start3A_182, %dma_start3A_183] : memref<6x32x128xf32, #tpu.memory_space<vmem>> -> memref<1x32x128xf32, #tpu.memory_space<vmem>>
      %dma_start3A_185 = tpu.memref_squeeze %dma_start3A_184 : memref<1x32x128xf32, #tpu.memory_space<vmem>> -> memref<32x128xf32, #tpu.memory_space<vmem>>
      tpu.enqueue_dma source(%dma_start3A_185 : memref<32x128xf32, #tpu.memory_space<vmem>>) target(%dma_start3A_181 : memref<32x128xf32, #tpu.memory_space<vmem_shared>>) target_semaphore(%run_scoped3A_173 : memref<!tpu.dma_semaphore, #tpu.memory_space<semaphore_mem>>)
      %dma_wait3A = arith.constant 0 : i32
      %dma_wait3A_186 = arith.constant 0 : i32
      %dma_wait3A_187 = tpu.memref_slice %arg8[%run_scoped3A_96, %dma_wait3A, %dma_wait3A_186] : memref<6x32x128xf32, #tpu.memory_space<vmem>> -> memref<1x32x128xf32, #tpu.memory_space<vmem>>
      %dma_wait3A_188 = tpu.memref_squeeze %dma_wait3A_187 : memref<1x32x128xf32, #tpu.memory_space<vmem>> -> memref<32x128xf32, #tpu.memory_space<vmem>>
      %dma_wait3A_189 = arith.constant 0 : i32
      %dma_wait3A_190 = tpu.memref_slice %arg10[%add3A_95, %dma_wait3A_189] : memref<10240x128xf32, #tpu.memory_space<vmem_shared>> -> memref<32x128xf32, #tpu.memory_space<vmem_shared>>
      %dma_wait3A_191 = arith.constant 0 : i32
      %dma_wait3A_192 = tpu.memref_slice %arg10[%add3A_95, %dma_wait3A_191] : memref<10240x128xf32, #tpu.memory_space<vmem_shared>> -> memref<32x128xf32, #tpu.memory_space<vmem_shared>>
      %dma_wait3A_193 = arith.constant 0 : i32
      %dma_wait3A_194 = arith.constant 0 : i32
      %dma_wait3A_195 = tpu.memref_slice %arg8[%run_scoped3A_96, %dma_wait3A_193, %dma_wait3A_194] : memref<6x32x128xf32, #tpu.memory_space<vmem>> -> memref<1x32x128xf32, #tpu.memory_space<vmem>>
      %dma_wait3A_196 = tpu.memref_squeeze %dma_wait3A_195 : memref<1x32x128xf32, #tpu.memory_space<vmem>> -> memref<32x128xf32, #tpu.memory_space<vmem>>
      tpu.wait_dma2 semaphore(%run_scoped3A_173 : memref<!tpu.dma_semaphore, #tpu.memory_space<semaphore_mem>>) src(%dma_wait3A_196 : memref<32x128xf32, #tpu.memory_space<vmem>>) dst(%dma_wait3A_192 : memref<32x128xf32, #tpu.memory_space<vmem_shared>>)
      tpu.yield
    }) : () -> ()
    %mul3A_97 = arith.constant 640 : i32
    %mul3A_98 = arith.muli %arg1, %mul3A_97 : i32
    %add3A_99 = arith.constant 576 : i32
    %add3A_100 = arith.addi %mul3A_98, %add3A_99 : i32
    %run_scoped3A_101 = arith.constant 0 : i32
    "tpu.region"() ({
      %run_scoped3A_173 = tpu.sem_alloc : memref<!tpu.dma_semaphore, #tpu.memory_space<semaphore_mem>>
      %dma_start3A_174 = arith.constant 0 : i32
      %dma_start3A_175 = arith.constant 0 : i32
      %dma_start3A_176 = tpu.memref_slice %arg8[%run_scoped3A_101, %dma_start3A_174, %dma_start3A_175] : memref<6x32x128xf32, #tpu.memory_space<vmem>> -> memref<1x32x128xf32, #tpu.memory_space<vmem>>
      %dma_start3A_177 = tpu.memref_squeeze %dma_start3A_176 : memref<1x32x128xf32, #tpu.memory_space<vmem>> -> memref<32x128xf32, #tpu.memory_space<vmem>>
      %dma_start3A_178 = arith.constant 0 : i32
      %dma_start3A_179 = tpu.memref_slice %arg10[%add3A_100, %dma_start3A_178] : memref<10240x128xf32, #tpu.memory_space<vmem_shared>> -> memref<32x128xf32, #tpu.memory_space<vmem_shared>>
      %dma_start3A_180 = arith.constant 0 : i32
      %dma_start3A_181 = tpu.memref_slice %arg10[%add3A_100, %dma_start3A_180] : memref<10240x128xf32, #tpu.memory_space<vmem_shared>> -> memref<32x128xf32, #tpu.memory_space<vmem_shared>>
      %dma_start3A_182 = arith.constant 0 : i32
      %dma_start3A_183 = arith.constant 0 : i32
      %dma_start3A_184 = tpu.memref_slice %arg8[%run_scoped3A_101, %dma_start3A_182, %dma_start3A_183] : memref<6x32x128xf32, #tpu.memory_space<vmem>> -> memref<1x32x128xf32, #tpu.memory_space<vmem>>
      %dma_start3A_185 = tpu.memref_squeeze %dma_start3A_184 : memref<1x32x128xf32, #tpu.memory_space<vmem>> -> memref<32x128xf32, #tpu.memory_space<vmem>>
      tpu.enqueue_dma source(%dma_start3A_185 : memref<32x128xf32, #tpu.memory_space<vmem>>) target(%dma_start3A_181 : memref<32x128xf32, #tpu.memory_space<vmem_shared>>) target_semaphore(%run_scoped3A_173 : memref<!tpu.dma_semaphore, #tpu.memory_space<semaphore_mem>>)
      %dma_wait3A = arith.constant 0 : i32
      %dma_wait3A_186 = arith.constant 0 : i32
      %dma_wait3A_187 = tpu.memref_slice %arg8[%run_scoped3A_101, %dma_wait3A, %dma_wait3A_186] : memref<6x32x128xf32, #tpu.memory_space<vmem>> -> memref<1x32x128xf32, #tpu.memory_space<vmem>>
      %dma_wait3A_188 = tpu.memref_squeeze %dma_wait3A_187 : memref<1x32x128xf32, #tpu.memory_space<vmem>> -> memref<32x128xf32, #tpu.memory_space<vmem>>
      %dma_wait3A_189 = arith.constant 0 : i32
      %dma_wait3A_190 = tpu.memref_slice %arg10[%add3A_100, %dma_wait3A_189] : memref<10240x128xf32, #tpu.memory_space<vmem_shared>> -> memref<32x128xf32, #tpu.memory_space<vmem_shared>>
      %dma_wait3A_191 = arith.constant 0 : i32
      %dma_wait3A_192 = tpu.memref_slice %arg10[%add3A_100, %dma_wait3A_191] : memref<10240x128xf32, #tpu.memory_space<vmem_shared>> -> memref<32x128xf32, #tpu.memory_space<vmem_shared>>
      %dma_wait3A_193 = arith.constant 0 : i32
      %dma_wait3A_194 = arith.constant 0 : i32
      %dma_wait3A_195 = tpu.memref_slice %arg8[%run_scoped3A_101, %dma_wait3A_193, %dma_wait3A_194] : memref<6x32x128xf32, #tpu.memory_space<vmem>> -> memref<1x32x128xf32, #tpu.memory_space<vmem>>
      %dma_wait3A_196 = tpu.memref_squeeze %dma_wait3A_195 : memref<1x32x128xf32, #tpu.memory_space<vmem>> -> memref<32x128xf32, #tpu.memory_space<vmem>>
      tpu.wait_dma2 semaphore(%run_scoped3A_173 : memref<!tpu.dma_semaphore, #tpu.memory_space<semaphore_mem>>) src(%dma_wait3A_196 : memref<32x128xf32, #tpu.memory_space<vmem>>) dst(%dma_wait3A_192 : memref<32x128xf32, #tpu.memory_space<vmem_shared>>)
      tpu.yield
    }) : () -> ()
    %mul3A_102 = arith.constant 640 : i32
    %mul3A_103 = arith.muli %arg1, %mul3A_102 : i32
    %add3A_104 = arith.constant 608 : i32
    %add3A_105 = arith.addi %mul3A_103, %add3A_104 : i32
    %run_scoped3A_106 = arith.constant 0 : i32
    "tpu.region"() ({
      %run_scoped3A_173 = tpu.sem_alloc : memref<!tpu.dma_semaphore, #tpu.memory_space<semaphore_mem>>
      %dma_start3A_174 = arith.constant 0 : i32
      %dma_start3A_175 = arith.constant 0 : i32
      %dma_start3A_176 = tpu.memref_slice %arg8[%run_scoped3A_106, %dma_start3A_174, %dma_start3A_175] : memref<6x32x128xf32, #tpu.memory_space<vmem>> -> memref<1x32x128xf32, #tpu.memory_space<vmem>>
      %dma_start3A_177 = tpu.memref_squeeze %dma_start3A_176 : memref<1x32x128xf32, #tpu.memory_space<vmem>> -> memref<32x128xf32, #tpu.memory_space<vmem>>
      %dma_start3A_178 = arith.constant 0 : i32
      %dma_start3A_179 = tpu.memref_slice %arg10[%add3A_105, %dma_start3A_178] : memref<10240x128xf32, #tpu.memory_space<vmem_shared>> -> memref<32x128xf32, #tpu.memory_space<vmem_shared>>
      %dma_start3A_180 = arith.constant 0 : i32
      %dma_start3A_181 = tpu.memref_slice %arg10[%add3A_105, %dma_start3A_180] : memref<10240x128xf32, #tpu.memory_space<vmem_shared>> -> memref<32x128xf32, #tpu.memory_space<vmem_shared>>
      %dma_start3A_182 = arith.constant 0 : i32
      %dma_start3A_183 = arith.constant 0 : i32
      %dma_start3A_184 = tpu.memref_slice %arg8[%run_scoped3A_106, %dma_start3A_182, %dma_start3A_183] : memref<6x32x128xf32, #tpu.memory_space<vmem>> -> memref<1x32x128xf32, #tpu.memory_space<vmem>>
      %dma_start3A_185 = tpu.memref_squeeze %dma_start3A_184 : memref<1x32x128xf32, #tpu.memory_space<vmem>> -> memref<32x128xf32, #tpu.memory_space<vmem>>
      tpu.enqueue_dma source(%dma_start3A_185 : memref<32x128xf32, #tpu.memory_space<vmem>>) target(%dma_start3A_181 : memref<32x128xf32, #tpu.memory_space<vmem_shared>>) target_semaphore(%run_scoped3A_173 : memref<!tpu.dma_semaphore, #tpu.memory_space<semaphore_mem>>)
      %dma_wait3A = arith.constant 0 : i32
      %dma_wait3A_186 = arith.constant 0 : i32
      %dma_wait3A_187 = tpu.memref_slice %arg8[%run_scoped3A_106, %dma_wait3A, %dma_wait3A_186] : memref<6x32x128xf32, #tpu.memory_space<vmem>> -> memref<1x32x128xf32, #tpu.memory_space<vmem>>
      %dma_wait3A_188 = tpu.memref_squeeze %dma_wait3A_187 : memref<1x32x128xf32, #tpu.memory_space<vmem>> -> memref<32x128xf32, #tpu.memory_space<vmem>>
      %dma_wait3A_189 = arith.constant 0 : i32
      %dma_wait3A_190 = tpu.memref_slice %arg10[%add3A_105, %dma_wait3A_189] : memref<10240x128xf32, #tpu.memory_space<vmem_shared>> -> memref<32x128xf32, #tpu.memory_space<vmem_shared>>
      %dma_wait3A_191 = arith.constant 0 : i32
      %dma_wait3A_192 = tpu.memref_slice %arg10[%add3A_105, %dma_wait3A_191] : memref<10240x128xf32, #tpu.memory_space<vmem_shared>> -> memref<32x128xf32, #tpu.memory_space<vmem_shared>>
      %dma_wait3A_193 = arith.constant 0 : i32
      %dma_wait3A_194 = arith.constant 0 : i32
      %dma_wait3A_195 = tpu.memref_slice %arg8[%run_scoped3A_106, %dma_wait3A_193, %dma_wait3A_194] : memref<6x32x128xf32, #tpu.memory_space<vmem>> -> memref<1x32x128xf32, #tpu.memory_space<vmem>>
      %dma_wait3A_196 = tpu.memref_squeeze %dma_wait3A_195 : memref<1x32x128xf32, #tpu.memory_space<vmem>> -> memref<32x128xf32, #tpu.memory_space<vmem>>
      tpu.wait_dma2 semaphore(%run_scoped3A_173 : memref<!tpu.dma_semaphore, #tpu.memory_space<semaphore_mem>>) src(%dma_wait3A_196 : memref<32x128xf32, #tpu.memory_space<vmem>>) dst(%dma_wait3A_192 : memref<32x128xf32, #tpu.memory_space<vmem_shared>>)
      tpu.yield
    }) : () -> ()
    %barrier3A = arith.constant 0 : index
    tpu.barrier barrier_id(%barrier3A)
    %mul3A_107 = arith.constant 80 : i32
    %mul3A_108 = arith.muli %add3A, %mul3A_107 : i32
    "tpu.region"() ({
      %run_scoped3A_173 = tpu.sem_alloc : memref<!tpu.dma_semaphore, #tpu.memory_space<semaphore_mem>>
      %dma_start3A_174 = arith.constant 0 : i32
      %dma_start3A_175 = tpu.memref_slice %arg3[%mul3A_108, %dma_start3A_174] : memref<2560x128xi32, #tpu.memory_space<hbm>> -> memref<80x128xi32, #tpu.memory_space<hbm>>
      %dma_start3A_176 = arith.constant 0 : i32
      %dma_start3A_177 = tpu.memref_slice %arg3[%mul3A_108, %dma_start3A_176] : memref<2560x128xi32, #tpu.memory_space<hbm>> -> memref<80x128xi32, #tpu.memory_space<hbm>>
      tpu.enqueue_dma source(%dma_start3A_177 : memref<80x128xi32, #tpu.memory_space<hbm>>) target(%arg6 : memref<80x128xi32, #tpu.memory_space<vmem>>) target_semaphore(%run_scoped3A_173 : memref<!tpu.dma_semaphore, #tpu.memory_space<semaphore_mem>>)
      %dma_wait3A = arith.constant 0 : i32
      %dma_wait3A_178 = tpu.memref_slice %arg3[%mul3A_108, %dma_wait3A] : memref<2560x128xi32, #tpu.memory_space<hbm>> -> memref<80x128xi32, #tpu.memory_space<hbm>>
      %dma_wait3A_179 = arith.constant 0 : i32
      %dma_wait3A_180 = tpu.memref_slice %arg3[%mul3A_108, %dma_wait3A_179] : memref<2560x128xi32, #tpu.memory_space<hbm>> -> memref<80x128xi32, #tpu.memory_space<hbm>>
      tpu.wait_dma2 semaphore(%run_scoped3A_173 : memref<!tpu.dma_semaphore, #tpu.memory_space<semaphore_mem>>) src(%dma_wait3A_180 : memref<80x128xi32, #tpu.memory_space<hbm>>) dst(%arg6 : memref<80x128xi32, #tpu.memory_space<vmem>>)
      tpu.yield
    }) : () -> ()
    %mul3A_109 = arith.constant 80 : i32
    %mul3A_110 = arith.muli %add3A, %mul3A_109 : i32
    "tpu.region"() ({
      %run_scoped3A_173 = tpu.sem_alloc : memref<!tpu.dma_semaphore, #tpu.memory_space<semaphore_mem>>
      %dma_start3A_174 = arith.constant 0 : i32
      %dma_start3A_175 = tpu.memref_slice %arg4[%mul3A_110, %dma_start3A_174] : memref<2560x128xi32, #tpu.memory_space<hbm>> -> memref<80x128xi32, #tpu.memory_space<hbm>>
      %dma_start3A_176 = arith.constant 0 : i32
      %dma_start3A_177 = tpu.memref_slice %arg4[%mul3A_110, %dma_start3A_176] : memref<2560x128xi32, #tpu.memory_space<hbm>> -> memref<80x128xi32, #tpu.memory_space<hbm>>
      tpu.enqueue_dma source(%dma_start3A_177 : memref<80x128xi32, #tpu.memory_space<hbm>>) target(%arg7 : memref<80x128xi32, #tpu.memory_space<vmem>>) target_semaphore(%run_scoped3A_173 : memref<!tpu.dma_semaphore, #tpu.memory_space<semaphore_mem>>)
      %dma_wait3A = arith.constant 0 : i32
      %dma_wait3A_178 = tpu.memref_slice %arg4[%mul3A_110, %dma_wait3A] : memref<2560x128xi32, #tpu.memory_space<hbm>> -> memref<80x128xi32, #tpu.memory_space<hbm>>
      %dma_wait3A_179 = arith.constant 0 : i32
      %dma_wait3A_180 = tpu.memref_slice %arg4[%mul3A_110, %dma_wait3A_179] : memref<2560x128xi32, #tpu.memory_space<hbm>> -> memref<80x128xi32, #tpu.memory_space<hbm>>
      tpu.wait_dma2 semaphore(%run_scoped3A_173 : memref<!tpu.dma_semaphore, #tpu.memory_space<semaphore_mem>>) src(%dma_wait3A_180 : memref<80x128xi32, #tpu.memory_space<hbm>>) dst(%arg7 : memref<80x128xi32, #tpu.memory_space<vmem>>)
      tpu.yield
    }) : () -> ()
    %dma_start3A = arith.constant 0 : i32
    %dma_start3A_111 = arith.constant 0 : i32
    %dma_start3A_112 = arith.constant 0 : i32
    %dma_start3A_113 = arith.constant 0 : i32
    %dma_start3A_114 = tpu.memref_slice %arg8[%dma_start3A_111, %dma_start3A_112, %dma_start3A_113] : memref<6x32x128xf32, #tpu.memory_space<vmem>> -> memref<1x32x128xf32, #tpu.memory_space<vmem>>
    %dma_start3A_115 = tpu.memref_squeeze %dma_start3A_114 : memref<1x32x128xf32, #tpu.memory_space<vmem>> -> memref<32x128xf32, #tpu.memory_space<vmem>>
    %dma_start3A_116 = arith.constant 0 : i32
    %dma_start3A_117 = tpu.memref_slice %arg6[%dma_start3A, %dma_start3A_116] : memref<80x128xi32, #tpu.memory_space<vmem>> -> memref<1x32xi32, #tpu.memory_space<vmem>>
    %dma_start3A_118 = tpu.memref_squeeze %dma_start3A_117 : memref<1x32xi32, #tpu.memory_space<vmem>> -> memref<32xi32, #tpu.memory_space<vmem>>
    %dma_start3A_119 = arith.constant 0 : i32
    %dma_start3A_120 = arith.constant 0 : i32
    %dma_start3A_121 = tpu.memref_slice %arg2[%dma_start3A_119, %dma_start3A_120] : memref<10000x128xf32, #tpu.memory_space<hbm>> -> memref<10000x128xf32, #tpu.memory_space<hbm>>
    tpu.enqueue_indirect_dma source(%dma_start3A_121 : memref<10000x128xf32, #tpu.memory_space<hbm>>) target(%dma_start3A_115 : memref<32x128xf32, #tpu.memory_space<vmem>>) offsets(%dma_start3A_118 : memref<32xi32, #tpu.memory_space<vmem>>) semaphore(%arg9 : memref<!tpu.dma_semaphore, #tpu.memory_space<semaphore_mem>>)
    %dma_start3A_122 = arith.constant 0 : i32
    %dma_start3A_123 = arith.constant 1 : i32
    %dma_start3A_124 = arith.constant 0 : i32
    %dma_start3A_125 = arith.constant 0 : i32
    %dma_start3A_126 = tpu.memref_slice %arg8[%dma_start3A_123, %dma_start3A_124, %dma_start3A_125] : memref<6x32x128xf32, #tpu.memory_space<vmem>> -> memref<1x32x128xf32, #tpu.memory_space<vmem>>
    %dma_start3A_127 = tpu.memref_squeeze %dma_start3A_126 : memref<1x32x128xf32, #tpu.memory_space<vmem>> -> memref<32x128xf32, #tpu.memory_space<vmem>>
    %dma_start3A_128 = arith.constant 32 : i32
    %dma_start3A_129 = tpu.memref_slice %arg6[%dma_start3A_122, %dma_start3A_128] : memref<80x128xi32, #tpu.memory_space<vmem>> -> memref<1x32xi32, #tpu.memory_space<vmem>>
    %dma_start3A_130 = tpu.memref_squeeze %dma_start3A_129 : memref<1x32xi32, #tpu.memory_space<vmem>> -> memref<32xi32, #tpu.memory_space<vmem>>
    %dma_start3A_131 = arith.constant 0 : i32
    %dma_start3A_132 = arith.constant 0 : i32
    %dma_start3A_133 = tpu.memref_slice %arg2[%dma_start3A_131, %dma_start3A_132] : memref<10000x128xf32, #tpu.memory_space<hbm>> -> memref<10000x128xf32, #tpu.memory_space<hbm>>
    tpu.enqueue_indirect_dma source(%dma_start3A_133 : memref<10000x128xf32, #tpu.memory_space<hbm>>) target(%dma_start3A_127 : memref<32x128xf32, #tpu.memory_space<vmem>>) offsets(%dma_start3A_130 : memref<32xi32, #tpu.memory_space<vmem>>) semaphore(%arg9 : memref<!tpu.dma_semaphore, #tpu.memory_space<semaphore_mem>>)
    %dma_start3A_134 = arith.constant 0 : i32
    %dma_start3A_135 = arith.constant 2 : i32
    %dma_start3A_136 = arith.constant 0 : i32
    %dma_start3A_137 = arith.constant 0 : i32
    %dma_start3A_138 = tpu.memref_slice %arg8[%dma_start3A_135, %dma_start3A_136, %dma_start3A_137] : memref<6x32x128xf32, #tpu.memory_space<vmem>> -> memref<1x32x128xf32, #tpu.memory_space<vmem>>
    %dma_start3A_139 = tpu.memref_squeeze %dma_start3A_138 : memref<1x32x128xf32, #tpu.memory_space<vmem>> -> memref<32x128xf32, #tpu.memory_space<vmem>>
    %dma_start3A_140 = arith.constant 64 : i32
    %dma_start3A_141 = tpu.memref_slice %arg6[%dma_start3A_134, %dma_start3A_140] : memref<80x128xi32, #tpu.memory_space<vmem>> -> memref<1x32xi32, #tpu.memory_space<vmem>>
    %dma_start3A_142 = tpu.memref_squeeze %dma_start3A_141 : memref<1x32xi32, #tpu.memory_space<vmem>> -> memref<32xi32, #tpu.memory_space<vmem>>
    %dma_start3A_143 = arith.constant 0 : i32
    %dma_start3A_144 = arith.constant 0 : i32
    %dma_start3A_145 = tpu.memref_slice %arg2[%dma_start3A_143, %dma_start3A_144] : memref<10000x128xf32, #tpu.memory_space<hbm>> -> memref<10000x128xf32, #tpu.memory_space<hbm>>
    tpu.enqueue_indirect_dma source(%dma_start3A_145 : memref<10000x128xf32, #tpu.memory_space<hbm>>) target(%dma_start3A_139 : memref<32x128xf32, #tpu.memory_space<vmem>>) offsets(%dma_start3A_142 : memref<32xi32, #tpu.memory_space<vmem>>) semaphore(%arg9 : memref<!tpu.dma_semaphore, #tpu.memory_space<semaphore_mem>>)
    %dma_start3A_146 = arith.constant 0 : i32
    %dma_start3A_147 = arith.constant 3 : i32
    %dma_start3A_148 = arith.constant 0 : i32
    %dma_start3A_149 = arith.constant 0 : i32
    %dma_start3A_150 = tpu.memref_slice %arg8[%dma_start3A_147, %dma_start3A_148, %dma_start3A_149] : memref<6x32x128xf32, #tpu.memory_space<vmem>> -> memref<1x32x128xf32, #tpu.memory_space<vmem>>
    %dma_start3A_151 = tpu.memref_squeeze %dma_start3A_150 : memref<1x32x128xf32, #tpu.memory_space<vmem>> -> memref<32x128xf32, #tpu.memory_space<vmem>>
    %dma_start3A_152 = arith.constant 96 : i32
    %dma_start3A_153 = tpu.memref_slice %arg6[%dma_start3A_146, %dma_start3A_152] : memref<80x128xi32, #tpu.memory_space<vmem>> -> memref<1x32xi32, #tpu.memory_space<vmem>>
    %dma_start3A_154 = tpu.memref_squeeze %dma_start3A_153 : memref<1x32xi32, #tpu.memory_space<vmem>> -> memref<32xi32, #tpu.memory_space<vmem>>
    %dma_start3A_155 = arith.constant 0 : i32
    %dma_start3A_156 = arith.constant 0 : i32
    %dma_start3A_157 = tpu.memref_slice %arg2[%dma_start3A_155, %dma_start3A_156] : memref<10000x128xf32, #tpu.memory_space<hbm>> -> memref<10000x128xf32, #tpu.memory_space<hbm>>
    tpu.enqueue_indirect_dma source(%dma_start3A_157 : memref<10000x128xf32, #tpu.memory_space<hbm>>) target(%dma_start3A_151 : memref<32x128xf32, #tpu.memory_space<vmem>>) offsets(%dma_start3A_154 : memref<32xi32, #tpu.memory_space<vmem>>) semaphore(%arg9 : memref<!tpu.dma_semaphore, #tpu.memory_space<semaphore_mem>>)
    %scan3A_158 = arith.constant 0 : i32
    %scan3A_159 = arith.constant 0 : i32
    %scan3A_160 = arith.constant 320 : i32
    %scan3A_161 = arith.addi %scan3A_159, %scan3A_160 : i32
    %scan3A_162 = arith.constant 1 : i32
    %scan3A_163 = scf.for %scan3A_173 = %scan3A_159 to %scan3A_161 step %scan3A_162 iter_args(%scan3A_174 = %scan3A_158) -> (i32)  : i32 {
      %jit3A = arith.constant 6 : i32
      %eq3A = arith.constant 0 : i32
      %eq3A_175 = arith.cmpi eq, %jit3A, %eq3A : i32
      %jit3A_176 = arith.constant 1 : i32
      %select_n3A = arith.select %eq3A_175, %jit3A_176, %jit3A : i32
      %rem3A = arith.remsi %scan3A_173, %select_n3A : i32
      %ne3A = arith.constant 0 : i32
      %ne3A_177 = arith.cmpi ne, %rem3A, %ne3A : i32
      %lt3A = arith.constant 0 : i32
      %lt3A_178 = arith.cmpi slt, %rem3A, %lt3A : i32
      %lt3A_179 = arith.constant 0 : i32
      %lt3A_180 = arith.cmpi slt, %select_n3A, %lt3A_179 : i32
      %ne3A_181 = arith.xori %lt3A_178, %lt3A_180 : i1
      %and3A = arith.andi %ne3A_181, %ne3A_177 : i1
      %add3A_182 = arith.addi %rem3A, %select_n3A : i32
      %select_n3A_183 = arith.select %and3A, %add3A_182, %rem3A : i32
      %dma_wait3A = arith.constant 0 : i32
      %dma_wait3A_184 = arith.constant 0 : i32
      %dma_wait3A_185 = tpu.memref_slice %arg8[%select_n3A_183, %dma_wait3A, %dma_wait3A_184] : memref<6x32x128xf32, #tpu.memory_space<vmem>> -> memref<1x32x128xf32, #tpu.memory_space<vmem>>
      %dma_wait3A_186 = tpu.memref_squeeze %dma_wait3A_185 : memref<1x32x128xf32, #tpu.memory_space<vmem>> -> memref<32x128xf32, #tpu.memory_space<vmem>>
      %dma_wait3A_187 = arith.constant 0 : i32
      %dma_wait3A_188 = arith.constant 0 : i32
      %dma_wait3A_189 = tpu.memref_slice %arg2[%dma_wait3A_187, %dma_wait3A_188] : memref<10000x128xf32, #tpu.memory_space<hbm>> -> memref<32x128xf32, #tpu.memory_space<hbm>>
      %dma_wait3A_190 = arith.constant 0 : i32
      %dma_wait3A_191 = arith.constant 0 : i32
      %dma_wait3A_192 = tpu.memref_slice %arg8[%select_n3A_183, %dma_wait3A_190, %dma_wait3A_191] : memref<6x32x128xf32, #tpu.memory_space<vmem>> -> memref<1x32x128xf32, #tpu.memory_space<vmem>>
      %dma_wait3A_193 = tpu.memref_squeeze %dma_wait3A_192 : memref<1x32x128xf32, #tpu.memory_space<vmem>> -> memref<32x128xf32, #tpu.memory_space<vmem>>
      %dma_wait3A_194 = arith.constant 0 : i32
      %dma_wait3A_195 = arith.constant 0 : i32
      %dma_wait3A_196 = tpu.memref_slice %arg2[%dma_wait3A_194, %dma_wait3A_195] : memref<10000x128xf32, #tpu.memory_space<hbm>> -> memref<32x128xf32, #tpu.memory_space<hbm>>
      tpu.wait_dma2 semaphore(%arg9 : memref<!tpu.dma_semaphore, #tpu.memory_space<semaphore_mem>>) src(%dma_wait3A_196 : memref<32x128xf32, #tpu.memory_space<hbm>>) dst(%dma_wait3A_193 : memref<32x128xf32, #tpu.memory_space<vmem>>)
      %add3A_197 = arith.constant 4 : i32
      %add3A_198 = arith.addi %scan3A_173, %add3A_197 : i32
      %lt3A_199 = arith.constant 320 : i32
      %lt3A_200 = arith.cmpi slt, %add3A_198, %lt3A_199 : i32
      %convert_element_type3A = arith.extui %lt3A_200 : i1 to i32
      %cond3A = arith.constant 0 : i32
      %cond3A_201 = arith.cmpi ne, %convert_element_type3A, %cond3A : i32
      scf.if %cond3A_201 {
        %add3A_293 = arith.constant 4 : i32
        %add3A_294 = arith.addi %scan3A_173, %add3A_293 : i32
        %add3A_295 = arith.constant 4 : i32
        %add3A_296 = arith.addi %scan3A_173, %add3A_295 : i32
        %jit3A_297 = arith.constant 6 : i32
        %eq3A_298 = arith.constant 0 : i32
        %eq3A_299 = arith.cmpi eq, %jit3A_297, %eq3A_298 : i32
        %jit3A_300 = arith.constant 1 : i32
        %select_n3A_301 = arith.select %eq3A_299, %jit3A_300, %jit3A_297 : i32
        %rem3A_302 = arith.remsi %add3A_296, %select_n3A_301 : i32
        %ne3A_303 = arith.constant 0 : i32
        %ne3A_304 = arith.cmpi ne, %rem3A_302, %ne3A_303 : i32
        %lt3A_305 = arith.constant 0 : i32
        %lt3A_306 = arith.cmpi slt, %rem3A_302, %lt3A_305 : i32
        %lt3A_307 = arith.constant 0 : i32
        %lt3A_308 = arith.cmpi slt, %select_n3A_301, %lt3A_307 : i32
        %ne3A_309 = arith.xori %lt3A_306, %lt3A_308 : i1
        %and3A_310 = arith.andi %ne3A_309, %ne3A_304 : i1
        %add3A_311 = arith.addi %rem3A_302, %select_n3A_301 : i32
        %select_n3A_312 = arith.select %and3A_310, %add3A_311, %rem3A_302 : i32
        %jit3A_313 = arith.constant 4 : i32
        %div3A_314 = arith.divsi %add3A_294, %jit3A_313 : i32
        %sign3A_315 = arith.constant 0 : i32
        %sign3A_316 = arith.cmpi sgt, %add3A_294, %sign3A_315 : i32
        %sign3A_317 = arith.extui %sign3A_316 : i1 to i32
        %sign3A_318 = arith.constant 0 : i32
        %sign3A_319 = arith.cmpi slt, %add3A_294, %sign3A_318 : i32
        %sign3A_320 = arith.extui %sign3A_319 : i1 to i32
        %sign3A_321 = arith.subi %sign3A_317, %sign3A_320 : i32
        %sign3A_322 = arith.constant 0 : i32
        %sign3A_323 = arith.cmpi sgt, %jit3A_313, %sign3A_322 : i32
        %sign3A_324 = arith.extui %sign3A_323 : i1 to i32
        %sign3A_325 = arith.constant 0 : i32
        %sign3A_326 = arith.cmpi slt, %jit3A_313, %sign3A_325 : i32
        %sign3A_327 = arith.extui %sign3A_326 : i1 to i32
        %sign3A_328 = arith.subi %sign3A_324, %sign3A_327 : i32
        %ne3A_329 = arith.cmpi ne, %sign3A_321, %sign3A_328 : i32
        %rem3A_330 = arith.remsi %add3A_294, %jit3A_313 : i32
        %ne3A_331 = arith.constant 0 : i32
        %ne3A_332 = arith.cmpi ne, %rem3A_330, %ne3A_331 : i32
        %and3A_333 = arith.andi %ne3A_329, %ne3A_332 : i1
        %sub3A_334 = arith.constant 1 : i32
        %sub3A_335 = arith.subi %div3A_314, %sub3A_334 : i32
        %select_n3A_336 = arith.select %and3A_333, %sub3A_335, %div3A_314 : i32
        %jit3A_337 = arith.constant 4 : i32
        %eq3A_338 = arith.constant 0 : i32
        %eq3A_339 = arith.cmpi eq, %jit3A_337, %eq3A_338 : i32
        %jit3A_340 = arith.constant 1 : i32
        %select_n3A_341 = arith.select %eq3A_339, %jit3A_340, %jit3A_337 : i32
        %rem3A_342 = arith.remsi %add3A_294, %select_n3A_341 : i32
        %ne3A_343 = arith.constant 0 : i32
        %ne3A_344 = arith.cmpi ne, %rem3A_342, %ne3A_343 : i32
        %lt3A_345 = arith.constant 0 : i32
        %lt3A_346 = arith.cmpi slt, %rem3A_342, %lt3A_345 : i32
        %lt3A_347 = arith.constant 0 : i32
        %lt3A_348 = arith.cmpi slt, %select_n3A_341, %lt3A_347 : i32
        %ne3A_349 = arith.xori %lt3A_346, %lt3A_348 : i1
        %and3A_350 = arith.andi %ne3A_349, %ne3A_344 : i1
        %add3A_351 = arith.addi %rem3A_342, %select_n3A_341 : i32
        %select_n3A_352 = arith.select %and3A_350, %add3A_351, %rem3A_342 : i32
        %mul3A_353 = arith.constant 32 : i32
        %mul3A_354 = arith.muli %select_n3A_352, %mul3A_353 : i32
        %dma_start3A_355 = arith.constant 0 : i32
        %dma_start3A_356 = arith.constant 0 : i32
        %dma_start3A_357 = tpu.memref_slice %arg8[%select_n3A_312, %dma_start3A_355, %dma_start3A_356] : memref<6x32x128xf32, #tpu.memory_space<vmem>> -> memref<1x32x128xf32, #tpu.memory_space<vmem>>
        %dma_start3A_358 = tpu.memref_squeeze %dma_start3A_357 : memref<1x32x128xf32, #tpu.memory_space<vmem>> -> memref<32x128xf32, #tpu.memory_space<vmem>>
        %dma_start3A_359 = tpu.memref_slice %arg6[%select_n3A_336, %mul3A_354] : memref<80x128xi32, #tpu.memory_space<vmem>> -> memref<1x32xi32, #tpu.memory_space<vmem>>
        %dma_start3A_360 = tpu.memref_squeeze %dma_start3A_359 : memref<1x32xi32, #tpu.memory_space<vmem>> -> memref<32xi32, #tpu.memory_space<vmem>>
        %dma_start3A_361 = arith.constant 0 : i32
        %dma_start3A_362 = arith.constant 0 : i32
        %dma_start3A_363 = tpu.memref_slice %arg2[%dma_start3A_361, %dma_start3A_362] : memref<10000x128xf32, #tpu.memory_space<hbm>> -> memref<10000x128xf32, #tpu.memory_space<hbm>>
        tpu.enqueue_indirect_dma source(%dma_start3A_363 : memref<10000x128xf32, #tpu.memory_space<hbm>>) target(%dma_start3A_358 : memref<32x128xf32, #tpu.memory_space<vmem>>) offsets(%dma_start3A_360 : memref<32xi32, #tpu.memory_space<vmem>>) semaphore(%arg9 : memref<!tpu.dma_semaphore, #tpu.memory_space<semaphore_mem>>)
      } else {
      }
      %jit3A_202 = arith.constant 4 : i32
      %div3A = arith.divsi %scan3A_173, %jit3A_202 : i32
      %sign3A = arith.constant 0 : i32
      %sign3A_203 = arith.cmpi sgt, %scan3A_173, %sign3A : i32
      %sign3A_204 = arith.extui %sign3A_203 : i1 to i32
      %sign3A_205 = arith.constant 0 : i32
      %sign3A_206 = arith.cmpi slt, %scan3A_173, %sign3A_205 : i32
      %sign3A_207 = arith.extui %sign3A_206 : i1 to i32
      %sign3A_208 = arith.subi %sign3A_204, %sign3A_207 : i32
      %sign3A_209 = arith.constant 0 : i32
      %sign3A_210 = arith.cmpi sgt, %jit3A_202, %sign3A_209 : i32
      %sign3A_211 = arith.extui %sign3A_210 : i1 to i32
      %sign3A_212 = arith.constant 0 : i32
      %sign3A_213 = arith.cmpi slt, %jit3A_202, %sign3A_212 : i32
      %sign3A_214 = arith.extui %sign3A_213 : i1 to i32
      %sign3A_215 = arith.subi %sign3A_211, %sign3A_214 : i32
      %ne3A_216 = arith.cmpi ne, %sign3A_208, %sign3A_215 : i32
      %rem3A_217 = arith.remsi %scan3A_173, %jit3A_202 : i32
      %ne3A_218 = arith.constant 0 : i32
      %ne3A_219 = arith.cmpi ne, %rem3A_217, %ne3A_218 : i32
      %and3A_220 = arith.andi %ne3A_216, %ne3A_219 : i1
      %sub3A = arith.constant 1 : i32
      %sub3A_221 = arith.subi %div3A, %sub3A : i32
      %select_n3A_222 = arith.select %and3A_220, %sub3A_221, %div3A : i32
      %jit3A_223 = arith.constant 4 : i32
      %eq3A_224 = arith.constant 0 : i32
      %eq3A_225 = arith.cmpi eq, %jit3A_223, %eq3A_224 : i32
      %jit3A_226 = arith.constant 1 : i32
      %select_n3A_227 = arith.select %eq3A_225, %jit3A_226, %jit3A_223 : i32
      %rem3A_228 = arith.remsi %scan3A_173, %select_n3A_227 : i32
      %ne3A_229 = arith.constant 0 : i32
      %ne3A_230 = arith.cmpi ne, %rem3A_228, %ne3A_229 : i32
      %lt3A_231 = arith.constant 0 : i32
      %lt3A_232 = arith.cmpi slt, %rem3A_228, %lt3A_231 : i32
      %lt3A_233 = arith.constant 0 : i32
      %lt3A_234 = arith.cmpi slt, %select_n3A_227, %lt3A_233 : i32
      %ne3A_235 = arith.xori %lt3A_232, %lt3A_234 : i1
      %and3A_236 = arith.andi %ne3A_235, %ne3A_230 : i1
      %add3A_237 = arith.addi %rem3A_228, %select_n3A_227 : i32
      %select_n3A_238 = arith.select %and3A_236, %add3A_237, %rem3A_228 : i32
      %mul3A_239 = arith.constant 32 : i32
      %mul3A_240 = arith.muli %select_n3A_238, %mul3A_239 : i32
      %add3A_241 = arith.constant 0 : i32
      %add3A_242 = arith.addi %mul3A_240, %add3A_241 : i32
      %get3A = arith.index_cast %select_n3A_222 : i32 to index
      %get3A_243 = arith.index_cast %add3A_242 : i32 to index
      %get3A_244 = tpu.vector_load %arg7[%get3A, %get3A_243] {strides = array<i32>} : memref<80x128xi32, #tpu.memory_space<vmem>>, vector<16xi32>,
      "tpu.region"() ({
        %run_scoped3A_293 = tpu.sem_alloc : memref<!tpu.dma_semaphore, #tpu.memory_space<semaphore_mem>>
        %dma_start3A_294 = arith.constant 0 : i32
        %dma_start3A_295 = arith.constant 0 : i32
        %dma_start3A_296 = tpu.memref_slice %arg8[%select_n3A_183, %dma_start3A_294, %dma_start3A_295] : memref<6x32x128xf32, #tpu.memory_space<vmem>> -> memref<1x32x128xf32, #tpu.memory_space<vmem>>
        %dma_start3A_297 = tpu.memref_squeeze %dma_start3A_296 : memref<1x32x128xf32, #tpu.memory_space<vmem>> -> memref<32x128xf32, #tpu.memory_space<vmem>>
        %dma_start3A_298 = arith.constant 0 : i32
        %dma_start3A_299 = arith.constant 0 : i32
        %dma_start3A_300 = tpu.memref_slice %dma_start3A_297[%dma_start3A_298, %dma_start3A_299] : memref<32x128xf32, #tpu.memory_space<vmem>> -> memref<16x128xf32, #tpu.memory_space<vmem>>
        %dma_start3A_301 = arith.constant 0 : i32
        %dma_start3A_302 = arith.constant 0 : i32
        %dma_start3A_303 = tpu.memref_slice %arg10[%dma_start3A_301, %dma_start3A_302] : memref<10240x128xf32, #tpu.memory_space<vmem_shared>> -> memref<10240x128xf32, #tpu.memory_space<vmem_shared>>
        tpu.enqueue_indirect_dma source(%dma_start3A_300 : memref<16x128xf32, #tpu.memory_space<vmem>>) target(%dma_start3A_303 : memref<10240x128xf32, #tpu.memory_space<vmem_shared>>) offsets(%get3A_244 : vector<16xi32>) semaphore(%run_scoped3A_293 : memref<!tpu.dma_semaphore, #tpu.memory_space<semaphore_mem>>) {add = true}
        %dma_wait3A_304 = arith.constant 0 : i32
        %dma_wait3A_305 = arith.constant 0 : i32
        %dma_wait3A_306 = tpu.memref_slice %arg8[%select_n3A_183, %dma_wait3A_304, %dma_wait3A_305] : memref<6x32x128xf32, #tpu.memory_space<vmem>> -> memref<1x32x128xf32, #tpu.memory_space<vmem>>
        %dma_wait3A_307 = tpu.memref_squeeze %dma_wait3A_306 : memref<1x32x128xf32, #tpu.memory_space<vmem>> -> memref<32x128xf32, #tpu.memory_space<vmem>>
        %dma_wait3A_308 = arith.constant 0 : i32
        %dma_wait3A_309 = arith.constant 0 : i32
        %dma_wait3A_310 = tpu.memref_slice %dma_wait3A_307[%dma_wait3A_308, %dma_wait3A_309] : memref<32x128xf32, #tpu.memory_space<vmem>> -> memref<16x128xf32, #tpu.memory_space<vmem>>
        %dma_wait3A_311 = arith.constant 0 : i32
        %dma_wait3A_312 = arith.constant 0 : i32
        %dma_wait3A_313 = tpu.memref_slice %arg10[%dma_wait3A_311, %dma_wait3A_312] : memref<10240x128xf32, #tpu.memory_space<vmem_shared>> -> memref<10240x128xf32, #tpu.memory_space<vmem_shared>>
        tpu.wait_indirect_dma semaphore(%run_scoped3A_293 : memref<!tpu.dma_semaphore, #tpu.memory_space<semaphore_mem>>) src(%dma_wait3A_310 : memref<16x128xf32, #tpu.memory_space<vmem>>) dst(%dma_wait3A_313 : memref<10240x128xf32, #tpu.memory_space<vmem_shared>>)
        tpu.yield
      }) : () -> ()
      %jit3A_245 = arith.constant 4 : i32
      %div3A_246 = arith.divsi %scan3A_173, %jit3A_245 : i32
      %sign3A_247 = arith.constant 0 : i32
      %sign3A_248 = arith.cmpi sgt, %scan3A_173, %sign3A_247 : i32
      %sign3A_249 = arith.extui %sign3A_248 : i1 to i32
      %sign3A_250 = arith.constant 0 : i32
      %sign3A_251 = arith.cmpi slt, %scan3A_173, %sign3A_250 : i32
      %sign3A_252 = arith.extui %sign3A_251 : i1 to i32
      %sign3A_253 = arith.subi %sign3A_249, %sign3A_252 : i32
      %sign3A_254 = arith.constant 0 : i32
      %sign3A_255 = arith.cmpi sgt, %jit3A_245, %sign3A_254 : i32
      %sign3A_256 = arith.extui %sign3A_255 : i1 to i32
      %sign3A_257 = arith.constant 0 : i32
      %sign3A_258 = arith.cmpi slt, %jit3A_245, %sign3A_257 : i32
      %sign3A_259 = arith.extui %sign3A_258 : i1 to i32
      %sign3A_260 = arith.subi %sign3A_256, %sign3A_259 : i32
      %ne3A_261 = arith.cmpi ne, %sign3A_253, %sign3A_260 : i32
      %rem3A_262 = arith.remsi %scan3A_173, %jit3A_245 : i32
      %ne3A_263 = arith.constant 0 : i32
      %ne3A_264 = arith.cmpi ne, %rem3A_262, %ne3A_263 : i32
      %and3A_265 = arith.andi %ne3A_261, %ne3A_264 : i1
      %sub3A_266 = arith.constant 1 : i32
      %sub3A_267 = arith.subi %div3A_246, %sub3A_266 : i32
      %select_n3A_268 = arith.select %and3A_265, %sub3A_267, %div3A_246 : i32
      %jit3A_269 = arith.constant 4 : i32
      %eq3A_270 = arith.constant 0 : i32
      %eq3A_271 = arith.cmpi eq, %jit3A_269, %eq3A_270 : i32
      %jit3A_272 = arith.constant 1 : i32
      %select_n3A_273 = arith.select %eq3A_271, %jit3A_272, %jit3A_269 : i32
      %rem3A_274 = arith.remsi %scan3A_173, %select_n3A_273 : i32
      %ne3A_275 = arith.constant 0 : i32
      %ne3A_276 = arith.cmpi ne, %rem3A_274, %ne3A_275 : i32
      %lt3A_277 = arith.constant 0 : i32
      %lt3A_278 = arith.cmpi slt, %rem3A_274, %lt3A_277 : i32
      %lt3A_279 = arith.constant 0 : i32
      %lt3A_280 = arith.cmpi slt, %select_n3A_273, %lt3A_279 : i32
      %ne3A_281 = arith.xori %lt3A_278, %lt3A_280 : i1
      %and3A_282 = arith.andi %ne3A_281, %ne3A_276 : i1
      %add3A_283 = arith.addi %rem3A_274, %select_n3A_273 : i32
      %select_n3A_284 = arith.select %and3A_282, %add3A_283, %rem3A_274 : i32
      %mul3A_285 = arith.constant 32 : i32
      %mul3A_286 = arith.muli %select_n3A_284, %mul3A_285 : i32
      %add3A_287 = arith.constant 16 : i32
      %add3A_288 = arith.addi %mul3A_286, %add3A_287 : i32
      %get3A_289 = arith.index_cast %select_n3A_268 : i32 to index
      %get3A_290 = arith.index_cast %add3A_288 : i32 to index
      %get3A_291 = tpu.vector_load %arg7[%get3A_289, %get3A_290] {strides = array<i32>} : memref<80x128xi32, #tpu.memory_space<vmem>>, vector<16xi32>,
      "tpu.region"() ({
        %run_scoped3A_293 = tpu.sem_alloc : memref<!tpu.dma_semaphore, #tpu.memory_space<semaphore_mem>>
        %dma_start3A_294 = arith.constant 0 : i32
        %dma_start3A_295 = arith.constant 0 : i32
        %dma_start3A_296 = tpu.memref_slice %arg8[%select_n3A_183, %dma_start3A_294, %dma_start3A_295] : memref<6x32x128xf32, #tpu.memory_space<vmem>> -> memref<1x32x128xf32, #tpu.memory_space<vmem>>
        %dma_start3A_297 = tpu.memref_squeeze %dma_start3A_296 : memref<1x32x128xf32, #tpu.memory_space<vmem>> -> memref<32x128xf32, #tpu.memory_space<vmem>>
        %dma_start3A_298 = arith.constant 16 : i32
        %dma_start3A_299 = arith.constant 0 : i32
        %dma_start3A_300 = tpu.memref_slice %dma_start3A_297[%dma_start3A_298, %dma_start3A_299] : memref<32x128xf32, #tpu.memory_space<vmem>> -> memref<16x128xf32, #tpu.memory_space<vmem>>
        %dma_start3A_301 = arith.constant 0 : i32
        %dma_start3A_302 = arith.constant 0 : i32
        %dma_start3A_303 = tpu.memref_slice %arg10[%dma_start3A_301, %dma_start3A_302] : memref<10240x128xf32, #tpu.memory_space<vmem_shared>> -> memref<10240x128xf32, #tpu.memory_space<vmem_shared>>
        tpu.enqueue_indirect_dma source(%dma_start3A_300 : memref<16x128xf32, #tpu.memory_space<vmem>>) target(%dma_start3A_303 : memref<10240x128xf32, #tpu.memory_space<vmem_shared>>) offsets(%get3A_291 : vector<16xi32>) semaphore(%run_scoped3A_293 : memref<!tpu.dma_semaphore, #tpu.memory_space<semaphore_mem>>) {add = true}
        %dma_wait3A_304 = arith.constant 0 : i32
        %dma_wait3A_305 = arith.constant 0 : i32
        %dma_wait3A_306 = tpu.memref_slice %arg8[%select_n3A_183, %dma_wait3A_304, %dma_wait3A_305] : memref<6x32x128xf32, #tpu.memory_space<vmem>> -> memref<1x32x128xf32, #tpu.memory_space<vmem>>
        %dma_wait3A_307 = tpu.memref_squeeze %dma_wait3A_306 : memref<1x32x128xf32, #tpu.memory_space<vmem>> -> memref<32x128xf32, #tpu.memory_space<vmem>>
        %dma_wait3A_308 = arith.constant 16 : i32
        %dma_wait3A_309 = arith.constant 0 : i32
        %dma_wait3A_310 = tpu.memref_slice %dma_wait3A_307[%dma_wait3A_308, %dma_wait3A_309] : memref<32x128xf32, #tpu.memory_space<vmem>> -> memref<16x128xf32, #tpu.memory_space<vmem>>
        %dma_wait3A_311 = arith.constant 0 : i32
        %dma_wait3A_312 = arith.constant 0 : i32
        %dma_wait3A_313 = tpu.memref_slice %arg10[%dma_wait3A_311, %dma_wait3A_312] : memref<10240x128xf32, #tpu.memory_space<vmem_shared>> -> memref<10240x128xf32, #tpu.memory_space<vmem_shared>>
        tpu.wait_indirect_dma semaphore(%run_scoped3A_293 : memref<!tpu.dma_semaphore, #tpu.memory_space<semaphore_mem>>) src(%dma_wait3A_310 : memref<16x128xf32, #tpu.memory_space<vmem>>) dst(%dma_wait3A_313 : memref<10240x128xf32, #tpu.memory_space<vmem_shared>>)
        tpu.yield
      }) : () -> ()
      %scan3A_292 = arith.constant 0 : i32
      scf.yield %scan3A_292 : i32
    }
    %scan3A_164 = arith.constant 320 : i32
    %barrier3A_165 = arith.constant 0 : index
    tpu.barrier barrier_id(%barrier3A_165)
    %mul3A_166 = arith.constant 640 : i32
    %mul3A_167 = arith.muli %arg1, %mul3A_166 : i32
    %mul3A_168 = arith.constant 10240 : i32
    %mul3A_169 = arith.muli %arg0, %mul3A_168 : i32
    %mul3A_170 = arith.constant 640 : i32
    %mul3A_171 = arith.muli %arg1, %mul3A_170 : i32
    %add3A_172 = arith.addi %mul3A_169, %mul3A_171 : i32
    "tpu.region"() ({
      %run_scoped3A_173 = tpu.sem_alloc : memref<!tpu.dma_semaphore, #tpu.memory_space<semaphore_mem>>
      %dma_start3A_174 = arith.constant 0 : i32
      %dma_start3A_175 = tpu.memref_slice %arg5[%add3A_172, %dma_start3A_174] : memref<20480x128xf32, #tpu.memory_space<hbm>> -> memref<640x128xf32, #tpu.memory_space<hbm>>
      %dma_start3A_176 = arith.constant 0 : i32
      %dma_start3A_177 = tpu.memref_slice %arg10[%mul3A_167, %dma_start3A_176] : memref<10240x128xf32, #tpu.memory_space<vmem_shared>> -> memref<640x128xf32, #tpu.memory_space<vmem_shared>>
      tpu.enqueue_dma source(%dma_start3A_177 : memref<640x128xf32, #tpu.memory_space<vmem_shared>>) target(%dma_start3A_175 : memref<640x128xf32, #tpu.memory_space<hbm>>) target_semaphore(%run_scoped3A_173 : memref<!tpu.dma_semaphore, #tpu.memory_space<semaphore_mem>>)
      %dma_wait3A = arith.constant 0 : i32
      %dma_wait3A_178 = tpu.memref_slice %arg5[%add3A_172, %dma_wait3A] : memref<20480x128xf32, #tpu.memory_space<hbm>> -> memref<640x128xf32, #tpu.memory_space<hbm>>
      %dma_wait3A_179 = arith.constant 0 : i32
      %dma_wait3A_180 = tpu.memref_slice %arg10[%mul3A_167, %dma_wait3A_179] : memref<10240x128xf32, #tpu.memory_space<vmem_shared>> -> memref<640x128xf32, #tpu.memory_space<vmem_shared>>
      tpu.wait_dma2 semaphore(%run_scoped3A_173 : memref<!tpu.dma_semaphore, #tpu.memory_space<semaphore_mem>>) src(%dma_wait3A_180 : memref<640x128xf32, #tpu.memory_space<vmem_shared>>) dst(%dma_wait3A_178 : memref<640x128xf32, #tpu.memory_space<hbm>>)
      tpu.yield
    }) : () -> ()
    return
  }
}

#map = affine_map<(d0, d1) -> (0, 0)>
module attributes {stable_mosaic.version = 14 : i64} {
  func.func @_text_kernel(%arg0: i32, %arg1: i32, %arg2: memref<1024x128xi32, #tpu.memory_space<hbm>>, %arg3: memref<30000x128xf32, #tpu.memory_space<hbm>>, %arg4: memref<1024x128xf32, #tpu.memory_space<hbm>>, %arg5: memref<32x128xi32, #tpu.memory_space<vmem>>, %arg6: memref<32x128xf32, #tpu.memory_space<vmem>>, %arg7: memref<4x64x128xf32, #tpu.memory_space<vmem>>, %arg8: memref<!tpu.dma_semaphore, #tpu.memory_space<semaphore_mem>>) attributes {dimension_semantics = [#tpu.dimension_semantics<core_parallel>, #tpu.dimension_semantics<subcore_parallel>], iteration_bounds = array<i64: 2, 16>, scalar_prefetch = 0 : i64, scratch_operands = 4 : i64, tpu.core_type = #tpu.core_type<sc_vector_subcore>, window_params = [{transform_indices = #map}, {transform_indices = #map}, {transform_indices = #map}]} {
    %mul3A = arith.constant 16 : i32
    %mul3A_0 = arith.muli %arg0, %mul3A : i32
    %add3A = arith.addi %mul3A_0, %arg1 : i32
    %mul3A_1 = arith.constant 32 : i32
    %mul3A_2 = arith.muli %add3A, %mul3A_1 : i32
    "tpu.region"() ({
      %run_scoped3A = tpu.sem_alloc : memref<!tpu.dma_semaphore, #tpu.memory_space<semaphore_mem>>
      %dma_start3A_60 = arith.constant 0 : i32
      %dma_start3A_61 = tpu.memref_slice %arg2[%mul3A_2, %dma_start3A_60] : memref<1024x128xi32, #tpu.memory_space<hbm>> -> memref<32x128xi32, #tpu.memory_space<hbm>>
      %dma_start3A_62 = arith.constant 0 : i32
      %dma_start3A_63 = tpu.memref_slice %arg2[%mul3A_2, %dma_start3A_62] : memref<1024x128xi32, #tpu.memory_space<hbm>> -> memref<32x128xi32, #tpu.memory_space<hbm>>
      tpu.enqueue_dma source(%dma_start3A_63 : memref<32x128xi32, #tpu.memory_space<hbm>>) target(%arg5 : memref<32x128xi32, #tpu.memory_space<vmem>>) target_semaphore(%run_scoped3A : memref<!tpu.dma_semaphore, #tpu.memory_space<semaphore_mem>>)
      %dma_wait3A = arith.constant 0 : i32
      %dma_wait3A_64 = tpu.memref_slice %arg2[%mul3A_2, %dma_wait3A] : memref<1024x128xi32, #tpu.memory_space<hbm>> -> memref<32x128xi32, #tpu.memory_space<hbm>>
      %dma_wait3A_65 = arith.constant 0 : i32
      %dma_wait3A_66 = tpu.memref_slice %arg2[%mul3A_2, %dma_wait3A_65] : memref<1024x128xi32, #tpu.memory_space<hbm>> -> memref<32x128xi32, #tpu.memory_space<hbm>>
      tpu.wait_dma2 semaphore(%run_scoped3A : memref<!tpu.dma_semaphore, #tpu.memory_space<semaphore_mem>>) src(%dma_wait3A_66 : memref<32x128xi32, #tpu.memory_space<hbm>>) dst(%arg5 : memref<32x128xi32, #tpu.memory_space<vmem>>)
      tpu.yield
    }) : () -> ()
    %broadcast_in_dim3A = arith.constant 0.000000e+00 : f32
    %broadcast_in_dim3A_3 = vector.broadcast %broadcast_in_dim3A : f32 to vector<16xf32>
    %broadcast_in_dim3A_4 = arith.constant 0.000000e+00 : f32
    %broadcast_in_dim3A_5 = vector.broadcast %broadcast_in_dim3A_4 : f32 to vector<16xf32>
    %broadcast_in_dim3A_6 = arith.constant 0.000000e+00 : f32
    %broadcast_in_dim3A_7 = vector.broadcast %broadcast_in_dim3A_6 : f32 to vector<16xf32>
    %broadcast_in_dim3A_8 = arith.constant 0.000000e+00 : f32
    %broadcast_in_dim3A_9 = vector.broadcast %broadcast_in_dim3A_8 : f32 to vector<16xf32>
    %broadcast_in_dim3A_10 = arith.constant 0.000000e+00 : f32
    %broadcast_in_dim3A_11 = vector.broadcast %broadcast_in_dim3A_10 : f32 to vector<16xf32>
    %broadcast_in_dim3A_12 = arith.constant 0.000000e+00 : f32
    %broadcast_in_dim3A_13 = vector.broadcast %broadcast_in_dim3A_12 : f32 to vector<16xf32>
    %broadcast_in_dim3A_14 = arith.constant 0.000000e+00 : f32
    %broadcast_in_dim3A_15 = vector.broadcast %broadcast_in_dim3A_14 : f32 to vector<16xf32>
    %broadcast_in_dim3A_16 = arith.constant 0.000000e+00 : f32
    %broadcast_in_dim3A_17 = vector.broadcast %broadcast_in_dim3A_16 : f32 to vector<16xf32>
    %dma_start3A = arith.constant 0 : i32
    %dma_start3A_18 = arith.constant 0 : i32
    %dma_start3A_19 = arith.constant 0 : i32
    %dma_start3A_20 = arith.constant 0 : i32
    %dma_start3A_21 = tpu.memref_slice %arg7[%dma_start3A_18, %dma_start3A_19, %dma_start3A_20] : memref<4x64x128xf32, #tpu.memory_space<vmem>> -> memref<1x64x128xf32, #tpu.memory_space<vmem>>
    %dma_start3A_22 = tpu.memref_squeeze %dma_start3A_21 : memref<1x64x128xf32, #tpu.memory_space<vmem>> -> memref<64x128xf32, #tpu.memory_space<vmem>>
    %dma_start3A_23 = arith.constant 0 : i32
    %dma_start3A_24 = tpu.memref_slice %arg5[%dma_start3A, %dma_start3A_23] : memref<32x128xi32, #tpu.memory_space<vmem>> -> memref<1x64xi32, #tpu.memory_space<vmem>>
    %dma_start3A_25 = tpu.memref_squeeze %dma_start3A_24 : memref<1x64xi32, #tpu.memory_space<vmem>> -> memref<64xi32, #tpu.memory_space<vmem>>
    %dma_start3A_26 = arith.constant 0 : i32
    %dma_start3A_27 = arith.constant 0 : i32
    %dma_start3A_28 = tpu.memref_slice %arg3[%dma_start3A_26, %dma_start3A_27] : memref<30000x128xf32, #tpu.memory_space<hbm>> -> memref<30000x128xf32, #tpu.memory_space<hbm>>
    tpu.enqueue_indirect_dma source(%dma_start3A_28 : memref<30000x128xf32, #tpu.memory_space<hbm>>) target(%dma_start3A_22 : memref<64x128xf32, #tpu.memory_space<vmem>>) offsets(%dma_start3A_25 : memref<64xi32, #tpu.memory_space<vmem>>) semaphore(%arg8 : memref<!tpu.dma_semaphore, #tpu.memory_space<semaphore_mem>>)
    %dma_start3A_29 = arith.constant 0 : i32
    %dma_start3A_30 = arith.constant 1 : i32
    %dma_start3A_31 = arith.constant 0 : i32
    %dma_start3A_32 = arith.constant 0 : i32
    %dma_start3A_33 = tpu.memref_slice %arg7[%dma_start3A_30, %dma_start3A_31, %dma_start3A_32] : memref<4x64x128xf32, #tpu.memory_space<vmem>> -> memref<1x64x128xf32, #tpu.memory_space<vmem>>
    %dma_start3A_34 = tpu.memref_squeeze %dma_start3A_33 : memref<1x64x128xf32, #tpu.memory_space<vmem>> -> memref<64x128xf32, #tpu.memory_space<vmem>>
    %dma_start3A_35 = arith.constant 64 : i32
    %dma_start3A_36 = tpu.memref_slice %arg5[%dma_start3A_29, %dma_start3A_35] : memref<32x128xi32, #tpu.memory_space<vmem>> -> memref<1x64xi32, #tpu.memory_space<vmem>>
    %dma_start3A_37 = tpu.memref_squeeze %dma_start3A_36 : memref<1x64xi32, #tpu.memory_space<vmem>> -> memref<64xi32, #tpu.memory_space<vmem>>
    %dma_start3A_38 = arith.constant 0 : i32
    %dma_start3A_39 = arith.constant 0 : i32
    %dma_start3A_40 = tpu.memref_slice %arg3[%dma_start3A_38, %dma_start3A_39] : memref<30000x128xf32, #tpu.memory_space<hbm>> -> memref<30000x128xf32, #tpu.memory_space<hbm>>
    tpu.enqueue_indirect_dma source(%dma_start3A_40 : memref<30000x128xf32, #tpu.memory_space<hbm>>) target(%dma_start3A_34 : memref<64x128xf32, #tpu.memory_space<vmem>>) offsets(%dma_start3A_37 : memref<64xi32, #tpu.memory_space<vmem>>) semaphore(%arg8 : memref<!tpu.dma_semaphore, #tpu.memory_space<semaphore_mem>>)
    %dma_start3A_41 = arith.constant 1 : i32
    %dma_start3A_42 = arith.constant 2 : i32
    %dma_start3A_43 = arith.constant 0 : i32
    %dma_start3A_44 = arith.constant 0 : i32
    %dma_start3A_45 = tpu.memref_slice %arg7[%dma_start3A_42, %dma_start3A_43, %dma_start3A_44] : memref<4x64x128xf32, #tpu.memory_space<vmem>> -> memref<1x64x128xf32, #tpu.memory_space<vmem>>
    %dma_start3A_46 = tpu.memref_squeeze %dma_start3A_45 : memref<1x64x128xf32, #tpu.memory_space<vmem>> -> memref<64x128xf32, #tpu.memory_space<vmem>>
    %dma_start3A_47 = arith.constant 0 : i32
    %dma_start3A_48 = tpu.memref_slice %arg5[%dma_start3A_41, %dma_start3A_47] : memref<32x128xi32, #tpu.memory_space<vmem>> -> memref<1x64xi32, #tpu.memory_space<vmem>>
    %dma_start3A_49 = tpu.memref_squeeze %dma_start3A_48 : memref<1x64xi32, #tpu.memory_space<vmem>> -> memref<64xi32, #tpu.memory_space<vmem>>
    %dma_start3A_50 = arith.constant 0 : i32
    %dma_start3A_51 = arith.constant 0 : i32
    %dma_start3A_52 = tpu.memref_slice %arg3[%dma_start3A_50, %dma_start3A_51] : memref<30000x128xf32, #tpu.memory_space<hbm>> -> memref<30000x128xf32, #tpu.memory_space<hbm>>
    tpu.enqueue_indirect_dma source(%dma_start3A_52 : memref<30000x128xf32, #tpu.memory_space<hbm>>) target(%dma_start3A_46 : memref<64x128xf32, #tpu.memory_space<vmem>>) offsets(%dma_start3A_49 : memref<64xi32, #tpu.memory_space<vmem>>) semaphore(%arg8 : memref<!tpu.dma_semaphore, #tpu.memory_space<semaphore_mem>>)
    %scan3A = arith.constant 0 : i32
    %scan3A_53 = arith.constant 64 : i32
    %scan3A_54 = arith.addi %scan3A, %scan3A_53 : i32
    %scan3A_55 = arith.constant 1 : i32
    %scan3A_56:8 = scf.for %scan3A_60 = %scan3A to %scan3A_54 step %scan3A_55 iter_args(%scan3A_61 = %broadcast_in_dim3A_3, %scan3A_62 = %broadcast_in_dim3A_5, %scan3A_63 = %broadcast_in_dim3A_7, %scan3A_64 = %broadcast_in_dim3A_9, %scan3A_65 = %broadcast_in_dim3A_11, %scan3A_66 = %broadcast_in_dim3A_13, %scan3A_67 = %broadcast_in_dim3A_15, %scan3A_68 = %broadcast_in_dim3A_17) -> (vector<16xf32>, vector<16xf32>, vector<16xf32>, vector<16xf32>, vector<16xf32>, vector<16xf32>, vector<16xf32>, vector<16xf32>)  : i32 {
      %jit3A = arith.constant 4 : i32
      %eq3A = arith.constant 0 : i32
      %eq3A_69 = arith.cmpi eq, %jit3A, %eq3A : i32
      %jit3A_70 = arith.constant 1 : i32
      %select_n3A = arith.select %eq3A_69, %jit3A_70, %jit3A : i32
      %rem3A = arith.remsi %scan3A_60, %select_n3A : i32
      %ne3A = arith.constant 0 : i32
      %ne3A_71 = arith.cmpi ne, %rem3A, %ne3A : i32
      %lt3A = arith.constant 0 : i32
      %lt3A_72 = arith.cmpi slt, %rem3A, %lt3A : i32
      %lt3A_73 = arith.constant 0 : i32
      %lt3A_74 = arith.cmpi slt, %select_n3A, %lt3A_73 : i32
      %ne3A_75 = arith.xori %lt3A_72, %lt3A_74 : i1
      %and3A = arith.andi %ne3A_75, %ne3A_71 : i1
      %add3A_76 = arith.addi %rem3A, %select_n3A : i32
      %select_n3A_77 = arith.select %and3A, %add3A_76, %rem3A : i32
      %dma_wait3A = arith.constant 0 : i32
      %dma_wait3A_78 = arith.constant 0 : i32
      %dma_wait3A_79 = tpu.memref_slice %arg7[%select_n3A_77, %dma_wait3A, %dma_wait3A_78] : memref<4x64x128xf32, #tpu.memory_space<vmem>> -> memref<1x64x128xf32, #tpu.memory_space<vmem>>
      %dma_wait3A_80 = tpu.memref_squeeze %dma_wait3A_79 : memref<1x64x128xf32, #tpu.memory_space<vmem>> -> memref<64x128xf32, #tpu.memory_space<vmem>>
      %dma_wait3A_81 = arith.constant 0 : i32
      %dma_wait3A_82 = arith.constant 0 : i32
      %dma_wait3A_83 = tpu.memref_slice %arg3[%dma_wait3A_81, %dma_wait3A_82] : memref<30000x128xf32, #tpu.memory_space<hbm>> -> memref<64x128xf32, #tpu.memory_space<hbm>>
      %dma_wait3A_84 = arith.constant 0 : i32
      %dma_wait3A_85 = arith.constant 0 : i32
      %dma_wait3A_86 = tpu.memref_slice %arg7[%select_n3A_77, %dma_wait3A_84, %dma_wait3A_85] : memref<4x64x128xf32, #tpu.memory_space<vmem>> -> memref<1x64x128xf32, #tpu.memory_space<vmem>>
      %dma_wait3A_87 = tpu.memref_squeeze %dma_wait3A_86 : memref<1x64x128xf32, #tpu.memory_space<vmem>> -> memref<64x128xf32, #tpu.memory_space<vmem>>
      %dma_wait3A_88 = arith.constant 0 : i32
      %dma_wait3A_89 = arith.constant 0 : i32
      %dma_wait3A_90 = tpu.memref_slice %arg3[%dma_wait3A_88, %dma_wait3A_89] : memref<30000x128xf32, #tpu.memory_space<hbm>> -> memref<64x128xf32, #tpu.memory_space<hbm>>
      tpu.wait_dma2 semaphore(%arg8 : memref<!tpu.dma_semaphore, #tpu.memory_space<semaphore_mem>>) src(%dma_wait3A_90 : memref<64x128xf32, #tpu.memory_space<hbm>>) dst(%dma_wait3A_87 : memref<64x128xf32, #tpu.memory_space<vmem>>)
      %add3A_91 = arith.constant 3 : i32
      %add3A_92 = arith.addi %scan3A_60, %add3A_91 : i32
      %lt3A_93 = arith.constant 64 : i32
      %lt3A_94 = arith.cmpi slt, %add3A_92, %lt3A_93 : i32
      %convert_element_type3A = arith.extui %lt3A_94 : i1 to i32
      %cond3A = arith.constant 0 : i32
      %cond3A_95 = arith.cmpi ne, %convert_element_type3A, %cond3A : i32
      scf.if %cond3A_95 {
        %add3A_149 = arith.constant 3 : i32
        %add3A_150 = arith.addi %scan3A_60, %add3A_149 : i32
        %add3A_151 = arith.constant 3 : i32
        %add3A_152 = arith.addi %scan3A_60, %add3A_151 : i32
        %jit3A_153 = arith.constant 4 : i32
        %eq3A_154 = arith.constant 0 : i32
        %eq3A_155 = arith.cmpi eq, %jit3A_153, %eq3A_154 : i32
        %jit3A_156 = arith.constant 1 : i32
        %select_n3A_157 = arith.select %eq3A_155, %jit3A_156, %jit3A_153 : i32
        %rem3A_158 = arith.remsi %add3A_152, %select_n3A_157 : i32
        %ne3A_159 = arith.constant 0 : i32
        %ne3A_160 = arith.cmpi ne, %rem3A_158, %ne3A_159 : i32
        %lt3A_161 = arith.constant 0 : i32
        %lt3A_162 = arith.cmpi slt, %rem3A_158, %lt3A_161 : i32
        %lt3A_163 = arith.constant 0 : i32
        %lt3A_164 = arith.cmpi slt, %select_n3A_157, %lt3A_163 : i32
        %ne3A_165 = arith.xori %lt3A_162, %lt3A_164 : i1
        %and3A_166 = arith.andi %ne3A_165, %ne3A_160 : i1
        %add3A_167 = arith.addi %rem3A_158, %select_n3A_157 : i32
        %select_n3A_168 = arith.select %and3A_166, %add3A_167, %rem3A_158 : i32
        %jit3A_169 = arith.constant 2 : i32
        %div3A = arith.divsi %add3A_150, %jit3A_169 : i32
        %sign3A = arith.constant 0 : i32
        %sign3A_170 = arith.cmpi sgt, %add3A_150, %sign3A : i32
        %sign3A_171 = arith.extui %sign3A_170 : i1 to i32
        %sign3A_172 = arith.constant 0 : i32
        %sign3A_173 = arith.cmpi slt, %add3A_150, %sign3A_172 : i32
        %sign3A_174 = arith.extui %sign3A_173 : i1 to i32
        %sign3A_175 = arith.subi %sign3A_171, %sign3A_174 : i32
        %sign3A_176 = arith.constant 0 : i32
        %sign3A_177 = arith.cmpi sgt, %jit3A_169, %sign3A_176 : i32
        %sign3A_178 = arith.extui %sign3A_177 : i1 to i32
        %sign3A_179 = arith.constant 0 : i32
        %sign3A_180 = arith.cmpi slt, %jit3A_169, %sign3A_179 : i32
        %sign3A_181 = arith.extui %sign3A_180 : i1 to i32
        %sign3A_182 = arith.subi %sign3A_178, %sign3A_181 : i32
        %ne3A_183 = arith.cmpi ne, %sign3A_175, %sign3A_182 : i32
        %rem3A_184 = arith.remsi %add3A_150, %jit3A_169 : i32
        %ne3A_185 = arith.constant 0 : i32
        %ne3A_186 = arith.cmpi ne, %rem3A_184, %ne3A_185 : i32
        %and3A_187 = arith.andi %ne3A_183, %ne3A_186 : i1
        %sub3A = arith.constant 1 : i32
        %sub3A_188 = arith.subi %div3A, %sub3A : i32
        %select_n3A_189 = arith.select %and3A_187, %sub3A_188, %div3A : i32
        %jit3A_190 = arith.constant 2 : i32
        %eq3A_191 = arith.constant 0 : i32
        %eq3A_192 = arith.cmpi eq, %jit3A_190, %eq3A_191 : i32
        %jit3A_193 = arith.constant 1 : i32
        %select_n3A_194 = arith.select %eq3A_192, %jit3A_193, %jit3A_190 : i32
        %rem3A_195 = arith.remsi %add3A_150, %select_n3A_194 : i32
        %ne3A_196 = arith.constant 0 : i32
        %ne3A_197 = arith.cmpi ne, %rem3A_195, %ne3A_196 : i32
        %lt3A_198 = arith.constant 0 : i32
        %lt3A_199 = arith.cmpi slt, %rem3A_195, %lt3A_198 : i32
        %lt3A_200 = arith.constant 0 : i32
        %lt3A_201 = arith.cmpi slt, %select_n3A_194, %lt3A_200 : i32
        %ne3A_202 = arith.xori %lt3A_199, %lt3A_201 : i1
        %and3A_203 = arith.andi %ne3A_202, %ne3A_197 : i1
        %add3A_204 = arith.addi %rem3A_195, %select_n3A_194 : i32
        %select_n3A_205 = arith.select %and3A_203, %add3A_204, %rem3A_195 : i32
        %mul3A_206 = arith.constant 64 : i32
        %mul3A_207 = arith.muli %select_n3A_205, %mul3A_206 : i32
        %dma_start3A_208 = arith.constant 0 : i32
        %dma_start3A_209 = arith.constant 0 : i32
        %dma_start3A_210 = tpu.memref_slice %arg7[%select_n3A_168, %dma_start3A_208, %dma_start3A_209] : memref<4x64x128xf32, #tpu.memory_space<vmem>> -> memref<1x64x128xf32, #tpu.memory_space<vmem>>
        %dma_start3A_211 = tpu.memref_squeeze %dma_start3A_210 : memref<1x64x128xf32, #tpu.memory_space<vmem>> -> memref<64x128xf32, #tpu.memory_space<vmem>>
        %dma_start3A_212 = tpu.memref_slice %arg5[%select_n3A_189, %mul3A_207] : memref<32x128xi32, #tpu.memory_space<vmem>> -> memref<1x64xi32, #tpu.memory_space<vmem>>
        %dma_start3A_213 = tpu.memref_squeeze %dma_start3A_212 : memref<1x64xi32, #tpu.memory_space<vmem>> -> memref<64xi32, #tpu.memory_space<vmem>>
        %dma_start3A_214 = arith.constant 0 : i32
        %dma_start3A_215 = arith.constant 0 : i32
        %dma_start3A_216 = tpu.memref_slice %arg3[%dma_start3A_214, %dma_start3A_215] : memref<30000x128xf32, #tpu.memory_space<hbm>> -> memref<30000x128xf32, #tpu.memory_space<hbm>>
        tpu.enqueue_indirect_dma source(%dma_start3A_216 : memref<30000x128xf32, #tpu.memory_space<hbm>>) target(%dma_start3A_211 : memref<64x128xf32, #tpu.memory_space<vmem>>) offsets(%dma_start3A_213 : memref<64xi32, #tpu.memory_space<vmem>>) semaphore(%arg8 : memref<!tpu.dma_semaphore, #tpu.memory_space<semaphore_mem>>)
      } else {
      }
      %jit3A_96 = arith.constant 2 : i32
      %eq3A_97 = arith.constant 0 : i32
      %eq3A_98 = arith.cmpi eq, %jit3A_96, %eq3A_97 : i32
      %jit3A_99 = arith.constant 1 : i32
      %select_n3A_100 = arith.select %eq3A_98, %jit3A_99, %jit3A_96 : i32
      %rem3A_101 = arith.remsi %scan3A_60, %select_n3A_100 : i32
      %ne3A_102 = arith.constant 0 : i32
      %ne3A_103 = arith.cmpi ne, %rem3A_101, %ne3A_102 : i32
      %lt3A_104 = arith.constant 0 : i32
      %lt3A_105 = arith.cmpi slt, %rem3A_101, %lt3A_104 : i32
      %lt3A_106 = arith.constant 0 : i32
      %lt3A_107 = arith.cmpi slt, %select_n3A_100, %lt3A_106 : i32
      %ne3A_108 = arith.xori %lt3A_105, %lt3A_107 : i1
      %and3A_109 = arith.andi %ne3A_108, %ne3A_103 : i1
      %add3A_110 = arith.addi %rem3A_101, %select_n3A_100 : i32
      %select_n3A_111 = arith.select %and3A_109, %add3A_110, %rem3A_101 : i32
      %eq3A_112 = arith.constant 0 : i32
      %eq3A_113 = arith.cmpi eq, %select_n3A_111, %eq3A_112 : i32
      %select_n3A_114 = arith.select %eq3A_113, %broadcast_in_dim3A_3, %scan3A_61 : vector<16xf32>
      %select_n3A_115 = arith.select %eq3A_113, %broadcast_in_dim3A_5, %scan3A_62 : vector<16xf32>
      %select_n3A_116 = arith.select %eq3A_113, %broadcast_in_dim3A_7, %scan3A_63 : vector<16xf32>
      %select_n3A_117 = arith.select %eq3A_113, %broadcast_in_dim3A_9, %scan3A_64 : vector<16xf32>
      %select_n3A_118 = arith.select %eq3A_113, %broadcast_in_dim3A_11, %scan3A_65 : vector<16xf32>
      %select_n3A_119 = arith.select %eq3A_113, %broadcast_in_dim3A_13, %scan3A_66 : vector<16xf32>
      %select_n3A_120 = arith.select %eq3A_113, %broadcast_in_dim3A_15, %scan3A_67 : vector<16xf32>
      %select_n3A_121 = arith.select %eq3A_113, %broadcast_in_dim3A_17, %scan3A_68 : vector<16xf32>
      %scan3A_122 = arith.constant 0 : i32
      %scan3A_123 = arith.constant 64 : i32
      %scan3A_124 = arith.addi %scan3A_122, %scan3A_123 : i32
      %scan3A_125 = arith.constant 1 : i32
      %scan3A_126:8 = scf.for %scan3A_149 = %scan3A_122 to %scan3A_124 step %scan3A_125 iter_args(%scan3A_150 = %select_n3A_114, %scan3A_151 = %select_n3A_115, %scan3A_152 = %select_n3A_116, %scan3A_153 = %select_n3A_117, %scan3A_154 = %select_n3A_118, %scan3A_155 = %select_n3A_119, %scan3A_156 = %select_n3A_120, %scan3A_157 = %select_n3A_121) -> (vector<16xf32>, vector<16xf32>, vector<16xf32>, vector<16xf32>, vector<16xf32>, vector<16xf32>, vector<16xf32>, vector<16xf32>)  : i32 {
        %get3A = arith.index_cast %select_n3A_77 : i32 to index
        %get3A_158 = arith.index_cast %scan3A_149 : i32 to index
        %get3A_159 = arith.constant 0 : index
        %get3A_160 = tpu.vector_load %arg7[%get3A, %get3A_158, %get3A_159] {strides = array<i32>} : memref<4x64x128xf32, #tpu.memory_space<vmem>>, vector<16xf32>,
        %add3A_161 = arith.addf %scan3A_150, %get3A_160 : vector<16xf32>
        %get3A_162 = arith.index_cast %select_n3A_77 : i32 to index
        %get3A_163 = arith.index_cast %scan3A_149 : i32 to index
        %get3A_164 = arith.constant 16 : index
        %get3A_165 = tpu.vector_load %arg7[%get3A_162, %get3A_163, %get3A_164] {strides = array<i32>} : memref<4x64x128xf32, #tpu.memory_space<vmem>>, vector<16xf32>,
        %add3A_166 = arith.addf %scan3A_151, %get3A_165 : vector<16xf32>
        %get3A_167 = arith.index_cast %select_n3A_77 : i32 to index
        %get3A_168 = arith.index_cast %scan3A_149 : i32 to index
        %get3A_169 = arith.constant 32 : index
        %get3A_170 = tpu.vector_load %arg7[%get3A_167, %get3A_168, %get3A_169] {strides = array<i32>} : memref<4x64x128xf32, #tpu.memory_space<vmem>>, vector<16xf32>,
        %add3A_171 = arith.addf %scan3A_152, %get3A_170 : vector<16xf32>
        %get3A_172 = arith.index_cast %select_n3A_77 : i32 to index
        %get3A_173 = arith.index_cast %scan3A_149 : i32 to index
        %get3A_174 = arith.constant 48 : index
        %get3A_175 = tpu.vector_load %arg7[%get3A_172, %get3A_173, %get3A_174] {strides = array<i32>} : memref<4x64x128xf32, #tpu.memory_space<vmem>>, vector<16xf32>,
        %add3A_176 = arith.addf %scan3A_153, %get3A_175 : vector<16xf32>
        %get3A_177 = arith.index_cast %select_n3A_77 : i32 to index
        %get3A_178 = arith.index_cast %scan3A_149 : i32 to index
        %get3A_179 = arith.constant 64 : index
        %get3A_180 = tpu.vector_load %arg7[%get3A_177, %get3A_178, %get3A_179] {strides = array<i32>} : memref<4x64x128xf32, #tpu.memory_space<vmem>>, vector<16xf32>,
        %add3A_181 = arith.addf %scan3A_154, %get3A_180 : vector<16xf32>
        %get3A_182 = arith.index_cast %select_n3A_77 : i32 to index
        %get3A_183 = arith.index_cast %scan3A_149 : i32 to index
        %get3A_184 = arith.constant 80 : index
        %get3A_185 = tpu.vector_load %arg7[%get3A_182, %get3A_183, %get3A_184] {strides = array<i32>} : memref<4x64x128xf32, #tpu.memory_space<vmem>>, vector<16xf32>,
        %add3A_186 = arith.addf %scan3A_155, %get3A_185 : vector<16xf32>
        %get3A_187 = arith.index_cast %select_n3A_77 : i32 to index
        %get3A_188 = arith.index_cast %scan3A_149 : i32 to index
        %get3A_189 = arith.constant 96 : index
        %get3A_190 = tpu.vector_load %arg7[%get3A_187, %get3A_188, %get3A_189] {strides = array<i32>} : memref<4x64x128xf32, #tpu.memory_space<vmem>>, vector<16xf32>,
        %add3A_191 = arith.addf %scan3A_156, %get3A_190 : vector<16xf32>
        %get3A_192 = arith.index_cast %select_n3A_77 : i32 to index
        %get3A_193 = arith.index_cast %scan3A_149 : i32 to index
        %get3A_194 = arith.constant 112 : index
        %get3A_195 = tpu.vector_load %arg7[%get3A_192, %get3A_193, %get3A_194] {strides = array<i32>} : memref<4x64x128xf32, #tpu.memory_space<vmem>>, vector<16xf32>,
        %add3A_196 = arith.addf %scan3A_157, %get3A_195 : vector<16xf32>
        scf.yield %add3A_161, %add3A_166, %add3A_171, %add3A_176, %add3A_181, %add3A_186, %add3A_191, %add3A_196 : vector<16xf32>, vector<16xf32>, vector<16xf32>, vector<16xf32>, vector<16xf32>, vector<16xf32>, vector<16xf32>, vector<16xf32>
      }
      %scan3A_127 = arith.constant 64 : i32
      %jit3A_128 = arith.constant 2 : i32
      %eq3A_129 = arith.constant 0 : i32
      %eq3A_130 = arith.cmpi eq, %jit3A_128, %eq3A_129 : i32
      %jit3A_131 = arith.constant 1 : i32
      %select_n3A_132 = arith.select %eq3A_130, %jit3A_131, %jit3A_128 : i32
      %rem3A_133 = arith.remsi %scan3A_60, %select_n3A_132 : i32
      %ne3A_134 = arith.constant 0 : i32
      %ne3A_135 = arith.cmpi ne, %rem3A_133, %ne3A_134 : i32
      %lt3A_136 = arith.constant 0 : i32
      %lt3A_137 = arith.cmpi slt, %rem3A_133, %lt3A_136 : i32
      %lt3A_138 = arith.constant 0 : i32
      %lt3A_139 = arith.cmpi slt, %select_n3A_132, %lt3A_138 : i32
      %ne3A_140 = arith.xori %lt3A_137, %lt3A_139 : i1
      %and3A_141 = arith.andi %ne3A_140, %ne3A_135 : i1
      %add3A_142 = arith.addi %rem3A_133, %select_n3A_132 : i32
      %select_n3A_143 = arith.select %and3A_141, %add3A_142, %rem3A_133 : i32
      %eq3A_144 = arith.constant 1 : i32
      %eq3A_145 = arith.cmpi eq, %select_n3A_143, %eq3A_144 : i32
      %convert_element_type3A_146 = arith.extui %eq3A_145 : i1 to i32
      %cond3A_147 = arith.constant 0 : i32
      %cond3A_148 = arith.cmpi ne, %convert_element_type3A_146, %cond3A_147 : i32
      scf.if %cond3A_148 {
        %jit3A_149 = arith.constant 2 : i32
        %div3A = arith.divsi %scan3A_60, %jit3A_149 : i32
        %sign3A = arith.constant 0 : i32
        %sign3A_150 = arith.cmpi sgt, %scan3A_60, %sign3A : i32
        %sign3A_151 = arith.extui %sign3A_150 : i1 to i32
        %sign3A_152 = arith.constant 0 : i32
        %sign3A_153 = arith.cmpi slt, %scan3A_60, %sign3A_152 : i32
        %sign3A_154 = arith.extui %sign3A_153 : i1 to i32
        %sign3A_155 = arith.subi %sign3A_151, %sign3A_154 : i32
        %sign3A_156 = arith.constant 0 : i32
        %sign3A_157 = arith.cmpi sgt, %jit3A_149, %sign3A_156 : i32
        %sign3A_158 = arith.extui %sign3A_157 : i1 to i32
        %sign3A_159 = arith.constant 0 : i32
        %sign3A_160 = arith.cmpi slt, %jit3A_149, %sign3A_159 : i32
        %sign3A_161 = arith.extui %sign3A_160 : i1 to i32
        %sign3A_162 = arith.subi %sign3A_158, %sign3A_161 : i32
        %ne3A_163 = arith.cmpi ne, %sign3A_155, %sign3A_162 : i32
        %rem3A_164 = arith.remsi %scan3A_60, %jit3A_149 : i32
        %ne3A_165 = arith.constant 0 : i32
        %ne3A_166 = arith.cmpi ne, %rem3A_164, %ne3A_165 : i32
        %and3A_167 = arith.andi %ne3A_163, %ne3A_166 : i1
        %sub3A = arith.constant 1 : i32
        %sub3A_168 = arith.subi %div3A, %sub3A : i32
        %select_n3A_169 = arith.select %and3A_167, %sub3A_168, %div3A : i32
        %swap3A = arith.index_cast %select_n3A_169 : i32 to index
        %swap3A_170 = arith.constant 0 : index
        %swap3A_171 = tpu.vector_load %arg6[%swap3A, %swap3A_170] {strides = array<i32>} : memref<32x128xf32, #tpu.memory_space<vmem>>, vector<16xf32>,
        tpu.vector_store %arg6[%swap3A, %swap3A_170], %scan3A_126#0 {strides = array<i32>} : memref<32x128xf32, #tpu.memory_space<vmem>>, vector<16xf32>,
        %jit3A_172 = arith.constant 2 : i32
        %div3A_173 = arith.divsi %scan3A_60, %jit3A_172 : i32
        %sign3A_174 = arith.constant 0 : i32
        %sign3A_175 = arith.cmpi sgt, %scan3A_60, %sign3A_174 : i32
        %sign3A_176 = arith.extui %sign3A_175 : i1 to i32
        %sign3A_177 = arith.constant 0 : i32
        %sign3A_178 = arith.cmpi slt, %scan3A_60, %sign3A_177 : i32
        %sign3A_179 = arith.extui %sign3A_178 : i1 to i32
        %sign3A_180 = arith.subi %sign3A_176, %sign3A_179 : i32
        %sign3A_181 = arith.constant 0 : i32
        %sign3A_182 = arith.cmpi sgt, %jit3A_172, %sign3A_181 : i32
        %sign3A_183 = arith.extui %sign3A_182 : i1 to i32
        %sign3A_184 = arith.constant 0 : i32
        %sign3A_185 = arith.cmpi slt, %jit3A_172, %sign3A_184 : i32
        %sign3A_186 = arith.extui %sign3A_185 : i1 to i32
        %sign3A_187 = arith.subi %sign3A_183, %sign3A_186 : i32
        %ne3A_188 = arith.cmpi ne, %sign3A_180, %sign3A_187 : i32
        %rem3A_189 = arith.remsi %scan3A_60, %jit3A_172 : i32
        %ne3A_190 = arith.constant 0 : i32
        %ne3A_191 = arith.cmpi ne, %rem3A_189, %ne3A_190 : i32
        %and3A_192 = arith.andi %ne3A_188, %ne3A_191 : i1
        %sub3A_193 = arith.constant 1 : i32
        %sub3A_194 = arith.subi %div3A_173, %sub3A_193 : i32
        %select_n3A_195 = arith.select %and3A_192, %sub3A_194, %div3A_173 : i32
        %swap3A_196 = arith.index_cast %select_n3A_195 : i32 to index
        %swap3A_197 = arith.constant 16 : index
        %swap3A_198 = tpu.vector_load %arg6[%swap3A_196, %swap3A_197] {strides = array<i32>} : memref<32x128xf32, #tpu.memory_space<vmem>>, vector<16xf32>,
        tpu.vector_store %arg6[%swap3A_196, %swap3A_197], %scan3A_126#1 {strides = array<i32>} : memref<32x128xf32, #tpu.memory_space<vmem>>, vector<16xf32>,
        %jit3A_199 = arith.constant 2 : i32
        %div3A_200 = arith.divsi %scan3A_60, %jit3A_199 : i32
        %sign3A_201 = arith.constant 0 : i32
        %sign3A_202 = arith.cmpi sgt, %scan3A_60, %sign3A_201 : i32
        %sign3A_203 = arith.extui %sign3A_202 : i1 to i32
        %sign3A_204 = arith.constant 0 : i32
        %sign3A_205 = arith.cmpi slt, %scan3A_60, %sign3A_204 : i32
        %sign3A_206 = arith.extui %sign3A_205 : i1 to i32
        %sign3A_207 = arith.subi %sign3A_203, %sign3A_206 : i32
        %sign3A_208 = arith.constant 0 : i32
        %sign3A_209 = arith.cmpi sgt, %jit3A_199, %sign3A_208 : i32
        %sign3A_210 = arith.extui %sign3A_209 : i1 to i32
        %sign3A_211 = arith.constant 0 : i32
        %sign3A_212 = arith.cmpi slt, %jit3A_199, %sign3A_211 : i32
        %sign3A_213 = arith.extui %sign3A_212 : i1 to i32
        %sign3A_214 = arith.subi %sign3A_210, %sign3A_213 : i32
        %ne3A_215 = arith.cmpi ne, %sign3A_207, %sign3A_214 : i32
        %rem3A_216 = arith.remsi %scan3A_60, %jit3A_199 : i32
        %ne3A_217 = arith.constant 0 : i32
        %ne3A_218 = arith.cmpi ne, %rem3A_216, %ne3A_217 : i32
        %and3A_219 = arith.andi %ne3A_215, %ne3A_218 : i1
        %sub3A_220 = arith.constant 1 : i32
        %sub3A_221 = arith.subi %div3A_200, %sub3A_220 : i32
        %select_n3A_222 = arith.select %and3A_219, %sub3A_221, %div3A_200 : i32
        %swap3A_223 = arith.index_cast %select_n3A_222 : i32 to index
        %swap3A_224 = arith.constant 32 : index
        %swap3A_225 = tpu.vector_load %arg6[%swap3A_223, %swap3A_224] {strides = array<i32>} : memref<32x128xf32, #tpu.memory_space<vmem>>, vector<16xf32>,
        tpu.vector_store %arg6[%swap3A_223, %swap3A_224], %scan3A_126#2 {strides = array<i32>} : memref<32x128xf32, #tpu.memory_space<vmem>>, vector<16xf32>,
        %jit3A_226 = arith.constant 2 : i32
        %div3A_227 = arith.divsi %scan3A_60, %jit3A_226 : i32
        %sign3A_228 = arith.constant 0 : i32
        %sign3A_229 = arith.cmpi sgt, %scan3A_60, %sign3A_228 : i32
        %sign3A_230 = arith.extui %sign3A_229 : i1 to i32
        %sign3A_231 = arith.constant 0 : i32
        %sign3A_232 = arith.cmpi slt, %scan3A_60, %sign3A_231 : i32
        %sign3A_233 = arith.extui %sign3A_232 : i1 to i32
        %sign3A_234 = arith.subi %sign3A_230, %sign3A_233 : i32
        %sign3A_235 = arith.constant 0 : i32
        %sign3A_236 = arith.cmpi sgt, %jit3A_226, %sign3A_235 : i32
        %sign3A_237 = arith.extui %sign3A_236 : i1 to i32
        %sign3A_238 = arith.constant 0 : i32
        %sign3A_239 = arith.cmpi slt, %jit3A_226, %sign3A_238 : i32
        %sign3A_240 = arith.extui %sign3A_239 : i1 to i32
        %sign3A_241 = arith.subi %sign3A_237, %sign3A_240 : i32
        %ne3A_242 = arith.cmpi ne, %sign3A_234, %sign3A_241 : i32
        %rem3A_243 = arith.remsi %scan3A_60, %jit3A_226 : i32
        %ne3A_244 = arith.constant 0 : i32
        %ne3A_245 = arith.cmpi ne, %rem3A_243, %ne3A_244 : i32
        %and3A_246 = arith.andi %ne3A_242, %ne3A_245 : i1
        %sub3A_247 = arith.constant 1 : i32
        %sub3A_248 = arith.subi %div3A_227, %sub3A_247 : i32
        %select_n3A_249 = arith.select %and3A_246, %sub3A_248, %div3A_227 : i32
        %swap3A_250 = arith.index_cast %select_n3A_249 : i32 to index
        %swap3A_251 = arith.constant 48 : index
        %swap3A_252 = tpu.vector_load %arg6[%swap3A_250, %swap3A_251] {strides = array<i32>} : memref<32x128xf32, #tpu.memory_space<vmem>>, vector<16xf32>,
        tpu.vector_store %arg6[%swap3A_250, %swap3A_251], %scan3A_126#3 {strides = array<i32>} : memref<32x128xf32, #tpu.memory_space<vmem>>, vector<16xf32>,
        %jit3A_253 = arith.constant 2 : i32
        %div3A_254 = arith.divsi %scan3A_60, %jit3A_253 : i32
        %sign3A_255 = arith.constant 0 : i32
        %sign3A_256 = arith.cmpi sgt, %scan3A_60, %sign3A_255 : i32
        %sign3A_257 = arith.extui %sign3A_256 : i1 to i32
        %sign3A_258 = arith.constant 0 : i32
        %sign3A_259 = arith.cmpi slt, %scan3A_60, %sign3A_258 : i32
        %sign3A_260 = arith.extui %sign3A_259 : i1 to i32
        %sign3A_261 = arith.subi %sign3A_257, %sign3A_260 : i32
        %sign3A_262 = arith.constant 0 : i32
        %sign3A_263 = arith.cmpi sgt, %jit3A_253, %sign3A_262 : i32
        %sign3A_264 = arith.extui %sign3A_263 : i1 to i32
        %sign3A_265 = arith.constant 0 : i32
        %sign3A_266 = arith.cmpi slt, %jit3A_253, %sign3A_265 : i32
        %sign3A_267 = arith.extui %sign3A_266 : i1 to i32
        %sign3A_268 = arith.subi %sign3A_264, %sign3A_267 : i32
        %ne3A_269 = arith.cmpi ne, %sign3A_261, %sign3A_268 : i32
        %rem3A_270 = arith.remsi %scan3A_60, %jit3A_253 : i32
        %ne3A_271 = arith.constant 0 : i32
        %ne3A_272 = arith.cmpi ne, %rem3A_270, %ne3A_271 : i32
        %and3A_273 = arith.andi %ne3A_269, %ne3A_272 : i1
        %sub3A_274 = arith.constant 1 : i32
        %sub3A_275 = arith.subi %div3A_254, %sub3A_274 : i32
        %select_n3A_276 = arith.select %and3A_273, %sub3A_275, %div3A_254 : i32
        %swap3A_277 = arith.index_cast %select_n3A_276 : i32 to index
        %swap3A_278 = arith.constant 64 : index
        %swap3A_279 = tpu.vector_load %arg6[%swap3A_277, %swap3A_278] {strides = array<i32>} : memref<32x128xf32, #tpu.memory_space<vmem>>, vector<16xf32>,
        tpu.vector_store %arg6[%swap3A_277, %swap3A_278], %scan3A_126#4 {strides = array<i32>} : memref<32x128xf32, #tpu.memory_space<vmem>>, vector<16xf32>,
        %jit3A_280 = arith.constant 2 : i32
        %div3A_281 = arith.divsi %scan3A_60, %jit3A_280 : i32
        %sign3A_282 = arith.constant 0 : i32
        %sign3A_283 = arith.cmpi sgt, %scan3A_60, %sign3A_282 : i32
        %sign3A_284 = arith.extui %sign3A_283 : i1 to i32
        %sign3A_285 = arith.constant 0 : i32
        %sign3A_286 = arith.cmpi slt, %scan3A_60, %sign3A_285 : i32
        %sign3A_287 = arith.extui %sign3A_286 : i1 to i32
        %sign3A_288 = arith.subi %sign3A_284, %sign3A_287 : i32
        %sign3A_289 = arith.constant 0 : i32
        %sign3A_290 = arith.cmpi sgt, %jit3A_280, %sign3A_289 : i32
        %sign3A_291 = arith.extui %sign3A_290 : i1 to i32
        %sign3A_292 = arith.constant 0 : i32
        %sign3A_293 = arith.cmpi slt, %jit3A_280, %sign3A_292 : i32
        %sign3A_294 = arith.extui %sign3A_293 : i1 to i32
        %sign3A_295 = arith.subi %sign3A_291, %sign3A_294 : i32
        %ne3A_296 = arith.cmpi ne, %sign3A_288, %sign3A_295 : i32
        %rem3A_297 = arith.remsi %scan3A_60, %jit3A_280 : i32
        %ne3A_298 = arith.constant 0 : i32
        %ne3A_299 = arith.cmpi ne, %rem3A_297, %ne3A_298 : i32
        %and3A_300 = arith.andi %ne3A_296, %ne3A_299 : i1
        %sub3A_301 = arith.constant 1 : i32
        %sub3A_302 = arith.subi %div3A_281, %sub3A_301 : i32
        %select_n3A_303 = arith.select %and3A_300, %sub3A_302, %div3A_281 : i32
        %swap3A_304 = arith.index_cast %select_n3A_303 : i32 to index
        %swap3A_305 = arith.constant 80 : index
        %swap3A_306 = tpu.vector_load %arg6[%swap3A_304, %swap3A_305] {strides = array<i32>} : memref<32x128xf32, #tpu.memory_space<vmem>>, vector<16xf32>,
        tpu.vector_store %arg6[%swap3A_304, %swap3A_305], %scan3A_126#5 {strides = array<i32>} : memref<32x128xf32, #tpu.memory_space<vmem>>, vector<16xf32>,
        %jit3A_307 = arith.constant 2 : i32
        %div3A_308 = arith.divsi %scan3A_60, %jit3A_307 : i32
        %sign3A_309 = arith.constant 0 : i32
        %sign3A_310 = arith.cmpi sgt, %scan3A_60, %sign3A_309 : i32
        %sign3A_311 = arith.extui %sign3A_310 : i1 to i32
        %sign3A_312 = arith.constant 0 : i32
        %sign3A_313 = arith.cmpi slt, %scan3A_60, %sign3A_312 : i32
        %sign3A_314 = arith.extui %sign3A_313 : i1 to i32
        %sign3A_315 = arith.subi %sign3A_311, %sign3A_314 : i32
        %sign3A_316 = arith.constant 0 : i32
        %sign3A_317 = arith.cmpi sgt, %jit3A_307, %sign3A_316 : i32
        %sign3A_318 = arith.extui %sign3A_317 : i1 to i32
        %sign3A_319 = arith.constant 0 : i32
        %sign3A_320 = arith.cmpi slt, %jit3A_307, %sign3A_319 : i32
        %sign3A_321 = arith.extui %sign3A_320 : i1 to i32
        %sign3A_322 = arith.subi %sign3A_318, %sign3A_321 : i32
        %ne3A_323 = arith.cmpi ne, %sign3A_315, %sign3A_322 : i32
        %rem3A_324 = arith.remsi %scan3A_60, %jit3A_307 : i32
        %ne3A_325 = arith.constant 0 : i32
        %ne3A_326 = arith.cmpi ne, %rem3A_324, %ne3A_325 : i32
        %and3A_327 = arith.andi %ne3A_323, %ne3A_326 : i1
        %sub3A_328 = arith.constant 1 : i32
        %sub3A_329 = arith.subi %div3A_308, %sub3A_328 : i32
        %select_n3A_330 = arith.select %and3A_327, %sub3A_329, %div3A_308 : i32
        %swap3A_331 = arith.index_cast %select_n3A_330 : i32 to index
        %swap3A_332 = arith.constant 96 : index
        %swap3A_333 = tpu.vector_load %arg6[%swap3A_331, %swap3A_332] {strides = array<i32>} : memref<32x128xf32, #tpu.memory_space<vmem>>, vector<16xf32>,
        tpu.vector_store %arg6[%swap3A_331, %swap3A_332], %scan3A_126#6 {strides = array<i32>} : memref<32x128xf32, #tpu.memory_space<vmem>>, vector<16xf32>,
        %jit3A_334 = arith.constant 2 : i32
        %div3A_335 = arith.divsi %scan3A_60, %jit3A_334 : i32
        %sign3A_336 = arith.constant 0 : i32
        %sign3A_337 = arith.cmpi sgt, %scan3A_60, %sign3A_336 : i32
        %sign3A_338 = arith.extui %sign3A_337 : i1 to i32
        %sign3A_339 = arith.constant 0 : i32
        %sign3A_340 = arith.cmpi slt, %scan3A_60, %sign3A_339 : i32
        %sign3A_341 = arith.extui %sign3A_340 : i1 to i32
        %sign3A_342 = arith.subi %sign3A_338, %sign3A_341 : i32
        %sign3A_343 = arith.constant 0 : i32
        %sign3A_344 = arith.cmpi sgt, %jit3A_334, %sign3A_343 : i32
        %sign3A_345 = arith.extui %sign3A_344 : i1 to i32
        %sign3A_346 = arith.constant 0 : i32
        %sign3A_347 = arith.cmpi slt, %jit3A_334, %sign3A_346 : i32
        %sign3A_348 = arith.extui %sign3A_347 : i1 to i32
        %sign3A_349 = arith.subi %sign3A_345, %sign3A_348 : i32
        %ne3A_350 = arith.cmpi ne, %sign3A_342, %sign3A_349 : i32
        %rem3A_351 = arith.remsi %scan3A_60, %jit3A_334 : i32
        %ne3A_352 = arith.constant 0 : i32
        %ne3A_353 = arith.cmpi ne, %rem3A_351, %ne3A_352 : i32
        %and3A_354 = arith.andi %ne3A_350, %ne3A_353 : i1
        %sub3A_355 = arith.constant 1 : i32
        %sub3A_356 = arith.subi %div3A_335, %sub3A_355 : i32
        %select_n3A_357 = arith.select %and3A_354, %sub3A_356, %div3A_335 : i32
        %swap3A_358 = arith.index_cast %select_n3A_357 : i32 to index
        %swap3A_359 = arith.constant 112 : index
        %swap3A_360 = tpu.vector_load %arg6[%swap3A_358, %swap3A_359] {strides = array<i32>} : memref<32x128xf32, #tpu.memory_space<vmem>>, vector<16xf32>,
        tpu.vector_store %arg6[%swap3A_358, %swap3A_359], %scan3A_126#7 {strides = array<i32>} : memref<32x128xf32, #tpu.memory_space<vmem>>, vector<16xf32>,
      } else {
      }
      scf.yield %scan3A_126#0, %scan3A_126#1, %scan3A_126#2, %scan3A_126#3, %scan3A_126#4, %scan3A_126#5, %scan3A_126#6, %scan3A_126#7 : vector<16xf32>, vector<16xf32>, vector<16xf32>, vector<16xf32>, vector<16xf32>, vector<16xf32>, vector<16xf32>, vector<16xf32>
    }
    %scan3A_57 = arith.constant 64 : i32
    %mul3A_58 = arith.constant 32 : i32
    %mul3A_59 = arith.muli %add3A, %mul3A_58 : i32
    "tpu.region"() ({
      %run_scoped3A = tpu.sem_alloc : memref<!tpu.dma_semaphore, #tpu.memory_space<semaphore_mem>>
      %dma_start3A_60 = arith.constant 0 : i32
      %dma_start3A_61 = tpu.memref_slice %arg4[%mul3A_59, %dma_start3A_60] : memref<1024x128xf32, #tpu.memory_space<hbm>> -> memref<32x128xf32, #tpu.memory_space<hbm>>
      %dma_start3A_62 = arith.constant 0 : i32
      %dma_start3A_63 = tpu.memref_slice %arg4[%mul3A_59, %dma_start3A_62] : memref<1024x128xf32, #tpu.memory_space<hbm>> -> memref<32x128xf32, #tpu.memory_space<hbm>>
      tpu.enqueue_dma source(%arg6 : memref<32x128xf32, #tpu.memory_space<vmem>>) target(%dma_start3A_63 : memref<32x128xf32, #tpu.memory_space<hbm>>) target_semaphore(%run_scoped3A : memref<!tpu.dma_semaphore, #tpu.memory_space<semaphore_mem>>)
      %dma_wait3A = arith.constant 0 : i32
      %dma_wait3A_64 = tpu.memref_slice %arg4[%mul3A_59, %dma_wait3A] : memref<1024x128xf32, #tpu.memory_space<hbm>> -> memref<32x128xf32, #tpu.memory_space<hbm>>
      %dma_wait3A_65 = arith.constant 0 : i32
      %dma_wait3A_66 = tpu.memref_slice %arg4[%mul3A_59, %dma_wait3A_65] : memref<1024x128xf32, #tpu.memory_space<hbm>> -> memref<32x128xf32, #tpu.memory_space<hbm>>
      tpu.wait_dma2 semaphore(%run_scoped3A : memref<!tpu.dma_semaphore, #tpu.memory_space<semaphore_mem>>) src(%arg6 : memref<32x128xf32, #tpu.memory_space<vmem>>) dst(%dma_wait3A_66 : memref<32x128xf32, #tpu.memory_space<hbm>>)
      tpu.yield
    }) : () -> ()
    return
  }
}

#map = affine_map<(d0, d1) -> (0, 0)>
#map1 = affine_map<(d0, d1) -> (0)>
module attributes {stable_mosaic.version = 14 : i64} {
  func.func @_gather_kernel(%arg0: i32, %arg1: i32, %arg2: memref<10008x128xf32, #tpu.memory_space<hbm>>, %arg3: memref<1024xi32, #tpu.memory_space<hbm>>, %arg4: memref<1024x128xf32, #tpu.memory_space<hbm>>, %arg5: memref<32xi32, #tpu.memory_space<vmem>>, %arg6: memref<32x128xf32, #tpu.memory_space<vmem>>, %arg7: memref<!tpu.dma_semaphore, #tpu.memory_space<semaphore_mem>>) attributes {dimension_semantics = [#tpu.dimension_semantics<core_parallel>, #tpu.dimension_semantics<subcore_parallel>], iteration_bounds = array<i64: 2, 16>, scalar_prefetch = 0 : i64, scratch_operands = 3 : i64, tpu.core_type = #tpu.core_type<sc_vector_subcore>, window_params = [{transform_indices = #map}, {transform_indices = #map1}, {transform_indices = #map}]} {
    %mul3A = arith.constant 16 : i32
    %mul3A_0 = arith.muli %arg0, %mul3A : i32
    %add3A = arith.addi %mul3A_0, %arg1 : i32
    %mul3A_1 = arith.constant 32 : i32
    %mul3A_2 = arith.muli %add3A, %mul3A_1 : i32
    "tpu.region"() ({
      %run_scoped3A = tpu.sem_alloc : memref<!tpu.dma_semaphore, #tpu.memory_space<semaphore_mem>>
      %dma_start3A_9 = tpu.memref_slice %arg3[%mul3A_2] : memref<1024xi32, #tpu.memory_space<hbm>> -> memref<32xi32, #tpu.memory_space<hbm>>
      %dma_start3A_10 = tpu.memref_slice %arg3[%mul3A_2] : memref<1024xi32, #tpu.memory_space<hbm>> -> memref<32xi32, #tpu.memory_space<hbm>>
      tpu.enqueue_dma source(%dma_start3A_10 : memref<32xi32, #tpu.memory_space<hbm>>) target(%arg5 : memref<32xi32, #tpu.memory_space<vmem>>) target_semaphore(%run_scoped3A : memref<!tpu.dma_semaphore, #tpu.memory_space<semaphore_mem>>)
      %dma_wait3A_11 = tpu.memref_slice %arg3[%mul3A_2] : memref<1024xi32, #tpu.memory_space<hbm>> -> memref<32xi32, #tpu.memory_space<hbm>>
      %dma_wait3A_12 = tpu.memref_slice %arg3[%mul3A_2] : memref<1024xi32, #tpu.memory_space<hbm>> -> memref<32xi32, #tpu.memory_space<hbm>>
      tpu.wait_dma2 semaphore(%run_scoped3A : memref<!tpu.dma_semaphore, #tpu.memory_space<semaphore_mem>>) src(%dma_wait3A_12 : memref<32xi32, #tpu.memory_space<hbm>>) dst(%arg5 : memref<32xi32, #tpu.memory_space<vmem>>)
      tpu.yield
    }) : () -> ()
    %dma_start3A = arith.constant 0 : i32
    %dma_start3A_3 = arith.constant 0 : i32
    %dma_start3A_4 = tpu.memref_slice %arg2[%dma_start3A, %dma_start3A_3] : memref<10008x128xf32, #tpu.memory_space<hbm>> -> memref<10008x128xf32, #tpu.memory_space<hbm>>
    tpu.enqueue_indirect_dma source(%dma_start3A_4 : memref<10008x128xf32, #tpu.memory_space<hbm>>) target(%arg6 : memref<32x128xf32, #tpu.memory_space<vmem>>) offsets(%arg5 : memref<32xi32, #tpu.memory_space<vmem>>) semaphore(%arg7 : memref<!tpu.dma_semaphore, #tpu.memory_space<semaphore_mem>>)
    %dma_wait3A = arith.constant 0 : i32
    %dma_wait3A_5 = arith.constant 0 : i32
    %dma_wait3A_6 = tpu.memref_slice %arg2[%dma_wait3A, %dma_wait3A_5] : memref<10008x128xf32, #tpu.memory_space<hbm>> -> memref<10008x128xf32, #tpu.memory_space<hbm>>
    tpu.wait_indirect_dma semaphore(%arg7 : memref<!tpu.dma_semaphore, #tpu.memory_space<semaphore_mem>>) src(%dma_wait3A_6 : memref<10008x128xf32, #tpu.memory_space<hbm>>) dst(%arg6 : memref<32x128xf32, #tpu.memory_space<vmem>>)
    %mul3A_7 = arith.constant 32 : i32
    %mul3A_8 = arith.muli %add3A, %mul3A_7 : i32
    "tpu.region"() ({
      %run_scoped3A = tpu.sem_alloc : memref<!tpu.dma_semaphore, #tpu.memory_space<semaphore_mem>>
      %dma_start3A_9 = arith.constant 0 : i32
      %dma_start3A_10 = tpu.memref_slice %arg4[%mul3A_8, %dma_start3A_9] : memref<1024x128xf32, #tpu.memory_space<hbm>> -> memref<32x128xf32, #tpu.memory_space<hbm>>
      %dma_start3A_11 = arith.constant 0 : i32
      %dma_start3A_12 = tpu.memref_slice %arg4[%mul3A_8, %dma_start3A_11] : memref<1024x128xf32, #tpu.memory_space<hbm>> -> memref<32x128xf32, #tpu.memory_space<hbm>>
      tpu.enqueue_dma source(%arg6 : memref<32x128xf32, #tpu.memory_space<vmem>>) target(%dma_start3A_12 : memref<32x128xf32, #tpu.memory_space<hbm>>) target_semaphore(%run_scoped3A : memref<!tpu.dma_semaphore, #tpu.memory_space<semaphore_mem>>)
      %dma_wait3A_13 = arith.constant 0 : i32
      %dma_wait3A_14 = tpu.memref_slice %arg4[%mul3A_8, %dma_wait3A_13] : memref<1024x128xf32, #tpu.memory_space<hbm>> -> memref<32x128xf32, #tpu.memory_space<hbm>>
      %dma_wait3A_15 = arith.constant 0 : i32
      %dma_wait3A_16 = tpu.memref_slice %arg4[%mul3A_8, %dma_wait3A_15] : memref<1024x128xf32, #tpu.memory_space<hbm>> -> memref<32x128xf32, #tpu.memory_space<hbm>>
      tpu.wait_dma2 semaphore(%run_scoped3A : memref<!tpu.dma_semaphore, #tpu.memory_space<semaphore_mem>>) src(%arg6 : memref<32x128xf32, #tpu.memory_space<vmem>>) dst(%dma_wait3A_16 : memref<32x128xf32, #tpu.memory_space<hbm>>)
      tpu.yield
    }) : () -> ()
    return
  }
}

module attributes {stable_mosaic.version = 14 : i64} {
  func.func @_prep_body(%arg0: i32, %arg1: memref<1000x32xf32, #tpu.memory_space<vmem>>, %arg2: memref<1000x128xf32, #tpu.memory_space<vmem>>, %arg3: memref<1000x128xf32, #tpu.memory_space<vmem>>, %arg4: memref<1000x128xf32, #tpu.memory_space<vmem>>) attributes {dimension_semantics = [#tpu.dimension_semantics<arbitrary>], iteration_bounds = array<i64: 10>, scalar_prefetch = 0 : i64, scratch_operands = 0 : i64, tpu.core_type = #tpu.core_type<tc>, window_params = [{transform_indices = @transform_0, window_bounds = array<i64: 1000, 32>}, {transform_indices = @transform_1, window_bounds = array<i64: 1000, 128>}, {transform_indices = @transform_2, window_bounds = array<i64: 1000, 128>}, {transform_indices = @transform_3, window_bounds = array<i64: 1000, 128>}]} {
    %get3A = arith.constant 0 : index
    %get3A_0 = arith.constant 0 : index
    %get3A_1 = vector.load %arg1[%get3A, %get3A_0] : memref<1000x32xf32, #tpu.memory_space<vmem>>, vector<1000x32xf32>
    %reduce_sum3A = arith.constant dense<0.000000e+00> : vector<1000xf32>
    %reduce_sum3A_2 = vector.multi_reduction <add>, %get3A_1, %reduce_sum3A [1] : vector<1000x32xf32> to vector<1000xf32>
    %add3A = arith.constant 1.000000e+00 : f32
    %add3A_3 = vector.broadcast %add3A : f32 to vector<1000xf32>
    %add3A_4 = arith.addf %reduce_sum3A_2, %add3A_3 : vector<1000xf32>
    %rsqrt3A = math.rsqrt %add3A_4 : vector<1000xf32>
    %get3A_5 = arith.constant 0 : index
    %get3A_6 = arith.constant 0 : index
    %get3A_7 = vector.load %arg2[%get3A_5, %get3A_6] : memref<1000x128xf32, #tpu.memory_space<vmem>>, vector<1000x128xf32>
    %broadcast_in_dim3A = vector.shape_cast %rsqrt3A : vector<1000xf32> to vector<1000x1xf32>
    %mul3A = vector.broadcast %broadcast_in_dim3A : vector<1000x1xf32> to vector<1000x128xf32>
    %mul3A_8 = arith.mulf %get3A_7, %mul3A : vector<1000x128xf32>
    %swap3A = arith.constant 0 : index
    %swap3A_9 = arith.constant 0 : index
    %swap3A_10 = vector.load %arg3[%swap3A, %swap3A_9] : memref<1000x128xf32, #tpu.memory_space<vmem>>, vector<1000x128xf32>
    tpu.vector_store %arg3[%swap3A, %swap3A_9], %mul3A_8 {strides = array<i32>} : memref<1000x128xf32, #tpu.memory_space<vmem>>, vector<1000x128xf32>,
    %broadcast_in_dim3A_11 = vector.shape_cast %rsqrt3A : vector<1000xf32> to vector<1000x1xf32>
    %broadcast_in_dim3A_12 = vector.shape_cast %broadcast_in_dim3A_11 : vector<1000x1xf32> to vector<1000x1xf32>
    %broadcast_in_dim3A_13 = vector.broadcast %broadcast_in_dim3A_12 : vector<1000x1xf32> to vector<1000x128xf32>
    %swap3A_14 = arith.constant 0 : index
    %swap3A_15 = arith.constant 0 : index
    %swap3A_16 = vector.load %arg4[%swap3A_14, %swap3A_15] : memref<1000x128xf32, #tpu.memory_space<vmem>>, vector<1000x128xf32>
    tpu.vector_store %arg4[%swap3A_14, %swap3A_15], %broadcast_in_dim3A_13 {strides = array<i32>} : memref<1000x128xf32, #tpu.memory_space<vmem>>, vector<1000x128xf32>,
    return
  }
  func.func @transform_0(%arg0: i32) -> (i32, i32) {
    %c0_i32 = arith.constant 0 : i32
    %c0_i32_0 = arith.constant 0 : i32
    return %arg0, %c0_i32 : i32, i32
  }
  func.func @transform_1(%arg0: i32) -> (i32, i32) {
    %c0_i32 = arith.constant 0 : i32
    %c0_i32_0 = arith.constant 0 : i32
    return %arg0, %c0_i32 : i32, i32
  }
  func.func @transform_2(%arg0: i32) -> (i32, i32) {
    %c0_i32 = arith.constant 0 : i32
    %c0_i32_0 = arith.constant 0 : i32
    return %arg0, %c0_i32 : i32, i32
  }
  func.func @transform_3(%arg0: i32) -> (i32, i32) {
    %c0_i32 = arith.constant 0 : i32
    %c0_i32_0 = arith.constant 0 : i32
    return %arg0, %c0_i32 : i32, i32
  }
}

module attributes {stable_mosaic.version = 14 : i64} {
  func.func @_bmpack_body(%arg0: i32, %arg1: memref<320x32xf32, #tpu.memory_space<vmem>>, %arg2: memref<320x1xi32, #tpu.memory_space<vmem>>) attributes {dimension_semantics = [#tpu.dimension_semantics<arbitrary>], iteration_bounds = array<i64: 1>, scalar_prefetch = 0 : i64, scratch_operands = 0 : i64, tpu.core_type = #tpu.core_type<tc>, window_params = [{pipeline_mode = #tpu.pipeline_mode<synchronous>, transform_indices = @transform_0, window_bounds = array<i64: 320, 32>}, {pipeline_mode = #tpu.pipeline_mode<synchronous>, transform_indices = @transform_1, window_bounds = array<i64: 320, 1>}]} {
    %get3A = arith.constant 0 : index
    %get3A_0 = arith.constant 0 : index
    %get3A_1 = vector.load %arg1[%get3A, %get3A_0] : memref<320x32xf32, #tpu.memory_space<vmem>>, vector<320x32xf32>
    %gt3A = arith.constant 0.000000e+00 : f32
    %gt3A_2 = vector.broadcast %gt3A : f32 to vector<320x32xf32>
    %gt3A_3 = arith.cmpf ogt, %get3A_1, %gt3A_2 : vector<320x32xf32>
    %convert_element_type3A = arith.extui %gt3A_3 : vector<320x32xi1> to vector<320x32xi32>
    %iota3A = tpu.iota {dimensions = array<i32: 1>} : vector<320x32xi32>
    %shift_left3A = arith.shli %convert_element_type3A, %iota3A : vector<320x32xi32>
    %reduce_sum3A = arith.constant dense<0> : vector<320xi32>
    %reduce_sum3A_4 = vector.multi_reduction <add>, %shift_left3A, %reduce_sum3A [1] : vector<320x32xi32> to vector<320xi32>
    %broadcast_in_dim3A = vector.shape_cast %reduce_sum3A_4 : vector<320xi32> to vector<320x1xi32>
    %swap3A = arith.constant 0 : index
    %swap3A_5 = arith.constant 0 : index
    %swap3A_6 = vector.load %arg2[%swap3A, %swap3A_5] : memref<320x1xi32, #tpu.memory_space<vmem>>, vector<320x1xi32>
    tpu.vector_store %arg2[%swap3A, %swap3A_5], %broadcast_in_dim3A {strides = array<i32>} : memref<320x1xi32, #tpu.memory_space<vmem>>, vector<320x1xi32>,
    return
  }
  func.func @transform_0(%arg0: i32) -> (i32, i32) {
    %c0_i32 = arith.constant 0 : i32
    %c0_i32_0 = arith.constant 0 : i32
    %c0_i32_1 = arith.constant 0 : i32
    return %c0_i32, %c0_i32_0 : i32, i32
  }
  func.func @transform_1(%arg0: i32) -> (i32, i32) {
    %c0_i32 = arith.constant 0 : i32
    %c0_i32_0 = arith.constant 0 : i32
    %c0_i32_1 = arith.constant 0 : i32
    return %c0_i32, %c0_i32_0 : i32, i32
  }
}

module attributes {stable_mosaic.version = 14 : i64} {
  func.func @_mid_body(%arg0: i32, %arg1: memref<1000x128xf32, #tpu.memory_space<vmem>>, %arg2: memref<1000x128xf32, #tpu.memory_space<vmem>>, %arg3: memref<1000x128xf32, #tpu.memory_space<vmem>>, %arg4: memref<1000x128xf32, #tpu.memory_space<vmem>>, %arg5: memref<128x256xf32, #tpu.memory_space<vmem>>, %arg6: memref<1x256xf32, #tpu.memory_space<vmem>>, %arg7: memref<256x128xf32, #tpu.memory_space<vmem>>, %arg8: memref<1000x128xf32, #tpu.memory_space<vmem>>) attributes {dimension_semantics = [#tpu.dimension_semantics<arbitrary>], iteration_bounds = array<i64: 10>, scalar_prefetch = 0 : i64, scratch_operands = 0 : i64, tpu.core_type = #tpu.core_type<tc>, window_params = [{transform_indices = @transform_0, window_bounds = array<i64: 1000, 128>}, {transform_indices = @transform_1, window_bounds = array<i64: 1000, 128>}, {transform_indices = @transform_2, window_bounds = array<i64: 1000, 128>}, {transform_indices = @transform_3, window_bounds = array<i64: 1000, 128>}, {pipeline_mode = #tpu.pipeline_mode<synchronous>, transform_indices = @transform_4, window_bounds = array<i64: 128, 256>}, {pipeline_mode = #tpu.pipeline_mode<synchronous>, transform_indices = @transform_5, window_bounds = array<i64: 1, 256>}, {pipeline_mode = #tpu.pipeline_mode<synchronous>, transform_indices = @transform_6, window_bounds = array<i64: 256, 128>}, {transform_indices = @transform_7, window_bounds = array<i64: 1000, 128>}]} {
    %get3A = arith.constant 0 : index
    %get3A_0 = arith.constant 0 : index
    %get3A_1 = vector.load %arg4[%get3A, %get3A_0] : memref<1000x128xf32, #tpu.memory_space<vmem>>, vector<1000x128xf32>
    %get3A_2 = arith.constant 0 : index
    %get3A_3 = arith.constant 0 : index
    %get3A_4 = vector.load %arg1[%get3A_2, %get3A_3] : memref<1000x128xf32, #tpu.memory_space<vmem>>, vector<1000x128xf32>
    %get3A_5 = arith.constant 0 : index
    %get3A_6 = arith.constant 0 : index
    %get3A_7 = vector.load %arg2[%get3A_5, %get3A_6] : memref<1000x128xf32, #tpu.memory_space<vmem>>, vector<1000x128xf32>
    %add3A = arith.addf %get3A_4, %get3A_7 : vector<1000x128xf32>
    %get3A_8 = arith.constant 0 : index
    %get3A_9 = arith.constant 0 : index
    %get3A_10 = vector.load %arg3[%get3A_8, %get3A_9] : memref<1000x128xf32, #tpu.memory_space<vmem>>, vector<1000x128xf32>
    %add3A_11 = arith.addf %add3A, %get3A_10 : vector<1000x128xf32>
    %mul3A = arith.mulf %add3A_11, %get3A_1 : vector<1000x128xf32>
    %get3A_12 = arith.constant 0 : index
    %get3A_13 = arith.constant 0 : index
    %get3A_14 = vector.load %arg5[%get3A_12, %get3A_13] : memref<128x256xf32, #tpu.memory_space<vmem>>, vector<128x256xf32>
    %dot_general3A = arith.constant dense<0.000000e+00> : vector<1000x256xf32>
    %dot_general3A_15 = tpu.matmul %mul3A, %get3A_14, %dot_general3A {dimension_numbers = #tpu.dot_dimension_numbers<[1], [0], [0], [1], [0, 0, 1, 1], [], []>, transpose_lhs_hint = false} : vector<1000x128xf32>, vector<128x256xf32>, vector<1000x256xf32> -> vector<1000x256xf32>
    %get3A_16 = arith.constant 0 : index
    %get3A_17 = arith.constant 0 : index
    %get3A_18 = vector.load %arg6[%get3A_16, %get3A_17] : memref<1x256xf32, #tpu.memory_space<vmem>>, vector<1x256xf32>
    %add3A_19 = vector.broadcast %get3A_18 : vector<1x256xf32> to vector<1000x256xf32>
    %add3A_20 = arith.addf %dot_general3A_15, %add3A_19 : vector<1000x256xf32>
    %ge3A = arith.constant 0.000000e+00 : f32
    %ge3A_21 = vector.broadcast %ge3A : f32 to vector<1000x256xf32>
    %ge3A_22 = arith.cmpf oge, %add3A_20, %ge3A_21 : vector<1000x256xf32>
    %mul3A_23 = arith.constant 0.00999999977 : f32
    %mul3A_24 = vector.broadcast %mul3A_23 : f32 to vector<1000x256xf32>
    %mul3A_25 = arith.mulf %mul3A_24, %add3A_20 : vector<1000x256xf32>
    %select_n3A = arith.select %ge3A_22, %add3A_20, %mul3A_25 : vector<1000x256xi1>, vector<1000x256xf32>
    %get3A_26 = arith.constant 0 : index
    %get3A_27 = arith.constant 0 : index
    %get3A_28 = vector.load %arg7[%get3A_26, %get3A_27] : memref<256x128xf32, #tpu.memory_space<vmem>>, vector<256x128xf32>
    %dot_general3A_29 = arith.constant dense<0.000000e+00> : vector<1000x128xf32>
    %dot_general3A_30 = tpu.matmul %select_n3A, %get3A_28, %dot_general3A_29 {dimension_numbers = #tpu.dot_dimension_numbers<[1], [0], [0], [1], [0, 0, 1, 1], [], []>, transpose_lhs_hint = false} : vector<1000x256xf32>, vector<256x128xf32>, vector<1000x128xf32> -> vector<1000x128xf32>
    %mul3A_31 = arith.mulf %dot_general3A_30, %get3A_1 : vector<1000x128xf32>
    %swap3A = arith.constant 0 : index
    %swap3A_32 = arith.constant 0 : index
    %swap3A_33 = vector.load %arg8[%swap3A, %swap3A_32] : memref<1000x128xf32, #tpu.memory_space<vmem>>, vector<1000x128xf32>
    tpu.vector_store %arg8[%swap3A, %swap3A_32], %mul3A_31 {strides = array<i32>} : memref<1000x128xf32, #tpu.memory_space<vmem>>, vector<1000x128xf32>,
    return
  }
  func.func @transform_0(%arg0: i32) -> (i32, i32) {
    %c0_i32 = arith.constant 0 : i32
    %c0_i32_0 = arith.constant 0 : i32
    return %arg0, %c0_i32 : i32, i32
  }
  func.func @transform_1(%arg0: i32) -> (i32, i32) {
    %c0_i32 = arith.constant 0 : i32
    %c0_i32_0 = arith.constant 0 : i32
    return %arg0, %c0_i32 : i32, i32
  }
  func.func @transform_2(%arg0: i32) -> (i32, i32) {
    %c0_i32 = arith.constant 0 : i32
    %c0_i32_0 = arith.constant 0 : i32
    return %arg0, %c0_i32 : i32, i32
  }
  func.func @transform_3(%arg0: i32) -> (i32, i32) {
    %c0_i32 = arith.constant 0 : i32
    %c0_i32_0 = arith.constant 0 : i32
    return %arg0, %c0_i32 : i32, i32
  }
  func.func @transform_4(%arg0: i32) -> (i32, i32) {
    %c0_i32 = arith.constant 0 : i32
    %c0_i32_0 = arith.constant 0 : i32
    %c0_i32_1 = arith.constant 0 : i32
    return %c0_i32, %c0_i32_0 : i32, i32
  }
  func.func @transform_5(%arg0: i32) -> (i32, i32) {
    %c0_i32 = arith.constant 0 : i32
    %c0_i32_0 = arith.constant 0 : i32
    %c0_i32_1 = arith.constant 0 : i32
    return %c0_i32, %c0_i32_0 : i32, i32
  }
  func.func @transform_6(%arg0: i32) -> (i32, i32) {
    %c0_i32 = arith.constant 0 : i32
    %c0_i32_0 = arith.constant 0 : i32
    %c0_i32_1 = arith.constant 0 : i32
    return %c0_i32, %c0_i32_0 : i32, i32
  }
  func.func @transform_7(%arg0: i32) -> (i32, i32) {
    %c0_i32 = arith.constant 0 : i32
    %c0_i32_0 = arith.constant 0 : i32
    return %arg0, %c0_i32 : i32, i32
  }
}

module attributes {stable_mosaic.version = 14 : i64} {
  func.func @_fin_body(%arg0: i32, %arg1: memref<1112x128xf32, #tpu.memory_space<vmem>>, %arg2: memref<1112x128xf32, #tpu.memory_space<vmem>>, %arg3: memref<1112x128xf32, #tpu.memory_space<vmem>>, %arg4: memref<1112x128xf32, #tpu.memory_space<vmem>>, %arg5: memref<1x128xf32, #tpu.memory_space<vmem>>, %arg6: memref<1112x128xf32, #tpu.memory_space<vmem>>) attributes {dimension_semantics = [#tpu.dimension_semantics<arbitrary>], iteration_bounds = array<i64: 9>, scalar_prefetch = 0 : i64, scratch_operands = 0 : i64, tpu.core_type = #tpu.core_type<tc>, window_params = [{transform_indices = @transform_0, window_bounds = array<i64: 1112, 128>}, {transform_indices = @transform_1, window_bounds = array<i64: 1112, 128>}, {transform_indices = @transform_2, window_bounds = array<i64: 1112, 128>}, {transform_indices = @transform_3, window_bounds = array<i64: 1112, 128>}, {pipeline_mode = #tpu.pipeline_mode<synchronous>, transform_indices = @transform_4, window_bounds = array<i64: 1, 128>}, {transform_indices = @transform_5, window_bounds = array<i64: 1112, 128>}]} {
    %mul3A = arith.constant 1112 : i32
    %mul3A_0 = arith.muli %arg0, %mul3A : i32
    %iota3A = tpu.iota {dimensions = array<i32: 0>} : vector<1112x128xi32>
    %add3A = vector.broadcast %mul3A_0 : i32 to vector<1112x128xi32>
    %add3A_1 = arith.addi %add3A, %iota3A : vector<1112x128xi32>
    %get3A = arith.constant 0 : index
    %get3A_2 = arith.constant 0 : index
    %get3A_3 = vector.load %arg1[%get3A, %get3A_2] : memref<1112x128xf32, #tpu.memory_space<vmem>>, vector<1112x128xf32>
    %get3A_4 = arith.constant 0 : index
    %get3A_5 = arith.constant 0 : index
    %get3A_6 = vector.load %arg2[%get3A_4, %get3A_5] : memref<1112x128xf32, #tpu.memory_space<vmem>>, vector<1112x128xf32>
    %add3A_7 = arith.addf %get3A_3, %get3A_6 : vector<1112x128xf32>
    %get3A_8 = arith.constant 0 : index
    %get3A_9 = arith.constant 0 : index
    %get3A_10 = vector.load %arg3[%get3A_8, %get3A_9] : memref<1112x128xf32, #tpu.memory_space<vmem>>, vector<1112x128xf32>
    %add3A_11 = arith.addf %add3A_7, %get3A_10 : vector<1112x128xf32>
    %get3A_12 = arith.constant 0 : index
    %get3A_13 = arith.constant 0 : index
    %get3A_14 = vector.load %arg4[%get3A_12, %get3A_13] : memref<1112x128xf32, #tpu.memory_space<vmem>>, vector<1112x128xf32>
    %mul3A_15 = arith.mulf %add3A_11, %get3A_14 : vector<1112x128xf32>
    %get3A_16 = arith.constant 0 : index
    %get3A_17 = arith.constant 0 : index
    %get3A_18 = vector.load %arg5[%get3A_16, %get3A_17] : memref<1x128xf32, #tpu.memory_space<vmem>>, vector<1x128xf32>
    %add3A_19 = vector.broadcast %get3A_18 : vector<1x128xf32> to vector<1112x128xf32>
    %add3A_20 = arith.addf %mul3A_15, %add3A_19 : vector<1112x128xf32>
    %lt3A = arith.constant 10000 : i32
    %lt3A_21 = vector.broadcast %lt3A : i32 to vector<1112x128xi32>
    %lt3A_22 = arith.cmpi slt, %add3A_1, %lt3A_21 : vector<1112x128xi32>
    %jit3A = arith.constant 0.000000e+00 : f32
    %broadcast_in_dim3A = vector.broadcast %jit3A : f32 to vector<1112x128xf32>
    %select_n3A = arith.select %lt3A_22, %add3A_20, %broadcast_in_dim3A : vector<1112x128xi1>, vector<1112x128xf32>
    %swap3A = arith.constant 0 : index
    %swap3A_23 = arith.constant 0 : index
    %swap3A_24 = vector.load %arg6[%swap3A, %swap3A_23] : memref<1112x128xf32, #tpu.memory_space<vmem>>, vector<1112x128xf32>
    tpu.vector_store %arg6[%swap3A, %swap3A_23], %select_n3A {strides = array<i32>} : memref<1112x128xf32, #tpu.memory_space<vmem>>, vector<1112x128xf32>,
    return
  }
  func.func @transform_0(%arg0: i32) -> (i32, i32) {
    %c0_i32 = arith.constant 0 : i32
    %c0_i32_0 = arith.constant 0 : i32
    return %arg0, %c0_i32 : i32, i32
  }
  func.func @transform_1(%arg0: i32) -> (i32, i32) {
    %c0_i32 = arith.constant 0 : i32
    %c0_i32_0 = arith.constant 0 : i32
    return %arg0, %c0_i32 : i32, i32
  }
  func.func @transform_2(%arg0: i32) -> (i32, i32) {
    %c0_i32 = arith.constant 0 : i32
    %c0_i32_0 = arith.constant 0 : i32
    return %arg0, %c0_i32 : i32, i32
  }
  func.func @transform_3(%arg0: i32) -> (i32, i32) {
    %c0_i32 = arith.constant 0 : i32
    %c0_i32_0 = arith.constant 0 : i32
    return %arg0, %c0_i32 : i32, i32
  }
  func.func @transform_4(%arg0: i32) -> (i32, i32) {
    %c0_i32 = arith.constant 0 : i32
    %c0_i32_0 = arith.constant 0 : i32
    %c0_i32_1 = arith.constant 0 : i32
    return %c0_i32, %c0_i32_0 : i32, i32
  }
  func.func @transform_5(%arg0: i32) -> (i32, i32) {
    %c0_i32 = arith.constant 0 : i32
    %c0_i32_0 = arith.constant 0 : i32
    return %arg0, %c0_i32 : i32, i32
  }
}

module attributes {stable_mosaic.version = 14 : i64} {
  func.func @_textmm_body(%arg0: i32, %arg1: memref<1024x128xf32, #tpu.memory_space<vmem>>, %arg2: memref<128x128xf32, #tpu.memory_space<vmem>>, %arg3: memref<1x128xf32, #tpu.memory_space<vmem>>, %arg4: memref<1024x128xf32, #tpu.memory_space<vmem>>) attributes {dimension_semantics = [#tpu.dimension_semantics<arbitrary>], iteration_bounds = array<i64: 1>, scalar_prefetch = 0 : i64, scratch_operands = 0 : i64, tpu.core_type = #tpu.core_type<tc>, window_params = [{pipeline_mode = #tpu.pipeline_mode<synchronous>, transform_indices = @transform_0, window_bounds = array<i64: 1024, 128>}, {pipeline_mode = #tpu.pipeline_mode<synchronous>, transform_indices = @transform_1, window_bounds = array<i64: 128, 128>}, {pipeline_mode = #tpu.pipeline_mode<synchronous>, transform_indices = @transform_2, window_bounds = array<i64: 1, 128>}, {pipeline_mode = #tpu.pipeline_mode<synchronous>, transform_indices = @transform_3, window_bounds = array<i64: 1024, 128>}]} {
    %get3A = arith.constant 0 : index
    %get3A_0 = arith.constant 0 : index
    %get3A_1 = vector.load %arg1[%get3A, %get3A_0] : memref<1024x128xf32, #tpu.memory_space<vmem>>, vector<1024x128xf32>
    %mul3A = arith.constant 7.812500e-03 : f32
    %mul3A_2 = vector.broadcast %mul3A : f32 to vector<1024x128xf32>
    %mul3A_3 = arith.mulf %get3A_1, %mul3A_2 : vector<1024x128xf32>
    %get3A_4 = arith.constant 0 : index
    %get3A_5 = arith.constant 0 : index
    %get3A_6 = vector.load %arg2[%get3A_4, %get3A_5] : memref<128x128xf32, #tpu.memory_space<vmem>>, vector<128x128xf32>
    %dot_general3A = arith.constant dense<0.000000e+00> : vector<1024x128xf32>
    %dot_general3A_7 = tpu.matmul %mul3A_3, %get3A_6, %dot_general3A {dimension_numbers = #tpu.dot_dimension_numbers<[1], [0], [0], [1], [0, 0, 1, 1], [], []>, transpose_lhs_hint = false} : vector<1024x128xf32>, vector<128x128xf32>, vector<1024x128xf32> -> vector<1024x128xf32>
    %get3A_8 = arith.constant 0 : index
    %get3A_9 = arith.constant 0 : index
    %get3A_10 = vector.load %arg3[%get3A_8, %get3A_9] : memref<1x128xf32, #tpu.memory_space<vmem>>, vector<1x128xf32>
    %add3A = vector.broadcast %get3A_10 : vector<1x128xf32> to vector<1024x128xf32>
    %add3A_11 = arith.addf %dot_general3A_7, %add3A : vector<1024x128xf32>
    %swap3A = arith.constant 0 : index
    %swap3A_12 = arith.constant 0 : index
    %swap3A_13 = vector.load %arg4[%swap3A, %swap3A_12] : memref<1024x128xf32, #tpu.memory_space<vmem>>, vector<1024x128xf32>
    tpu.vector_store %arg4[%swap3A, %swap3A_12], %add3A_11 {strides = array<i32>} : memref<1024x128xf32, #tpu.memory_space<vmem>>, vector<1024x128xf32>,
    return
  }
  func.func @transform_0(%arg0: i32) -> (i32, i32) {
    %c0_i32 = arith.constant 0 : i32
    %c0_i32_0 = arith.constant 0 : i32
    %c0_i32_1 = arith.constant 0 : i32
    return %c0_i32, %c0_i32_0 : i32, i32
  }
  func.func @transform_1(%arg0: i32) -> (i32, i32) {
    %c0_i32 = arith.constant 0 : i32
    %c0_i32_0 = arith.constant 0 : i32
    %c0_i32_1 = arith.constant 0 : i32
    return %c0_i32, %c0_i32_0 : i32, i32
  }
  func.func @transform_2(%arg0: i32) -> (i32, i32) {
    %c0_i32 = arith.constant 0 : i32
    %c0_i32_0 = arith.constant 0 : i32
    %c0_i32_1 = arith.constant 0 : i32
    return %c0_i32, %c0_i32_0 : i32, i32
  }
  func.func @transform_3(%arg0: i32) -> (i32, i32) {
    %c0_i32 = arith.constant 0 : i32
    %c0_i32_0 = arith.constant 0 : i32
    %c0_i32_1 = arith.constant 0 : i32
    return %c0_i32, %c0_i32_0 : i32, i32
  }
}

</mosaic_0001>

<sc_bundles>
// kernel: kernel.12.cloned.1.call-start
scs
__scs_entry_jumppad:
0x0: {  	(pc) =	sbr.rel $0x88, $3  }
0x1: {  	(tag) =	ssettag $0x0;
	lr =	simm.s32 $0x1  }
0x2: {  	[smem:$0x3F95] =	sst lr;
	_ =	strace $0xD0000000  }
0x3: {  	_ = 	snop  }
0x4: {  	_ = 	snop  }
0x5: {  	_ = 	snop  }
0x6: {  	_ = 	snop  }
0x7: {  	_ = 	snop  }
__scs_overlays_trampoline_lowered:
0x8: {  	[smem:$0x3FA4] =	sst s0  }
0x9: {  	[smem:$0x3FA5] =	sst s1  }
0xa: {  	[smem:$0x3FA6] =	sst s2  }
0xb: {  	[smem:$0x3FA7] =	sst s3  }
0xc: {  	[smem:$0x3FA8] =	sst s4  }
0xd: {  	[smem:$0x3FA9] =	sst s5  }
0xe: {  	[smem:$0x3FAA] =	sst s6  }
0xf: {  	[smem:$0x3FAB] =	sst s7  }
0x10: {  	[smem:$0x3FAC] =	sst s8  }
0x11: {  	[smem:$0x3FAD] =	sst s9;
	s0 =	simm.s32 @!p0 $0x0  }
0x12: {  	s1 =	sld [smem:$0x3F93];
	s0 =	simm.s32 @p0 $0x1  }
0x13: {  	[smem:$0x3FAE] =	sst s0;
	s0 =	simm.s32 @!p1 $0x0  }
0x14: {  	s2 =	sld [smem:$0x3F92];
	s0 =	simm.s32 @p1 $0x1  }
0x15: {  	[smem:$0x3FAF] =	sst s0;
	s0 =	simm.s32 @!p2 $0x0  }
0x16: {  	s3 =	sld [smem:$0x3FDB];
	s0 =	simm.s32 @p2 $0x1  }
0x17: {  	s4 =	simm.s32 $0x1BF5;
	[smem:$0x3FB1] =	sst s0  }
0x18: {  	s0 =	sld [smem:$0x3F94];
	_ =	swait.ge [sflag:s4], $0x0  }
0x19: {  	s7 =	sld [smem:$0x3F95]  }
0x1a: {  	s8 =	sadd.s32 $0xFFFFE003, lr  }
0x1b: {  	s9 =	sadd.s32 $0xFFFFFEF7, lr;
	s5 =	simm.s32 $0xFFFFFFFF;
	p2 =	slt.u32 s8, $0xFFFFF086  }
0x1c: {  	p1 =	slt.u32 s9, $0xF7A;
	s5 =	simm.s32 @!p2 $0x0  }
0x1d: {  	s5 =	simm.s32 @p1 $0x1;
	p0 =	seq.s32 s7, s2  }
0x1e: {  	s7 =	smul.u32 @!p0 $0xF7A, s2;
	p2 =	seq.s32 @!p0 s5, $0x0  }
0x1f: {  	s9 =	smul.u32 $0xF7A, s1;
	s8 =	simm.s32 @!p0 $0x1BF5;
	p2 =	por !p2, p0  }
0x20: {  	[sflag:s8] =	ssyncset.s32 @!p0 $0xFFFFF086;
	s6 =	sadd.s32 @!p0 s3, s7;
	s7 =	simm.s32 @!p0 $0x108  }
0x21: {  	s3 =	sadd.s32 s3, s9;
	s6 =	sadd.s32 @!p0 $0x88, s6;
	s7 =	simm.s32 @p2 $0x1082  }
0x22: {  	[simem:s7], [sflag:s8] =	dma.local @!p0 [hbm:s6], $0xF7A  }
0x23: {  	s9 =	sor.u32 $0xD0000000, s2;
	s6 =	simm.s32 $0x108;
	_ =	swait.ge @!p0 [sflag:s8], $0x0  }
0x24: {  	s3 =	sadd.s32 $0x88, s3;
	s6 =	simm.s32 @!p1 $0x1082;
	[sflag:s4] =	ssyncset.s32 $0xFFFFF086  }
0x25: {  	[simem:s6], [sflag:s4] =	dma.local [hbm:s3], $0xF7A  }
0x26: {  	[smem:$0x3F95] =	sst s1;
	(tag) =	ssettag s2;
	_ =	strace s9  }
0x27: {  	s1 =	sld [smem:$0x3FA5]  }
0x28: {  	s2 =	sld [smem:$0x3FA6]  }
0x29: {  	s4 =	sld [smem:$0x3FA8]  }
0x2a: {  	p0 =	seq.s32 s5, $0x0;
	s5 =	sld [smem:$0x3FA9]  }
0x2b: {  	s6 =	sld [smem:$0x3FAA]  }
0x2c: {  	s7 =	sld [smem:$0x3FAB]  }
0x2d: {  	s3 =	simm.s32 $0x108;
	s8 =	sld [smem:$0x3FAC]  }
0x2e: {  	s3 =	simm.s32 @!p0 $0x1082;
	s9 =	sld [smem:$0x3FAD]  }
0x2f: {  	lr =	sadd.s32 s0, s3;
	s0 =	sld [smem:$0x3FA4]  }
0x30: {  	s3 =	sld [smem:$0x3FA7]  }
0x31: {  	[smem:$0x3FB0] =	sst s10  }
0x32: {  	s10 =	sld [smem:$0x3FAE];
	_ =	sdelay $0x3  }
0x33: {  	p0 =	seq.s32 s10, $0x1;
	s10 =	sld [smem:$0x3FB0];
	_ =	sdelay $0x3  }
0x34: {  	[smem:$0x3FB0] =	sst s10  }
0x35: {  	s10 =	sld [smem:$0x3FAF];
	_ =	sdelay $0x3  }
0x36: {  	p1 =	seq.s32 s10, $0x1;
	s10 =	sld [smem:$0x3FB0];
	_ =	sdelay $0x3  }
0x37: {  	[smem:$0x3FB0] =	sst s10  }
0x38: {  	s10 =	sld [smem:$0x3FB1]  }
0x39: {  	_ = 	snop;
	(pc) =	sbr.ind lr, $3  }
0x3a: {  	_ = 	snop  }
0x3b: {  	_ = 	snop  }
0x3c: {  	p2 =	seq.s32 s10, $0x1;
	s10 =	sld [smem:$0x3FB0]  }
0x3d: {  	_ =	shalt  }
0x3e: {  	_ =	shalt  }
0x3f: {  	_ =	shalt  }
0x40: {  	_ =	shalt  }
0x41: {  	_ =	shalt  }
0x42: {  	_ =	shalt  }
0x43: {  	_ =	shalt  }
0x44: {  	_ =	shalt  }
0x45: {  	_ =	shalt  }
0x46: {  	_ =	shalt  }
0x47: {  	_ =	shalt  }
0x48: {  	_ =	shalt  }
0x49: {  	_ =	shalt  }
0x4a: {  	_ =	shalt  }
0x4b: {  	_ =	shalt  }
0x4c: {  	_ =	shalt  }
0x4d: {  	_ =	shalt  }
0x4e: {  	_ =	shalt  }
0x4f: {  	_ =	shalt  }
0x50: {  	_ =	shalt  }
0x51: {  	_ =	shalt  }
0x52: {  	_ =	shalt  }
0x53: {  	_ =	shalt  }
0x54: {  	_ =	shalt  }
0x55: {  	_ =	shalt  }
0x56: {  	_ =	shalt  }
0x57: {  	_ =	shalt  }
0x58: {  	_ =	shalt  }
0x59: {  	_ =	shalt  }
0x5a: {  	_ =	shalt  }
0x5b: {  	_ =	shalt  }
0x5c: {  	_ =	shalt  }
0x5d: {  	_ =	shalt  }
0x5e: {  	_ =	shalt  }
0x5f: {  	_ =	shalt  }
0x60: {  	_ =	shalt  }
0x61: {  	_ =	shalt  }
0x62: {  	_ =	shalt  }
0x63: {  	_ =	shalt  }
0x64: {  	_ =	shalt  }
0x65: {  	_ =	shalt  }
0x66: {  	_ =	shalt  }
0x67: {  	_ =	shalt  }
0x68: {  	_ =	shalt  }
0x69: {  	_ =	shalt  }
0x6a: {  	_ =	shalt  }
0x6b: {  	_ =	shalt  }
0x6c: {  	_ =	shalt  }
0x6d: {  	_ =	shalt  }
0x6e: {  	_ =	shalt  }
0x6f: {  	_ =	shalt  }
0x70: {  	_ =	shalt  }
0x71: {  	_ =	shalt  }
0x72: {  	_ =	shalt  }
0x73: {  	_ =	shalt  }
0x74: {  	_ =	shalt  }
0x75: {  	_ =	shalt  }
0x76: {  	_ =	shalt  }
0x77: {  	_ =	shalt  }
0x78: {  	_ =	shalt  }
0x79: {  	_ =	shalt  }
0x7a: {  	_ =	shalt  }
0x7b: {  	_ =	shalt  }
0x7c: {  	_ =	shalt  }
0x7d: {  	_ =	shalt  }
0x7e: {  	_ =	shalt  }
0x7f: {  	_ =	shalt  }
0x80: {  	_ =	shalt  }
0x81: {  	_ =	shalt  }
0x82: {  	_ =	shalt  }
0x83: {  	_ =	shalt  }
0x84: {  	_ =	shalt  }
0x85: {  	_ =	shalt  }
0x86: {  	_ =	shalt  }
0x87: {  	_ =	shalt  }
.Lfunc_end0:
.L_simem_size_0:
called_computation_lowered:
.L_overlay_start_0:
0x88: {  	s2 =	sld [smem:$0x3FD9]  }
0x89: {  	s3 =	sld [smem:$0x3FFE];
	_ =	sdelay $0x1  }
0x8a: {  	s1 =	srdreg.scid  }
0x8b: {  	s0 =	sand.u32 $0x1, s1  }
0x8c: {  	s14 =	sshll.u32 s0, $0xA;
	s2 =	sadd.s32 s3, s2  }
0x8d: {  	s2 =	sadd.s32 s2, s14  }
0x8e: {  	[smem:$0x3FBC] =	sst s2  }
0x8f: {  	_ = 	snop  }
0x90: {  	s2 =	sld [smem:$0x3FD0];
	_ =	sdelay $0x2  }
0x91: {  	s4 =	simm.s32 $0xB;
	s5 =	simm.s32 $0x10;
	s15 =	sld [smem:$0x3FC6]  }
0x92: {  	[smem:s5], [sflag:s4] =	dma.local [hbm:s2], $0x1  }
0x93: {  	_ =	swait.eq [sflag:s4], $0x1  }
0x94: {  	[sflag:s4] =	ssyncset.done $0x0  }
0x95: {  	[sflag:s4] =	ssyncadd.s32 $0xFFFFFFFF  }
0x96: {  	s16 =	sld [smem:$0x11];
	(tm) =	ssettm $0x1  }
0x97: {  	s17 =	sld [smem:$0x3FFB];
	_ =	sdelay $0x3  }
0x98: {  	_ =	strace s17  }
0x99: {  	s4 =	sld [smem:$0x3FFC];
	_ =	sdelay $0x3  }
0x9a: {  	_ =	strace s4  }
0x9b: {  	s4 =	sld [smem:$0x3FFD];
	_ =	sdelay $0x3  }
0x9c: {  	_ =	strace s4  }
0x9d: {  	_ =	strace $0x8FFFFFFF  }
0x9e: {  	s18 =	sld [smem:$0x3FDB];
	_ =	sdelay $0x1  }
0x9f: {  	s19 =	simm.s32 $_scs_section_size  }
0xa0: {  	s6 =	simm.s32 $_size__tile_overlayer_lowered;
	s7 =	simm.s32 $_tile_overlayer_lowered  }
0xa1: {  	s22 =	simm.s32 $0x1BFF;
	s21 =	sshll.u32 s7, $0x1;
	s4 =	sadd.s32 s19, s18  }
0xa2: {  	s8 =	simm.s32 $0x0;
	s20 =	sshll.u32 s6, $0x1;
	s6 =	sadd.s32 s21, s4  }
0xa3: {  	[timem:s8], [sflag:s22] =	dma.local [hbm:s6], s20  }
0xa4: {  	_ =	swait.ge [sflag:s22], s20  }
0xa5: {  	s5 =	ssub.s32 $0x0, s20;
	[sflag:s22] =	ssyncset.done $0x0  }
0xa6: {  	[sflag:s22] =	ssyncadd.s32 s5;
	_ =	sdelay $0x1  }
0xa7: {  	s23 =	simm.s32 $0x1B8B  }
0xa8: {  	_ =	swait.ge [sflag:s23], $0x1  }
0xa9: {  	[sflag:s23] =	ssyncset.done $0x0  }
0xaa: {  	s25 =	simm.s32 $0x1B8E;
	s24 =	sld [smem:$0x3FFE];
	[sflag:s23] =	ssyncadd.s32 $0xFFFFFFFF  }
0xab: {  	s26 =	simm.s32 $execute0_lowered;
	[smem:$0x3FD2] =	sst s25  }
0xac: {  	s6 =	sshll.u32 s26, $0x1;
	_ =	strace $0x80000046;
	[dreg:$0x1] =	wrdreg $0xFFFFFFFF  }
0xad: {  	s28 =	simm.s32 $_size_execute0_lowered;
	s4 =	sadd.s32 s4, s6;
	[dreg:$0x0] =	wrdreg $0x0  }
0xae: {  	s6 =	sshll.u32 s28, $0x1;
	[dreg:$0x2] =	wrdreg s4  }
0xaf: {  	[dreg:$0x3] =	wrdreg s6  }
0xb0: {  	[dreg:$0x4] =	wrdreg $0xC0  }
0xb1: {  	_ =	task [dreg:s8], $0x5FFFF  }
0xb2: {  	[dreg:$0x1] =	wrdreg $0xFFFFFFFF  }
0xb3: {  	[dreg:$0x0] =	wrdreg $0x60  }
0xb4: {  	[dreg:$0x2] =	wrdreg s24  }
0xb5: {  	[dreg:$0x3] =	wrdreg s15  }
0xb6: {  	[dreg:$0x4] =	wrdreg s16  }
0xb7: {  	[dreg:$0x5] =	wrdreg $0x9  }
0xb8: {  	_ =	task.clear_ibuf [dreg:s8], $0x6FFFF;
	_ =	strace $0x90000046  }
0xb9: {  	s29 =	simm.s32 $0x9;
	_ =	strace $0x80000048  }
0xba: {  	_ =	swait.ge [sflag:s29], $0x1  }
0xbb: {  	[sflag:s29] =	ssyncadd.s32 $0xFFFFFFFF  }
0xbc: {  	_ =	strace $0x90000048  }
0xbd: {  	_ =	sfence  }
0xbe: {  	s30 =	sld [smem:$0x0];
	_ =	sdelay $0x2  }
0xbf: {  	s31 =	sshll.u32 s1, $0xD;
	s1 =	sshrl.u32 s1, $0x2  }
0xc0: {  	s3 =	sand.u32 $0x4000, s31;
	s1 =	sadd.s32 s1, s30  }
0xc1: {  	s0 =	sor.u32 s3, s0;
	s1 =	sshll.u32 s1, $0x11  }
0xc2: {  	s0 =	sor.u32 s1, s0  }
0xc3: {  	s0 =	sadd.s32 $0x8F2B, s0  }
0xc4: {  	[sflag:s0] =	ssyncadd.remote.s32 $0x1  }
0xc5: {  	_ =	sfence.sel $0xFFFF  }
0xc6: {  	[dreg:$0x0] =	wrdreg $0xFFFFFFFF;
	(pc) =	sbr.abs _section_cstart, $3  }
0xc7: {  	[dreg:$0x1] =	wrdreg $0xFFFFFFFF  }
0xc8: {  	_ =	task.clear_ibuf [dreg:s8], $0x2FFFF;
	_ =	strace $0x9FFFFFFF  }
0xc9: {  	(tm) =	ssettm $0x7FFFFFFF  }
tec
execute0_lowered:
.L_overlay_start_1:
0x0: {  	(tag) =	ssettag $0x1  }
0x1: {  	s0 =	srdreg.scid  }
0x2: {  	s5 =	rddreg [dreg:$0x0];
	s6 =	sand.u32 $0x1, s0  }
0x3: {  	s2 =	rddreg [dreg:$0x1];
	s0 =	stileid.u32;
	s1 =	sshll.u32 s6, $0x4  }
0x4: {  	s3 =	rddreg [dreg:$0x2];
	s10 =	sor.u32 s0, s1  }
0x5: {  	s4 =	simm.s32 $0x0;
	s9 =	simm.s32 $0x2800;
	s7 =	smul.u32 $0x500, s10  }
.Ltmp0:
0x6: {  	[smem:$0x7FF] =	sst s4;
	s6 =	ssub.s32 $0x2, s6;
	(pc) =	sbr.rel .LBB2_1-.Ltmp0, $4  }
0x7: {  	s11 =	simm.s32 $0x0;
	s1 =	rddreg [dreg:$0x3];
	s31 =	sshrl.u32 s6, $0x1  }
0x8: {  	_ =	strace $0x80000047;
	s8 =	ssub.s32 s6, s31;
	s7 =	sadd.s32 s7, s5  }
0x9: {  	p0 =	sne.s32 s10, $0x0;
	s10 =	simm.s32 $0x5000;
	s5 =	sadd.s32 $0x4A00, s7  }
0xa: {  	v0 =	vimm.f32 $0.0e+00;
	v1 =	vimm.f32 $1.000000000e+00;
	s6 =	sadd.s32 $0xEA00, s7;
	s7 =	smax.u32 s8, $0x1;
	s8 =	simm.s32 $0x1  }
.LBB2_10:
0xb: {  	v2 =	vld [tilespmem:s13+$0x5000];
	_ =	sdelay $0x7  }
0xc: {  	[tilespmem:v2+s9+$0x0] =	vst.idx.msk $0xffff, v1  }
0xd: {  	[hbm4b:s3+s4] =	stream.linear.scatter [tilespmem:s9], [sflag:$0x1], $0x2800, $0x38;
	[tilespmem:$0x5400] =	vst v63  }
0xe: {  	_ =	swait.ge [sflag:s8], $0x2800  }
0xf: {  	[sflag:s8] =	ssyncset.done $0x0  }
0x10: {  	[sflag:s8] =	ssyncadd.s32 $0xFFFFD800  }
.LBB2_11:
0x11: {  	s11 =	sadd.s32 $0x1, s11  }
0x12: {  	p1 =	sne.s32 s11, s7  }
.Ltmp1:
0x13: {  	_ = 	snop;
	(pc) =	sbr.rel @!p1 .LBB2_12-.Ltmp1, $1  }
0x14: {  	_ =	sdelay $0x3  }
.LBB2_1:
0x15: {  	[tilespmem:s4], [sflag:$0x1] =	stream.linear.gather [hbm4b:s5+s4], $0x2800, $0x38;
	[tilespmem:$0x5400] =	vst v63  }
0x16: {  	_ =	swait.ge [sflag:s8], $0x2800  }
0x17: {  	[sflag:s8] =	ssyncset.done $0x0  }
0x18: {  	s12 =	simm.s32 $0x0;
	[sflag:s8] =	ssyncadd.s32 $0xFFFFD800  }
.LBB2_2:
0x19: {  	p1 =	sne.s32 s12, $0x9FC0  }
.Ltmp2:
0x1a: {  	_ = 	snop;
	(pc) =	sbr.rel @p1 .LBB2_2-.Ltmp2, $3  }
0x1b: {  	_ =	sdelay $0x1  }
0x1c: {  	s13 =	sshra.s32 s12, $0x2  }
0x1d: {  	s12 =	sadd.s32 $0x40, s12;
	[tilespmem:s13+$0x2800] =	vst v0  }
0x1e: {  	s13 =	simm.s32 $0x0;
	s12 =	simm.s32 $0x40  }
.LBB2_4:
0x1f: {  	p1 =	sne.s32 s12, $0x9FC0;
	v2 =	vld [tilespmem:s13+$0x0];
	_ =	sdelay $0x3  }
.Ltmp3:
0x20: {  	(pc) =	sbr.rel @p1 .LBB2_4-.Ltmp3, $2  }
0x21: {  	_ =	sdelay $0x2  }
0x22: {  	s13 =	sshra.s32 s12, $0x2;
	s12 =	sadd.s32 $0x40, s12;
	[tilespmem:v2+s9+$0x0] =	vst.idx.add.f32.msk $0xffff, v1  }
0x23: {  	v2 =	vld [tilespmem:s13+$0x0];
	_ =	sdelay $0x7  }
.Ltmp4:
0x24: {  	s12 =	simm.s32 $0x0;
	[tilespmem:v2+s9+$0x0] =	vst.idx.add.f32.msk $0xffff, v1;
	(pc) =	sbr.rel @p0 .LBB2_11-.Ltmp4, $4  }
0x25: {  	[hbm4b:s6+s12] =	stream.linear.scatter [tilespmem:s9], [sflag:$0x1], $0x2800, $0x38;
	[tilespmem:$0x5400] =	vst v63  }
0x26: {  	_ =	swait.ge [sflag:s8], $0x2800  }
0x27: {  	[sflag:s8] =	ssyncset.done $0x0  }
0x28: {  	[sflag:s8] =	ssyncadd.s32 $0xFFFFD800  }
0x29: {  	s12 =	simm.s32 $0x40;
	s13 =	simm.s32 $0x0  }
.LBB2_7:
0x2a: {  	p1 =	sne.s32 s12, $0x9FC0;
	[tilespmem:s13+$0x2800] =	vst v0;
	s13 =	smov.u32 s12;
	s12 =	sadd.s32 $0x40, s12  }
.Ltmp5:
0x2b: {  	(pc) =	sbr.rel @p1 .LBB2_7-.Ltmp5, $2  }
0x2c: {  	_ =	sdelay $0x2  }
0x2d: {  	s13 =	sshra.s32 s13, $0x2  }
0x2e: {  	[tilespmem:s13+$0x2800] =	vst v0;
	s12 =	simm.s32 $0x0  }
0x2f: {  	[tilespmem:s10], [sflag:$0x1] =	stream.linear.gather [hbm4b:s2+s12], $0x400, $0x38;
	[tilespmem:$0x5400] =	vst v63  }
0x30: {  	_ =	swait.ge [sflag:s8], $0x400  }
0x31: {  	[sflag:s8] =	ssyncset.done $0x0  }
0x32: {  	s13 =	simm.s32 $0x0;
	s12 =	simm.s32 $0x40;
	[sflag:s8] =	ssyncadd.s32 $0xFFFFFC00  }
.LBB2_9:
0x33: {  	p1 =	sne.s32 s12, $0xFC0;
	v2 =	vld [tilespmem:s13+$0x5000];
	_ =	sdelay $0x3  }
.Ltmp6:
0x34: {  	(pc) =	sbr.rel @p1 .LBB2_9-.Ltmp6, $2  }
0x35: {  	_ =	sdelay $0x2  }
0x36: {  	s13 =	sshra.s32 s12, $0x2;
	s12 =	sadd.s32 $0x40, s12;
	[tilespmem:v2+s9+$0x0] =	vst.idx.msk $0xffff, v1  }
.Ltmp7:
0x37: {  	_ = 	snop;
	(pc) =	sbr.rel .LBB2_10-.Ltmp7, $1  }
0x38: {  	_ =	sdelay $0x3  }
.LBB2_12:
0x39: {  	_ =	sfence.sel $0x180000  }
0x3a: {  	[bflag:$0x0] =	sbarrier.arrive $0xFFFF  }
0x3b: {  	p0 =	sne.s32 s0, $0x0;
	_ =	strace $0x90000047  }
0x3c: {  	s0 =	sadd.s32 @!p0 $0x100000, s1;
	[bflag:$0x2] =	sbarrier.arrive $0xFFFF  }
0x3d: {  	[sflag:s0] =	ssyncadd.tile.s32 @!p0 $0x1;
	_ =	shalt  }
.Lfunc_end2:
_tile_overlayer_lowered:
.L_overlay_start_2:
0x3e: {  	(tag) =	ssettag $0x2  }
0x3f: {  	s0 =	rddreg [dreg:$0x0];
	s2 =	stileid.u32  }
0x40: {  	s1 =	rddreg [dreg:$0x1];
	p0 =	sne.s32 s2, $0x0  }
0x41: {  	s3 =	rddreg [dreg:$0x2];
	[bflag:$0x3] =	sbarrier.arrive $0xFFFF;
	s2 =	simm.s32 @!p0 $0x1C01  }
0x42: {  	[timem:s3], [sflag:s2] =	dma.local @!p0 [hbm:s0], s1  }
0x43: {  	s0 =	simm.s32 @!p0 $0x1  }
0x44: {  	_ =	swait.ge @!p0 [sflag:s0], s1  }
0x45: {  	s1 =	ssub.s32 @!p0 $0x0, s1;
	[sflag:s0] =	ssyncset.done @!p0 $0x0  }
0x46: {  	[sflag:s0] =	ssyncadd.s32 @!p0 s1  }
0x47: {  	[bflag:$0x3] =	sbarrier.arrive $0xFFFF  }
0x48: {  	_ =	shalt  }

// kernel: kernel.15.cloned.1.call-start
scs
__scs_entry_jumppad:
0x0: {  	(pc) =	sbr.rel $0x88, $3  }
0x1: {  	(tag) =	ssettag $0x0;
	lr =	simm.s32 $0x1  }
0x2: {  	[smem:$0x3F95] =	sst lr;
	_ =	strace $0xD0000000  }
0x3: {  	_ = 	snop  }
0x4: {  	_ = 	snop  }
0x5: {  	_ = 	snop  }
0x6: {  	_ = 	snop  }
0x7: {  	_ = 	snop  }
__scs_overlays_trampoline_lowered:
0x8: {  	[smem:$0x3FA4] =	sst s0  }
0x9: {  	[smem:$0x3FA5] =	sst s1  }
0xa: {  	[smem:$0x3FA6] =	sst s2  }
0xb: {  	[smem:$0x3FA7] =	sst s3  }
0xc: {  	[smem:$0x3FA8] =	sst s4  }
0xd: {  	[smem:$0x3FA9] =	sst s5  }
0xe: {  	[smem:$0x3FAA] =	sst s6  }
0xf: {  	[smem:$0x3FAB] =	sst s7  }
0x10: {  	[smem:$0x3FAC] =	sst s8  }
0x11: {  	[smem:$0x3FAD] =	sst s9;
	s0 =	simm.s32 @!p0 $0x0  }
0x12: {  	s1 =	sld [smem:$0x3F93];
	s0 =	simm.s32 @p0 $0x1  }
0x13: {  	[smem:$0x3FAE] =	sst s0;
	s0 =	simm.s32 @!p1 $0x0  }
0x14: {  	s2 =	sld [smem:$0x3F92];
	s0 =	simm.s32 @p1 $0x1  }
0x15: {  	[smem:$0x3FAF] =	sst s0;
	s0 =	simm.s32 @!p2 $0x0  }
0x16: {  	s3 =	sld [smem:$0x3FDB];
	s0 =	simm.s32 @p2 $0x1  }
0x17: {  	s4 =	simm.s32 $0x1BF5;
	[smem:$0x3FB1] =	sst s0  }
0x18: {  	s0 =	sld [smem:$0x3F94];
	_ =	swait.ge [sflag:s4], $0x0  }
0x19: {  	s7 =	sld [smem:$0x3F95]  }
0x1a: {  	s8 =	sadd.s32 $0xFFFFE003, lr  }
0x1b: {  	s9 =	sadd.s32 $0xFFFFFEF7, lr;
	s5 =	simm.s32 $0xFFFFFFFF;
	p2 =	slt.u32 s8, $0xFFFFF086  }
0x1c: {  	p1 =	slt.u32 s9, $0xF7A;
	s5 =	simm.s32 @!p2 $0x0  }
0x1d: {  	s5 =	simm.s32 @p1 $0x1;
	p0 =	seq.s32 s7, s2  }
0x1e: {  	s7 =	smul.u32 @!p0 $0xF7A, s2;
	p2 =	seq.s32 @!p0 s5, $0x0  }
0x1f: {  	s9 =	smul.u32 $0xF7A, s1;
	s8 =	simm.s32 @!p0 $0x1BF5;
	p2 =	por !p2, p0  }
0x20: {  	[sflag:s8] =	ssyncset.s32 @!p0 $0xFFFFF086;
	s6 =	sadd.s32 @!p0 s3, s7;
	s7 =	simm.s32 @!p0 $0x108  }
0x21: {  	s3 =	sadd.s32 s3, s9;
	s6 =	sadd.s32 @!p0 $0x88, s6;
	s7 =	simm.s32 @p2 $0x1082  }
0x22: {  	[simem:s7], [sflag:s8] =	dma.local @!p0 [hbm:s6], $0xF7A  }
0x23: {  	s9 =	sor.u32 $0xD0000000, s2;
	s6 =	simm.s32 $0x108;
	_ =	swait.ge @!p0 [sflag:s8], $0x0  }
0x24: {  	s3 =	sadd.s32 $0x88, s3;
	s6 =	simm.s32 @!p1 $0x1082;
	[sflag:s4] =	ssyncset.s32 $0xFFFFF086  }
0x25: {  	[simem:s6], [sflag:s4] =	dma.local [hbm:s3], $0xF7A  }
0x26: {  	[smem:$0x3F95] =	sst s1;
	(tag) =	ssettag s2;
	_ =	strace s9  }
0x27: {  	s1 =	sld [smem:$0x3FA5]  }
0x28: {  	s2 =	sld [smem:$0x3FA6]  }
0x29: {  	s4 =	sld [smem:$0x3FA8]  }
0x2a: {  	p0 =	seq.s32 s5, $0x0;
	s5 =	sld [smem:$0x3FA9]  }
0x2b: {  	s6 =	sld [smem:$0x3FAA]  }
0x2c: {  	s7 =	sld [smem:$0x3FAB]  }
0x2d: {  	s3 =	simm.s32 $0x108;
	s8 =	sld [smem:$0x3FAC]  }
0x2e: {  	s3 =	simm.s32 @!p0 $0x1082;
	s9 =	sld [smem:$0x3FAD]  }
0x2f: {  	lr =	sadd.s32 s0, s3;
	s0 =	sld [smem:$0x3FA4]  }
0x30: {  	s3 =	sld [smem:$0x3FA7]  }
0x31: {  	[smem:$0x3FB0] =	sst s10  }
0x32: {  	s10 =	sld [smem:$0x3FAE];
	_ =	sdelay $0x3  }
0x33: {  	p0 =	seq.s32 s10, $0x1;
	s10 =	sld [smem:$0x3FB0];
	_ =	sdelay $0x3  }
0x34: {  	[smem:$0x3FB0] =	sst s10  }
0x35: {  	s10 =	sld [smem:$0x3FAF];
	_ =	sdelay $0x3  }
0x36: {  	p1 =	seq.s32 s10, $0x1;
	s10 =	sld [smem:$0x3FB0];
	_ =	sdelay $0x3  }
0x37: {  	[smem:$0x3FB0] =	sst s10  }
0x38: {  	s10 =	sld [smem:$0x3FB1]  }
0x39: {  	_ = 	snop;
	(pc) =	sbr.ind lr, $3  }
0x3a: {  	_ = 	snop  }
0x3b: {  	_ = 	snop  }
0x3c: {  	p2 =	seq.s32 s10, $0x1;
	s10 =	sld [smem:$0x3FB0]  }
0x3d: {  	_ =	shalt  }
0x3e: {  	_ =	shalt  }
0x3f: {  	_ =	shalt  }
0x40: {  	_ =	shalt  }
0x41: {  	_ =	shalt  }
0x42: {  	_ =	shalt  }
0x43: {  	_ =	shalt  }
0x44: {  	_ =	shalt  }
0x45: {  	_ =	shalt  }
0x46: {  	_ =	shalt  }
0x47: {  	_ =	shalt  }
0x48: {  	_ =	shalt  }
0x49: {  	_ =	shalt  }
0x4a: {  	_ =	shalt  }
0x4b: {  	_ =	shalt  }
0x4c: {  	_ =	shalt  }
0x4d: {  	_ =	shalt  }
0x4e: {  	_ =	shalt  }
0x4f: {  	_ =	shalt  }
0x50: {  	_ =	shalt  }
0x51: {  	_ =	shalt  }
0x52: {  	_ =	shalt  }
0x53: {  	_ =	shalt  }
0x54: {  	_ =	shalt  }
0x55: {  	_ =	shalt  }
0x56: {  	_ =	shalt  }
0x57: {  	_ =	shalt  }
0x58: {  	_ =	shalt  }
0x59: {  	_ =	shalt  }
0x5a: {  	_ =	shalt  }
0x5b: {  	_ =	shalt  }
0x5c: {  	_ =	shalt  }
0x5d: {  	_ =	shalt  }
0x5e: {  	_ =	shalt  }
0x5f: {  	_ =	shalt  }
0x60: {  	_ =	shalt  }
0x61: {  	_ =	shalt  }
0x62: {  	_ =	shalt  }
0x63: {  	_ =	shalt  }
0x64: {  	_ =	shalt  }
0x65: {  	_ =	shalt  }
0x66: {  	_ =	shalt  }
0x67: {  	_ =	shalt  }
0x68: {  	_ =	shalt  }
0x69: {  	_ =	shalt  }
0x6a: {  	_ =	shalt  }
0x6b: {  	_ =	shalt  }
0x6c: {  	_ =	shalt  }
0x6d: {  	_ =	shalt  }
0x6e: {  	_ =	shalt  }
0x6f: {  	_ =	shalt  }
0x70: {  	_ =	shalt  }
0x71: {  	_ =	shalt  }
0x72: {  	_ =	shalt  }
0x73: {  	_ =	shalt  }
0x74: {  	_ =	shalt  }
0x75: {  	_ =	shalt  }
0x76: {  	_ =	shalt  }
0x77: {  	_ =	shalt  }
0x78: {  	_ =	shalt  }
0x79: {  	_ =	shalt  }
0x7a: {  	_ =	shalt  }
0x7b: {  	_ =	shalt  }
0x7c: {  	_ =	shalt  }
0x7d: {  	_ =	shalt  }
0x7e: {  	_ =	shalt  }
0x7f: {  	_ =	shalt  }
0x80: {  	_ =	shalt  }
0x81: {  	_ =	shalt  }
0x82: {  	_ =	shalt  }
0x83: {  	_ =	shalt  }
0x84: {  	_ =	shalt  }
0x85: {  	_ =	shalt  }
0x86: {  	_ =	shalt  }
0x87: {  	_ =	shalt  }
.Lfunc_end0:
.L_simem_size_0:
called_computation.1_lowered:
.L_overlay_start_0:
0x88: {  	s2 =	sld [smem:$0x3FD9]  }
0x89: {  	s3 =	sld [smem:$0x3FFE];
	_ =	sdelay $0x1  }
0x8a: {  	s1 =	srdreg.scid  }
0x8b: {  	s0 =	sand.u32 $0x1, s1  }
0x8c: {  	s16 =	sshll.u32 s0, $0xA;
	s2 =	sadd.s32 s3, s2  }
0x8d: {  	s2 =	sadd.s32 s2, s16  }
0x8e: {  	[smem:$0x3FBC] =	sst s2  }
0x8f: {  	_ = 	snop  }
0x90: {  	(tm) =	ssettm $0x1  }
0x91: {  	s17 =	sld [smem:$0x3FFB];
	_ =	sdelay $0x3  }
0x92: {  	_ =	strace s17  }
0x93: {  	s2 =	sld [smem:$0x3FFC];
	_ =	sdelay $0x3  }
0x94: {  	_ =	strace s2  }
0x95: {  	s2 =	sld [smem:$0x3FFD];
	_ =	sdelay $0x3  }
0x96: {  	_ =	strace s2  }
0x97: {  	_ =	strace $0x8FFFFFFF  }
0x98: {  	s18 =	sld [smem:$0x3FDB];
	_ =	sdelay $0x1  }
0x99: {  	s19 =	simm.s32 $_scs_section_size  }
0x9a: {  	s4 =	simm.s32 $_size__tile_overlayer_lowered;
	s5 =	simm.s32 $_tile_overlayer_lowered  }
0x9b: {  	s22 =	simm.s32 $0x1BFF;
	s21 =	sshll.u32 s5, $0x1;
	s2 =	sadd.s32 s19, s18  }
0x9c: {  	s6 =	simm.s32 $0x0;
	s20 =	sshll.u32 s4, $0x1;
	s4 =	sadd.s32 s21, s2  }
0x9d: {  	[timem:s6], [sflag:s22] =	dma.local [hbm:s4], s20  }
0x9e: {  	_ =	swait.ge [sflag:s22], s20  }
0x9f: {  	s3 =	ssub.s32 $0x0, s20;
	[sflag:s22] =	ssyncset.done $0x0  }
0xa0: {  	[sflag:s22] =	ssyncadd.s32 s3;
	_ =	sdelay $0x1  }
0xa1: {  	s23 =	simm.s32 $0x1B8B  }
0xa2: {  	_ =	swait.ge [sflag:s23], $0x1  }
0xa3: {  	[sflag:s23] =	ssyncset.done $0x0  }
0xa4: {  	s25 =	simm.s32 $0x1B8E;
	s24 =	sld [smem:$0x3FFE];
	[sflag:s23] =	ssyncadd.s32 $0xFFFFFFFF  }
0xa5: {  	s26 =	simm.s32 $execute0_lowered;
	[smem:$0x3FD2] =	sst s25  }
0xa6: {  	s4 =	sshll.u32 s26, $0x1;
	_ =	strace $0x80000049;
	[dreg:$0x1] =	wrdreg $0xFFFFFFFF  }
0xa7: {  	s28 =	simm.s32 $_size_execute0_lowered;
	s2 =	sadd.s32 s2, s4;
	[dreg:$0x0] =	wrdreg $0x0  }
0xa8: {  	s4 =	sshll.u32 s28, $0x1;
	[dreg:$0x2] =	wrdreg s2  }
0xa9: {  	[dreg:$0x3] =	wrdreg s4  }
0xaa: {  	[dreg:$0x4] =	wrdreg $0xC0  }
0xab: {  	_ =	task [dreg:s6], $0x5FFFF  }
0xac: {  	[dreg:$0x1] =	wrdreg $0xFFFFFFFF  }
0xad: {  	[dreg:$0x0] =	wrdreg $0x60  }
0xae: {  	[dreg:$0x2] =	wrdreg s24  }
0xaf: {  	[dreg:$0x3] =	wrdreg $0xB0000  }
0xb0: {  	[dreg:$0x4] =	wrdreg $0x9  }
0xb1: {  	_ =	task.clear_ibuf [dreg:s6], $0x5FFFF;
	_ =	strace $0x90000049  }
0xb2: {  	s29 =	simm.s32 $0x9;
	_ =	strace $0x8000004B  }
0xb3: {  	_ =	swait.ge [sflag:s29], $0x1  }
0xb4: {  	[sflag:s29] =	ssyncadd.s32 $0xFFFFFFFF  }
0xb5: {  	_ =	strace $0x9000004B  }
0xb6: {  	_ =	sfence  }
0xb7: {  	s30 =	sld [smem:$0x0];
	_ =	sdelay $0x2  }
0xb8: {  	s31 =	sshll.u32 s1, $0xD;
	s1 =	sshrl.u32 s1, $0x2  }
0xb9: {  	s3 =	sand.u32 $0x4000, s31;
	s1 =	sadd.s32 s1, s30  }
0xba: {  	s0 =	sor.u32 s3, s0;
	s1 =	sshll.u32 s1, $0x11  }
0xbb: {  	s0 =	sor.u32 s1, s0  }
0xbc: {  	s0 =	sadd.s32 $0x8F2B, s0  }
0xbd: {  	[sflag:s0] =	ssyncadd.remote.s32 $0x1  }
0xbe: {  	_ =	sfence.sel $0xFFFF  }
0xbf: {  	[dreg:$0x0] =	wrdreg $0xFFFFFFFF;
	(pc) =	sbr.abs _section_cstart, $3  }
0xc0: {  	[dreg:$0x1] =	wrdreg $0xFFFFFFFF  }
0xc1: {  	_ =	task.clear_ibuf [dreg:s6], $0x2FFFF;
	_ =	strace $0x9FFFFFFF  }
0xc2: {  	(tm) =	ssettm $0x7FFFFFFF  }
0xc3: {  	_ =	shalt  }
tec
execute0_lowered:
.L_overlay_start_1:
0x0: {  	(tag) =	ssettag $0x1  }
0x1: {  	s0 =	srdreg.scid;
	s4 =	stileid.u32  }
0x2: {  	s3 =	rddreg [dreg:$0x0];
	s5 =	smul.u32 $0x2800, s4  }
0x3: {  	s2 =	rddreg [dreg:$0x1];
	s0 =	sand.u32 $0x1, s0;
	s17 =	smul.u32 $0x50000, s4  }
0x4: {  	s6 =	simm.s32 $0x0;
	s30 =	simm.s32 $0x5000;
	s7 =	smul.u32 $0x28000, s0  }
0x5: {  	s31 =	simm.s32 $0x2;
	[smem:$0x7FF] =	sst s6;
	s6 =	sshrl.u32 s17, $0x2  }
0x6: {  	s1 =	sshll.u32 s0, $0x4;
	s7 =	sadd.s32 s5, s7;
	s5 =	sadd.s32 s6, s2  }
0x7: {  	_ =	strace $0x8000004A;
	s0 =	ssub.s32 $0x2, s0;
	s6 =	sadd.s32 $0x1000, s5  }
0x8: {  	s1 =	sor.u32 s4, s1;
	s18 =	sadd.s32 $0x2000, s5;
	[dreg:$0x3] =	wrdreg s6  }
0x9: {  	s4 =	sadd.s32 $0x2CA00, s3;
	s19 =	sadd.s32 $0x3000, s5;
	[dreg:$0x4] =	wrdreg s18  }
0xa: {  	s8 =	sshrl.u32 s0, $0x1;
	s20 =	sadd.s32 $0x4000, s5;
	[dreg:$0x5] =	wrdreg s19  }
0xb: {  	s1 =	smul.u32 $0x500, s1;
	s21 =	sadd.s32 $0x5000, s5;
	[dreg:$0x6] =	wrdreg s20  }
0xc: {  	s0 =	ssub.s32 s0, s8;
	s22 =	sadd.s32 $0x6000, s5;
	[dreg:$0x7] =	wrdreg s21  }
0xd: {  	s23 =	sadd.s32 $0x7000, s5;
	s24 =	sadd.s32 $0x8000, s5;
	[dreg:$0x8] =	wrdreg s22  }
0xe: {  	s25 =	sadd.s32 $0x9000, s5;
	s26 =	sadd.s32 $0xA000, s5;
	[dreg:$0x9] =	wrdreg s23  }
0xf: {  	s16 =	sadd.s32 $0xB000, s5;
	s17 =	sadd.s32 $0xC000, s5;
	[dreg:$0xa] =	wrdreg s24  }
0x10: {  	s28 =	sadd.s32 $0x12000, s5;
	s29 =	sadd.s32 $0x13000, s5;
	[dreg:$0xb] =	wrdreg s25  }
0x11: {  	s1 =	sadd.s32 s1, s3;
	s3 =	sadd.s32 s7, s3;
	[dreg:$0xc] =	wrdreg s26  }
0x12: {  	s18 =	sadd.s32 $0xD000, s5;
	s19 =	sadd.s32 $0xE000, s5;
	s20 =	sadd.s32 $0xF000, s5  }
0x13: {  	s21 =	sadd.s32 $0x10000, s5;
	s25 =	smax.u32 s0, $0x1;
	s26 =	sadd.s32 $0x11000, s5  }
0x14: {  	s0 =	simm.s32 $0x20;
	s22 =	sadd.s32 $0x22A00, s1;
	s23 =	sadd.s32 $0x18A00, s1  }
0x15: {  	v0 =	vimm.f32 $0.0e+00;
	vm0 =	vmmov $0xffff;
	s24 =	sadd.s32 $0x7AE00, s3;
	s1 =	simm.s32 $0x1;
	s3 =	simm.s32 $0x0  }
.LBB2_1:
0x16: {  	s7 =	simm.s32 $0x0  }
0x17: {  	s6 =	sand.u32 $0x3E00, s7  }
0x18: {  	s7 =	sand.u32 $0x70, s7;
	s8 =	sshrl.u32 s6, $0x2  }
0x19: {  	s6 =	simm.s32 $0x40;
	s8 =	sor.u32 s7, s8;
	s7 =	simm.s32 $0x0  }
.LBB2_2:
0x1a: {  	p0 =	sne.s32 s6, $0x3FC0  }
0x1b: {  	[tilespmem:s8+$0x5000] =	vst v0;
	s7 =	sadd.s32 $0x10, s7;
	s8 =	smov.u32 s6;
	s6 =	sadd.s32 $0x40, s6  }
.Ltmp0:
0x1c: {  	(pc) =	sbr.rel @p0 .LBB2_2-.Ltmp0, $4  }
0x1d: {  	_ = 	snop  }
0x1e: {  	s8 =	sand.u32 $0x3E00, s8  }
0x1f: {  	s9 =	sand.u32 $0x70, s7;
	s8 =	sshrl.u32 s8, $0x2  }
0x20: {  	s8 =	sor.u32 s9, s8  }
0x21: {  	[tilespmem:s8+$0x5000] =	vst v0  }
0x22: {  	[spmem:s5] =	stream.linear.scatter [tilespmem:s30], [sflag:$0x2], $0x1000, $0x38;
	[tilespmem:$0x1F000] =	vst v63  }
0x23: {  	_ =	swait.ge [sflag:s31], $0x1000  }
0x24: {  	[sflag:s31] =	ssyncset.done $0x0  }
0x25: {  	s6 =	rddreg [dreg:$0x3];
	[sflag:s31] =	ssyncadd.s32 $0xFFFFF000  }
0x26: {  	[spmem:s6] =	stream.linear.scatter [tilespmem:s30], [sflag:$0x2], $0x1000, $0x38;
	[tilespmem:$0x1F000] =	vst v63  }
0x27: {  	_ =	swait.ge [sflag:s31], $0x1000  }
0x28: {  	[sflag:s31] =	ssyncset.done $0x0  }
0x29: {  	s8 =	rddreg [dreg:$0x4];
	[sflag:s31] =	ssyncadd.s32 $0xFFFFF000  }
0x2a: {  	[spmem:s8] =	stream.linear.scatter [tilespmem:s30], [sflag:$0x2], $0x1000, $0x38;
	[tilespmem:$0x1F000] =	vst v63  }
0x2b: {  	_ =	swait.ge [sflag:s31], $0x1000  }
0x2c: {  	[sflag:s31] =	ssyncset.done $0x0  }
0x2d: {  	s9 =	rddreg [dreg:$0x5];
	[sflag:s31] =	ssyncadd.s32 $0xFFFFF000  }
0x2e: {  	[spmem:s9] =	stream.linear.scatter [tilespmem:s30], [sflag:$0x2], $0x1000, $0x38;
	[tilespmem:$0x1F000] =	vst v63  }
0x2f: {  	_ =	swait.ge [sflag:s31], $0x1000  }
0x30: {  	[sflag:s31] =	ssyncset.done $0x0  }
0x31: {  	s10 =	rddreg [dreg:$0x6];
	[sflag:s31] =	ssyncadd.s32 $0xFFFFF000  }
0x32: {  	[spmem:s10] =	stream.linear.scatter [tilespmem:s30], [sflag:$0x2], $0x1000, $0x38;
	[tilespmem:$0x1F000] =	vst v63  }
0x33: {  	_ =	swait.ge [sflag:s31], $0x1000  }
0x34: {  	[sflag:s31] =	ssyncset.done $0x0  }
0x35: {  	s11 =	rddreg [dreg:$0x7];
	[sflag:s31] =	ssyncadd.s32 $0xFFFFF000  }
0x36: {  	[spmem:s11] =	stream.linear.scatter [tilespmem:s30], [sflag:$0x2], $0x1000, $0x38;
	[tilespmem:$0x1F000] =	vst v63  }
0x37: {  	_ =	swait.ge [sflag:s31], $0x1000  }
0x38: {  	[sflag:s31] =	ssyncset.done $0x0  }
0x39: {  	s12 =	rddreg [dreg:$0x8];
	[sflag:s31] =	ssyncadd.s32 $0xFFFFF000  }
0x3a: {  	[spmem:s12] =	stream.linear.scatter [tilespmem:s30], [sflag:$0x2], $0x1000, $0x38;
	[tilespmem:$0x1F000] =	vst v63  }
0x3b: {  	_ =	swait.ge [sflag:s31], $0x1000  }
0x3c: {  	[sflag:s31] =	ssyncset.done $0x0  }
0x3d: {  	s13 =	rddreg [dreg:$0x9];
	[sflag:s31] =	ssyncadd.s32 $0xFFFFF000  }
0x3e: {  	[spmem:s13] =	stream.linear.scatter [tilespmem:s30], [sflag:$0x2], $0x1000, $0x38;
	[tilespmem:$0x1F000] =	vst v63  }
0x3f: {  	_ =	swait.ge [sflag:s31], $0x1000  }
0x40: {  	[sflag:s31] =	ssyncset.done $0x0  }
0x41: {  	s14 =	rddreg [dreg:$0xa];
	[sflag:s31] =	ssyncadd.s32 $0xFFFFF000  }
0x42: {  	[spmem:s14] =	stream.linear.scatter [tilespmem:s30], [sflag:$0x2], $0x1000, $0x38;
	[tilespmem:$0x1F000] =	vst v63  }
0x43: {  	_ =	swait.ge [sflag:s31], $0x1000  }
0x44: {  	[sflag:s31] =	ssyncset.done $0x0  }
0x45: {  	s15 =	rddreg [dreg:$0xb];
	[sflag:s31] =	ssyncadd.s32 $0xFFFFF000  }
0x46: {  	[spmem:s15] =	stream.linear.scatter [tilespmem:s30], [sflag:$0x2], $0x1000, $0x38;
	[tilespmem:$0x1F000] =	vst v63  }
0x47: {  	_ =	swait.ge [sflag:s31], $0x1000  }
0x48: {  	[sflag:s31] =	ssyncset.done $0x0  }
0x49: {  	s7 =	rddreg [dreg:$0xc];
	[sflag:s31] =	ssyncadd.s32 $0xFFFFF000  }
0x4a: {  	[spmem:s7] =	stream.linear.scatter [tilespmem:s30], [sflag:$0x2], $0x1000, $0x38;
	[tilespmem:$0x1F000] =	vst v63  }
0x4b: {  	_ =	swait.ge [sflag:s31], $0x1000  }
0x4c: {  	[sflag:s31] =	ssyncset.done $0x0  }
0x4d: {  	[sflag:s31] =	ssyncadd.s32 $0xFFFFF000  }
0x4e: {  	[spmem:s16] =	stream.linear.scatter [tilespmem:s30], [sflag:$0x2], $0x1000, $0x38;
	[tilespmem:$0x1F000] =	vst v63  }
0x4f: {  	_ =	swait.ge [sflag:s31], $0x1000  }
0x50: {  	[sflag:s31] =	ssyncset.done $0x0  }
0x51: {  	[sflag:s31] =	ssyncadd.s32 $0xFFFFF000  }
0x52: {  	[spmem:s17] =	stream.linear.scatter [tilespmem:s30], [sflag:$0x2], $0x1000, $0x38;
	[tilespmem:$0x1F000] =	vst v63  }
0x53: {  	_ =	swait.ge [sflag:s31], $0x1000  }
0x54: {  	[sflag:s31] =	ssyncset.done $0x0  }
0x55: {  	[sflag:s31] =	ssyncadd.s32 $0xFFFFF000  }
0x56: {  	[spmem:s18] =	stream.linear.scatter [tilespmem:s30], [sflag:$0x2], $0x1000, $0x38;
	[tilespmem:$0x1F000] =	vst v63  }
0x57: {  	_ =	swait.ge [sflag:s31], $0x1000  }
0x58: {  	[sflag:s31] =	ssyncset.done $0x0  }
0x59: {  	[sflag:s31] =	ssyncadd.s32 $0xFFFFF000  }
0x5a: {  	[spmem:s19] =	stream.linear.scatter [tilespmem:s30], [sflag:$0x2], $0x1000, $0x38;
	[tilespmem:$0x1F000] =	vst v63  }
0x5b: {  	_ =	swait.ge [sflag:s31], $0x1000  }
0x5c: {  	[sflag:s31] =	ssyncset.done $0x0  }
0x5d: {  	[sflag:s31] =	ssyncadd.s32 $0xFFFFF000  }
0x5e: {  	[spmem:s20] =	stream.linear.scatter [tilespmem:s30], [sflag:$0x2], $0x1000, $0x38;
	[tilespmem:$0x1F000] =	vst v63  }
0x5f: {  	_ =	swait.ge [sflag:s31], $0x1000  }
0x60: {  	[sflag:s31] =	ssyncset.done $0x0  }
0x61: {  	[sflag:s31] =	ssyncadd.s32 $0xFFFFF000  }
0x62: {  	[spmem:s21] =	stream.linear.scatter [tilespmem:s30], [sflag:$0x2], $0x1000, $0x38;
	[tilespmem:$0x1F000] =	vst v63  }
0x63: {  	_ =	swait.ge [sflag:s31], $0x1000  }
0x64: {  	[sflag:s31] =	ssyncset.done $0x0  }
0x65: {  	[sflag:s31] =	ssyncadd.s32 $0xFFFFF000  }
0x66: {  	[spmem:s26] =	stream.linear.scatter [tilespmem:s30], [sflag:$0x2], $0x1000, $0x38;
	[tilespmem:$0x1F000] =	vst v63  }
0x67: {  	_ =	swait.ge [sflag:s31], $0x1000  }
0x68: {  	[sflag:s31] =	ssyncset.done $0x0  }
0x69: {  	[sflag:s31] =	ssyncadd.s32 $0xFFFFF000  }
0x6a: {  	[spmem:s28] =	stream.linear.scatter [tilespmem:s30], [sflag:$0x2], $0x1000, $0x38;
	[tilespmem:$0x1F000] =	vst v63  }
0x6b: {  	_ =	swait.ge [sflag:s31], $0x1000  }
0x6c: {  	[sflag:s31] =	ssyncset.done $0x0  }
0x6d: {  	[sflag:s31] =	ssyncadd.s32 $0xFFFFF000  }
0x6e: {  	[spmem:s29] =	stream.linear.scatter [tilespmem:s30], [sflag:$0x2], $0x1000, $0x38;
	[tilespmem:$0x1F000] =	vst v63  }
0x6f: {  	_ =	swait.ge [sflag:s31], $0x1000  }
0x70: {  	[sflag:s31] =	ssyncset.done $0x0  }
0x71: {  	[sflag:s31] =	ssyncadd.s32 $0xFFFFF000  }
0x72: {  	s6 =	simm.s32 $0x0;
	[bflag:$0x0] =	sbarrier.arrive $0xFFFF  }
0x73: {  	[tilespmem:s6], [sflag:$0x2] =	stream.linear.gather [hbm4b:s22+s6], $0x2800, $0x38;
	[tilespmem:$0x1F000] =	vst v63  }
0x74: {  	_ =	swait.ge [sflag:s31], $0x2800  }
0x75: {  	[sflag:s31] =	ssyncset.done $0x0  }
0x76: {  	s7 =	simm.s32 $0x2800;
	[sflag:s31] =	ssyncadd.s32 $0xFFFFD800  }
0x77: {  	[tilespmem:s7], [sflag:$0x2] =	stream.linear.gather [hbm4b:s23+s6], $0x2800, $0x38;
	[tilespmem:$0x1F000] =	vst v63  }
0x78: {  	p0 =	por $0x1, $0x1;
	s7 =	simm.s32 $0x4  }
0x79: {  	_ =	swait.ge [sflag:s31], $0x2800;
	s7 =	smul.u32 @p0 $0xAAAB, s7  }
0x7a: {  	[sflag:s31] =	ssyncset.done $0x0  }
0x7b: {  	s8 =	simm.s32 $0x6000;
	[sflag:s31] =	ssyncadd.s32 $0xFFFFD800;
	s7 =	sshrl.u32 @p0 s7, $0x12  }
0x7c: {  	[tilespmem:s30], [sflag:$0x1] =	stream.indirect.gather [hbm4b:s4+s0], $0x80, s6, s0, $0xb8;
	[tilespmem:$0x1F000] =	vst v63  }
0x7d: {  	s9 =	simm.s32 $0x40;
	s10 =	simm.s32 $0x7000;
	s7 =	smul.u32 @p0 $0x6, s7  }
0x7e: {  	[tilespmem:s8], [sflag:$0x1] =	stream.indirect.gather [hbm4b:s4+s0], $0x80, s0, s0, $0xb8;
	[tilespmem:$0x1F000] =	vst v63  }
0x7f: {  	s11 =	simm.s32 $0x60;
	s12 =	simm.s32 $0x8000;
	s7 =	ssub.s32 @p0 $0x4, s7  }
0x80: {  	[tilespmem:s10], [sflag:$0x1] =	stream.indirect.gather [hbm4b:s4+s0], $0x80, s9, s0, $0xb8;
	[tilespmem:$0x1F000] =	vst v63  }
0x81: {  	s13 =	simm.s32 $0x0;
	s7 =	sand.u32 @p0 $0xFFFF, s7;
	s9 =	simm.s32 $0x200  }
0x82: {  	s8 =	smul.u32 $0xAAAB, s13;
	s7 =	sshll.u32 @p0 s7, $0xC;
	s9 =	sand.u32 @p0 $0x1FE00, s9  }
0x83: {  	[tilespmem:s12], [sflag:$0x1] =	stream.indirect.gather [hbm4b:s4+s0], $0x80, s11, s0, $0xb8;
	[tilespmem:$0x1F000] =	vst v63  }
0x84: {  	s10 =	sand.u32 @p0 $0x60, s6;
	s7 =	sadd.s32 @p0 $0x5000, s7;
	s9 =	sshrl.u32 @p0 s9, $0x2  }
0x85: {  	s11 =	sand.u32 @!p0 $0x60, s6;
	s6 =	sand.u32 $0x3F80, s6;
	_ =	swait.ge [sflag:s1], $0x1000  }
0x86: {  	s9 =	sor.u32 @p0 s10, s9;
	s11 =	smov.u32 @p0 s10;
	[sflag:s1] =	ssyncset.done $0x0  }
0x87: {  	s10 =	simm.s32 @p0 $0x20;
	s6 =	sor.u32 s11, s6;
	[sflag:s1] =	ssyncadd.s32 $0xFFFFF000  }
0x88: {  	[tilespmem:s7], [sflag:$0x1] =	stream.indirect.gather @p0 [hbm4b:s4+s10], $0x80, s9, s10, $0xb8;
	[tilespmem:$0x1F000] =	vst v63  }
0x89: {  	v1 =	vld [tilespmem:s6+$0x2800]  }
0x8a: {  	s14 =	sshrl.u32 s8, $0x12  }
0x8b: {  	s7 =	smul.u32 $0x6, s14;
	_ =	sdelay $0x1  }
0x8c: {  	s7 =	ssub.s32 $0x0, s7  }
0x8d: {  	s7 =	sand.u32 $0xFFFF, s7  }
0x8e: {  	s15 =	sshll.u32 s7, $0xC  }
0x8f: {  	s7 =	sadd.s32 $0x5000, s15  }
0x90: {  	[spmem:s2] =	stream.indirect_vreg.scatter.add.f32 [tilespmem:s7], [sflag:$0x2], $0x80, v1, vm0, $0xb8;
	[tilespmem:$0x1F000] =	vst v63  }
0x91: {  	_ =	swait.ge [sflag:s31], $0x800  }
0x92: {  	[sflag:s31] =	ssyncset.done $0x0  }
0x93: {  	[sflag:s31] =	ssyncadd.s32 $0xFFFFF800  }
0x94: {  	v1 =	vld [tilespmem:s6+$0x2810];
	_ =	sdelay $0x2  }
0x95: {  	s10 =	simm.s32 $0x5;
	p0 =	por $0x1, $0x1  }
0x96: {  	s12 =	smul.u32 @p0 $0xAAAB, s10  }
0x97: {  	s8 =	simm.s32 $0x280;
	s9 =	simm.s32 $0x1  }
0x98: {  	s14 =	sand.u32 @p0 $0x1FE00, s8;
	s12 =	sshrl.u32 @p0 s12, $0x12;
	s11 =	sadd.s32 $0x5800, s15  }
0x99: {  	s15 =	sshrl.u32 @p0 s14, $0x2;
	s14 =	smul.u32 @p0 $0x6, s12;
	s6 =	simm.s32 $0x20  }
0x9a: {  	[spmem:s2] =	stream.indirect_vreg.scatter.add.f32 [tilespmem:s11], [sflag:$0x2], $0x80, v1, vm0, $0xb8;
	[tilespmem:$0x1F000] =	vst v63  }
0x9b: {  	s13 =	sand.u32 @p0 $0x60, s6;
	s11 =	smul.u32 $0xAAAB, s9;
	_ =	swait.ge [sflag:s31], $0x800  }
0x9c: {  	s7 =	simm.s32 $0x6;
	s12 =	sor.u32 @p0 s13, s15;
	[sflag:s31] =	ssyncset.done $0x0  }
.LBB2_4:
0x9d: {  	s11 =	sshrl.u32 s11, $0x12;
	s15 =	sand.u32 @!p0 $0x60, s6;
	[sflag:s31] =	ssyncadd.s32 $0xFFFFF800  }
0x9e: {  	s11 =	smul.u32 $0x6, s11;
	s10 =	ssub.s32 @p0 s10, s14;
	s15 =	smov.u32 @p0 s13  }
0x9f: {  	s13 =	sand.u32 $0x3F80, s6;
	_ =	swait.ge [sflag:s1], $0x1000;
	s10 =	sand.u32 @p0 $0xFFFF, s10  }
0xa0: {  	s14 =	simm.s32 @p0 $0x20;
	[sflag:s1] =	ssyncset.done $0x0;
	s10 =	sshll.u32 @p0 s10, $0xC  }
0xa1: {  	s13 =	sor.u32 s15, s13;
	[sflag:s1] =	ssyncadd.s32 $0xFFFFF000;
	s10 =	sadd.s32 @p0 $0x5000, s10  }
0xa2: {  	[tilespmem:s10], [sflag:$0x1] =	stream.indirect.gather @p0 [hbm4b:s4+s14], $0x80, s12, s14, $0xb8;
	[tilespmem:$0x1F000] =	vst v63  }
0xa3: {  	s9 =	ssub.s32 s9, s11;
	s10 =	smov.u32 s7;
	s7 =	sadd.s32 $0x1, s7;
	v1 =	vld [tilespmem:s13+$0x2800]  }
0xa4: {  	s9 =	sand.u32 $0xFFFF, s9;
	p1 =	sne.s32 s7, $0x144  }
0xa5: {  	s12 =	sshll.u32 s9, $0xC;
	_ =	sdelay $0x4  }
0xa6: {  	s9 =	sadd.s32 $0x5000, s12  }
0xa7: {  	[spmem:s2] =	stream.indirect_vreg.scatter.add.f32 [tilespmem:s9], [sflag:$0x2], $0x80, v1, vm0, $0xb8;
	[tilespmem:$0x1F000] =	vst v63  }
0xa8: {  	_ =	swait.ge [sflag:s31], $0x800  }
0xa9: {  	[sflag:s31] =	ssyncset.done $0x0  }
0xaa: {  	[sflag:s31] =	ssyncadd.s32 $0xFFFFF800  }
0xab: {  	v1 =	vld [tilespmem:s13+$0x2810];
	_ =	sdelay $0x3  }
0xac: {  	s9 =	sadd.s32 $0xFFFFFFFC, s10  }
0xad: {  	s8 =	sadd.s32 $0x80, s8;
	s6 =	sadd.s32 $0x20, s6;
	s11 =	smul.u32 $0xAAAB, s9  }
.Ltmp1:
0xae: {  	s12 =	sadd.s32 $0x5800, s12;
	p0 =	slt.u32 s9, $0x13C;
	(pc) =	sbr.rel @p1 .LBB2_4-.Ltmp1, $4  }
0xaf: {  	s14 =	smul.u32 @p0 $0xAAAB, s10;
	s15 =	sand.u32 @p0 $0x1FE00, s8;
	s13 =	sand.u32 @p0 $0x60, s6  }
0xb0: {  	[spmem:s2] =	stream.indirect_vreg.scatter.add.f32 [tilespmem:s12], [sflag:$0x2], $0x80, v1, vm0, $0xb8;
	[tilespmem:$0x1F000] =	vst v63  }
0xb1: {  	s15 =	sshrl.u32 @p0 s15, $0x2;
	s12 =	sshrl.u32 @p0 s14, $0x12;
	_ =	swait.ge [sflag:s31], $0x800  }
0xb2: {  	s14 =	smul.u32 @p0 $0x6, s12;
	s12 =	sor.u32 @p0 s13, s15;
	[sflag:s31] =	ssyncset.done $0x0  }
0xb3: {  	s7 =	sand.u32 @!p0 $0x60, s6  }
0xb4: {  	[sflag:s31] =	ssyncadd.s32 $0xFFFFF800;
	s15 =	sand.u32 $0x3F80, s6;
	s8 =	ssub.s32 @p0 s10, s14  }
0xb5: {  	s7 =	smov.u32 @p0 s13;
	_ =	swait.ge [sflag:s1], $0x1000;
	s8 =	sand.u32 @p0 $0xFFFF, s8  }
0xb6: {  	s10 =	simm.s32 @p0 $0x20;
	[sflag:s1] =	ssyncset.done $0x0;
	s8 =	sshll.u32 @p0 s8, $0xC  }
0xb7: {  	s6 =	sor.u32 s7, s15;
	[sflag:s1] =	ssyncadd.s32 $0xFFFFF000;
	s8 =	sadd.s32 @p0 $0x5000, s8  }
0xb8: {  	[tilespmem:s8], [sflag:$0x1] =	stream.indirect.gather @p0 [hbm4b:s4+s10], $0x80, s12, s10, $0xb8;
	[tilespmem:$0x1F000] =	vst v63  }
0xb9: {  	v1 =	vld [tilespmem:s6+$0x2800]  }
0xba: {  	s11 =	sshrl.u32 s11, $0x12  }
0xbb: {  	s7 =	smul.u32 $0x6, s11;
	_ =	sdelay $0x1  }
0xbc: {  	s7 =	ssub.s32 s9, s7  }
0xbd: {  	s7 =	sand.u32 $0xFFFF, s7  }
0xbe: {  	s7 =	sshll.u32 s7, $0xC  }
0xbf: {  	s12 =	sadd.s32 $0x5000, s7  }
0xc0: {  	[spmem:s2] =	stream.indirect_vreg.scatter.add.f32 [tilespmem:s12], [sflag:$0x2], $0x80, v1, vm0, $0xb8;
	[tilespmem:$0x1F000] =	vst v63  }
0xc1: {  	_ =	swait.ge [sflag:s31], $0x800  }
0xc2: {  	[sflag:s31] =	ssyncset.done $0x0  }
0xc3: {  	[sflag:s31] =	ssyncadd.s32 $0xFFFFF800  }
0xc4: {  	v1 =	vld [tilespmem:s6+$0x2810];
	_ =	sdelay $0x6  }
0xc5: {  	s13 =	sadd.s32 $0x5800, s7  }
0xc6: {  	[spmem:s2] =	stream.indirect_vreg.scatter.add.f32 [tilespmem:s13], [sflag:$0x2], $0x80, v1, vm0, $0xb8;
	[tilespmem:$0x1F000] =	vst v63  }
0xc7: {  	s3 =	sadd.s32 $0x1, s3;
	_ =	swait.ge [sflag:s31], $0x800  }
0xc8: {  	s14 =	stileid.u32;
	s15 =	sshrl.u32 s5, $0x3;
	[sflag:s31] =	ssyncset.done $0x0  }
0xc9: {  	p0 =	sne.s32 s3, s25;
	s6 =	sshll.u32 s14, $0x6;
	[sflag:s31] =	ssyncadd.s32 $0xFFFFF800  }
.Ltmp2:
0xca: {  	s6 =	sor.u32 $0x1C02, s6;
	[bflag:$0x0] =	sbarrier.arrive $0xFFFF;
	(pc) =	sbr.rel @p0 .LBB2_1-.Ltmp2, $4  }
0xcb: {  	[hbm:s24], [sflag:s6] =	dma.local [spmem:s15], $0x2800  }
0xcc: {  	_ =	swait.ge [sflag:s31], $0x2800  }
0xcd: {  	[sflag:s31] =	ssyncset.done $0x0  }
0xce: {  	[sflag:s31] =	ssyncadd.s32 $0xFFFFD800  }
0xcf: {  	_ =	sfence.sel $0x180000  }
0xd0: {  	[bflag:$0x0] =	sbarrier.arrive $0xFFFF  }
0xd1: {  	_ =	strace $0x9000004A  }
0xd2: {  	s0 =	stileid.u32;
	[bflag:$0x2] =	sbarrier.arrive $0xFFFF  }
0xd3: {  	p0 =	sne.s32 s0, $0x0;
	s0 =	rddreg [dreg:$0x2]  }
0xd4: {  	s0 =	sadd.s32 @!p0 $0x100000, s0  }
0xd5: {  	[sflag:s0] =	ssyncadd.tile.s32 @!p0 $0x1;
	_ =	shalt  }
.Lfunc_end2:
_tile_overlayer_lowered:
.L_overlay_start_2:
0xd6: {  	(tag) =	ssettag $0x2  }
0xd7: {  	s0 =	rddreg [dreg:$0x0];
	s2 =	stileid.u32  }
0xd8: {  	s1 =	rddreg [dreg:$0x1];
	p0 =	sne.s32 s2, $0x0  }
0xd9: {  	s3 =	rddreg [dreg:$0x2];
	[bflag:$0x3] =	sbarrier.arrive $0xFFFF;
	s2 =	simm.s32 @!p0 $0x1C02  }
0xda: {  	[timem:s3], [sflag:s2] =	dma.local @!p0 [hbm:s0], s1  }
0xdb: {  	s0 =	simm.s32 @!p0 $0x2  }
0xdc: {  	_ =	swait.ge @!p0 [sflag:s0], s1  }
0xdd: {  	s1 =	ssub.s32 @!p0 $0x0, s1;
	[sflag:s0] =	ssyncset.done @!p0 $0x0  }
0xde: {  	[sflag:s0] =	ssyncadd.s32 @!p0 s1  }
0xdf: {  	[bflag:$0x3] =	sbarrier.arrive $0xFFFF  }
0xe0: {  	_ =	shalt  }

// kernel: kernel.18.cloned.1.call-start
scs
__scs_entry_jumppad:
0x0: {  	(pc) =	sbr.rel $0x88, $3  }
0x1: {  	(tag) =	ssettag $0x0;
	lr =	simm.s32 $0x1  }
0x2: {  	[smem:$0x3F95] =	sst lr;
	_ =	strace $0xD0000000  }
0x3: {  	_ = 	snop  }
0x4: {  	_ = 	snop  }
0x5: {  	_ = 	snop  }
0x6: {  	_ = 	snop  }
0x7: {  	_ = 	snop  }
__scs_overlays_trampoline_lowered:
0x8: {  	[smem:$0x3FA4] =	sst s0  }
0x9: {  	[smem:$0x3FA5] =	sst s1  }
0xa: {  	[smem:$0x3FA6] =	sst s2  }
0xb: {  	[smem:$0x3FA7] =	sst s3  }
0xc: {  	[smem:$0x3FA8] =	sst s4  }
0xd: {  	[smem:$0x3FA9] =	sst s5  }
0xe: {  	[smem:$0x3FAA] =	sst s6  }
0xf: {  	[smem:$0x3FAB] =	sst s7  }
0x10: {  	[smem:$0x3FAC] =	sst s8  }
0x11: {  	[smem:$0x3FAD] =	sst s9;
	s0 =	simm.s32 @!p0 $0x0  }
0x12: {  	s1 =	sld [smem:$0x3F93];
	s0 =	simm.s32 @p0 $0x1  }
0x13: {  	[smem:$0x3FAE] =	sst s0;
	s0 =	simm.s32 @!p1 $0x0  }
0x14: {  	s2 =	sld [smem:$0x3F92];
	s0 =	simm.s32 @p1 $0x1  }
0x15: {  	[smem:$0x3FAF] =	sst s0;
	s0 =	simm.s32 @!p2 $0x0  }
0x16: {  	s3 =	sld [smem:$0x3FDB];
	s0 =	simm.s32 @p2 $0x1  }
0x17: {  	s4 =	simm.s32 $0x1BF5;
	[smem:$0x3FB1] =	sst s0  }
0x18: {  	s0 =	sld [smem:$0x3F94];
	_ =	swait.ge [sflag:s4], $0x0  }
0x19: {  	s7 =	sld [smem:$0x3F95]  }
0x1a: {  	s8 =	sadd.s32 $0xFFFFE003, lr  }
0x1b: {  	s9 =	sadd.s32 $0xFFFFFEF7, lr;
	s5 =	simm.s32 $0xFFFFFFFF;
	p2 =	slt.u32 s8, $0xFFFFF086  }
0x1c: {  	p1 =	slt.u32 s9, $0xF7A;
	s5 =	simm.s32 @!p2 $0x0  }
0x1d: {  	s5 =	simm.s32 @p1 $0x1;
	p0 =	seq.s32 s7, s2  }
0x1e: {  	s7 =	smul.u32 @!p0 $0xF7A, s2;
	p2 =	seq.s32 @!p0 s5, $0x0  }
0x1f: {  	s9 =	smul.u32 $0xF7A, s1;
	s8 =	simm.s32 @!p0 $0x1BF5;
	p2 =	por !p2, p0  }
0x20: {  	[sflag:s8] =	ssyncset.s32 @!p0 $0xFFFFF086;
	s6 =	sadd.s32 @!p0 s3, s7;
	s7 =	simm.s32 @!p0 $0x108  }
0x21: {  	s3 =	sadd.s32 s3, s9;
	s6 =	sadd.s32 @!p0 $0x88, s6;
	s7 =	simm.s32 @p2 $0x1082  }
0x22: {  	[simem:s7], [sflag:s8] =	dma.local @!p0 [hbm:s6], $0xF7A  }
0x23: {  	s9 =	sor.u32 $0xD0000000, s2;
	s6 =	simm.s32 $0x108;
	_ =	swait.ge @!p0 [sflag:s8], $0x0  }
0x24: {  	s3 =	sadd.s32 $0x88, s3;
	s6 =	simm.s32 @!p1 $0x1082;
	[sflag:s4] =	ssyncset.s32 $0xFFFFF086  }
0x25: {  	[simem:s6], [sflag:s4] =	dma.local [hbm:s3], $0xF7A  }
0x26: {  	[smem:$0x3F95] =	sst s1;
	(tag) =	ssettag s2;
	_ =	strace s9  }
0x27: {  	s1 =	sld [smem:$0x3FA5]  }
0x28: {  	s2 =	sld [smem:$0x3FA6]  }
0x29: {  	s4 =	sld [smem:$0x3FA8]  }
0x2a: {  	p0 =	seq.s32 s5, $0x0;
	s5 =	sld [smem:$0x3FA9]  }
0x2b: {  	s6 =	sld [smem:$0x3FAA]  }
0x2c: {  	s7 =	sld [smem:$0x3FAB]  }
0x2d: {  	s3 =	simm.s32 $0x108;
	s8 =	sld [smem:$0x3FAC]  }
0x2e: {  	s3 =	simm.s32 @!p0 $0x1082;
	s9 =	sld [smem:$0x3FAD]  }
0x2f: {  	lr =	sadd.s32 s0, s3;
	s0 =	sld [smem:$0x3FA4]  }
0x30: {  	s3 =	sld [smem:$0x3FA7]  }
0x31: {  	[smem:$0x3FB0] =	sst s10  }
0x32: {  	s10 =	sld [smem:$0x3FAE];
	_ =	sdelay $0x3  }
0x33: {  	p0 =	seq.s32 s10, $0x1;
	s10 =	sld [smem:$0x3FB0];
	_ =	sdelay $0x3  }
0x34: {  	[smem:$0x3FB0] =	sst s10  }
0x35: {  	s10 =	sld [smem:$0x3FAF];
	_ =	sdelay $0x3  }
0x36: {  	p1 =	seq.s32 s10, $0x1;
	s10 =	sld [smem:$0x3FB0];
	_ =	sdelay $0x3  }
0x37: {  	[smem:$0x3FB0] =	sst s10  }
0x38: {  	s10 =	sld [smem:$0x3FB1]  }
0x39: {  	_ = 	snop;
	(pc) =	sbr.ind lr, $3  }
0x3a: {  	_ = 	snop  }
0x3b: {  	_ = 	snop  }
0x3c: {  	p2 =	seq.s32 s10, $0x1;
	s10 =	sld [smem:$0x3FB0]  }
0x3d: {  	_ =	shalt  }
0x3e: {  	_ =	shalt  }
0x3f: {  	_ =	shalt  }
0x40: {  	_ =	shalt  }
0x41: {  	_ =	shalt  }
0x42: {  	_ =	shalt  }
0x43: {  	_ =	shalt  }
0x44: {  	_ =	shalt  }
0x45: {  	_ =	shalt  }
0x46: {  	_ =	shalt  }
0x47: {  	_ =	shalt  }
0x48: {  	_ =	shalt  }
0x49: {  	_ =	shalt  }
0x4a: {  	_ =	shalt  }
0x4b: {  	_ =	shalt  }
0x4c: {  	_ =	shalt  }
0x4d: {  	_ =	shalt  }
0x4e: {  	_ =	shalt  }
0x4f: {  	_ =	shalt  }
0x50: {  	_ =	shalt  }
0x51: {  	_ =	shalt  }
0x52: {  	_ =	shalt  }
0x53: {  	_ =	shalt  }
0x54: {  	_ =	shalt  }
0x55: {  	_ =	shalt  }
0x56: {  	_ =	shalt  }
0x57: {  	_ =	shalt  }
0x58: {  	_ =	shalt  }
0x59: {  	_ =	shalt  }
0x5a: {  	_ =	shalt  }
0x5b: {  	_ =	shalt  }
0x5c: {  	_ =	shalt  }
0x5d: {  	_ =	shalt  }
0x5e: {  	_ =	shalt  }
0x5f: {  	_ =	shalt  }
0x60: {  	_ =	shalt  }
0x61: {  	_ =	shalt  }
0x62: {  	_ =	shalt  }
0x63: {  	_ =	shalt  }
0x64: {  	_ =	shalt  }
0x65: {  	_ =	shalt  }
0x66: {  	_ =	shalt  }
0x67: {  	_ =	shalt  }
0x68: {  	_ =	shalt  }
0x69: {  	_ =	shalt  }
0x6a: {  	_ =	shalt  }
0x6b: {  	_ =	shalt  }
0x6c: {  	_ =	shalt  }
0x6d: {  	_ =	shalt  }
0x6e: {  	_ =	shalt  }
0x6f: {  	_ =	shalt  }
0x70: {  	_ =	shalt  }
0x71: {  	_ =	shalt  }
0x72: {  	_ =	shalt  }
0x73: {  	_ =	shalt  }
0x74: {  	_ =	shalt  }
0x75: {  	_ =	shalt  }
0x76: {  	_ =	shalt  }
0x77: {  	_ =	shalt  }
0x78: {  	_ =	shalt  }
0x79: {  	_ =	shalt  }
0x7a: {  	_ =	shalt  }
0x7b: {  	_ =	shalt  }
0x7c: {  	_ =	shalt  }
0x7d: {  	_ =	shalt  }
0x7e: {  	_ =	shalt  }
0x7f: {  	_ =	shalt  }
0x80: {  	_ =	shalt  }
0x81: {  	_ =	shalt  }
0x82: {  	_ =	shalt  }
0x83: {  	_ =	shalt  }
0x84: {  	_ =	shalt  }
0x85: {  	_ =	shalt  }
0x86: {  	_ =	shalt  }
0x87: {  	_ =	shalt  }
.Lfunc_end0:
.L_simem_size_0:
called_computation.2_lowered:
.L_overlay_start_0:
0x88: {  	s2 =	sld [smem:$0x3FD9]  }
0x89: {  	s3 =	sld [smem:$0x3FFE];
	_ =	sdelay $0x1  }
0x8a: {  	s1 =	srdreg.scid  }
0x8b: {  	s0 =	sand.u32 $0x1, s1  }
0x8c: {  	s16 =	sshll.u32 s0, $0xA;
	s2 =	sadd.s32 s3, s2  }
0x8d: {  	s2 =	sadd.s32 s2, s16  }
0x8e: {  	[smem:$0x3FBC] =	sst s2  }
0x8f: {  	_ = 	snop  }
0x90: {  	s4 =	sld [smem:$0x3FD0];
	_ =	sdelay $0x1  }
0x91: {  	s2 =	sld [smem:$0x3FC9]  }
0x92: {  	s5 =	simm.s32 $0xB;
	s6 =	simm.s32 $0x10;
	s17 =	sld [smem:$0x3FC4]  }
0x93: {  	[smem:s6], [sflag:s5] =	dma.local [hbm:s4], $0x1  }
0x94: {  	_ =	swait.eq [sflag:s5], $0x1  }
0x95: {  	[sflag:s5] =	ssyncset.done $0x0  }
0x96: {  	[sflag:s5] =	ssyncadd.s32 $0xFFFFFFFF  }
0x97: {  	s18 =	sld [smem:$0x10];
	(tm) =	ssettm $0x1  }
0x98: {  	s19 =	sld [smem:$0x3FFB];
	_ =	sdelay $0x3  }
0x99: {  	_ =	strace s19  }
0x9a: {  	s4 =	sld [smem:$0x3FFC];
	_ =	sdelay $0x3  }
0x9b: {  	_ =	strace s4  }
0x9c: {  	s4 =	sld [smem:$0x3FFD];
	_ =	sdelay $0x3  }
0x9d: {  	_ =	strace s4  }
0x9e: {  	_ =	strace $0x8FFFFFFF  }
0x9f: {  	s20 =	sld [smem:$0x3FDB];
	_ =	sdelay $0x1  }
0xa0: {  	s21 =	simm.s32 $_scs_section_size  }
0xa1: {  	s7 =	simm.s32 $_size__tile_overlayer_lowered;
	s8 =	simm.s32 $_tile_overlayer_lowered  }
0xa2: {  	s9 =	simm.s32 $0x1BFF;
	s22 =	sshll.u32 s8, $0x1;
	s6 =	sadd.s32 s21, s20  }
0xa3: {  	s23 =	simm.s32 $0x0;
	s7 =	sshll.u32 s7, $0x1;
	s8 =	sadd.s32 s22, s6  }
0xa4: {  	[timem:s23], [sflag:s9] =	dma.local [hbm:s8], s7  }
0xa5: {  	_ =	swait.ge [sflag:s9], s7  }
0xa6: {  	s7 =	ssub.s32 $0x0, s7;
	[sflag:s9] =	ssyncset.done $0x0  }
0xa7: {  	[sflag:s9] =	ssyncadd.s32 s7;
	_ =	sdelay $0x1  }
0xa8: {  	s24 =	simm.s32 $0x1B8B  }
0xa9: {  	_ =	swait.ge [sflag:s24], $0x1  }
0xaa: {  	[sflag:s24] =	ssyncset.done $0x0  }
0xab: {  	[sflag:s24] =	ssyncadd.s32 $0xFFFFFFFF  }
0xac: {  	s7 =	sld [smem:$0x0]  }
0xad: {  	s8 =	sand.u32 $0xFFFFFFFE, s1  }
0xae: {  	p0 =	sne.s32 s1, s8  }
0xaf: {  	s8 =	sshll.u32 @p0 s8, $0xE  }
0xb0: {  	s8 =	sadd.s32 @p0 $0x11B8D, s8;
	s9 =	sshll.u32 @p0 s7, $0x11  }
0xb1: {  	s8 =	sor.u32 @p0 s9, s8  }
0xb2: {  	[sflag:s8] =	ssyncadd.remote.s32 @p0 $0x1;
	_ =	sdelay $0x1  }
0xb3: {  	s8 =	simm.s32 @p0 $0x1B8D  }
0xb4: {  	_ =	swait.eq @p0 [sflag:s8], $0x1  }
0xb5: {  	[sflag:s8] =	ssyncadd.s32 @p0 $0xFFFFFFFF  }
0xb6: {  	s9 =	sshll.u32 @!p0 s1, $0xE  }
0xb7: {  	s9 =	sor.u32 @!p0 $0x4000, s9;
	s8 =	simm.s32 @!p0 $0x1B8D  }
0xb8: {  	s7 =	sshll.u32 @!p0 s7, $0x11;
	s9 =	sadd.s32 @!p0 $0x11B8D, s9;
	_ =	swait.eq @!p0 [sflag:s8], $0x1  }
0xb9: {  	s7 =	sor.u32 @!p0 s7, s9;
	[sflag:s8] =	ssyncadd.s32 @!p0 $0xFFFFFFFF  }
0xba: {  	s25 =	simm.s32 $0x1B8E;
	[sflag:s7] =	ssyncadd.remote.s32 @!p0 $0x1  }
0xbb: {  	s26 =	simm.s32 $execute0_lowered;
	[smem:$0x3FD2] =	sst s25  }
0xbc: {  	s7 =	sshll.u32 s26, $0x1;
	_ =	strace $0x8000004F;
	[dreg:$0x1] =	wrdreg $0xFFFFFFFF  }
0xbd: {  	s28 =	simm.s32 $_size_execute0_lowered;
	s6 =	sadd.s32 s6, s7;
	[dreg:$0x0] =	wrdreg $0x0  }
0xbe: {  	s7 =	sshll.u32 s28, $0x1;
	[dreg:$0x2] =	wrdreg s6  }
0xbf: {  	[dreg:$0x3] =	wrdreg s7  }
0xc0: {  	[dreg:$0x4] =	wrdreg $0xC0  }
0xc1: {  	_ =	task [dreg:s23], $0x5FFFF  }
0xc2: {  	[dreg:$0x1] =	wrdreg $0xFFFFFFFF  }
0xc3: {  	[dreg:$0x0] =	wrdreg $0x60  }
0xc4: {  	[dreg:$0x2] =	wrdreg s2  }
0xc5: {  	[dreg:$0x3] =	wrdreg s17  }
0xc6: {  	[dreg:$0x4] =	wrdreg s18  }
0xc7: {  	[dreg:$0x5] =	wrdreg $0x9  }
0xc8: {  	_ =	task.clear_ibuf [dreg:s23], $0x6FFFF;
	_ =	strace $0x9000004F  }
0xc9: {  	s29 =	simm.s32 $0x9;
	_ =	strace $0x80000051  }
0xca: {  	_ =	swait.ge [sflag:s29], $0x1  }
0xcb: {  	[sflag:s29] =	ssyncadd.s32 $0xFFFFFFFF  }
0xcc: {  	_ =	strace $0x90000051  }
0xcd: {  	_ =	sfence  }
0xce: {  	s30 =	sld [smem:$0x0];
	_ =	sdelay $0x2  }
0xcf: {  	s31 =	sshll.u32 s1, $0xD;
	s1 =	sshrl.u32 s1, $0x2  }
0xd0: {  	s3 =	sand.u32 $0x4000, s31;
	s1 =	sadd.s32 s1, s30  }
0xd1: {  	s0 =	sor.u32 s3, s0;
	s1 =	sshll.u32 s1, $0x11  }
0xd2: {  	s0 =	sor.u32 s1, s0  }
0xd3: {  	s0 =	sadd.s32 $0x8F2B, s0  }
0xd4: {  	[sflag:s0] =	ssyncadd.remote.s32 $0x1  }
0xd5: {  	_ =	sfence.sel $0xFFFF  }
0xd6: {  	[dreg:$0x0] =	wrdreg $0xFFFFFFFF;
	(pc) =	sbr.abs _section_cstart, $3  }
0xd7: {  	[dreg:$0x1] =	wrdreg $0xFFFFFFFF  }
0xd8: {  	_ =	task.clear_ibuf [dreg:s23], $0x2FFFF;
	_ =	strace $0x9FFFFFFF  }
0xd9: {  	(tm) =	ssettm $0x7FFFFFFF  }
tec
execute0_lowered:
.L_overlay_start_1:
0x0: {  	(tag) =	ssettag $0x1  }
0x1: {  	s4 =	rddreg [dreg:$0x0]  }
0x2: {  	s1 =	rddreg [dreg:$0x1]  }
0x3: {  	s5 =	rddreg [dreg:$0x2];
	s2 =	srdreg.scid  }
0x4: {  	s0 =	rddreg [dreg:$0x3];
	s3 =	simm.s32 $0x0;
	s10 =	simm.s32 $0x4000  }
0x5: {  	s11 =	simm.s32 $0x80;
	s12 =	simm.s32 $0x6000;
	s13 =	simm.s32 $0x1  }
0x6: {  	s14 =	simm.s32 $0x1000;
	s15 =	simm.s32 $0x0;
	s6 =	sand.u32 $0x1, s2  }
0x7: {  	[smem:$0x7FF] =	sst s3;
	s2 =	stileid.u32;
	s7 =	ssub.s32 $0x2, s6  }
0x8: {  	s6 =	sshll.u32 s6, $0xD;
	s9 =	sshll.u32 s2, $0x9;
	_ =	strace $0x80000050  }
0x9: {  	s8 =	sshrl.u32 s7, $0x1;
	s6 =	sor.u32 s9, s6;
	s9 =	simm.s32 $0x2000  }
0xa: {  	s7 =	ssub.s32 s7, s8;
	s4 =	sadd.s32 s4, s6;
	s5 =	sadd.s32 s5, s6  }
0xb: {  	s8 =	simm.s32 $0x40;
	s6 =	smax.u32 s7, $0x1;
	s7 =	simm.s32 $0x2  }
.LBB2_1:
0xc: {  	[tilespmem:s3], [sflag:$0x2] =	stream.linear.gather [hbm4b:s4+s3], $0x1000, $0x38;
	[tilespmem:$0xA000] =	vst v63  }
0xd: {  	_ =	swait.ge [sflag:s7], $0x1000  }
0xe: {  	[sflag:s7] =	ssyncset.done $0x0  }
0xf: {  	[sflag:s7] =	ssyncadd.s32 $0xFFFFF000  }
0x10: {  	[tilespmem:s9], [sflag:$0x1] =	stream.indirect.gather [hbm4b:s1+s8], $0x80, s3, s8, $0xb8;
	[tilespmem:$0xA000] =	vst v63  }
0x11: {  	_ = 	snop  }
0x12: {  	v1 =	vimm.f32 $0.0e+00;
	v3 =	vimm.f32 $0.0e+00;
	[tilespmem:s10], [sflag:$0x1] =	stream.indirect.gather [hbm4b:s1+s8], $0x80, s8, s8, $0xb8;
	[tilespmem:$0xA000] =	vst v63  }
0x13: {  	v2 =	vimm.f32 $0.0e+00;
	v4 =	vimm.f32 $0.0e+00;
	v8 =	vimm.f32 $0.0e+00;
	s16 =	simm.s32 $0x0;
	s17 =	simm.s32 $0x0  }
0x14: {  	v9 =	vimm.f32 $0.0e+00;
	v5 =	vimm.f32 $0.0e+00;
	v6 =	vimm.f32 $0.0e+00;
	[tilespmem:s12], [sflag:$0x1] =	stream.indirect.gather [hbm4b:s1+s8], $0x80, s11, s8, $0xb8;
	[tilespmem:$0xA000] =	vst v63  }
.LBB2_2:
0x15: {  	s18 =	sand.u32 $0x3, s16  }
0x16: {  	s18 =	sshll.u32 s18, $0xD  }
0x17: {  	p0 =	sgt.u32 s17, $0x3C;
	s18 =	sadd.s32 $0x2040, s18  }
0x18: {  	_ =	swait.ge [sflag:s13], $0x2000;
	s19 =	sadd.s32 @!p0 $0x3, s17;
	v0 =	vmov s18  }
0x19: {  	s30 =	simm.s32 $0x0;
	[sflag:s13] =	ssyncset.done $0x0;
	s20 =	sshll.u32 @!p0 s19, $0xD  }
0x1a: {  	[sflag:s13] =	ssyncadd.s32 $0xFFFFE000;
	s18 =	sshll.u32 @!p0 s19, $0x6;
	s19 =	sand.u32 @!p0 $0x6000, s20  }
0x1b: {  	s20 =	simm.s32 @!p0 $0x40;
	s19 =	sadd.s32 @!p0 $0x2000, s19;
	s18 =	sand.u32 @!p0 $0x1FC0, s18  }
0x1c: {  	[tilespmem:s19], [sflag:$0x1] =	stream.indirect.gather @!p0 [hbm4b:s1+s20], $0x80, s18, s20, $0xb8;
	[tilespmem:$0xA000] =	vst v63  }
0x1d: {  	v14 =	vld.idx.msk [tilespmem:v0+s30+$0x30 ss:$0x1], $0xffff  }
0x1e: {  	v15 =	vld.idx.msk [tilespmem:v0+s30+$0xFFFFFFC0 ss:$0x1], $0xffff  }
0x1f: {  	s31 =	sand.u32 $0x1, s17;
	v12 =	vld.idx.msk [tilespmem:v0+s30+$0xFFFFFFD0 ss:$0x1], $0xffff  }
0x20: {  	p0 =	seq.s32 s31, $0x0;
	v13 =	vld.idx.msk [tilespmem:v0+s30+$0xFFFFFFE0 ss:$0x1], $0xffff  }
0x21: {  	v16 =	vpsel p0, $0x0, v6;
	v7 =	vld.idx.msk [tilespmem:v0+s30+$0xFFFFFFF0 ss:$0x1], $0xffff  }
0x22: {  	v11 =	vpsel p0, $0x0, v5;
	v6 =	vpsel p0, $0x0, v9;
	v5 =	vpsel p0, $0x0, v8;
	v8 =	vld.idx.msk [tilespmem:v0+s30+$0x0 ss:$0x1], $0xffff  }
0x23: {  	v4 =	vpsel p0, $0x0, v4;
	v2 =	vpsel p0, $0x0, v2;
	v1 =	vpsel p0, $0x0, v1;
	v10 =	vld.idx.msk [tilespmem:v0+s30+$0x10 ss:$0x1], $0xffff  }
0x24: {  	s18 =	simm.s32 $0x80;
	s19 =	simm.s32 $0x400;
	v3 =	vpsel p0, $0x0, v3;
	v1 =	vadd.f32 v14, v1;
	v9 =	vadd.f32 v15, v16;
	v14 =	vld.idx.msk [tilespmem:v0+s30+$0x20 ss:$0x1], $0xffff  }
.LBB2_3:
0x25: {  	p1 =	sne.s32 s19, $0x7E00;
	v15 =	vld.idx.msk [tilespmem:v0+s18+$0x30 ss:$0x1], $0xffff;
	v11 =	vadd.f32 v12, v11  }
0x26: {  	v6 =	vadd.f32 v13, v6;
	v16 =	vld.idx.msk [tilespmem:v0+s18+$0xFFFFFFC0 ss:$0x1], $0xffff  }
0x27: {  	v5 =	vadd.f32 v7, v5;
	v12 =	vld.idx.msk [tilespmem:v0+s18+$0xFFFFFFD0 ss:$0x1], $0xffff  }
.Ltmp0:
0x28: {  	v4 =	vadd.f32 v8, v4;
	v13 =	vld.idx.msk [tilespmem:v0+s18+$0xFFFFFFE0 ss:$0x1], $0xffff;
	(pc) =	sbr.rel @p1 .LBB2_3-.Ltmp0, $4  }
0x29: {  	v2 =	vadd.f32 v10, v2;
	v7 =	vld.idx.msk [tilespmem:v0+s18+$0xFFFFFFF0 ss:$0x1], $0xffff  }
0x2a: {  	v3 =	vadd.f32 v14, v3;
	v8 =	vld.idx.msk [tilespmem:v0+s18+$0x0 ss:$0x1], $0xffff  }
0x2b: {  	v1 =	vadd.f32 v15, v1;
	v10 =	vld.idx.msk [tilespmem:v0+s18+$0x10 ss:$0x1], $0xffff  }
0x2c: {  	v9 =	vadd.f32 v16, v9;
	v14 =	vld.idx.msk [tilespmem:v0+s18+$0x20 ss:$0x1], $0xffff;
	s18 =	sshra.s32 s19, $0x2;
	s19 =	sadd.s32 $0x200, s19  }
0x2d: {  	_ =	sdelay $0x3  }
0x2e: {  	v15 =	vld.idx.msk [tilespmem:v0+s18+$0x30 ss:$0x1], $0xffff  }
0x2f: {  	v16 =	vld.idx.msk [tilespmem:v0+s18+$0xFFFFFFC0 ss:$0x1], $0xffff  }
0x30: {  	v17 =	vld.idx.msk [tilespmem:v0+s18+$0xFFFFFFD0 ss:$0x1], $0xffff  }
0x31: {  	v18 =	vld.idx.msk [tilespmem:v0+s18+$0xFFFFFFE0 ss:$0x1], $0xffff  }
0x32: {  	v19 =	vld.idx.msk [tilespmem:v0+s18+$0xFFFFFFF0 ss:$0x1], $0xffff  }
0x33: {  	v11 =	vadd.f32 v12, v11;
	v62 =	vld.idx.msk [tilespmem:v0+s18+$0x0 ss:$0x1], $0xffff  }
0x34: {  	v13 =	vadd.f32 v13, v6;
	v63 =	vld.idx.msk [tilespmem:v0+s18+$0x10 ss:$0x1], $0xffff;
	s19 =	sshll.u32 @!p0 s17, $0x6;
	v6 =	vadd.f32 v16, v9  }
0x35: {  	v0 =	vld.idx.msk [tilespmem:v0+s18+$0x20 ss:$0x1], $0xffff;
	v7 =	vadd.f32 v7, v5;
	s18 =	sand.u32 @!p0 $0xF80, s19;
	v5 =	vadd.f32 v17, v11  }
0x36: {  	v4 =	vadd.f32 v8, v4;
	v9 =	vadd.f32 v18, v13;
	[tilespmem:s18+$0x1000] =	vst @!p0 v6  }
0x37: {  	s17 =	sadd.s32 $0x1, s17;
	v2 =	vadd.f32 v10, v2;
	v8 =	vadd.f32 v19, v7;
	[tilespmem:s18+$0x1010] =	vst @!p0 v5  }
0x38: {  	p1 =	sne.s32 s17, $0x40;
	v4 =	vadd.f32 v62, v4;
	[tilespmem:s18+$0x1020] =	vst @!p0 v9  }
.Ltmp1:
0x39: {  	v3 =	vadd.f32 v14, v3;
	v2 =	vadd.f32 v63, v2;
	[tilespmem:s18+$0x1030] =	vst @!p0 v8;
	(pc) =	sbr.rel @p1 .LBB2_2-.Ltmp1, $4  }
0x3a: {  	v1 =	vadd.f32 v15, v1;
	[tilespmem:s18+$0x1040] =	vst @!p0 v4  }
0x3b: {  	v3 =	vadd.f32 v0, v3;
	[tilespmem:s18+$0x1050] =	vst @!p0 v2  }
0x3c: {  	[tilespmem:s18+$0x1070] =	vst @!p0 v1  }
0x3d: {  	s16 =	sadd.s32 $0x1, s16;
	[tilespmem:s18+$0x1060] =	vst @!p0 v3  }
0x3e: {  	s15 =	sadd.s32 $0x1, s15  }
0x3f: {  	p0 =	sne.s32 s15, s6  }
.Ltmp2:
0x40: {  	_ = 	snop;
	(pc) =	sbr.rel @p0 .LBB2_1-.Ltmp2, $4  }
0x41: {  	[hbm4b:s5+s3] =	stream.linear.scatter [tilespmem:s14], [sflag:$0x2], $0x1000, $0x38;
	[tilespmem:$0xA000] =	vst v63  }
0x42: {  	_ =	swait.ge [sflag:s7], $0x1000  }
0x43: {  	[sflag:s7] =	ssyncset.done $0x0  }
0x44: {  	[sflag:s7] =	ssyncadd.s32 $0xFFFFF000  }
0x45: {  	_ =	sfence.sel $0x180000  }
0x46: {  	[bflag:$0x0] =	sbarrier.arrive $0xFFFF  }
0x47: {  	p0 =	sne.s32 s2, $0x0;
	_ =	strace $0x90000050  }
0x48: {  	s0 =	sadd.s32 @!p0 $0x100000, s0;
	[bflag:$0x2] =	sbarrier.arrive $0xFFFF  }
0x49: {  	[sflag:s0] =	ssyncadd.tile.s32 @!p0 $0x1;
	_ =	shalt  }
.Lfunc_end2:
_tile_overlayer_lowered:
.L_overlay_start_2:
0x4a: {  	(tag) =	ssettag $0x2  }
0x4b: {  	s0 =	rddreg [dreg:$0x0];
	s2 =	stileid.u32  }
0x4c: {  	s1 =	rddreg [dreg:$0x1];
	p0 =	sne.s32 s2, $0x0  }
0x4d: {  	s3 =	rddreg [dreg:$0x2];
	[bflag:$0x3] =	sbarrier.arrive $0xFFFF;
	s2 =	simm.s32 @!p0 $0x1C02  }
0x4e: {  	[timem:s3], [sflag:s2] =	dma.local @!p0 [hbm:s0], s1  }
0x4f: {  	s0 =	simm.s32 @!p0 $0x2  }
0x50: {  	_ =	swait.ge @!p0 [sflag:s0], s1  }
0x51: {  	s1 =	ssub.s32 @!p0 $0x0, s1;
	[sflag:s0] =	ssyncset.done @!p0 $0x0  }
0x52: {  	[sflag:s0] =	ssyncadd.s32 @!p0 s1  }
0x53: {  	[bflag:$0x3] =	sbarrier.arrive $0xFFFF  }
0x54: {  	_ =	shalt  }

// kernel: kernel.21.cloned.1.call-start
scs
__scs_entry_jumppad:
0x0: {  	(pc) =	sbr.rel $0x88, $3  }
0x1: {  	(tag) =	ssettag $0x0;
	lr =	simm.s32 $0x1  }
0x2: {  	[smem:$0x3F95] =	sst lr;
	_ =	strace $0xD0000000  }
0x3: {  	_ = 	snop  }
0x4: {  	_ = 	snop  }
0x5: {  	_ = 	snop  }
0x6: {  	_ = 	snop  }
0x7: {  	_ = 	snop  }
__scs_overlays_trampoline_lowered:
0x8: {  	[smem:$0x3FA4] =	sst s0  }
0x9: {  	[smem:$0x3FA5] =	sst s1  }
0xa: {  	[smem:$0x3FA6] =	sst s2  }
0xb: {  	[smem:$0x3FA7] =	sst s3  }
0xc: {  	[smem:$0x3FA8] =	sst s4  }
0xd: {  	[smem:$0x3FA9] =	sst s5  }
0xe: {  	[smem:$0x3FAA] =	sst s6  }
0xf: {  	[smem:$0x3FAB] =	sst s7  }
0x10: {  	[smem:$0x3FAC] =	sst s8  }
0x11: {  	[smem:$0x3FAD] =	sst s9;
	s0 =	simm.s32 @!p0 $0x0  }
0x12: {  	s1 =	sld [smem:$0x3F93];
	s0 =	simm.s32 @p0 $0x1  }
0x13: {  	[smem:$0x3FAE] =	sst s0;
	s0 =	simm.s32 @!p1 $0x0  }
0x14: {  	s2 =	sld [smem:$0x3F92];
	s0 =	simm.s32 @p1 $0x1  }
0x15: {  	[smem:$0x3FAF] =	sst s0;
	s0 =	simm.s32 @!p2 $0x0  }
0x16: {  	s3 =	sld [smem:$0x3FDB];
	s0 =	simm.s32 @p2 $0x1  }
0x17: {  	s4 =	simm.s32 $0x1BF5;
	[smem:$0x3FB1] =	sst s0  }
0x18: {  	s0 =	sld [smem:$0x3F94];
	_ =	swait.ge [sflag:s4], $0x0  }
0x19: {  	s7 =	sld [smem:$0x3F95]  }
0x1a: {  	s8 =	sadd.s32 $0xFFFFE003, lr  }
0x1b: {  	s9 =	sadd.s32 $0xFFFFFEF7, lr;
	s5 =	simm.s32 $0xFFFFFFFF;
	p2 =	slt.u32 s8, $0xFFFFF086  }
0x1c: {  	p1 =	slt.u32 s9, $0xF7A;
	s5 =	simm.s32 @!p2 $0x0  }
0x1d: {  	s5 =	simm.s32 @p1 $0x1;
	p0 =	seq.s32 s7, s2  }
0x1e: {  	s7 =	smul.u32 @!p0 $0xF7A, s2;
	p2 =	seq.s32 @!p0 s5, $0x0  }
0x1f: {  	s9 =	smul.u32 $0xF7A, s1;
	s8 =	simm.s32 @!p0 $0x1BF5;
	p2 =	por !p2, p0  }
0x20: {  	[sflag:s8] =	ssyncset.s32 @!p0 $0xFFFFF086;
	s6 =	sadd.s32 @!p0 s3, s7;
	s7 =	simm.s32 @!p0 $0x108  }
0x21: {  	s3 =	sadd.s32 s3, s9;
	s6 =	sadd.s32 @!p0 $0x88, s6;
	s7 =	simm.s32 @p2 $0x1082  }
0x22: {  	[simem:s7], [sflag:s8] =	dma.local @!p0 [hbm:s6], $0xF7A  }
0x23: {  	s9 =	sor.u32 $0xD0000000, s2;
	s6 =	simm.s32 $0x108;
	_ =	swait.ge @!p0 [sflag:s8], $0x0  }
0x24: {  	s3 =	sadd.s32 $0x88, s3;
	s6 =	simm.s32 @!p1 $0x1082;
	[sflag:s4] =	ssyncset.s32 $0xFFFFF086  }
0x25: {  	[simem:s6], [sflag:s4] =	dma.local [hbm:s3], $0xF7A  }
0x26: {  	[smem:$0x3F95] =	sst s1;
	(tag) =	ssettag s2;
	_ =	strace s9  }
0x27: {  	s1 =	sld [smem:$0x3FA5]  }
0x28: {  	s2 =	sld [smem:$0x3FA6]  }
0x29: {  	s4 =	sld [smem:$0x3FA8]  }
0x2a: {  	p0 =	seq.s32 s5, $0x0;
	s5 =	sld [smem:$0x3FA9]  }
0x2b: {  	s6 =	sld [smem:$0x3FAA]  }
0x2c: {  	s7 =	sld [smem:$0x3FAB]  }
0x2d: {  	s3 =	simm.s32 $0x108;
	s8 =	sld [smem:$0x3FAC]  }
0x2e: {  	s3 =	simm.s32 @!p0 $0x1082;
	s9 =	sld [smem:$0x3FAD]  }
0x2f: {  	lr =	sadd.s32 s0, s3;
	s0 =	sld [smem:$0x3FA4]  }
0x30: {  	s3 =	sld [smem:$0x3FA7]  }
0x31: {  	[smem:$0x3FB0] =	sst s10  }
0x32: {  	s10 =	sld [smem:$0x3FAE];
	_ =	sdelay $0x3  }
0x33: {  	p0 =	seq.s32 s10, $0x1;
	s10 =	sld [smem:$0x3FB0];
	_ =	sdelay $0x3  }
0x34: {  	[smem:$0x3FB0] =	sst s10  }
0x35: {  	s10 =	sld [smem:$0x3FAF];
	_ =	sdelay $0x3  }
0x36: {  	p1 =	seq.s32 s10, $0x1;
	s10 =	sld [smem:$0x3FB0];
	_ =	sdelay $0x3  }
0x37: {  	[smem:$0x3FB0] =	sst s10  }
0x38: {  	s10 =	sld [smem:$0x3FB1]  }
0x39: {  	_ = 	snop;
	(pc) =	sbr.ind lr, $3  }
0x3a: {  	_ = 	snop  }
0x3b: {  	_ = 	snop  }
0x3c: {  	p2 =	seq.s32 s10, $0x1;
	s10 =	sld [smem:$0x3FB0]  }
0x3d: {  	_ =	shalt  }
0x3e: {  	_ =	shalt  }
0x3f: {  	_ =	shalt  }
0x40: {  	_ =	shalt  }
0x41: {  	_ =	shalt  }
0x42: {  	_ =	shalt  }
0x43: {  	_ =	shalt  }
0x44: {  	_ =	shalt  }
0x45: {  	_ =	shalt  }
0x46: {  	_ =	shalt  }
0x47: {  	_ =	shalt  }
0x48: {  	_ =	shalt  }
0x49: {  	_ =	shalt  }
0x4a: {  	_ =	shalt  }
0x4b: {  	_ =	shalt  }
0x4c: {  	_ =	shalt  }
0x4d: {  	_ =	shalt  }
0x4e: {  	_ =	shalt  }
0x4f: {  	_ =	shalt  }
0x50: {  	_ =	shalt  }
0x51: {  	_ =	shalt  }
0x52: {  	_ =	shalt  }
0x53: {  	_ =	shalt  }
0x54: {  	_ =	shalt  }
0x55: {  	_ =	shalt  }
0x56: {  	_ =	shalt  }
0x57: {  	_ =	shalt  }
0x58: {  	_ =	shalt  }
0x59: {  	_ =	shalt  }
0x5a: {  	_ =	shalt  }
0x5b: {  	_ =	shalt  }
0x5c: {  	_ =	shalt  }
0x5d: {  	_ =	shalt  }
0x5e: {  	_ =	shalt  }
0x5f: {  	_ =	shalt  }
0x60: {  	_ =	shalt  }
0x61: {  	_ =	shalt  }
0x62: {  	_ =	shalt  }
0x63: {  	_ =	shalt  }
0x64: {  	_ =	shalt  }
0x65: {  	_ =	shalt  }
0x66: {  	_ =	shalt  }
0x67: {  	_ =	shalt  }
0x68: {  	_ =	shalt  }
0x69: {  	_ =	shalt  }
0x6a: {  	_ =	shalt  }
0x6b: {  	_ =	shalt  }
0x6c: {  	_ =	shalt  }
0x6d: {  	_ =	shalt  }
0x6e: {  	_ =	shalt  }
0x6f: {  	_ =	shalt  }
0x70: {  	_ =	shalt  }
0x71: {  	_ =	shalt  }
0x72: {  	_ =	shalt  }
0x73: {  	_ =	shalt  }
0x74: {  	_ =	shalt  }
0x75: {  	_ =	shalt  }
0x76: {  	_ =	shalt  }
0x77: {  	_ =	shalt  }
0x78: {  	_ =	shalt  }
0x79: {  	_ =	shalt  }
0x7a: {  	_ =	shalt  }
0x7b: {  	_ =	shalt  }
0x7c: {  	_ =	shalt  }
0x7d: {  	_ =	shalt  }
0x7e: {  	_ =	shalt  }
0x7f: {  	_ =	shalt  }
0x80: {  	_ =	shalt  }
0x81: {  	_ =	shalt  }
0x82: {  	_ =	shalt  }
0x83: {  	_ =	shalt  }
0x84: {  	_ =	shalt  }
0x85: {  	_ =	shalt  }
0x86: {  	_ =	shalt  }
0x87: {  	_ =	shalt  }
.Lfunc_end0:
.L_simem_size_0:
called_computation.3_lowered:
.L_overlay_start_0:
0x88: {  	s2 =	sld [smem:$0x3FD9]  }
0x89: {  	s3 =	sld [smem:$0x3FFE];
	_ =	sdelay $0x1  }
0x8a: {  	s1 =	srdreg.scid  }
0x8b: {  	s0 =	sand.u32 $0x1, s1  }
0x8c: {  	s14 =	sshll.u32 s0, $0xA;
	s2 =	sadd.s32 s3, s2  }
0x8d: {  	s2 =	sadd.s32 s2, s14  }
0x8e: {  	[smem:$0x3FBC] =	sst s2  }
0x8f: {  	_ = 	snop  }
0x90: {  	s2 =	sld [smem:$0x3FD0];
	_ =	sdelay $0x2  }
0x91: {  	s15 =	simm.s32 $0xB;
	s4 =	simm.s32 $0x10  }
0x92: {  	[smem:s4], [sflag:s15] =	dma.local [hbm:s2], $0x1  }
0x93: {  	_ =	swait.eq [sflag:s15], $0x1  }
0x94: {  	[sflag:s15] =	ssyncset.done $0x0  }
0x95: {  	[sflag:s15] =	ssyncadd.s32 $0xFFFFFFFF  }
0x96: {  	s16 =	sld [smem:$0x11];
	(tm) =	ssettm $0x1  }
0x97: {  	s17 =	sld [smem:$0x3FFB];
	_ =	sdelay $0x3  }
0x98: {  	_ =	strace s17  }
0x99: {  	s3 =	sld [smem:$0x3FFC];
	_ =	sdelay $0x3  }
0x9a: {  	_ =	strace s3  }
0x9b: {  	s3 =	sld [smem:$0x3FFD];
	_ =	sdelay $0x3  }
0x9c: {  	_ =	strace s3  }
0x9d: {  	_ =	strace $0x8FFFFFFF  }
0x9e: {  	s18 =	sld [smem:$0x3FDB];
	_ =	sdelay $0x1  }
0x9f: {  	s19 =	simm.s32 $_scs_section_size  }
0xa0: {  	s5 =	simm.s32 $_size__tile_overlayer_lowered;
	s6 =	simm.s32 $_tile_overlayer_lowered  }
0xa1: {  	s22 =	simm.s32 $0x1BFF;
	s21 =	sshll.u32 s6, $0x1;
	s3 =	sadd.s32 s19, s18  }
0xa2: {  	s7 =	simm.s32 $0x0;
	s20 =	sshll.u32 s5, $0x1;
	s5 =	sadd.s32 s21, s3  }
0xa3: {  	[timem:s7], [sflag:s22] =	dma.local [hbm:s5], s20  }
0xa4: {  	_ =	swait.ge [sflag:s22], s20  }
0xa5: {  	s4 =	ssub.s32 $0x0, s20;
	[sflag:s22] =	ssyncset.done $0x0  }
0xa6: {  	[sflag:s22] =	ssyncadd.s32 s4;
	_ =	sdelay $0x1  }
0xa7: {  	s23 =	simm.s32 $0x1B8B  }
0xa8: {  	_ =	swait.ge [sflag:s23], $0x1  }
0xa9: {  	[sflag:s23] =	ssyncset.done $0x0  }
0xaa: {  	s25 =	simm.s32 $0x1B8E;
	s24 =	sld [smem:$0x3FFE];
	[sflag:s23] =	ssyncadd.s32 $0xFFFFFFFF  }
0xab: {  	s26 =	simm.s32 $execute0_lowered;
	[smem:$0x3FD2] =	sst s25  }
0xac: {  	s5 =	sshll.u32 s26, $0x1;
	_ =	strace $0x8000004C;
	[dreg:$0x1] =	wrdreg $0xFFFFFFFF  }
0xad: {  	s28 =	simm.s32 $_size_execute0_lowered;
	s3 =	sadd.s32 s3, s5;
	[dreg:$0x0] =	wrdreg $0x0  }
0xae: {  	s5 =	sshll.u32 s28, $0x1;
	[dreg:$0x2] =	wrdreg s3  }
0xaf: {  	[dreg:$0x3] =	wrdreg s5  }
0xb0: {  	[dreg:$0x4] =	wrdreg $0xC0  }
0xb1: {  	_ =	task [dreg:s7], $0x5FFFF  }
0xb2: {  	[dreg:$0x1] =	wrdreg $0xFFFFFFFF  }
0xb3: {  	[dreg:$0x0] =	wrdreg $0x60  }
0xb4: {  	[dreg:$0x2] =	wrdreg s24  }
0xb5: {  	[dreg:$0x3] =	wrdreg s16  }
0xb6: {  	[dreg:$0x4] =	wrdreg $0xB2800  }
0xb7: {  	[dreg:$0x5] =	wrdreg $0xA  }
0xb8: {  	_ =	task.clear_ibuf [dreg:s7], $0x6FFFF;
	_ =	strace $0x9000004C  }
0xb9: {  	s29 =	simm.s32 $0xA;
	_ =	strace $0x8000004E  }
0xba: {  	_ =	swait.ge [sflag:s29], $0x1  }
0xbb: {  	[sflag:s29] =	ssyncadd.s32 $0xFFFFFFFF  }
0xbc: {  	_ =	strace $0x9000004E  }
0xbd: {  	_ =	sfence  }
0xbe: {  	s30 =	sld [smem:$0x0];
	_ =	sdelay $0x2  }
0xbf: {  	s31 =	sshll.u32 s1, $0xD;
	s1 =	sshrl.u32 s1, $0x2  }
0xc0: {  	s3 =	sand.u32 $0x4000, s31;
	s1 =	sadd.s32 s1, s30  }
0xc1: {  	s0 =	sor.u32 s3, s0;
	s1 =	sshll.u32 s1, $0x11  }
0xc2: {  	s0 =	sor.u32 s1, s0  }
0xc3: {  	s0 =	sadd.s32 $0x8F2B, s0  }
0xc4: {  	[sflag:s0] =	ssyncadd.remote.s32 $0x1  }
0xc5: {  	_ =	sfence.sel $0xFFFF  }
0xc6: {  	[dreg:$0x0] =	wrdreg $0xFFFFFFFF;
	(pc) =	sbr.abs _section_cstart, $3  }
0xc7: {  	[dreg:$0x1] =	wrdreg $0xFFFFFFFF  }
0xc8: {  	_ =	task.clear_ibuf [dreg:s7], $0x2FFFF;
	_ =	strace $0x9FFFFFFF  }
0xc9: {  	(tm) =	ssettm $0x7FFFFFFF  }
tec
execute0_lowered:
.L_overlay_start_1:
0x0: {  	(tag) =	ssettag $0x1  }
0x1: {  	s5 =	stileid.u32  }
0x2: {  	s0 =	srdreg.scid;
	s29 =	smul.u32 $0x50000, s5  }
0x3: {  	s3 =	rddreg [dreg:$0x2];
	s6 =	simm.s32 $0x0;
	s0 =	sand.u32 $0x1, s0  }
0x4: {  	s4 =	smul.u32 $0x2800, s5;
	[smem:$0x7FF] =	sst s6;
	s6 =	sshrl.u32 s29, $0x2  }
0x5: {  	s7 =	smul.u32 $0x28000, s0;
	s6 =	sadd.s32 s6, s3  }
0x6: {  	s1 =	rddreg [dreg:$0x0];
	_ =	strace $0x8000004D;
	s31 =	sadd.s32 $0x800, s6  }
0x7: {  	s4 =	sadd.s32 s4, s7;
	s7 =	sadd.s32 $0x1000, s6;
	[dreg:$0x4] =	wrdreg s31  }
0x8: {  	s8 =	sadd.s32 $0x1800, s6;
	[dreg:$0x5] =	wrdreg s7  }
0x9: {  	s9 =	sadd.s32 $0x2000, s6;
	[dreg:$0x6] =	wrdreg s8  }
0xa: {  	s10 =	sadd.s32 $0x2800, s6;
	[dreg:$0x7] =	wrdreg s9  }
0xb: {  	s11 =	sadd.s32 $0x3000, s6;
	[dreg:$0x8] =	wrdreg s10  }
0xc: {  	s12 =	sadd.s32 $0x3800, s6;
	[dreg:$0x9] =	wrdreg s11  }
0xd: {  	s13 =	sadd.s32 $0x4000, s6;
	[dreg:$0xa] =	wrdreg s12  }
0xe: {  	s14 =	sadd.s32 $0x4800, s6;
	[dreg:$0xb] =	wrdreg s13  }
0xf: {  	s15 =	sadd.s32 $0x5000, s6;
	[dreg:$0xc] =	wrdreg s14  }
0x10: {  	s16 =	sadd.s32 $0x5800, s6;
	[dreg:$0xd] =	wrdreg s15  }
0x11: {  	s2 =	sshll.u32 s0, $0x4;
	s17 =	sadd.s32 $0x6000, s6;
	[dreg:$0xe] =	wrdreg s16  }
0x12: {  	s0 =	ssub.s32 $0x2, s0;
	s18 =	sadd.s32 $0x6800, s6;
	[dreg:$0xf] =	wrdreg s17  }
0x13: {  	s30 =	sshrl.u32 s0, $0x1;
	s19 =	sadd.s32 $0x7000, s6;
	[dreg:$0x10] =	wrdreg s18  }
0x14: {  	s0 =	ssub.s32 s0, s30;
	s20 =	sadd.s32 $0x7800, s6;
	[dreg:$0x11] =	wrdreg s19  }
0x15: {  	s0 =	smax.u32 s0, $0x1;
	[dreg:$0x12] =	wrdreg s20  }
0x16: {  	s22 =	sadd.s32 $0x8000, s6;
	[dreg:$0x16] =	wrdreg s0  }
0x17: {  	s23 =	sadd.s32 $0x8800, s6;
	[dreg:$0x17] =	wrdreg s22  }
0x18: {  	s24 =	sadd.s32 $0x9000, s6;
	[dreg:$0x18] =	wrdreg s23  }
0x19: {  	s25 =	sadd.s32 $0x9800, s6;
	[dreg:$0x19] =	wrdreg s24  }
0x1a: {  	s2 =	sor.u32 s5, s2;
	s26 =	sadd.s32 $0xA000, s6;
	[dreg:$0x1a] =	wrdreg s25  }
0x1b: {  	s2 =	smul.u32 $0x500, s2;
	s28 =	sadd.s32 $0xA800, s6;
	[dreg:$0x1b] =	wrdreg s26  }
0x1c: {  	s5 =	sadd.s32 $0x2CA00, s1;
	s29 =	sadd.s32 $0xB000, s6;
	[dreg:$0x1c] =	wrdreg s28  }
0x1d: {  	s30 =	sadd.s32 $0xB800, s6;
	s2 =	sadd.s32 s2, s1;
	[dreg:$0x1d] =	wrdreg s29  }
0x1e: {  	s1 =	sadd.s32 s4, s1;
	[dreg:$0x1e] =	wrdreg s30;
	s31 =	sadd.s32 $0xC000, s6  }
0x1f: {  	s7 =	sadd.s32 $0xC800, s6;
	s8 =	sadd.s32 $0xD000, s6;
	s9 =	sadd.s32 $0xD800, s6  }
0x20: {  	s10 =	sadd.s32 $0xE000, s6;
	s11 =	sadd.s32 $0xE800, s6;
	s12 =	sadd.s32 $0xF000, s6  }
0x21: {  	s13 =	sadd.s32 $0xF800, s6;
	s14 =	sadd.s32 $0x10000, s6;
	s15 =	sadd.s32 $0x10800, s6  }
0x22: {  	s16 =	sadd.s32 $0x11000, s6;
	s17 =	sadd.s32 $0x11800, s6;
	s18 =	sadd.s32 $0x12000, s6  }
0x23: {  	s19 =	sadd.s32 $0x12800, s6;
	s20 =	sadd.s32 $0x13000, s6;
	s22 =	simm.s32 $0xA280  }
0x24: {  	s23 =	simm.s32 $0x2;
	s21 =	sadd.s32 $0x22A00, s2;
	[dreg:$0x1f] =	wrdreg s31  }
0x25: {  	s24 =	simm.s32 $0xA100;
	s2 =	sadd.s32 $0x4A00, s2;
	[dreg:$0x13] =	wrdreg s21  }
0x26: {  	v0 =	vimm.f32 $0.0e+00;
	v2 =	vlaneseq.u32;
	s25 =	simm.s32 $0x1;
	s1 =	sadd.s32 $0x7AE00, s1;
	[dreg:$0x14] =	wrdreg s2  }
0x27: {  	v1 =	vimm.s32 $0x0;
	vm0 =	vmmov $0xffff;
	v2 =	vor.u32 $0x2710, v2;
	s26 =	simm.s32 $0x0;
	[dreg:$0x15] =	wrdreg s1;
	s21 =	sadd.s32 $0x13800, s6  }
.LBB2_1:
0x28: {  	s0 =	simm.s32 $0x0  }
0x29: {  	s1 =	sand.u32 $0x1E00, s0  }
0x2a: {  	s28 =	sand.u32 $0x70, s0;
	s29 =	sshrl.u32 s1, $0x2  }
0x2b: {  	s1 =	simm.s32 $0x40;
	s29 =	sor.u32 s28, s29;
	s28 =	simm.s32 $0x0  }
.LBB2_2:
0x2c: {  	p0 =	sne.s32 s1, $0x1FC0  }
0x2d: {  	[tilespmem:s29+$0xA280] =	vst v0;
	s28 =	sadd.s32 $0x10, s28;
	s29 =	smov.u32 s1;
	s1 =	sadd.s32 $0x40, s1  }
.Ltmp0:
0x2e: {  	(pc) =	sbr.rel @p0 .LBB2_2-.Ltmp0, $4  }
0x2f: {  	_ = 	snop  }
0x30: {  	s29 =	sand.u32 $0x1E00, s29  }
0x31: {  	s30 =	sand.u32 $0x70, s28;
	s29 =	sshrl.u32 s29, $0x2  }
0x32: {  	s29 =	sor.u32 s30, s29  }
0x33: {  	[tilespmem:s29+$0xA280] =	vst v0  }
0x34: {  	[spmem:s6] =	stream.linear.scatter [tilespmem:s22], [sflag:$0x2], $0x800, $0x38;
	[tilespmem:$0x1F280] =	vst v63  }
0x35: {  	_ =	swait.ge [sflag:s23], $0x800  }
0x36: {  	[sflag:s23] =	ssyncset.done $0x0  }
0x37: {  	s0 =	rddreg [dreg:$0x4];
	[sflag:s23] =	ssyncadd.s32 $0xFFFFF800  }
0x38: {  	[spmem:s0] =	stream.linear.scatter [tilespmem:s22], [sflag:$0x2], $0x800, $0x38;
	[tilespmem:$0x1F280] =	vst v63  }
0x39: {  	_ =	swait.ge [sflag:s23], $0x800  }
0x3a: {  	[sflag:s23] =	ssyncset.done $0x0  }
0x3b: {  	s31 =	rddreg [dreg:$0x5];
	[sflag:s23] =	ssyncadd.s32 $0xFFFFF800  }
0x3c: {  	[spmem:s31] =	stream.linear.scatter [tilespmem:s22], [sflag:$0x2], $0x800, $0x38;
	[tilespmem:$0x1F280] =	vst v63  }
0x3d: {  	_ =	swait.ge [sflag:s23], $0x800  }
0x3e: {  	[sflag:s23] =	ssyncset.done $0x0  }
0x3f: {  	s1 =	rddreg [dreg:$0x6];
	[sflag:s23] =	ssyncadd.s32 $0xFFFFF800  }
0x40: {  	[spmem:s1] =	stream.linear.scatter [tilespmem:s22], [sflag:$0x2], $0x800, $0x38;
	[tilespmem:$0x1F280] =	vst v63  }
0x41: {  	_ =	swait.ge [sflag:s23], $0x800  }
0x42: {  	[sflag:s23] =	ssyncset.done $0x0  }
0x43: {  	s2 =	rddreg [dreg:$0x7];
	[sflag:s23] =	ssyncadd.s32 $0xFFFFF800  }
0x44: {  	[spmem:s2] =	stream.linear.scatter [tilespmem:s22], [sflag:$0x2], $0x800, $0x38;
	[tilespmem:$0x1F280] =	vst v63  }
0x45: {  	_ =	swait.ge [sflag:s23], $0x800  }
0x46: {  	[sflag:s23] =	ssyncset.done $0x0  }
0x47: {  	s4 =	rddreg [dreg:$0x8];
	[sflag:s23] =	ssyncadd.s32 $0xFFFFF800  }
0x48: {  	[spmem:s4] =	stream.linear.scatter [tilespmem:s22], [sflag:$0x2], $0x800, $0x38;
	[tilespmem:$0x1F280] =	vst v63  }
0x49: {  	_ =	swait.ge [sflag:s23], $0x800  }
0x4a: {  	[sflag:s23] =	ssyncset.done $0x0  }
0x4b: {  	s30 =	rddreg [dreg:$0x9];
	[sflag:s23] =	ssyncadd.s32 $0xFFFFF800  }
0x4c: {  	[spmem:s30] =	stream.linear.scatter [tilespmem:s22], [sflag:$0x2], $0x800, $0x38;
	[tilespmem:$0x1F280] =	vst v63  }
0x4d: {  	_ =	swait.ge [sflag:s23], $0x800  }
0x4e: {  	[sflag:s23] =	ssyncset.done $0x0  }
0x4f: {  	s31 =	rddreg [dreg:$0xa];
	[sflag:s23] =	ssyncadd.s32 $0xFFFFF800  }
0x50: {  	[spmem:s31] =	stream.linear.scatter [tilespmem:s22], [sflag:$0x2], $0x800, $0x38;
	[tilespmem:$0x1F280] =	vst v63  }
0x51: {  	_ =	swait.ge [sflag:s23], $0x800  }
0x52: {  	[sflag:s23] =	ssyncset.done $0x0  }
0x53: {  	s1 =	rddreg [dreg:$0xb];
	[sflag:s23] =	ssyncadd.s32 $0xFFFFF800  }
0x54: {  	[spmem:s1] =	stream.linear.scatter [tilespmem:s22], [sflag:$0x2], $0x800, $0x38;
	[tilespmem:$0x1F280] =	vst v63  }
0x55: {  	_ =	swait.ge [sflag:s23], $0x800  }
0x56: {  	[sflag:s23] =	ssyncset.done $0x0  }
0x57: {  	s2 =	rddreg [dreg:$0xc];
	[sflag:s23] =	ssyncadd.s32 $0xFFFFF800  }
0x58: {  	[spmem:s2] =	stream.linear.scatter [tilespmem:s22], [sflag:$0x2], $0x800, $0x38;
	[tilespmem:$0x1F280] =	vst v63  }
0x59: {  	_ =	swait.ge [sflag:s23], $0x800  }
0x5a: {  	[sflag:s23] =	ssyncset.done $0x0  }
0x5b: {  	s4 =	rddreg [dreg:$0xd];
	[sflag:s23] =	ssyncadd.s32 $0xFFFFF800  }
0x5c: {  	[spmem:s4] =	stream.linear.scatter [tilespmem:s22], [sflag:$0x2], $0x800, $0x38;
	[tilespmem:$0x1F280] =	vst v63  }
0x5d: {  	_ =	swait.ge [sflag:s23], $0x800  }
0x5e: {  	[sflag:s23] =	ssyncset.done $0x0  }
0x5f: {  	s30 =	rddreg [dreg:$0xe];
	[sflag:s23] =	ssyncadd.s32 $0xFFFFF800  }
0x60: {  	[spmem:s30] =	stream.linear.scatter [tilespmem:s22], [sflag:$0x2], $0x800, $0x38;
	[tilespmem:$0x1F280] =	vst v63  }
0x61: {  	_ =	swait.ge [sflag:s23], $0x800  }
0x62: {  	[sflag:s23] =	ssyncset.done $0x0  }
0x63: {  	s31 =	rddreg [dreg:$0xf];
	[sflag:s23] =	ssyncadd.s32 $0xFFFFF800  }
0x64: {  	[spmem:s31] =	stream.linear.scatter [tilespmem:s22], [sflag:$0x2], $0x800, $0x38;
	[tilespmem:$0x1F280] =	vst v63  }
0x65: {  	_ =	swait.ge [sflag:s23], $0x800  }
0x66: {  	[sflag:s23] =	ssyncset.done $0x0  }
0x67: {  	s1 =	rddreg [dreg:$0x10];
	[sflag:s23] =	ssyncadd.s32 $0xFFFFF800  }
0x68: {  	[spmem:s1] =	stream.linear.scatter [tilespmem:s22], [sflag:$0x2], $0x800, $0x38;
	[tilespmem:$0x1F280] =	vst v63  }
0x69: {  	_ =	swait.ge [sflag:s23], $0x800  }
0x6a: {  	[sflag:s23] =	ssyncset.done $0x0  }
0x6b: {  	s2 =	rddreg [dreg:$0x11];
	[sflag:s23] =	ssyncadd.s32 $0xFFFFF800  }
0x6c: {  	[spmem:s2] =	stream.linear.scatter [tilespmem:s22], [sflag:$0x2], $0x800, $0x38;
	[tilespmem:$0x1F280] =	vst v63  }
0x6d: {  	_ =	swait.ge [sflag:s23], $0x800  }
0x6e: {  	[sflag:s23] =	ssyncset.done $0x0  }
0x6f: {  	s4 =	rddreg [dreg:$0x12];
	[sflag:s23] =	ssyncadd.s32 $0xFFFFF800  }
0x70: {  	[spmem:s4] =	stream.linear.scatter [tilespmem:s22], [sflag:$0x2], $0x800, $0x38;
	[tilespmem:$0x1F280] =	vst v63  }
0x71: {  	_ =	swait.ge [sflag:s23], $0x800  }
0x72: {  	[sflag:s23] =	ssyncset.done $0x0  }
0x73: {  	s30 =	rddreg [dreg:$0x17];
	[sflag:s23] =	ssyncadd.s32 $0xFFFFF800  }
0x74: {  	[spmem:s30] =	stream.linear.scatter [tilespmem:s22], [sflag:$0x2], $0x800, $0x38;
	[tilespmem:$0x1F280] =	vst v63  }
0x75: {  	_ =	swait.ge [sflag:s23], $0x800  }
0x76: {  	[sflag:s23] =	ssyncset.done $0x0  }
0x77: {  	s31 =	rddreg [dreg:$0x18];
	[sflag:s23] =	ssyncadd.s32 $0xFFFFF800  }
0x78: {  	[spmem:s31] =	stream.linear.scatter [tilespmem:s22], [sflag:$0x2], $0x800, $0x38;
	[tilespmem:$0x1F280] =	vst v63  }
0x79: {  	_ =	swait.ge [sflag:s23], $0x800  }
0x7a: {  	[sflag:s23] =	ssyncset.done $0x0  }
0x7b: {  	s1 =	rddreg [dreg:$0x19];
	[sflag:s23] =	ssyncadd.s32 $0xFFFFF800  }
0x7c: {  	[spmem:s1] =	stream.linear.scatter [tilespmem:s22], [sflag:$0x2], $0x800, $0x38;
	[tilespmem:$0x1F280] =	vst v63  }
0x7d: {  	_ =	swait.ge [sflag:s23], $0x800  }
0x7e: {  	[sflag:s23] =	ssyncset.done $0x0  }
0x7f: {  	s2 =	rddreg [dreg:$0x1a];
	[sflag:s23] =	ssyncadd.s32 $0xFFFFF800  }
0x80: {  	[spmem:s2] =	stream.linear.scatter [tilespmem:s22], [sflag:$0x2], $0x800, $0x38;
	[tilespmem:$0x1F280] =	vst v63  }
0x81: {  	_ =	swait.ge [sflag:s23], $0x800  }
0x82: {  	[sflag:s23] =	ssyncset.done $0x0  }
0x83: {  	s4 =	rddreg [dreg:$0x1b];
	[sflag:s23] =	ssyncadd.s32 $0xFFFFF800  }
0x84: {  	[spmem:s4] =	stream.linear.scatter [tilespmem:s22], [sflag:$0x2], $0x800, $0x38;
	[tilespmem:$0x1F280] =	vst v63  }
0x85: {  	_ =	swait.ge [sflag:s23], $0x800  }
0x86: {  	[sflag:s23] =	ssyncset.done $0x0  }
0x87: {  	s30 =	rddreg [dreg:$0x1c];
	[sflag:s23] =	ssyncadd.s32 $0xFFFFF800  }
0x88: {  	[spmem:s30] =	stream.linear.scatter [tilespmem:s22], [sflag:$0x2], $0x800, $0x38;
	[tilespmem:$0x1F280] =	vst v63  }
0x89: {  	_ =	swait.ge [sflag:s23], $0x800  }
0x8a: {  	[sflag:s23] =	ssyncset.done $0x0  }
0x8b: {  	s31 =	rddreg [dreg:$0x1d];
	[sflag:s23] =	ssyncadd.s32 $0xFFFFF800  }
0x8c: {  	[spmem:s31] =	stream.linear.scatter [tilespmem:s22], [sflag:$0x2], $0x800, $0x38;
	[tilespmem:$0x1F280] =	vst v63  }
0x8d: {  	_ =	swait.ge [sflag:s23], $0x800  }
0x8e: {  	[sflag:s23] =	ssyncset.done $0x0  }
0x8f: {  	s1 =	rddreg [dreg:$0x1e];
	[sflag:s23] =	ssyncadd.s32 $0xFFFFF800  }
0x90: {  	[spmem:s1] =	stream.linear.scatter [tilespmem:s22], [sflag:$0x2], $0x800, $0x38;
	[tilespmem:$0x1F280] =	vst v63  }
0x91: {  	_ =	swait.ge [sflag:s23], $0x800  }
0x92: {  	[sflag:s23] =	ssyncset.done $0x0  }
0x93: {  	s2 =	rddreg [dreg:$0x1f];
	[sflag:s23] =	ssyncadd.s32 $0xFFFFF800  }
0x94: {  	[spmem:s2] =	stream.linear.scatter [tilespmem:s22], [sflag:$0x2], $0x800, $0x38;
	[tilespmem:$0x1F280] =	vst v63  }
0x95: {  	_ =	swait.ge [sflag:s23], $0x800  }
0x96: {  	[sflag:s23] =	ssyncset.done $0x0  }
0x97: {  	[sflag:s23] =	ssyncadd.s32 $0xFFFFF800  }
0x98: {  	[spmem:s7] =	stream.linear.scatter [tilespmem:s22], [sflag:$0x2], $0x800, $0x38;
	[tilespmem:$0x1F280] =	vst v63  }
0x99: {  	_ =	swait.ge [sflag:s23], $0x800  }
0x9a: {  	[sflag:s23] =	ssyncset.done $0x0  }
0x9b: {  	[sflag:s23] =	ssyncadd.s32 $0xFFFFF800  }
0x9c: {  	[spmem:s8] =	stream.linear.scatter [tilespmem:s22], [sflag:$0x2], $0x800, $0x38;
	[tilespmem:$0x1F280] =	vst v63  }
0x9d: {  	_ =	swait.ge [sflag:s23], $0x800  }
0x9e: {  	[sflag:s23] =	ssyncset.done $0x0  }
0x9f: {  	[sflag:s23] =	ssyncadd.s32 $0xFFFFF800  }
0xa0: {  	[spmem:s9] =	stream.linear.scatter [tilespmem:s22], [sflag:$0x2], $0x800, $0x38;
	[tilespmem:$0x1F280] =	vst v63  }
0xa1: {  	_ =	swait.ge [sflag:s23], $0x800  }
0xa2: {  	[sflag:s23] =	ssyncset.done $0x0  }
0xa3: {  	[sflag:s23] =	ssyncadd.s32 $0xFFFFF800  }
0xa4: {  	[spmem:s10] =	stream.linear.scatter [tilespmem:s22], [sflag:$0x2], $0x800, $0x38;
	[tilespmem:$0x1F280] =	vst v63  }
0xa5: {  	_ =	swait.ge [sflag:s23], $0x800  }
0xa6: {  	[sflag:s23] =	ssyncset.done $0x0  }
0xa7: {  	[sflag:s23] =	ssyncadd.s32 $0xFFFFF800  }
0xa8: {  	[spmem:s11] =	stream.linear.scatter [tilespmem:s22], [sflag:$0x2], $0x800, $0x38;
	[tilespmem:$0x1F280] =	vst v63  }
0xa9: {  	_ =	swait.ge [sflag:s23], $0x800  }
0xaa: {  	[sflag:s23] =	ssyncset.done $0x0  }
0xab: {  	[sflag:s23] =	ssyncadd.s32 $0xFFFFF800  }
0xac: {  	[spmem:s12] =	stream.linear.scatter [tilespmem:s22], [sflag:$0x2], $0x800, $0x38;
	[tilespmem:$0x1F280] =	vst v63  }
0xad: {  	_ =	swait.ge [sflag:s23], $0x800  }
0xae: {  	[sflag:s23] =	ssyncset.done $0x0  }
0xaf: {  	[sflag:s23] =	ssyncadd.s32 $0xFFFFF800  }
0xb0: {  	[spmem:s13] =	stream.linear.scatter [tilespmem:s22], [sflag:$0x2], $0x800, $0x38;
	[tilespmem:$0x1F280] =	vst v63  }
0xb1: {  	_ =	swait.ge [sflag:s23], $0x800  }
0xb2: {  	[sflag:s23] =	ssyncset.done $0x0  }
0xb3: {  	[sflag:s23] =	ssyncadd.s32 $0xFFFFF800  }
0xb4: {  	[spmem:s14] =	stream.linear.scatter [tilespmem:s22], [sflag:$0x2], $0x800, $0x38;
	[tilespmem:$0x1F280] =	vst v63  }
0xb5: {  	_ =	swait.ge [sflag:s23], $0x800  }
0xb6: {  	[sflag:s23] =	ssyncset.done $0x0  }
0xb7: {  	[sflag:s23] =	ssyncadd.s32 $0xFFFFF800  }
0xb8: {  	[spmem:s15] =	stream.linear.scatter [tilespmem:s22], [sflag:$0x2], $0x800, $0x38;
	[tilespmem:$0x1F280] =	vst v63  }
0xb9: {  	_ =	swait.ge [sflag:s23], $0x800  }
0xba: {  	[sflag:s23] =	ssyncset.done $0x0  }
0xbb: {  	[sflag:s23] =	ssyncadd.s32 $0xFFFFF800  }
0xbc: {  	[spmem:s16] =	stream.linear.scatter [tilespmem:s22], [sflag:$0x2], $0x800, $0x38;
	[tilespmem:$0x1F280] =	vst v63  }
0xbd: {  	_ =	swait.ge [sflag:s23], $0x800  }
0xbe: {  	[sflag:s23] =	ssyncset.done $0x0  }
0xbf: {  	[sflag:s23] =	ssyncadd.s32 $0xFFFFF800  }
0xc0: {  	[spmem:s17] =	stream.linear.scatter [tilespmem:s22], [sflag:$0x2], $0x800, $0x38;
	[tilespmem:$0x1F280] =	vst v63  }
0xc1: {  	_ =	swait.ge [sflag:s23], $0x800  }
0xc2: {  	[sflag:s23] =	ssyncset.done $0x0  }
0xc3: {  	[sflag:s23] =	ssyncadd.s32 $0xFFFFF800  }
0xc4: {  	[spmem:s18] =	stream.linear.scatter [tilespmem:s22], [sflag:$0x2], $0x800, $0x38;
	[tilespmem:$0x1F280] =	vst v63  }
0xc5: {  	_ =	swait.ge [sflag:s23], $0x800  }
0xc6: {  	[sflag:s23] =	ssyncset.done $0x0  }
0xc7: {  	[sflag:s23] =	ssyncadd.s32 $0xFFFFF800  }
0xc8: {  	[spmem:s19] =	stream.linear.scatter [tilespmem:s22], [sflag:$0x2], $0x800, $0x38;
	[tilespmem:$0x1F280] =	vst v63  }
0xc9: {  	_ =	swait.ge [sflag:s23], $0x800  }
0xca: {  	[sflag:s23] =	ssyncset.done $0x0  }
0xcb: {  	[sflag:s23] =	ssyncadd.s32 $0xFFFFF800  }
0xcc: {  	[spmem:s20] =	stream.linear.scatter [tilespmem:s22], [sflag:$0x2], $0x800, $0x38;
	[tilespmem:$0x1F280] =	vst v63  }
0xcd: {  	_ =	swait.ge [sflag:s23], $0x800  }
0xce: {  	[sflag:s23] =	ssyncset.done $0x0  }
0xcf: {  	[sflag:s23] =	ssyncadd.s32 $0xFFFFF800  }
0xd0: {  	[spmem:s21] =	stream.linear.scatter [tilespmem:s22], [sflag:$0x2], $0x800, $0x38;
	[tilespmem:$0x1F280] =	vst v63  }
0xd1: {  	_ =	swait.ge [sflag:s23], $0x800  }
0xd2: {  	[sflag:s23] =	ssyncset.done $0x0  }
0xd3: {  	[sflag:s23] =	ssyncadd.s32 $0xFFFFF800  }
0xd4: {  	[bflag:$0x0] =	sbarrier.arrive $0xFFFF  }
0xd5: {  	s28 =	simm.s32 $0x0;
	s4 =	rddreg [dreg:$0x13]  }
0xd6: {  	[tilespmem:s28], [sflag:$0x2] =	stream.linear.gather [hbm4b:s4+s28], $0x2800, $0x38;
	[tilespmem:$0x1F280] =	vst v63  }
0xd7: {  	_ =	swait.ge [sflag:s23], $0x2800  }
0xd8: {  	[sflag:s23] =	ssyncset.done $0x0  }
0xd9: {  	s1 =	simm.s32 $0x2800;
	s30 =	rddreg [dreg:$0x14];
	[sflag:s23] =	ssyncadd.s32 $0xFFFFD800  }
0xda: {  	[tilespmem:s1], [sflag:$0x2] =	stream.linear.gather [hbm4b:s30+s28], $0x2800, $0x38;
	[tilespmem:$0x1F280] =	vst v63  }
0xdb: {  	_ =	swait.ge [sflag:s23], $0x2800  }
0xdc: {  	[sflag:s23] =	ssyncset.done $0x0  }
0xdd: {  	[sflag:s23] =	ssyncadd.s32 $0xFFFFD800  }
0xde: {  	s31 =	rddreg [dreg:$0x1]  }
0xdf: {  	[tilespmem:s24], [sflag:$0x2] =	stream.linear.gather [hbm4b:s31+s28], $0x180, $0x38;
	[tilespmem:$0x1F280] =	vst v63  }
0xe0: {  	_ =	swait.ge [sflag:s23], $0x180  }
0xe1: {  	[sflag:s23] =	ssyncset.done $0x0  }
0xe2: {  	s29 =	simm.s32 $0x0;
	s1 =	simm.s32 $0x40;
	[sflag:s23] =	ssyncadd.s32 $0xFFFFFE80  }
.LBB2_4:
0xe3: {  	p0 =	sne.s32 s1, $0xA000;
	[tilespmem:s29+$0x5000] =	vst v1;
	s30 =	smov.u32 s1;
	s1 =	sadd.s32 $0x40, s1  }
.Ltmp1:
0xe4: {  	[tilespmem:s29+$0x7880] =	vst v2;
	(pc) =	sbr.rel @p0 .LBB2_4-.Ltmp1, $2  }
0xe5: {  	_ =	sdelay $0x2  }
0xe6: {  	s29 =	sshra.s32 s30, $0x2  }
0xe7: {  	[tilespmem:s29+$0x5000] =	vst v1  }
0xe8: {  	[tilespmem:s29+$0x7880] =	vst v2;
	s1 =	simm.s32 $0x0  }
0xe9: {  	v4 =	vld [tilespmem:s1+$0x2800];
	_ =	sdelay $0x4  }
0xea: {  	v3 =	vshrl.u32 v4, $0x5;
	_ =	sdelay $0x4  }
0xeb: {  	s4 =	sand.u32 $0xFE00, s28;
	v3 =	vld.idx.msk [tilespmem:v3+s24+$0x0], $0xffff  }
0xec: {  	s29 =	sand.u32 $0x70, s28;
	s1 =	sshrl.u32 s4, $0x2  }
0xed: {  	s1 =	sor.u32 s29, s1  }
0xee: {  	v5 =	vld [tilespmem:s1+$0x0]  }
0xef: {  	v6 =	vand.u32 $0x1F, v4  }
0xf0: {  	v3 =	vshrl.u32 v3, v6  }
0xf1: {  	v3 =	vand.u32 $0x1, v3  }
0xf2: {  	vm1 =	veq.s32 v3, $0x1  }
0xf3: {  	s30 =	simm.s32 $0x40;
	[tilespmem:s28+$0x5000] =	vst.msk vm1, v5;
	v3 =	vmpcnt.ones.xlane vm1  }
0xf4: {  	s31 =	simm.s32 $0x80;
	s29 =	simm.s32 $0x0;
	s1 =	simm.s32 $0x10;
	[tilespmem:s28+$0x7880] =	vst.msk vm1, v4  }
.LBB2_6:
0xf5: {  	p0 =	sne.s32 s31, $0x9FC0;
	v4 =	vld [tilespmem:s1+$0x2800];
	(v2sf) =	vpush v3, $0x0;
	_ =	sdelay $0x4  }
0xf6: {  	v3 =	vshrl.u32 v4, $0x5;
	_ =	sdelay $0x4  }
0xf7: {  	v3 =	vld.idx.msk [tilespmem:v3+s24+$0x0], $0xffff  }
0xf8: {  	s1 =	sand.u32 $0xFE00, s30;
	s28 =	sadd.s32 $0x10, s28;
	s30 =	smov.u32 s31  }
0xf9: {  	s2 =	sand.u32 $0x70, s28;
	s1 =	sshrl.u32 s1, $0x2  }
0xfa: {  	s1 =	sor.u32 s2, s1  }
0xfb: {  	v5 =	vld [tilespmem:s1+$0x0]  }
0xfc: {  	v6 =	vand.u32 $0x1F, v4;
	s1 =	spop (v2sf)  }
.Ltmp2:
0xfd: {  	v3 =	vshrl.u32 v3, v6;
	s29 =	sadd.s32 s29, s1;
	(pc) =	sbr.rel @p0 .LBB2_6-.Ltmp2, $4  }
0xfe: {  	v3 =	vand.u32 $0x1, v3  }
0xff: {  	vm1 =	veq.s32 v3, $0x1  }
0x100: {  	v3 =	vmpcnt.ones.xlane vm1;
	[tilespmem:s29+$0x5000] =	vst.msk vm1, v5  }
0x101: {  	s31 =	sadd.s32 $0x40, s31;
	s1 =	sshra.s32 s30, $0x2;
	[tilespmem:s29+$0x7880] =	vst.msk vm1, v4  }
0x102: {  	v4 =	vld [tilespmem:s1+$0x2800];
	_ =	sdelay $0x4  }
0x103: {  	v5 =	vshrl.u32 v4, $0x5;
	_ =	sdelay $0x3  }
0x104: {  	(v2sf) =	vpush v3, $0x0  }
0x105: {  	v5 =	vld.idx.msk [tilespmem:v5+s24+$0x0], $0xffff;
	_ =	sdelay $0x3  }
0x106: {  	v6 =	vand.u32 $0x1F, v4  }
0x107: {  	v5 =	vshrl.u32 v5, v6  }
0x108: {  	v5 =	vand.u32 $0x1, v5  }
0x109: {  	vm1 =	veq.s32 v5, $0x1  }
0x10a: {  	s0 =	sand.u32 $0xFE00, s30;
	s2 =	sadd.s32 $0x10, s28;
	v3 =	vmpcnt.ones.xlane vm1  }
0x10b: {  	s2 =	sand.u32 $0x70, s2;
	s1 =	sshrl.u32 s0, $0x2  }
0x10c: {  	s1 =	sor.u32 s2, s1;
	(v2sf) =	vpush v3, $0x0  }
0x10d: {  	v3 =	vld [tilespmem:s1+$0x0];
	_ =	sdelay $0x2  }
0x10e: {  	s2 =	spop (v2sf)  }
0x10f: {  	s1 =	sadd.s32 s29, s2  }
0x110: {  	[tilespmem:s1+$0x5000] =	vst.msk vm1, v3  }
0x111: {  	[tilespmem:s1+$0x7880] =	vst.msk vm1, v4  }
0x112: {  	v3 =	vld [tilespmem:$0x5000];
	_ =	sdelay $0x6  }
0x113: {  	s29 =	simm.s32 $0x0;
	s4 =	spop (v2sf)  }
0x114: {  	[tilespmem:s22], [sflag:$0x1] =	stream.indirect_vreg.gather [hbm4b:s5+s29], $0x80, v3, vm0, $0xb8;
	[tilespmem:$0x1F280] =	vst v63  }
0x115: {  	s1 =	sadd.s32 s1, s4  }
0x116: {  	s1 =	sadd.s32 $0xF, s1  }
0x117: {  	s0 =	sand.u32 $0xF, s1  }
0x118: {  	s28 =	sshra.s32 s1, $0x1F;
	p0 =	slt.s32 s1, $0x1;
	p1 =	sne.s32 s0, $0x0  }
0x119: {  	s4 =	sshrl.u32 s28, $0x1C;
	p0 =	por !p0, !p1  }
0x11a: {  	s2 =	simm.s32 $0x1;
	s1 =	sadd.s32 s4, s1;
	p0 =	por !p0, !p0  }
0x11b: {  	s1 =	sshra.s32 s1, $0x4;
	s2 =	simm.s32 @!p0 $0x0  }
0x11c: {  	s28 =	ssub.s32 s1, s2  }
0x11d: {  	p0 =	sgt.s32 s28, $0x1;
	s30 =	smov.u32 s28  }
0x11e: {  	s31 =	simm.s32 $0x7880;
	s1 =	simm.s32 $0x5010;
	s30 =	simm.s32 @!p0 $0x1  }
.LBB2_8:
0x11f: {  	_ =	swait.ge [sflag:s25], $0x800  }
0x120: {  	s2 =	sand.u32 $0x1, s29;
	s29 =	sadd.s32 $0x1, s29;
	[sflag:s25] =	ssyncset.done $0x0  }
0x121: {  	p0 =	sle.s32 s28, s29;
	[sflag:s25] =	ssyncadd.s32 $0xFFFFF800  }
0x122: {  	v3 =	vld @!p0 [tilespmem:s1+$0x0];
	_ =	sdelay $0x4  }
0x123: {  	s0 =	sshll.u32 @!p0 s2, $0xB  }
0x124: {  	s0 =	sxor.u32 @!p0 $0x800, s0  }
0x125: {  	vm1 =	vmmov @!p0 $0xffff;
	s4 =	simm.s32 @!p0 $0x0;
	s0 =	sor.u32 @!p0 $0xA280, s0  }
0x126: {  	[tilespmem:s0], [sflag:$0x1] =	stream.indirect_vreg.gather @!p0 [hbm4b:s5+s4], $0x80, v3, vm1, $0xb8;
	[tilespmem:$0x1F280] =	vst v63  }
0x127: {  	v3 =	vld [tilespmem:s31+$0x0];
	_ =	sdelay $0x5  }
0x128: {  	s4 =	sshll.u32 s2, $0xB;
	p0 =	sne.s32 s30, s29  }
.Ltmp3:
0x129: {  	s0 =	sor.u32 $0xA280, s4;
	(pc) =	sbr.rel @p0 .LBB2_8-.Ltmp3, $4  }
0x12a: {  	[spmem:s3] =	stream.indirect_vreg.scatter.add.f32 [tilespmem:s0], [sflag:$0x2], $0x80, v3, vm0, $0xb8;
	[tilespmem:$0x1F280] =	vst v63  }
0x12b: {  	_ =	swait.ge [sflag:s23], $0x800  }
0x12c: {  	[sflag:s23] =	ssyncset.done $0x0  }
0x12d: {  	s1 =	sadd.s32 $0x10, s1;
	s31 =	sadd.s32 $0x10, s31;
	[sflag:s23] =	ssyncadd.s32 $0xFFFFF800  }
0x12e: {  	s0 =	stileid.u32  }
0x12f: {  	[bflag:$0x0] =	sbarrier.arrive $0xFFFF;
	s0 =	sshll.u32 s0, $0x6  }
0x130: {  	s1 =	sshrl.u32 s6, $0x3;
	s2 =	rddreg [dreg:$0x15];
	s0 =	sor.u32 $0x1C02, s0  }
0x131: {  	[hbm:s2], [sflag:s0] =	dma.local [spmem:s1], $0x2800  }
0x132: {  	_ =	swait.ge [sflag:s23], $0x2800  }
0x133: {  	s26 =	sadd.s32 $0x1, s26;
	s31 =	rddreg [dreg:$0x16]  }
0x134: {  	p0 =	sne.s32 s26, s31  }
.Ltmp4:
0x135: {  	_ = 	snop;
	(pc) =	sbr.rel @p0 .LBB2_1-.Ltmp4, $3  }
0x136: {  	_ =	sdelay $0x1  }
0x137: {  	[sflag:s23] =	ssyncset.done $0x0  }
0x138: {  	[sflag:s23] =	ssyncadd.s32 $0xFFFFD800  }
0x139: {  	_ =	sfence.sel $0x180000  }
0x13a: {  	[bflag:$0x0] =	sbarrier.arrive $0xFFFF  }
0x13b: {  	_ =	strace $0x9000004D  }
0x13c: {  	s0 =	stileid.u32;
	[bflag:$0x2] =	sbarrier.arrive $0xFFFF  }
0x13d: {  	p0 =	sne.s32 s0, $0x0;
	s0 =	rddreg [dreg:$0x3]  }
0x13e: {  	s0 =	sadd.s32 @!p0 $0x100000, s0  }
0x13f: {  	[sflag:s0] =	ssyncadd.tile.s32 @!p0 $0x1;
	_ =	shalt  }
.Lfunc_end2:
_tile_overlayer_lowered:
.L_overlay_start_2:
0x140: {  	(tag) =	ssettag $0x2  }
0x141: {  	s0 =	rddreg [dreg:$0x0];
	s2 =	stileid.u32  }
0x142: {  	s1 =	rddreg [dreg:$0x1];
	p0 =	sne.s32 s2, $0x0  }
0x143: {  	s3 =	rddreg [dreg:$0x2];
	[bflag:$0x3] =	sbarrier.arrive $0xFFFF;
	s2 =	simm.s32 @!p0 $0x1C02  }
0x144: {  	[timem:s3], [sflag:s2] =	dma.local @!p0 [hbm:s0], s1  }
0x145: {  	s0 =	simm.s32 @!p0 $0x2  }
0x146: {  	_ =	swait.ge @!p0 [sflag:s0], s1  }
0x147: {  	s1 =	ssub.s32 @!p0 $0x0, s1;
	[sflag:s0] =	ssyncset.done @!p0 $0x0  }
0x148: {  	[sflag:s0] =	ssyncadd.s32 @!p0 s1  }
0x149: {  	[bflag:$0x3] =	sbarrier.arrive $0xFFFF  }
0x14a: {  	_ =	shalt  }

// kernel: kernel.24.cloned.1.call-start
scs
__scs_entry_jumppad:
0x0: {  	(pc) =	sbr.rel $0x88, $3  }
0x1: {  	(tag) =	ssettag $0x0;
	lr =	simm.s32 $0x1  }
0x2: {  	[smem:$0x3F95] =	sst lr;
	_ =	strace $0xD0000000  }
0x3: {  	_ = 	snop  }
0x4: {  	_ = 	snop  }
0x5: {  	_ = 	snop  }
0x6: {  	_ = 	snop  }
0x7: {  	_ = 	snop  }
__scs_overlays_trampoline_lowered:
0x8: {  	[smem:$0x3FA4] =	sst s0  }
0x9: {  	[smem:$0x3FA5] =	sst s1  }
0xa: {  	[smem:$0x3FA6] =	sst s2  }
0xb: {  	[smem:$0x3FA7] =	sst s3  }
0xc: {  	[smem:$0x3FA8] =	sst s4  }
0xd: {  	[smem:$0x3FA9] =	sst s5  }
0xe: {  	[smem:$0x3FAA] =	sst s6  }
0xf: {  	[smem:$0x3FAB] =	sst s7  }
0x10: {  	[smem:$0x3FAC] =	sst s8  }
0x11: {  	[smem:$0x3FAD] =	sst s9;
	s0 =	simm.s32 @!p0 $0x0  }
0x12: {  	s1 =	sld [smem:$0x3F93];
	s0 =	simm.s32 @p0 $0x1  }
0x13: {  	[smem:$0x3FAE] =	sst s0;
	s0 =	simm.s32 @!p1 $0x0  }
0x14: {  	s2 =	sld [smem:$0x3F92];
	s0 =	simm.s32 @p1 $0x1  }
0x15: {  	[smem:$0x3FAF] =	sst s0;
	s0 =	simm.s32 @!p2 $0x0  }
0x16: {  	s3 =	sld [smem:$0x3FDB];
	s0 =	simm.s32 @p2 $0x1  }
0x17: {  	s4 =	simm.s32 $0x1BF5;
	[smem:$0x3FB1] =	sst s0  }
0x18: {  	s0 =	sld [smem:$0x3F94];
	_ =	swait.ge [sflag:s4], $0x0  }
0x19: {  	s7 =	sld [smem:$0x3F95]  }
0x1a: {  	s8 =	sadd.s32 $0xFFFFE003, lr  }
0x1b: {  	s9 =	sadd.s32 $0xFFFFFEF7, lr;
	s5 =	simm.s32 $0xFFFFFFFF;
	p2 =	slt.u32 s8, $0xFFFFF086  }
0x1c: {  	p1 =	slt.u32 s9, $0xF7A;
	s5 =	simm.s32 @!p2 $0x0  }
0x1d: {  	s5 =	simm.s32 @p1 $0x1;
	p0 =	seq.s32 s7, s2  }
0x1e: {  	s7 =	smul.u32 @!p0 $0xF7A, s2;
	p2 =	seq.s32 @!p0 s5, $0x0  }
0x1f: {  	s9 =	smul.u32 $0xF7A, s1;
	s8 =	simm.s32 @!p0 $0x1BF5;
	p2 =	por !p2, p0  }
0x20: {  	[sflag:s8] =	ssyncset.s32 @!p0 $0xFFFFF086;
	s6 =	sadd.s32 @!p0 s3, s7;
	s7 =	simm.s32 @!p0 $0x108  }
0x21: {  	s3 =	sadd.s32 s3, s9;
	s6 =	sadd.s32 @!p0 $0x88, s6;
	s7 =	simm.s32 @p2 $0x1082  }
0x22: {  	[simem:s7], [sflag:s8] =	dma.local @!p0 [hbm:s6], $0xF7A  }
0x23: {  	s9 =	sor.u32 $0xD0000000, s2;
	s6 =	simm.s32 $0x108;
	_ =	swait.ge @!p0 [sflag:s8], $0x0  }
0x24: {  	s3 =	sadd.s32 $0x88, s3;
	s6 =	simm.s32 @!p1 $0x1082;
	[sflag:s4] =	ssyncset.s32 $0xFFFFF086  }
0x25: {  	[simem:s6], [sflag:s4] =	dma.local [hbm:s3], $0xF7A  }
0x26: {  	[smem:$0x3F95] =	sst s1;
	(tag) =	ssettag s2;
	_ =	strace s9  }
0x27: {  	s1 =	sld [smem:$0x3FA5]  }
0x28: {  	s2 =	sld [smem:$0x3FA6]  }
0x29: {  	s4 =	sld [smem:$0x3FA8]  }
0x2a: {  	p0 =	seq.s32 s5, $0x0;
	s5 =	sld [smem:$0x3FA9]  }
0x2b: {  	s6 =	sld [smem:$0x3FAA]  }
0x2c: {  	s7 =	sld [smem:$0x3FAB]  }
0x2d: {  	s3 =	simm.s32 $0x108;
	s8 =	sld [smem:$0x3FAC]  }
0x2e: {  	s3 =	simm.s32 @!p0 $0x1082;
	s9 =	sld [smem:$0x3FAD]  }
0x2f: {  	lr =	sadd.s32 s0, s3;
	s0 =	sld [smem:$0x3FA4]  }
0x30: {  	s3 =	sld [smem:$0x3FA7]  }
0x31: {  	[smem:$0x3FB0] =	sst s10  }
0x32: {  	s10 =	sld [smem:$0x3FAE];
	_ =	sdelay $0x3  }
0x33: {  	p0 =	seq.s32 s10, $0x1;
	s10 =	sld [smem:$0x3FB0];
	_ =	sdelay $0x3  }
0x34: {  	[smem:$0x3FB0] =	sst s10  }
0x35: {  	s10 =	sld [smem:$0x3FAF];
	_ =	sdelay $0x3  }
0x36: {  	p1 =	seq.s32 s10, $0x1;
	s10 =	sld [smem:$0x3FB0];
	_ =	sdelay $0x3  }
0x37: {  	[smem:$0x3FB0] =	sst s10  }
0x38: {  	s10 =	sld [smem:$0x3FB1]  }
0x39: {  	_ = 	snop;
	(pc) =	sbr.ind lr, $3  }
0x3a: {  	_ = 	snop  }
0x3b: {  	_ = 	snop  }
0x3c: {  	p2 =	seq.s32 s10, $0x1;
	s10 =	sld [smem:$0x3FB0]  }
0x3d: {  	_ =	shalt  }
0x3e: {  	_ =	shalt  }
0x3f: {  	_ =	shalt  }
0x40: {  	_ =	shalt  }
0x41: {  	_ =	shalt  }
0x42: {  	_ =	shalt  }
0x43: {  	_ =	shalt  }
0x44: {  	_ =	shalt  }
0x45: {  	_ =	shalt  }
0x46: {  	_ =	shalt  }
0x47: {  	_ =	shalt  }
0x48: {  	_ =	shalt  }
0x49: {  	_ =	shalt  }
0x4a: {  	_ =	shalt  }
0x4b: {  	_ =	shalt  }
0x4c: {  	_ =	shalt  }
0x4d: {  	_ =	shalt  }
0x4e: {  	_ =	shalt  }
0x4f: {  	_ =	shalt  }
0x50: {  	_ =	shalt  }
0x51: {  	_ =	shalt  }
0x52: {  	_ =	shalt  }
0x53: {  	_ =	shalt  }
0x54: {  	_ =	shalt  }
0x55: {  	_ =	shalt  }
0x56: {  	_ =	shalt  }
0x57: {  	_ =	shalt  }
0x58: {  	_ =	shalt  }
0x59: {  	_ =	shalt  }
0x5a: {  	_ =	shalt  }
0x5b: {  	_ =	shalt  }
0x5c: {  	_ =	shalt  }
0x5d: {  	_ =	shalt  }
0x5e: {  	_ =	shalt  }
0x5f: {  	_ =	shalt  }
0x60: {  	_ =	shalt  }
0x61: {  	_ =	shalt  }
0x62: {  	_ =	shalt  }
0x63: {  	_ =	shalt  }
0x64: {  	_ =	shalt  }
0x65: {  	_ =	shalt  }
0x66: {  	_ =	shalt  }
0x67: {  	_ =	shalt  }
0x68: {  	_ =	shalt  }
0x69: {  	_ =	shalt  }
0x6a: {  	_ =	shalt  }
0x6b: {  	_ =	shalt  }
0x6c: {  	_ =	shalt  }
0x6d: {  	_ =	shalt  }
0x6e: {  	_ =	shalt  }
0x6f: {  	_ =	shalt  }
0x70: {  	_ =	shalt  }
0x71: {  	_ =	shalt  }
0x72: {  	_ =	shalt  }
0x73: {  	_ =	shalt  }
0x74: {  	_ =	shalt  }
0x75: {  	_ =	shalt  }
0x76: {  	_ =	shalt  }
0x77: {  	_ =	shalt  }
0x78: {  	_ =	shalt  }
0x79: {  	_ =	shalt  }
0x7a: {  	_ =	shalt  }
0x7b: {  	_ =	shalt  }
0x7c: {  	_ =	shalt  }
0x7d: {  	_ =	shalt  }
0x7e: {  	_ =	shalt  }
0x7f: {  	_ =	shalt  }
0x80: {  	_ =	shalt  }
0x81: {  	_ =	shalt  }
0x82: {  	_ =	shalt  }
0x83: {  	_ =	shalt  }
0x84: {  	_ =	shalt  }
0x85: {  	_ =	shalt  }
0x86: {  	_ =	shalt  }
0x87: {  	_ =	shalt  }
.Lfunc_end0:
.L_simem_size_0:
called_computation.4_lowered:
.L_overlay_start_0:
0x88: {  	s2 =	sld [smem:$0x3FD9]  }
0x89: {  	s3 =	sld [smem:$0x3FFE];
	_ =	sdelay $0x1  }
0x8a: {  	s1 =	srdreg.scid  }
0x8b: {  	s0 =	sand.u32 $0x1, s1  }
0x8c: {  	s15 =	sshll.u32 s0, $0xA;
	s2 =	sadd.s32 s3, s2  }
0x8d: {  	s2 =	sadd.s32 s2, s15  }
0x8e: {  	[smem:$0x3FBC] =	sst s2  }
0x8f: {  	_ = 	snop  }
0x90: {  	s2 =	sld [smem:$0x3FD0];
	_ =	sdelay $0x2  }
0x91: {  	s16 =	simm.s32 $0xB;
	s4 =	simm.s32 $0x10  }
0x92: {  	[smem:s4], [sflag:s16] =	dma.local [hbm:s2], $0x1  }
0x93: {  	_ =	swait.eq [sflag:s16], $0x1  }
0x94: {  	[sflag:s16] =	ssyncset.done $0x0  }
0x95: {  	[sflag:s16] =	ssyncadd.s32 $0xFFFFFFFF  }
0x96: {  	s17 =	sld [smem:$0x11];
	(tm) =	ssettm $0x1  }
0x97: {  	s18 =	sld [smem:$0x3FFB];
	_ =	sdelay $0x3  }
0x98: {  	_ =	strace s18  }
0x99: {  	s2 =	sld [smem:$0x3FFC];
	_ =	sdelay $0x3  }
0x9a: {  	_ =	strace s2  }
0x9b: {  	s2 =	sld [smem:$0x3FFD];
	_ =	sdelay $0x3  }
0x9c: {  	_ =	strace s2  }
0x9d: {  	_ =	strace $0x8FFFFFFF  }
0x9e: {  	s19 =	sld [smem:$0x3FDB];
	_ =	sdelay $0x1  }
0x9f: {  	s20 =	simm.s32 $_scs_section_size  }
0xa0: {  	s5 =	simm.s32 $_size__tile_overlayer_lowered;
	s6 =	simm.s32 $_tile_overlayer_lowered  }
0xa1: {  	s7 =	simm.s32 $0x1BFF;
	s21 =	sshll.u32 s6, $0x1;
	s4 =	sadd.s32 s20, s19  }
0xa2: {  	s22 =	simm.s32 $0x0;
	s5 =	sshll.u32 s5, $0x1;
	s6 =	sadd.s32 s21, s4  }
0xa3: {  	[timem:s22], [sflag:s7] =	dma.local [hbm:s6], s5  }
0xa4: {  	_ =	swait.ge [sflag:s7], s5  }
0xa5: {  	s5 =	ssub.s32 $0x0, s5;
	[sflag:s7] =	ssyncset.done $0x0  }
0xa6: {  	[sflag:s7] =	ssyncadd.s32 s5;
	_ =	sdelay $0x1  }
0xa7: {  	s23 =	simm.s32 $0x1B8B  }
0xa8: {  	_ =	swait.ge [sflag:s23], $0x1  }
0xa9: {  	[sflag:s23] =	ssyncset.done $0x0  }
0xaa: {  	[sflag:s23] =	ssyncadd.s32 $0xFFFFFFFF  }
0xab: {  	s5 =	sld [smem:$0x0]  }
0xac: {  	s6 =	sand.u32 $0xFFFFFFFE, s1  }
0xad: {  	p0 =	sne.s32 s1, s6  }
0xae: {  	s6 =	sshll.u32 @p0 s6, $0xE  }
0xaf: {  	s6 =	sadd.s32 @p0 $0x11B8D, s6;
	s7 =	sshll.u32 @p0 s5, $0x11  }
0xb0: {  	s6 =	sor.u32 @p0 s7, s6  }
0xb1: {  	[sflag:s6] =	ssyncadd.remote.s32 @p0 $0x1;
	_ =	sdelay $0x1  }
0xb2: {  	s6 =	simm.s32 @p0 $0x1B8D  }
0xb3: {  	_ =	swait.eq @p0 [sflag:s6], $0x1  }
0xb4: {  	[sflag:s6] =	ssyncadd.s32 @p0 $0xFFFFFFFF  }
0xb5: {  	s7 =	sshll.u32 @!p0 s1, $0xE  }
0xb6: {  	s7 =	sor.u32 @!p0 $0x4000, s7;
	s6 =	simm.s32 @!p0 $0x1B8D  }
0xb7: {  	s5 =	sshll.u32 @!p0 s5, $0x11;
	s7 =	sadd.s32 @!p0 $0x11B8D, s7;
	_ =	swait.eq @!p0 [sflag:s6], $0x1  }
0xb8: {  	s5 =	sor.u32 @!p0 s5, s7;
	[sflag:s6] =	ssyncadd.s32 @!p0 $0xFFFFFFFF  }
0xb9: {  	s25 =	simm.s32 $0x1B8E;
	s24 =	sld [smem:$0x3FFE];
	[sflag:s5] =	ssyncadd.remote.s32 @!p0 $0x1  }
0xba: {  	s26 =	simm.s32 $execute0_lowered;
	[smem:$0x3FD2] =	sst s25  }
0xbb: {  	s6 =	sshll.u32 s26, $0x1;
	_ =	strace $0x80000052;
	[dreg:$0x1] =	wrdreg $0xFFFFFFFF  }
0xbc: {  	s28 =	simm.s32 $_size_execute0_lowered;
	s4 =	sadd.s32 s4, s6;
	[dreg:$0x0] =	wrdreg $0x0  }
0xbd: {  	s6 =	sshll.u32 s28, $0x1;
	[dreg:$0x2] =	wrdreg s4  }
0xbe: {  	[dreg:$0x3] =	wrdreg s6  }
0xbf: {  	[dreg:$0x4] =	wrdreg $0xC0  }
0xc0: {  	_ =	task [dreg:s22], $0x5FFFF  }
0xc1: {  	[dreg:$0x1] =	wrdreg $0xFFFFFFFF  }
0xc2: {  	[dreg:$0x0] =	wrdreg $0x60  }
0xc3: {  	[dreg:$0x2] =	wrdreg s24  }
0xc4: {  	[dreg:$0x3] =	wrdreg s17  }
0xc5: {  	[dreg:$0x4] =	wrdreg $0xA  }
0xc6: {  	_ =	task.clear_ibuf [dreg:s22], $0x5FFFF;
	_ =	strace $0x90000052  }
0xc7: {  	s29 =	simm.s32 $0xA;
	_ =	strace $0x80000054  }
0xc8: {  	_ =	swait.ge [sflag:s29], $0x1  }
0xc9: {  	[sflag:s29] =	ssyncadd.s32 $0xFFFFFFFF  }
0xca: {  	_ =	strace $0x90000054  }
0xcb: {  	_ =	sfence  }
0xcc: {  	s30 =	sld [smem:$0x0];
	_ =	sdelay $0x2  }
0xcd: {  	s31 =	sshll.u32 s1, $0xD;
	s1 =	sshrl.u32 s1, $0x2  }
0xce: {  	s4 =	sand.u32 $0x4000, s31;
	s1 =	sadd.s32 s1, s30  }
0xcf: {  	s0 =	sor.u32 s4, s0;
	s1 =	sshll.u32 s1, $0x11  }
0xd0: {  	s0 =	sor.u32 s1, s0  }
0xd1: {  	s0 =	sadd.s32 $0x8F2B, s0  }
0xd2: {  	[sflag:s0] =	ssyncadd.remote.s32 $0x1  }
0xd3: {  	_ =	sfence.sel $0xFFFF  }
0xd4: {  	[dreg:$0x0] =	wrdreg $0xFFFFFFFF;
	(pc) =	sbr.abs _section_cstart, $3  }
0xd5: {  	[dreg:$0x1] =	wrdreg $0xFFFFFFFF  }
0xd6: {  	_ =	task.clear_ibuf [dreg:s22], $0x2FFFF;
	_ =	strace $0x9FFFFFFF  }
0xd7: {  	(tm) =	ssettm $0x7FFFFFFF  }
tec
execute0_lowered:
.L_overlay_start_1:
0x0: {  	(tag) =	ssettag $0x1  }
0x1: {  	s1 =	srdreg.scid  }
0x2: {  	s0 =	stileid.u32;
	s6 =	sand.u32 $0x1, s1  }
0x3: {  	s5 =	rddreg [dreg:$0x0];
	s2 =	sshll.u32 s0, $0x5;
	s1 =	sshll.u32 s6, $0x9  }
0x4: {  	s9 =	rddreg [dreg:$0x1];
	s7 =	simm.s32 $0x80;
	s10 =	sor.u32 s2, s1  }
0x5: {  	s1 =	rddreg [dreg:$0x2];
	s2 =	simm.s32 $0x0;
	s3 =	sshrl.u32 s10, $0x3  }
0x6: {  	s11 =	ssub.s32 $0x2, s6;
	[smem:$0x7FF] =	sst s2;
	s3 =	sadd.s32 s3, s5  }
0x7: {  	_ =	strace $0x80000053;
	s4 =	sadd.s32 $0xEA00, s3;
	s3 =	simm.s32 $0x2  }
0x8: {  	[tilespmem:s2], [sflag:$0x2] =	stream.linear.gather [hbm4b:s4+s2], $0x20, $0x38;
	[tilespmem:$0x1080] =	vst v63  }
0x9: {  	s8 =	simm.s32 $0x1;
	s12 =	sshrl.u32 s11, $0x1;
	_ =	swait.ge [sflag:s3], $0x20  }
0xa: {  	s6 =	simm.s32 $0x20;
	s11 =	ssub.s32 s11, s12;
	[sflag:s3] =	ssyncset.done $0x0  }
0xb: {  	s5 =	sadd.s32 $0xEC00, s5;
	s31 =	smax.u32 s11, $0x1;
	[sflag:s3] =	ssyncadd.s32 $0xFFFFFFE0  }
0xc: {  	[tilespmem:s7], [sflag:$0x1] =	stream.indirect.gather [hbm4b:s5+s6], $0x80, s2, s6, $0xb8;
	[tilespmem:$0x1080] =	vst v63  }
0xd: {  	p0 =	sne.s32 s31, $0x1;
	_ =	swait.ge [sflag:s8], $0x1000  }
.Ltmp0:
0xe: {  	s10 =	sshll.u32 s10, $0x4;
	[sflag:s8] =	ssyncset.done $0x0;
	(pc) =	sbr.rel @!p0 .LBB2_2-.Ltmp0, $4  }
0xf: {  	s9 =	sadd.s32 s9, s10;
	[sflag:s8] =	ssyncadd.s32 $0xFFFFF000  }
0x10: {  	[hbm4b:s9+s2] =	stream.linear.scatter [tilespmem:s7], [sflag:$0x2], $0x1000, $0x38;
	[tilespmem:$0x1080] =	vst v63  }
0x11: {  	_ =	swait.ge [sflag:s3], $0x1000  }
0x12: {  	s10 =	sadd.s32 $0xFFFFFFFF, s31;
	[sflag:s3] =	ssyncset.done $0x0  }
.LBB2_1:
0x13: {  	p0 =	sne.s32 s10, $0x1;
	s10 =	sadd.s32 $0xFFFFFFFF, s10;
	[sflag:s3] =	ssyncadd.s32 $0xFFFFF000  }
0x14: {  	[tilespmem:s2], [sflag:$0x2] =	stream.linear.gather [hbm4b:s4+s2], $0x20, $0x38;
	[tilespmem:$0x1080] =	vst v63  }
0x15: {  	_ =	swait.ge [sflag:s3], $0x20  }
0x16: {  	[sflag:s3] =	ssyncset.done $0x0  }
0x17: {  	[sflag:s3] =	ssyncadd.s32 $0xFFFFFFE0  }
0x18: {  	[tilespmem:s7], [sflag:$0x1] =	stream.indirect.gather [hbm4b:s5+s6], $0x80, s2, s6, $0xb8;
	[tilespmem:$0x1080] =	vst v63  }
0x19: {  	_ =	swait.ge [sflag:s8], $0x1000  }
.Ltmp1:
0x1a: {  	[sflag:s8] =	ssyncset.done $0x0;
	(pc) =	sbr.rel @p0 .LBB2_1-.Ltmp1, $4  }
0x1b: {  	[sflag:s8] =	ssyncadd.s32 $0xFFFFF000  }
0x1c: {  	[hbm4b:s9+s2] =	stream.linear.scatter [tilespmem:s7], [sflag:$0x2], $0x1000, $0x38;
	[tilespmem:$0x1080] =	vst v63  }
0x1d: {  	_ =	swait.ge [sflag:s3], $0x1000  }
0x1e: {  	[sflag:s3] =	ssyncset.done $0x0  }
.LBB2_2:
0x1f: {  	[sflag:s3] =	ssyncadd.s32 $0xFFFFF000  }
0x20: {  	_ =	sfence.sel $0x180000  }
0x21: {  	[bflag:$0x0] =	sbarrier.arrive $0xFFFF  }
0x22: {  	p0 =	sne.s32 s0, $0x0;
	_ =	strace $0x90000053  }
0x23: {  	s0 =	sadd.s32 @!p0 $0x100000, s1;
	[bflag:$0x2] =	sbarrier.arrive $0xFFFF  }
0x24: {  	[sflag:s0] =	ssyncadd.tile.s32 @!p0 $0x1;
	_ =	shalt  }
.Lfunc_end2:
_tile_overlayer_lowered:
.L_overlay_start_2:
0x25: {  	(tag) =	ssettag $0x2  }
0x26: {  	s0 =	rddreg [dreg:$0x0];
	s2 =	stileid.u32  }
0x27: {  	s1 =	rddreg [dreg:$0x1];
	p0 =	sne.s32 s2, $0x0  }
0x28: {  	s3 =	rddreg [dreg:$0x2];
	[bflag:$0x3] =	sbarrier.arrive $0xFFFF;
	s2 =	simm.s32 @!p0 $0x1C02  }
0x29: {  	[timem:s3], [sflag:s2] =	dma.local @!p0 [hbm:s0], s1  }
0x2a: {  	s0 =	simm.s32 @!p0 $0x2  }
0x2b: {  	_ =	swait.ge @!p0 [sflag:s0], s1  }
0x2c: {  	s1 =	ssub.s32 @!p0 $0x0, s1;
	[sflag:s0] =	ssyncset.done @!p0 $0x0  }
0x2d: {  	[sflag:s0] =	ssyncadd.s32 @!p0 s1  }
0x2e: {  	[bflag:$0x3] =	sbarrier.arrive $0xFFFF  }
0x2f: {  	_ =	shalt  }

</sc_bundles>
